<compile_context>
chip_gen: v7x
topology: tpu7x:2x2x1
jax: 0.10.2.dev20260603
libtpu: 0.0.44.dev20260713+nightly
codegen_flags: <defaults>
</compile_context>

<pallas_src>
import functools

import jax
import jax.numpy as jnp
from jax import lax
from jax.experimental import pallas as pl
from jax.experimental.pallas import tpu as pltpu
from jax.experimental.pallas import tpu_sc as plsc

_N = 10000
_E = 320000
_NC = 2
_NS = 16
_NW = _NC * _NS
_CH = 128
_CPT = -(-_E // (_NW * _CH))
_EPAD = _NW * _CPT * _CH
_CPT0 = 125
_CPT1 = 33
_CPH = (_CPT0 + 1) // 2
_CPTM = max(_CPT0, _CPT1)
assert (_CPT0 + _CPT1) * _NS * _CH >= _E
_RZ = 632
_NA = _NS * _RZ

_R = 1000


def _lrelu(x):
    return jnp.where(x >= 0, x, 0.01 * x)


def _dot(a, b):
    return jnp.dot(a, b, preferred_element_type=jnp.float32)



def _sc_mesh():
    return plsc.VectorSubcoreMesh(core_axis_name="c", subcore_axis_name="s")


def _sc_scatter(h, se3, so3, de3, do3, D):

    def body(h_hbm, se_hbm, so_hbm, de_hbm, do_hbm, zeros_hbm, out_hbm,
             src_v, dst_v, rows_a, rows_b, accum, sem_a, sem_b):
        c = lax.axis_index("c")
        s = lax.axis_index("s")
        wid = s * _NC + c
        cpt = jnp.where(c == 0, _CPT0, _CPT1)
        pltpu.sync_copy(zeros_hbm.at[pl.ds(s * _RZ, _RZ)],
                        accum.at[pl.ds(s * _RZ, _RZ)])
        plsc.subcore_barrier()

        def drain(buf, sem):
            pltpu.make_async_copy(h_hbm.at[pl.ds(0, _CH)], buf, sem).wait()

        def phase(src_hbm, dst_hbm, n):
            pltpu.sync_copy(src_hbm.at[wid], src_v)
            pltpu.sync_copy(dst_hbm.at[wid], dst_v)
            pltpu.async_copy(h_hbm.at[src_v.at[0]], rows_a, sem_a)

            def step2(i, carry):
                ja = 2 * i
                pltpu.async_copy(h_hbm.at[src_v.at[ja + 1]], rows_b, sem_b)
                drain(rows_a, sem_a)
                pltpu.sync_copy(rows_a, accum.at[dst_v.at[ja]], add=True)
                jn = jnp.minimum(ja + 2, n - 1)
                pltpu.async_copy(h_hbm.at[src_v.at[jn]], rows_a, sem_a)
                drain(rows_b, sem_b)
                pltpu.sync_copy(rows_b, accum.at[dst_v.at[ja + 1]], add=True)
                return carry

            lax.fori_loop(0, n // 2, step2, 0)
            drain(rows_a, sem_a)

            @pl.when(n % 2 == 1)
            def _():
                pltpu.sync_copy(rows_a, accum.at[dst_v.at[n - 1]], add=True)

        phase(se_hbm, de_hbm, (cpt + 1) // 2)
        phase(so_hbm, do_hbm, cpt // 2)
        plsc.subcore_barrier()
        pltpu.sync_copy(accum.at[pl.ds(s * _RZ, _RZ)],
                        out_hbm.at[pl.ds(c * _NA + s * _RZ, _RZ)])

    zeros = jnp.zeros((_NA, D), jnp.float32)
    k = pl.kernel(
        body,
        mesh=_sc_mesh(),
        out_type=jax.ShapeDtypeStruct((_NC * _NA, D), jnp.float32),
        scratch_types=[
            pltpu.VMEM((_CPH, _CH), jnp.int32),
            pltpu.VMEM((_CPH, _CH), jnp.int32),
            pltpu.VMEM((_CH, D), jnp.float32),
            pltpu.VMEM((_CH, D), jnp.float32),
            pltpu.VMEM_SHARED((_NA, D), jnp.float32),
            pltpu.SemaphoreType.DMA,
            pltpu.SemaphoreType.DMA,
        ],
    )
    return k(h, se3, so3, de3, do3, zeros)


def _sc_degree(dst3):

    def body(dst_hbm, ones_hbm, zeros_hbm, out_hbm, dst_v, ones_v, accum):
        c = lax.axis_index("c")
        s = lax.axis_index("s")
        wid = s * _NC + c
        pltpu.sync_copy(zeros_hbm.at[pl.ds(s * _RZ, _RZ)],
                        accum.at[pl.ds(s * _RZ, _RZ)])
        pltpu.sync_copy(dst_hbm.at[wid], dst_v)
        pltpu.sync_copy(ones_hbm, ones_v)
        plsc.subcore_barrier()

        def step(j, carry):
            pltpu.sync_copy(ones_v, accum.at[dst_v.at[j]], add=True)
            return carry

        lax.fori_loop(0, _CPT, step, 0)
        plsc.subcore_barrier()
        pltpu.sync_copy(accum.at[pl.ds(s * _RZ, _RZ)],
                        out_hbm.at[pl.ds(c * _NA + s * _RZ, _RZ)])

    ones = jnp.ones((_CH, 128), jnp.float32)
    zeros = jnp.zeros((_NA, 128), jnp.float32)
    k = pl.kernel(
        body,
        mesh=_sc_mesh(),
        out_type=jax.ShapeDtypeStruct((_NC * _NA, 128), jnp.float32),
        scratch_types=[
            pltpu.VMEM((_CPT, _CH), jnp.int32),
            pltpu.VMEM((_CH, 128), jnp.float32),
            pltpu.VMEM_SHARED((_NA, 128), jnp.float32),
        ],
    )
    return k(dst3, ones, zeros)



def _row_spec(ncols):
    return pl.BlockSpec((_R, ncols), lambda i: (i, 0))


def _full_spec(shape):
    return pl.BlockSpec(shape, lambda i: (0, 0))


def _dis(cnt0_r, cnt1_r):
    deg = cnt0_r[:, :1] + cnt1_r[:, :1] + 1.0
    return lax.rsqrt(deg)


def _tc1_body(des_r, tw_r, np_r, cp_r, c0_r, c1_r,
              Wd, bd, Wt, bt, Wn, bn, Wc, bc, Wi, bi, Wg1, h1_r):
    d = _lrelu(_dot(des_r[...], Wd[...]) + bd[...])
    t = _lrelu(_dot(tw_r[...], Wt[...]) + bt[...])
    n = _lrelu(_dot(np_r[...], Wn[...]) + bn[...])
    cc = _lrelu(_dot(cp_r[...], Wc[...]) + bc[...])
    x = jnp.concatenate([d, t, n, cc], axis=1)
    x0 = _lrelu(_dot(x, Wi[...]) + bi[...])
    dis = _dis(c0_r[...], c1_r[...])
    h1_r[...] = _dot(x0, Wg1[...]) * dis


def _tc2_body(pa_r, pb_r, hp_r, c0_r, c1_r, bg, Wnext, out_r):
    dis = _dis(c0_r[...], c1_r[...])
    x = dis * (pa_r[...] + pb_r[...] + hp_r[...]) + bg[...]
    out_r[...] = _dot(x, Wnext[...]) * dis


def _tc3_body(pa_r, pb_r, hp_r, c0_r, c1_r, bg2, Wo1, bo1, Wg3p, h3_r):
    dis = _dis(c0_r[...], c1_r[...])
    x2 = dis * (pa_r[...] + pb_r[...] + hp_r[...]) + bg2[...]
    y = _lrelu(_dot(x2, Wo1[...]) + bo1[...])
    h3_r[...] = _dot(y, Wg3p[...]) * dis


def _tc4_body(pa_r, pb_r, hp_r, c0_r, c1_r, bg3,
              Wo2, bo2, Wo3, bo3, Wo4, bo4, Wf, bf, out_r):
    dis = _dis(c0_r[...], c1_r[...])
    agg = (pa_r[...] + pb_r[...] + hp_r[...])[:, :64]
    x3 = dis * agg + bg3[...]
    z = _lrelu(_dot(x3, Wo2[...]) + bo2[...])
    z = _lrelu(_dot(z, Wo3[...]) + bo3[...])
    z = _lrelu(_dot(z, Wo4[...]) + bo4[...])
    out_r[...] = _dot(z, Wf[...]) + bf[...]


def _tc_call(body, ins, in_specs, out_cols):
    return pl.pallas_call(
        body,
        grid=(_N // _R,),
        in_specs=in_specs,
        out_specs=_row_spec(out_cols),
        out_shape=jax.ShapeDtypeStruct((_N, out_cols), jnp.float32),
    )(*ins)



def kernel(des, tweet, num_prop, cat_prop, edge_index,
           Wd, bd, Wt, bt, Wn, bn, Wc, bc, Wi, bi,
           Wg1, bg1, Wg2, bg2, Wo1, bo1, Wg3, bg3,
           Wo2, bo2, Wo3, bo3, Wo4, bo4, Wf, bf):
    npad = _EPAD - _E
    dst3s = jnp.concatenate(
        [edge_index[1], jnp.full((npad,), _N, jnp.int32)]).reshape(_NW, _CPT, _CH)

    def asym(v, fill):
        vp = jnp.concatenate([v, jnp.full((npad,), fill, jnp.int32)])
        n0 = _NS * _CPT0 * _CH
        a0 = jnp.pad(vp[:n0].reshape(_NS, _CPT0, _CH),
                     ((0, 0), (0, _CPTM - _CPT0), (0, 0)), constant_values=fill)
        a1 = jnp.pad(vp[n0:].reshape(_NS, _CPT1, _CH),
                     ((0, 0), (0, _CPTM - _CPT1), (0, 0)), constant_values=fill)
        return jnp.stack([a0, a1], axis=1).reshape(_NW, _CPTM, _CH)

    src3 = asym(edge_index[0], 0)
    dst3 = asym(edge_index[1], _N)
    pad1 = ((0, 0), (0, 1), (0, 0))
    se3 = src3[:, 0::2]
    so3 = jnp.pad(src3[:, 1::2], pad1)
    de3 = dst3[:, 0::2]
    do3 = jnp.pad(dst3[:, 1::2], pad1, constant_values=_N)
    b2 = lambda b: b.reshape(1, -1)

    cnt = _sc_degree(dst3s)
    cnt0 = lax.slice(cnt, (0, 0), (_N, 8))
    cnt1 = lax.slice(cnt, (_NA, 0), (_NA + _N, 8))

    h1 = _tc_call(
        _tc1_body,
        (des, tweet, num_prop, cat_prop, cnt0, cnt1,
         Wd, b2(bd), Wt, b2(bt), Wn, b2(bn), Wc, b2(bc), Wi, b2(bi), Wg1),
        [_row_spec(768), _row_spec(768), _row_spec(5), _row_spec(3),
         _row_spec(8), _row_spec(8),
         _full_spec((768, 32)), _full_spec((1, 32)),
         _full_spec((768, 32)), _full_spec((1, 32)),
         _full_spec((5, 32)), _full_spec((1, 32)),
         _full_spec((3, 32)), _full_spec((1, 32)),
         _full_spec((128, 128)), _full_spec((1, 128)),
         _full_spec((128, 128))],
        128)

    p1 = _sc_scatter(h1, se3, so3, de3, do3, 128)
    h2 = _tc_call(
        _tc2_body,
        (p1[:_N], p1[_NA:_NA + _N], h1, cnt0, cnt1, b2(bg1), Wg2),
        [_row_spec(128), _row_spec(128), _row_spec(128),
         _row_spec(8), _row_spec(8),
         _full_spec((1, 128)), _full_spec((128, 128))],
        128)

    p2 = _sc_scatter(h2, se3, so3, de3, do3, 128)
    Wg3p = jnp.pad(Wg3, ((0, 0), (0, 64)))
    h3 = _tc_call(
        _tc3_body,
        (p2[:_N], p2[_NA:_NA + _N], h2, cnt0, cnt1, b2(bg2), Wo1, b2(bo1), Wg3p),
        [_row_spec(128), _row_spec(128), _row_spec(128),
         _row_spec(8), _row_spec(8),
         _full_spec((1, 128)), _full_spec((128, 64)), _full_spec((1, 64)),
         _full_spec((64, 128))],
        128)

    p3 = _sc_scatter(h3, se3, so3, de3, do3, 128)
    out = _tc_call(
        _tc4_body,
        (p3[:_N], p3[_NA:_NA + _N], h3, cnt0, cnt1, b2(bg3),
         Wo2, b2(bo2), Wo3, b2(bo3), Wo4, b2(bo4), Wf, b2(bf)),
        [_row_spec(128), _row_spec(128), _row_spec(128),
         _row_spec(8), _row_spec(8),
         _full_spec((1, 64)), _full_spec((64, 64)), _full_spec((1, 64)),
         _full_spec((64, 32)), _full_spec((1, 32)),
         _full_spec((32, 16)), _full_spec((1, 16)),
         _full_spec((16, 2)), _full_spec((1, 2))],
        2)
    return out

# --- scband reference (transcript-rebuilt; emitter-appended) ---
"""Pipeline reference for scband-bot-gcn-5901285065195 (READ-ONLY COPY).

The authoritative reference and input builder live on the scoring server;
editing this copy changes nothing except your own understanding.
"""

import jax, jax.numpy as jnp
import numpy as np

N = 10000
E = 320000
H = 128

def _lin(x, W, b):
    return x @ W + b

def _lrelu(x):
    return jax.nn.leaky_relu(x, negative_slope=0.01)

def _gcn(x, ei, W, b):
    n = x.shape[0]
    sl = jnp.arange(n, dtype=ei.dtype)
    src = jnp.concatenate([ei[0], sl])
    dst = jnp.concatenate([ei[1], sl])
    deg = jnp.zeros((n,), x.dtype).at[dst].add(1.0)
    dis = jax.lax.rsqrt(deg)
    norm = dis[src] * dis[dst]
    h = x @ W
    out = jnp.zeros((n, W.shape[1]), x.dtype).at[dst].add(h[src] * norm[:, None])
    return out + b

def _forward(des, tweet, num_prop, cat_prop, Wd, bd, Wt, bt, Wn, bn, Wc, bc, Wi, bi, Wg1, bg1, Wg2, bg2, Wo1, bo1, Wg3, bg3, Wo2, bo2, Wo3, bo3, Wo4, bo4, Wf, bf, edge_index):
    d = _lrelu(_lin(des, Wd, bd))
    t = _lrelu(_lin(tweet, Wt, bt))
    n = _lrelu(_lin(num_prop, Wn, bn))
    c = _lrelu(_lin(cat_prop, Wc, bc))
    x = jnp.concatenate([d, t, n, c], axis=1)
    x = _lrelu(_lin(x, Wi, bi))
    x = _gcn(x, edge_index, Wg1, bg1)
    x = _gcn(x, edge_index, Wg2, bg2)
    x = _lrelu(_lin(x, Wo1, bo1))
    x = _gcn(x, edge_index, Wg3, bg3)
    x = _lrelu(_lin(x, Wo2, bo2))
    x = _lrelu(_lin(x, Wo3, bo3))
    x = _lrelu(_lin(x, Wo4, bo4))
    x = _lin(x, Wf, bf)
    return x

def setup_inputs(seed: int = 0):
    key = jax.random.key(seed)
    ks = iter(jax.random.split(key, 64))
    def p(shape, fan):
        return jax.random.normal(next(ks), shape, jnp.float32) * (1.0 / np.sqrt(fan))
    inp = {}
    inp['des'] = jax.random.normal(next(ks), (N, 768), jnp.float32)
    inp['tweet'] = jax.random.normal(next(ks), (N, 768), jnp.float32)
    inp['num_prop'] = jax.random.normal(next(ks), (N, 5), jnp.float32)
    inp['cat_prop'] = jax.random.normal(next(ks), (N, 3), jnp.float32)
    inp['edge_index'] = jax.random.randint(next(ks), (2, E), 0, N, dtype=jnp.int32)
    inp['Wd'] = p((768, 32), 768); inp['bd'] = jnp.zeros((32,), jnp.float32)
    inp['Wt'] = p((768, 32), 768); inp['bt'] = jnp.zeros((32,), jnp.float32)
    inp['Wn'] = p((5, 32), 5); inp['bn'] = jnp.zeros((32,), jnp.float32)
    inp['Wc'] = p((3, 32), 3); inp['bc'] = jnp.zeros((32,), jnp.float32)
    inp['Wi'] = p((128, 128), 128); inp['bi'] = jnp.zeros((128,), jnp.float32)
    inp['Wg1'] = p((128, 128), 128); inp['bg1'] = jnp.zeros((128,), jnp.float32)
    inp['Wg2'] = p((128, 128), 128); inp['bg2'] = jnp.zeros((128,), jnp.float32)
    inp['Wo1'] = p((128, 64), 128); inp['bo1'] = jnp.zeros((64,), jnp.float32)
    inp['Wg3'] = p((64, 64), 64); inp['bg3'] = jnp.zeros((64,), jnp.float32)
    inp['Wo2'] = p((64, 64), 64); inp['bo2'] = jnp.zeros((64,), jnp.float32)
    inp['Wo3'] = p((64, 32), 64); inp['bo3'] = jnp.zeros((32,), jnp.float32)
    inp['Wo4'] = p((32, 16), 32); inp['bo4'] = jnp.zeros((16,), jnp.float32)
    inp['Wf'] = p((16, 2), 16); inp['bf'] = jnp.zeros((2,), jnp.float32)
    return inp

def reference(des, tweet, num_prop, cat_prop, edge_index, Wd, bd, Wt, bt, Wn, bn, Wc, bc, Wi, bi, Wg1, bg1, Wg2, bg2, Wo1, bo1, Wg3, bg3, Wo2, bo2, Wo3, bo3, Wo4, bo4, Wf, bf):
    return _forward(des, tweet, num_prop, cat_prop, Wd, bd, Wt, bt, Wn, bn, Wc, bc, Wi, bi, Wg1, bg1, Wg2, bg2, Wo1, bo1, Wg3, bg3, Wo2, bo2, Wo3, bo3, Wo4, bo4, Wf, bf, edge_index)

if __name__ == "__main__":
    import jax
    _d = setup_inputs()
    print(jax.jit(kernel)(*tuple(_d.values())))

</pallas_src>

<mosaic_0001>
#map = affine_map<(d0, d1) -> (0, 0, 0)>
#map1 = affine_map<(d0, d1) -> (0, 0)>
module attributes {stable_mosaic.version = 14 : i64} {
  func.func @body(%arg0: i32, %arg1: i32, %arg2: memref<32x79x128xi32, #tpu.memory_space<hbm>>, %arg3: memref<128x128xf32, #tpu.memory_space<hbm>>, %arg4: memref<10112x128xf32, #tpu.memory_space<hbm>>, %arg5: memref<20224x128xf32, #tpu.memory_space<hbm>>, %arg6: memref<79x128xi32, #tpu.memory_space<vmem>>, %arg7: memref<128x128xf32, #tpu.memory_space<vmem>>, %arg8: memref<10112x128xf32, #tpu.memory_space<vmem_shared>>) attributes {dimension_semantics = [#tpu.dimension_semantics<core_parallel>, #tpu.dimension_semantics<subcore_parallel>], iteration_bounds = array<i64: 2, 16>, scalar_prefetch = 0 : i64, scratch_operands = 3 : i64, tpu.core_type = #tpu.core_type<sc_vector_subcore>, window_params = [{transform_indices = #map}, {transform_indices = #map1}, {transform_indices = #map1}, {transform_indices = #map1}]} {
    %mul3A = arith.constant 2 : i32
    %mul3A_0 = arith.muli %arg1, %mul3A : i32
    %add3A = arith.addi %mul3A_0, %arg0 : i32
    %mul3A_1 = arith.constant 632 : i32
    %mul3A_2 = arith.muli %arg1, %mul3A_1 : i32
    %mul3A_3 = arith.constant 632 : i32
    %mul3A_4 = arith.muli %arg1, %mul3A_3 : i32
    "tpu.region"() ({
      %run_scoped3A = tpu.sem_alloc : memref<!tpu.dma_semaphore, #tpu.memory_space<semaphore_mem>>
      %dma_start3A = arith.constant 0 : i32
      %dma_start3A_18 = tpu.memref_slice %arg8[%mul3A_4, %dma_start3A] : memref<10112x128xf32, #tpu.memory_space<vmem_shared>> -> memref<632x128xf32, #tpu.memory_space<vmem_shared>>
      %dma_start3A_19 = arith.constant 0 : i32
      %dma_start3A_20 = tpu.memref_slice %arg4[%mul3A_2, %dma_start3A_19] : memref<10112x128xf32, #tpu.memory_space<hbm>> -> memref<632x128xf32, #tpu.memory_space<hbm>>
      tpu.enqueue_dma source(%dma_start3A_20 : memref<632x128xf32, #tpu.memory_space<hbm>>) target(%dma_start3A_18 : memref<632x128xf32, #tpu.memory_space<vmem_shared>>) target_semaphore(%run_scoped3A : memref<!tpu.dma_semaphore, #tpu.memory_space<semaphore_mem>>)
      %dma_wait3A = arith.constant 0 : i32
      %dma_wait3A_21 = tpu.memref_slice %arg8[%mul3A_4, %dma_wait3A] : memref<10112x128xf32, #tpu.memory_space<vmem_shared>> -> memref<632x128xf32, #tpu.memory_space<vmem_shared>>
      %dma_wait3A_22 = arith.constant 0 : i32
      %dma_wait3A_23 = tpu.memref_slice %arg4[%mul3A_2, %dma_wait3A_22] : memref<10112x128xf32, #tpu.memory_space<hbm>> -> memref<632x128xf32, #tpu.memory_space<hbm>>
      tpu.wait_dma2 semaphore(%run_scoped3A : memref<!tpu.dma_semaphore, #tpu.memory_space<semaphore_mem>>) src(%dma_wait3A_23 : memref<632x128xf32, #tpu.memory_space<hbm>>) dst(%dma_wait3A_21 : memref<632x128xf32, #tpu.memory_space<vmem_shared>>)
      tpu.yield
    }) : () -> ()
    "tpu.region"() ({
      %run_scoped3A = tpu.sem_alloc : memref<!tpu.dma_semaphore, #tpu.memory_space<semaphore_mem>>
      %dma_start3A = arith.constant 0 : i32
      %dma_start3A_18 = arith.constant 0 : i32
      %dma_start3A_19 = tpu.memref_slice %arg2[%add3A, %dma_start3A, %dma_start3A_18] : memref<32x79x128xi32, #tpu.memory_space<hbm>> -> memref<1x79x128xi32, #tpu.memory_space<hbm>>
      %dma_start3A_20 = tpu.memref_squeeze %dma_start3A_19 : memref<1x79x128xi32, #tpu.memory_space<hbm>> -> memref<79x128xi32, #tpu.memory_space<hbm>>
      %dma_start3A_21 = arith.constant 0 : i32
      %dma_start3A_22 = arith.constant 0 : i32
      %dma_start3A_23 = tpu.memref_slice %arg2[%add3A, %dma_start3A_21, %dma_start3A_22] : memref<32x79x128xi32, #tpu.memory_space<hbm>> -> memref<1x79x128xi32, #tpu.memory_space<hbm>>
      %dma_start3A_24 = tpu.memref_squeeze %dma_start3A_23 : memref<1x79x128xi32, #tpu.memory_space<hbm>> -> memref<79x128xi32, #tpu.memory_space<hbm>>
      tpu.enqueue_dma source(%dma_start3A_24 : memref<79x128xi32, #tpu.memory_space<hbm>>) target(%arg6 : memref<79x128xi32, #tpu.memory_space<vmem>>) target_semaphore(%run_scoped3A : memref<!tpu.dma_semaphore, #tpu.memory_space<semaphore_mem>>)
      %dma_wait3A = arith.constant 0 : i32
      %dma_wait3A_25 = arith.constant 0 : i32
      %dma_wait3A_26 = tpu.memref_slice %arg2[%add3A, %dma_wait3A, %dma_wait3A_25] : memref<32x79x128xi32, #tpu.memory_space<hbm>> -> memref<1x79x128xi32, #tpu.memory_space<hbm>>
      %dma_wait3A_27 = tpu.memref_squeeze %dma_wait3A_26 : memref<1x79x128xi32, #tpu.memory_space<hbm>> -> memref<79x128xi32, #tpu.memory_space<hbm>>
      %dma_wait3A_28 = arith.constant 0 : i32
      %dma_wait3A_29 = arith.constant 0 : i32
      %dma_wait3A_30 = tpu.memref_slice %arg2[%add3A, %dma_wait3A_28, %dma_wait3A_29] : memref<32x79x128xi32, #tpu.memory_space<hbm>> -> memref<1x79x128xi32, #tpu.memory_space<hbm>>
      %dma_wait3A_31 = tpu.memref_squeeze %dma_wait3A_30 : memref<1x79x128xi32, #tpu.memory_space<hbm>> -> memref<79x128xi32, #tpu.memory_space<hbm>>
      tpu.wait_dma2 semaphore(%run_scoped3A : memref<!tpu.dma_semaphore, #tpu.memory_space<semaphore_mem>>) src(%dma_wait3A_31 : memref<79x128xi32, #tpu.memory_space<hbm>>) dst(%arg6 : memref<79x128xi32, #tpu.memory_space<vmem>>)
      tpu.yield
    }) : () -> ()
    "tpu.region"() ({
      %run_scoped3A = tpu.sem_alloc : memref<!tpu.dma_semaphore, #tpu.memory_space<semaphore_mem>>
      tpu.enqueue_dma source(%arg3 : memref<128x128xf32, #tpu.memory_space<hbm>>) target(%arg7 : memref<128x128xf32, #tpu.memory_space<vmem>>) target_semaphore(%run_scoped3A : memref<!tpu.dma_semaphore, #tpu.memory_space<semaphore_mem>>)
      tpu.wait_dma2 semaphore(%run_scoped3A : memref<!tpu.dma_semaphore, #tpu.memory_space<semaphore_mem>>) src(%arg3 : memref<128x128xf32, #tpu.memory_space<hbm>>) dst(%arg7 : memref<128x128xf32, #tpu.memory_space<vmem>>)
      tpu.yield
    }) : () -> ()
    %barrier3A = arith.constant 0 : index
    tpu.barrier barrier_id(%barrier3A)
    %scan3A = arith.constant 0 : i32
    %scan3A_5 = arith.constant 0 : i32
    %scan3A_6 = arith.constant 79 : i32
    %scan3A_7 = arith.addi %scan3A_5, %scan3A_6 : i32
    %scan3A_8 = arith.constant 1 : i32
    scf.for %scan3A_18 = %scan3A_5 to %scan3A_7 step %scan3A_8  : i32 {
      "tpu.region"() ({
        %run_scoped3A = tpu.sem_alloc : memref<!tpu.dma_semaphore, #tpu.memory_space<semaphore_mem>>
        %dma_start3A = arith.constant 0 : i32
        %dma_start3A_19 = tpu.memref_slice %arg6[%scan3A_18, %dma_start3A] : memref<79x128xi32, #tpu.memory_space<vmem>> -> memref<1x128xi32, #tpu.memory_space<vmem>>
        %dma_start3A_20 = tpu.memref_squeeze %dma_start3A_19 : memref<1x128xi32, #tpu.memory_space<vmem>> -> memref<128xi32, #tpu.memory_space<vmem>>
        %dma_start3A_21 = arith.constant 0 : i32
        %dma_start3A_22 = arith.constant 0 : i32
        %dma_start3A_23 = tpu.memref_slice %arg8[%dma_start3A_21, %dma_start3A_22] : memref<10112x128xf32, #tpu.memory_space<vmem_shared>> -> memref<10112x128xf32, #tpu.memory_space<vmem_shared>>
        tpu.enqueue_indirect_dma source(%arg7 : memref<128x128xf32, #tpu.memory_space<vmem>>) target(%dma_start3A_23 : memref<10112x128xf32, #tpu.memory_space<vmem_shared>>) offsets(%dma_start3A_20 : memref<128xi32, #tpu.memory_space<vmem>>) semaphore(%run_scoped3A : memref<!tpu.dma_semaphore, #tpu.memory_space<semaphore_mem>>) {add = true}
        %dma_wait3A = arith.constant 0 : i32
        %dma_wait3A_24 = tpu.memref_slice %arg6[%scan3A_18, %dma_wait3A] : memref<79x128xi32, #tpu.memory_space<vmem>> -> memref<1x128xi32, #tpu.memory_space<vmem>>
        %dma_wait3A_25 = tpu.memref_squeeze %dma_wait3A_24 : memref<1x128xi32, #tpu.memory_space<vmem>> -> memref<128xi32, #tpu.memory_space<vmem>>
        %dma_wait3A_26 = arith.constant 0 : i32
        %dma_wait3A_27 = arith.constant 0 : i32
        %dma_wait3A_28 = tpu.memref_slice %arg8[%dma_wait3A_26, %dma_wait3A_27] : memref<10112x128xf32, #tpu.memory_space<vmem_shared>> -> memref<10112x128xf32, #tpu.memory_space<vmem_shared>>
        tpu.wait_indirect_dma semaphore(%run_scoped3A : memref<!tpu.dma_semaphore, #tpu.memory_space<semaphore_mem>>) src(%arg7 : memref<128x128xf32, #tpu.memory_space<vmem>>) dst(%dma_wait3A_28 : memref<10112x128xf32, #tpu.memory_space<vmem_shared>>)
        tpu.yield
      }) : () -> ()
    }
    %scan3A_9 = arith.constant 79 : i32
    %barrier3A_10 = arith.constant 0 : index
    tpu.barrier barrier_id(%barrier3A_10)
    %mul3A_11 = arith.constant 632 : i32
    %mul3A_12 = arith.muli %arg1, %mul3A_11 : i32
    %mul3A_13 = arith.constant 10112 : i32
    %mul3A_14 = arith.muli %arg0, %mul3A_13 : i32
    %mul3A_15 = arith.constant 632 : i32
    %mul3A_16 = arith.muli %arg1, %mul3A_15 : i32
    %add3A_17 = arith.addi %mul3A_14, %mul3A_16 : i32
    "tpu.region"() ({
      %run_scoped3A = tpu.sem_alloc : memref<!tpu.dma_semaphore, #tpu.memory_space<semaphore_mem>>
      %dma_start3A = arith.constant 0 : i32
      %dma_start3A_18 = tpu.memref_slice %arg5[%add3A_17, %dma_start3A] : memref<20224x128xf32, #tpu.memory_space<hbm>> -> memref<632x128xf32, #tpu.memory_space<hbm>>
      %dma_start3A_19 = arith.constant 0 : i32
      %dma_start3A_20 = tpu.memref_slice %arg8[%mul3A_12, %dma_start3A_19] : memref<10112x128xf32, #tpu.memory_space<vmem_shared>> -> memref<632x128xf32, #tpu.memory_space<vmem_shared>>
      tpu.enqueue_dma source(%dma_start3A_20 : memref<632x128xf32, #tpu.memory_space<vmem_shared>>) target(%dma_start3A_18 : memref<632x128xf32, #tpu.memory_space<hbm>>) target_semaphore(%run_scoped3A : memref<!tpu.dma_semaphore, #tpu.memory_space<semaphore_mem>>)
      %dma_wait3A = arith.constant 0 : i32
      %dma_wait3A_21 = tpu.memref_slice %arg5[%add3A_17, %dma_wait3A] : memref<20224x128xf32, #tpu.memory_space<hbm>> -> memref<632x128xf32, #tpu.memory_space<hbm>>
      %dma_wait3A_22 = arith.constant 0 : i32
      %dma_wait3A_23 = tpu.memref_slice %arg8[%mul3A_12, %dma_wait3A_22] : memref<10112x128xf32, #tpu.memory_space<vmem_shared>> -> memref<632x128xf32, #tpu.memory_space<vmem_shared>>
      tpu.wait_dma2 semaphore(%run_scoped3A : memref<!tpu.dma_semaphore, #tpu.memory_space<semaphore_mem>>) src(%dma_wait3A_23 : memref<632x128xf32, #tpu.memory_space<vmem_shared>>) dst(%dma_wait3A_21 : memref<632x128xf32, #tpu.memory_space<hbm>>)
      tpu.yield
    }) : () -> ()
    return
  }
}

#map = affine_map<(d0, d1) -> (0, 0)>
#map1 = affine_map<(d0, d1) -> (0, 0, 0)>
module attributes {stable_mosaic.version = 14 : i64} {
  func.func @body(%arg0: i32, %arg1: i32, %arg2: memref<10000x128xf32, #tpu.memory_space<hbm>>, %arg3: memref<32x63x128xi32, #tpu.memory_space<hbm>>, %arg4: memref<32x63x128xi32, #tpu.memory_space<hbm>>, %arg5: memref<32x63x128xi32, #tpu.memory_space<hbm>>, %arg6: memref<32x63x128xi32, #tpu.memory_space<hbm>>, %arg7: memref<10112x128xf32, #tpu.memory_space<hbm>>, %arg8: memref<20224x128xf32, #tpu.memory_space<hbm>>, %arg9: memref<63x128xi32, #tpu.memory_space<vmem>>, %arg10: memref<63x128xi32, #tpu.memory_space<vmem>>, %arg11: memref<128x128xf32, #tpu.memory_space<vmem>>, %arg12: memref<128x128xf32, #tpu.memory_space<vmem>>, %arg13: memref<10112x128xf32, #tpu.memory_space<vmem_shared>>, %arg14: memref<!tpu.dma_semaphore, #tpu.memory_space<semaphore_mem>>, %arg15: memref<!tpu.dma_semaphore, #tpu.memory_space<semaphore_mem>>) attributes {dimension_semantics = [#tpu.dimension_semantics<core_parallel>, #tpu.dimension_semantics<subcore_parallel>], iteration_bounds = array<i64: 2, 16>, scalar_prefetch = 0 : i64, scratch_operands = 7 : i64, tpu.core_type = #tpu.core_type<sc_vector_subcore>, window_params = [{transform_indices = #map}, {transform_indices = #map1}, {transform_indices = #map1}, {transform_indices = #map1}, {transform_indices = #map1}, {transform_indices = #map}, {transform_indices = #map}]} {
    %mul3A = arith.constant 2 : i32
    %mul3A_0 = arith.muli %arg1, %mul3A : i32
    %add3A = arith.addi %mul3A_0, %arg0 : i32
    %eq3A = arith.constant 0 : i32
    %eq3A_1 = arith.cmpi eq, %arg0, %eq3A : i32
    %jit3A = arith.constant 125 : i32
    %jit3A_2 = arith.constant 33 : i32
    %select_n3A = arith.select %eq3A_1, %jit3A, %jit3A_2 : i32
    %mul3A_3 = arith.constant 632 : i32
    %mul3A_4 = arith.muli %arg1, %mul3A_3 : i32
    %mul3A_5 = arith.constant 632 : i32
    %mul3A_6 = arith.muli %arg1, %mul3A_5 : i32
    "tpu.region"() ({
      %run_scoped3A = tpu.sem_alloc : memref<!tpu.dma_semaphore, #tpu.memory_space<semaphore_mem>>
      %dma_start3A_189 = arith.constant 0 : i32
      %dma_start3A_190 = tpu.memref_slice %arg13[%mul3A_6, %dma_start3A_189] : memref<10112x128xf32, #tpu.memory_space<vmem_shared>> -> memref<632x128xf32, #tpu.memory_space<vmem_shared>>
      %dma_start3A_191 = arith.constant 0 : i32
      %dma_start3A_192 = tpu.memref_slice %arg7[%mul3A_4, %dma_start3A_191] : memref<10112x128xf32, #tpu.memory_space<hbm>> -> memref<632x128xf32, #tpu.memory_space<hbm>>
      tpu.enqueue_dma source(%dma_start3A_192 : memref<632x128xf32, #tpu.memory_space<hbm>>) target(%dma_start3A_190 : memref<632x128xf32, #tpu.memory_space<vmem_shared>>) target_semaphore(%run_scoped3A : memref<!tpu.dma_semaphore, #tpu.memory_space<semaphore_mem>>)
      %dma_wait3A_193 = arith.constant 0 : i32
      %dma_wait3A_194 = tpu.memref_slice %arg13[%mul3A_6, %dma_wait3A_193] : memref<10112x128xf32, #tpu.memory_space<vmem_shared>> -> memref<632x128xf32, #tpu.memory_space<vmem_shared>>
      %dma_wait3A_195 = arith.constant 0 : i32
      %dma_wait3A_196 = tpu.memref_slice %arg7[%mul3A_4, %dma_wait3A_195] : memref<10112x128xf32, #tpu.memory_space<hbm>> -> memref<632x128xf32, #tpu.memory_space<hbm>>
      tpu.wait_dma2 semaphore(%run_scoped3A : memref<!tpu.dma_semaphore, #tpu.memory_space<semaphore_mem>>) src(%dma_wait3A_196 : memref<632x128xf32, #tpu.memory_space<hbm>>) dst(%dma_wait3A_194 : memref<632x128xf32, #tpu.memory_space<vmem_shared>>)
      tpu.yield
    }) : () -> ()
    %barrier3A = arith.constant 0 : index
    tpu.barrier barrier_id(%barrier3A)
    %add3A_7 = arith.constant 1 : i32
    %add3A_8 = arith.addi %select_n3A, %add3A_7 : i32
    %jit3A_9 = arith.constant 2 : i32
    %div3A = arith.divsi %add3A_8, %jit3A_9 : i32
    %sign3A = arith.constant 0 : i32
    %sign3A_10 = arith.cmpi sgt, %add3A_8, %sign3A : i32
    %sign3A_11 = arith.extui %sign3A_10 : i1 to i32
    %sign3A_12 = arith.constant 0 : i32
    %sign3A_13 = arith.cmpi slt, %add3A_8, %sign3A_12 : i32
    %sign3A_14 = arith.extui %sign3A_13 : i1 to i32
    %sign3A_15 = arith.subi %sign3A_11, %sign3A_14 : i32
    %sign3A_16 = arith.constant 0 : i32
    %sign3A_17 = arith.cmpi sgt, %jit3A_9, %sign3A_16 : i32
    %sign3A_18 = arith.extui %sign3A_17 : i1 to i32
    %sign3A_19 = arith.constant 0 : i32
    %sign3A_20 = arith.cmpi slt, %jit3A_9, %sign3A_19 : i32
    %sign3A_21 = arith.extui %sign3A_20 : i1 to i32
    %sign3A_22 = arith.subi %sign3A_18, %sign3A_21 : i32
    %ne3A = arith.cmpi ne, %sign3A_15, %sign3A_22 : i32
    %rem3A = arith.remsi %add3A_8, %jit3A_9 : i32
    %ne3A_23 = arith.constant 0 : i32
    %ne3A_24 = arith.cmpi ne, %rem3A, %ne3A_23 : i32
    %and3A = arith.andi %ne3A, %ne3A_24 : i1
    %sub3A = arith.constant 1 : i32
    %sub3A_25 = arith.subi %div3A, %sub3A : i32
    %select_n3A_26 = arith.select %and3A, %sub3A_25, %div3A : i32
    "tpu.region"() ({
      %run_scoped3A = tpu.sem_alloc : memref<!tpu.dma_semaphore, #tpu.memory_space<semaphore_mem>>
      %dma_start3A_189 = arith.constant 0 : i32
      %dma_start3A_190 = arith.constant 0 : i32
      %dma_start3A_191 = tpu.memref_slice %arg3[%add3A, %dma_start3A_189, %dma_start3A_190] : memref<32x63x128xi32, #tpu.memory_space<hbm>> -> memref<1x63x128xi32, #tpu.memory_space<hbm>>
      %dma_start3A_192 = tpu.memref_squeeze %dma_start3A_191 : memref<1x63x128xi32, #tpu.memory_space<hbm>> -> memref<63x128xi32, #tpu.memory_space<hbm>>
      %dma_start3A_193 = arith.constant 0 : i32
      %dma_start3A_194 = arith.constant 0 : i32
      %dma_start3A_195 = tpu.memref_slice %arg3[%add3A, %dma_start3A_193, %dma_start3A_194] : memref<32x63x128xi32, #tpu.memory_space<hbm>> -> memref<1x63x128xi32, #tpu.memory_space<hbm>>
      %dma_start3A_196 = tpu.memref_squeeze %dma_start3A_195 : memref<1x63x128xi32, #tpu.memory_space<hbm>> -> memref<63x128xi32, #tpu.memory_space<hbm>>
      tpu.enqueue_dma source(%dma_start3A_196 : memref<63x128xi32, #tpu.memory_space<hbm>>) target(%arg9 : memref<63x128xi32, #tpu.memory_space<vmem>>) target_semaphore(%run_scoped3A : memref<!tpu.dma_semaphore, #tpu.memory_space<semaphore_mem>>)
      %dma_wait3A_197 = arith.constant 0 : i32
      %dma_wait3A_198 = arith.constant 0 : i32
      %dma_wait3A_199 = tpu.memref_slice %arg3[%add3A, %dma_wait3A_197, %dma_wait3A_198] : memref<32x63x128xi32, #tpu.memory_space<hbm>> -> memref<1x63x128xi32, #tpu.memory_space<hbm>>
      %dma_wait3A_200 = tpu.memref_squeeze %dma_wait3A_199 : memref<1x63x128xi32, #tpu.memory_space<hbm>> -> memref<63x128xi32, #tpu.memory_space<hbm>>
      %dma_wait3A_201 = arith.constant 0 : i32
      %dma_wait3A_202 = arith.constant 0 : i32
      %dma_wait3A_203 = tpu.memref_slice %arg3[%add3A, %dma_wait3A_201, %dma_wait3A_202] : memref<32x63x128xi32, #tpu.memory_space<hbm>> -> memref<1x63x128xi32, #tpu.memory_space<hbm>>
      %dma_wait3A_204 = tpu.memref_squeeze %dma_wait3A_203 : memref<1x63x128xi32, #tpu.memory_space<hbm>> -> memref<63x128xi32, #tpu.memory_space<hbm>>
      tpu.wait_dma2 semaphore(%run_scoped3A : memref<!tpu.dma_semaphore, #tpu.memory_space<semaphore_mem>>) src(%dma_wait3A_204 : memref<63x128xi32, #tpu.memory_space<hbm>>) dst(%arg9 : memref<63x128xi32, #tpu.memory_space<vmem>>)
      tpu.yield
    }) : () -> ()
    "tpu.region"() ({
      %run_scoped3A = tpu.sem_alloc : memref<!tpu.dma_semaphore, #tpu.memory_space<semaphore_mem>>
      %dma_start3A_189 = arith.constant 0 : i32
      %dma_start3A_190 = arith.constant 0 : i32
      %dma_start3A_191 = tpu.memref_slice %arg5[%add3A, %dma_start3A_189, %dma_start3A_190] : memref<32x63x128xi32, #tpu.memory_space<hbm>> -> memref<1x63x128xi32, #tpu.memory_space<hbm>>
      %dma_start3A_192 = tpu.memref_squeeze %dma_start3A_191 : memref<1x63x128xi32, #tpu.memory_space<hbm>> -> memref<63x128xi32, #tpu.memory_space<hbm>>
      %dma_start3A_193 = arith.constant 0 : i32
      %dma_start3A_194 = arith.constant 0 : i32
      %dma_start3A_195 = tpu.memref_slice %arg5[%add3A, %dma_start3A_193, %dma_start3A_194] : memref<32x63x128xi32, #tpu.memory_space<hbm>> -> memref<1x63x128xi32, #tpu.memory_space<hbm>>
      %dma_start3A_196 = tpu.memref_squeeze %dma_start3A_195 : memref<1x63x128xi32, #tpu.memory_space<hbm>> -> memref<63x128xi32, #tpu.memory_space<hbm>>
      tpu.enqueue_dma source(%dma_start3A_196 : memref<63x128xi32, #tpu.memory_space<hbm>>) target(%arg10 : memref<63x128xi32, #tpu.memory_space<vmem>>) target_semaphore(%run_scoped3A : memref<!tpu.dma_semaphore, #tpu.memory_space<semaphore_mem>>)
      %dma_wait3A_197 = arith.constant 0 : i32
      %dma_wait3A_198 = arith.constant 0 : i32
      %dma_wait3A_199 = tpu.memref_slice %arg5[%add3A, %dma_wait3A_197, %dma_wait3A_198] : memref<32x63x128xi32, #tpu.memory_space<hbm>> -> memref<1x63x128xi32, #tpu.memory_space<hbm>>
      %dma_wait3A_200 = tpu.memref_squeeze %dma_wait3A_199 : memref<1x63x128xi32, #tpu.memory_space<hbm>> -> memref<63x128xi32, #tpu.memory_space<hbm>>
      %dma_wait3A_201 = arith.constant 0 : i32
      %dma_wait3A_202 = arith.constant 0 : i32
      %dma_wait3A_203 = tpu.memref_slice %arg5[%add3A, %dma_wait3A_201, %dma_wait3A_202] : memref<32x63x128xi32, #tpu.memory_space<hbm>> -> memref<1x63x128xi32, #tpu.memory_space<hbm>>
      %dma_wait3A_204 = tpu.memref_squeeze %dma_wait3A_203 : memref<1x63x128xi32, #tpu.memory_space<hbm>> -> memref<63x128xi32, #tpu.memory_space<hbm>>
      tpu.wait_dma2 semaphore(%run_scoped3A : memref<!tpu.dma_semaphore, #tpu.memory_space<semaphore_mem>>) src(%dma_wait3A_204 : memref<63x128xi32, #tpu.memory_space<hbm>>) dst(%arg10 : memref<63x128xi32, #tpu.memory_space<vmem>>)
      tpu.yield
    }) : () -> ()
    %dma_start3A = arith.constant 0 : i32
    %dma_start3A_27 = arith.constant 0 : i32
    %dma_start3A_28 = tpu.memref_slice %arg9[%dma_start3A, %dma_start3A_27] : memref<63x128xi32, #tpu.memory_space<vmem>> -> memref<1x128xi32, #tpu.memory_space<vmem>>
    %dma_start3A_29 = tpu.memref_squeeze %dma_start3A_28 : memref<1x128xi32, #tpu.memory_space<vmem>> -> memref<128xi32, #tpu.memory_space<vmem>>
    %dma_start3A_30 = arith.constant 0 : i32
    %dma_start3A_31 = arith.constant 0 : i32
    %dma_start3A_32 = tpu.memref_slice %arg2[%dma_start3A_30, %dma_start3A_31] : memref<10000x128xf32, #tpu.memory_space<hbm>> -> memref<10000x128xf32, #tpu.memory_space<hbm>>
    tpu.enqueue_indirect_dma source(%dma_start3A_32 : memref<10000x128xf32, #tpu.memory_space<hbm>>) target(%arg11 : memref<128x128xf32, #tpu.memory_space<vmem>>) offsets(%dma_start3A_29 : memref<128xi32, #tpu.memory_space<vmem>>) semaphore(%arg14 : memref<!tpu.dma_semaphore, #tpu.memory_space<semaphore_mem>>)
    %jit3A_33 = arith.constant 2 : i32
    %div3A_34 = arith.divsi %select_n3A_26, %jit3A_33 : i32
    %sign3A_35 = arith.constant 0 : i32
    %sign3A_36 = arith.cmpi sgt, %select_n3A_26, %sign3A_35 : i32
    %sign3A_37 = arith.extui %sign3A_36 : i1 to i32
    %sign3A_38 = arith.constant 0 : i32
    %sign3A_39 = arith.cmpi slt, %select_n3A_26, %sign3A_38 : i32
    %sign3A_40 = arith.extui %sign3A_39 : i1 to i32
    %sign3A_41 = arith.subi %sign3A_37, %sign3A_40 : i32
    %sign3A_42 = arith.constant 0 : i32
    %sign3A_43 = arith.cmpi sgt, %jit3A_33, %sign3A_42 : i32
    %sign3A_44 = arith.extui %sign3A_43 : i1 to i32
    %sign3A_45 = arith.constant 0 : i32
    %sign3A_46 = arith.cmpi slt, %jit3A_33, %sign3A_45 : i32
    %sign3A_47 = arith.extui %sign3A_46 : i1 to i32
    %sign3A_48 = arith.subi %sign3A_44, %sign3A_47 : i32
    %ne3A_49 = arith.cmpi ne, %sign3A_41, %sign3A_48 : i32
    %rem3A_50 = arith.remsi %select_n3A_26, %jit3A_33 : i32
    %ne3A_51 = arith.constant 0 : i32
    %ne3A_52 = arith.cmpi ne, %rem3A_50, %ne3A_51 : i32
    %and3A_53 = arith.andi %ne3A_49, %ne3A_52 : i1
    %sub3A_54 = arith.constant 1 : i32
    %sub3A_55 = arith.subi %div3A_34, %sub3A_54 : i32
    %select_n3A_56 = arith.select %and3A_53, %sub3A_55, %div3A_34 : i32
    %while3A = arith.constant 0 : i32
    %while3A_57 = arith.constant 0 : i32
    %while3A_58 = arith.subi %select_n3A_56, %while3A_57 : i32
    %while3A_59 = arith.addi %while3A_57, %while3A_58 : i32
    %while3A_60 = arith.constant 1 : i32
    %while3A_61 = arith.divsi %while3A_58, %while3A_60 : i32
    %while3A_62 = arith.muli %while3A_61, %while3A_60 : i32
    %while3A_63 = arith.addi %while3A_57, %while3A_62 : i32
    %while3A_64 = arith.constant 1 : i32
    scf.for %while3A_189 = %while3A_57 to %while3A_63 step %while3A_64  : i32 {
      %mul3A_190 = arith.constant 2 : i32
      %mul3A_191 = arith.muli %mul3A_190, %while3A_189 : i32
      %add3A_192 = arith.constant 1 : i32
      %add3A_193 = arith.addi %mul3A_191, %add3A_192 : i32
      %dma_start3A_194 = arith.constant 0 : i32
      %dma_start3A_195 = tpu.memref_slice %arg9[%add3A_193, %dma_start3A_194] : memref<63x128xi32, #tpu.memory_space<vmem>> -> memref<1x128xi32, #tpu.memory_space<vmem>>
      %dma_start3A_196 = tpu.memref_squeeze %dma_start3A_195 : memref<1x128xi32, #tpu.memory_space<vmem>> -> memref<128xi32, #tpu.memory_space<vmem>>
      %dma_start3A_197 = arith.constant 0 : i32
      %dma_start3A_198 = arith.constant 0 : i32
      %dma_start3A_199 = tpu.memref_slice %arg2[%dma_start3A_197, %dma_start3A_198] : memref<10000x128xf32, #tpu.memory_space<hbm>> -> memref<10000x128xf32, #tpu.memory_space<hbm>>
      tpu.enqueue_indirect_dma source(%dma_start3A_199 : memref<10000x128xf32, #tpu.memory_space<hbm>>) target(%arg12 : memref<128x128xf32, #tpu.memory_space<vmem>>) offsets(%dma_start3A_196 : memref<128xi32, #tpu.memory_space<vmem>>) semaphore(%arg15 : memref<!tpu.dma_semaphore, #tpu.memory_space<semaphore_mem>>)
      %dma_wait3A_200 = arith.constant 0 : i32
      %dma_wait3A_201 = arith.constant 0 : i32
      %dma_wait3A_202 = tpu.memref_slice %arg2[%dma_wait3A_200, %dma_wait3A_201] : memref<10000x128xf32, #tpu.memory_space<hbm>> -> memref<128x128xf32, #tpu.memory_space<hbm>>
      %dma_wait3A_203 = arith.constant 0 : i32
      %dma_wait3A_204 = arith.constant 0 : i32
      %dma_wait3A_205 = tpu.memref_slice %arg2[%dma_wait3A_203, %dma_wait3A_204] : memref<10000x128xf32, #tpu.memory_space<hbm>> -> memref<128x128xf32, #tpu.memory_space<hbm>>
      tpu.wait_dma2 semaphore(%arg14 : memref<!tpu.dma_semaphore, #tpu.memory_space<semaphore_mem>>) src(%dma_wait3A_205 : memref<128x128xf32, #tpu.memory_space<hbm>>) dst(%arg11 : memref<128x128xf32, #tpu.memory_space<vmem>>)
      "tpu.region"() ({
        %run_scoped3A = tpu.sem_alloc : memref<!tpu.dma_semaphore, #tpu.memory_space<semaphore_mem>>
        %dma_start3A_224 = arith.constant 0 : i32
        %dma_start3A_225 = tpu.memref_slice %arg10[%mul3A_191, %dma_start3A_224] : memref<63x128xi32, #tpu.memory_space<vmem>> -> memref<1x128xi32, #tpu.memory_space<vmem>>
        %dma_start3A_226 = tpu.memref_squeeze %dma_start3A_225 : memref<1x128xi32, #tpu.memory_space<vmem>> -> memref<128xi32, #tpu.memory_space<vmem>>
        %dma_start3A_227 = arith.constant 0 : i32
        %dma_start3A_228 = arith.constant 0 : i32
        %dma_start3A_229 = tpu.memref_slice %arg13[%dma_start3A_227, %dma_start3A_228] : memref<10112x128xf32, #tpu.memory_space<vmem_shared>> -> memref<10112x128xf32, #tpu.memory_space<vmem_shared>>
        tpu.enqueue_indirect_dma source(%arg11 : memref<128x128xf32, #tpu.memory_space<vmem>>) target(%dma_start3A_229 : memref<10112x128xf32, #tpu.memory_space<vmem_shared>>) offsets(%dma_start3A_226 : memref<128xi32, #tpu.memory_space<vmem>>) semaphore(%run_scoped3A : memref<!tpu.dma_semaphore, #tpu.memory_space<semaphore_mem>>) {add = true}
        %dma_wait3A_230 = arith.constant 0 : i32
        %dma_wait3A_231 = tpu.memref_slice %arg10[%mul3A_191, %dma_wait3A_230] : memref<63x128xi32, #tpu.memory_space<vmem>> -> memref<1x128xi32, #tpu.memory_space<vmem>>
        %dma_wait3A_232 = tpu.memref_squeeze %dma_wait3A_231 : memref<1x128xi32, #tpu.memory_space<vmem>> -> memref<128xi32, #tpu.memory_space<vmem>>
        %dma_wait3A_233 = arith.constant 0 : i32
        %dma_wait3A_234 = arith.constant 0 : i32
        %dma_wait3A_235 = tpu.memref_slice %arg13[%dma_wait3A_233, %dma_wait3A_234] : memref<10112x128xf32, #tpu.memory_space<vmem_shared>> -> memref<10112x128xf32, #tpu.memory_space<vmem_shared>>
        tpu.wait_indirect_dma semaphore(%run_scoped3A : memref<!tpu.dma_semaphore, #tpu.memory_space<semaphore_mem>>) src(%arg11 : memref<128x128xf32, #tpu.memory_space<vmem>>) dst(%dma_wait3A_235 : memref<10112x128xf32, #tpu.memory_space<vmem_shared>>)
        tpu.yield
      }) : () -> ()
      %add3A_206 = arith.constant 2 : i32
      %add3A_207 = arith.addi %mul3A_191, %add3A_206 : i32
      %sub3A_208 = arith.constant 1 : i32
      %sub3A_209 = arith.subi %select_n3A_26, %sub3A_208 : i32
      %min3A = arith.minsi %add3A_207, %sub3A_209 : i32
      %dma_start3A_210 = arith.constant 0 : i32
      %dma_start3A_211 = tpu.memref_slice %arg9[%min3A, %dma_start3A_210] : memref<63x128xi32, #tpu.memory_space<vmem>> -> memref<1x128xi32, #tpu.memory_space<vmem>>
      %dma_start3A_212 = tpu.memref_squeeze %dma_start3A_211 : memref<1x128xi32, #tpu.memory_space<vmem>> -> memref<128xi32, #tpu.memory_space<vmem>>
      %dma_start3A_213 = arith.constant 0 : i32
      %dma_start3A_214 = arith.constant 0 : i32
      %dma_start3A_215 = tpu.memref_slice %arg2[%dma_start3A_213, %dma_start3A_214] : memref<10000x128xf32, #tpu.memory_space<hbm>> -> memref<10000x128xf32, #tpu.memory_space<hbm>>
      tpu.enqueue_indirect_dma source(%dma_start3A_215 : memref<10000x128xf32, #tpu.memory_space<hbm>>) target(%arg11 : memref<128x128xf32, #tpu.memory_space<vmem>>) offsets(%dma_start3A_212 : memref<128xi32, #tpu.memory_space<vmem>>) semaphore(%arg14 : memref<!tpu.dma_semaphore, #tpu.memory_space<semaphore_mem>>)
      %dma_wait3A_216 = arith.constant 0 : i32
      %dma_wait3A_217 = arith.constant 0 : i32
      %dma_wait3A_218 = tpu.memref_slice %arg2[%dma_wait3A_216, %dma_wait3A_217] : memref<10000x128xf32, #tpu.memory_space<hbm>> -> memref<128x128xf32, #tpu.memory_space<hbm>>
      %dma_wait3A_219 = arith.constant 0 : i32
      %dma_wait3A_220 = arith.constant 0 : i32
      %dma_wait3A_221 = tpu.memref_slice %arg2[%dma_wait3A_219, %dma_wait3A_220] : memref<10000x128xf32, #tpu.memory_space<hbm>> -> memref<128x128xf32, #tpu.memory_space<hbm>>
      tpu.wait_dma2 semaphore(%arg15 : memref<!tpu.dma_semaphore, #tpu.memory_space<semaphore_mem>>) src(%dma_wait3A_221 : memref<128x128xf32, #tpu.memory_space<hbm>>) dst(%arg12 : memref<128x128xf32, #tpu.memory_space<vmem>>)
      %add3A_222 = arith.constant 1 : i32
      %add3A_223 = arith.addi %mul3A_191, %add3A_222 : i32
      "tpu.region"() ({
        %run_scoped3A = tpu.sem_alloc : memref<!tpu.dma_semaphore, #tpu.memory_space<semaphore_mem>>
        %dma_start3A_224 = arith.constant 0 : i32
        %dma_start3A_225 = tpu.memref_slice %arg10[%add3A_223, %dma_start3A_224] : memref<63x128xi32, #tpu.memory_space<vmem>> -> memref<1x128xi32, #tpu.memory_space<vmem>>
        %dma_start3A_226 = tpu.memref_squeeze %dma_start3A_225 : memref<1x128xi32, #tpu.memory_space<vmem>> -> memref<128xi32, #tpu.memory_space<vmem>>
        %dma_start3A_227 = arith.constant 0 : i32
        %dma_start3A_228 = arith.constant 0 : i32
        %dma_start3A_229 = tpu.memref_slice %arg13[%dma_start3A_227, %dma_start3A_228] : memref<10112x128xf32, #tpu.memory_space<vmem_shared>> -> memref<10112x128xf32, #tpu.memory_space<vmem_shared>>
        tpu.enqueue_indirect_dma source(%arg12 : memref<128x128xf32, #tpu.memory_space<vmem>>) target(%dma_start3A_229 : memref<10112x128xf32, #tpu.memory_space<vmem_shared>>) offsets(%dma_start3A_226 : memref<128xi32, #tpu.memory_space<vmem>>) semaphore(%run_scoped3A : memref<!tpu.dma_semaphore, #tpu.memory_space<semaphore_mem>>) {add = true}
        %dma_wait3A_230 = arith.constant 0 : i32
        %dma_wait3A_231 = tpu.memref_slice %arg10[%add3A_223, %dma_wait3A_230] : memref<63x128xi32, #tpu.memory_space<vmem>> -> memref<1x128xi32, #tpu.memory_space<vmem>>
        %dma_wait3A_232 = tpu.memref_squeeze %dma_wait3A_231 : memref<1x128xi32, #tpu.memory_space<vmem>> -> memref<128xi32, #tpu.memory_space<vmem>>
        %dma_wait3A_233 = arith.constant 0 : i32
        %dma_wait3A_234 = arith.constant 0 : i32
        %dma_wait3A_235 = tpu.memref_slice %arg13[%dma_wait3A_233, %dma_wait3A_234] : memref<10112x128xf32, #tpu.memory_space<vmem_shared>> -> memref<10112x128xf32, #tpu.memory_space<vmem_shared>>
        tpu.wait_indirect_dma semaphore(%run_scoped3A : memref<!tpu.dma_semaphore, #tpu.memory_space<semaphore_mem>>) src(%arg12 : memref<128x128xf32, #tpu.memory_space<vmem>>) dst(%dma_wait3A_235 : memref<10112x128xf32, #tpu.memory_space<vmem_shared>>)
        tpu.yield
      }) : () -> ()
    }
    %while3A_65 = arith.constant 1 : i32
    scf.for %while3A_189 = %while3A_63 to %while3A_59 step %while3A_65  : i32 {
      %mul3A_190 = arith.constant 2 : i32
      %mul3A_191 = arith.muli %mul3A_190, %while3A_189 : i32
      %add3A_192 = arith.constant 1 : i32
      %add3A_193 = arith.addi %mul3A_191, %add3A_192 : i32
      %dma_start3A_194 = arith.constant 0 : i32
      %dma_start3A_195 = tpu.memref_slice %arg9[%add3A_193, %dma_start3A_194] : memref<63x128xi32, #tpu.memory_space<vmem>> -> memref<1x128xi32, #tpu.memory_space<vmem>>
      %dma_start3A_196 = tpu.memref_squeeze %dma_start3A_195 : memref<1x128xi32, #tpu.memory_space<vmem>> -> memref<128xi32, #tpu.memory_space<vmem>>
      %dma_start3A_197 = arith.constant 0 : i32
      %dma_start3A_198 = arith.constant 0 : i32
      %dma_start3A_199 = tpu.memref_slice %arg2[%dma_start3A_197, %dma_start3A_198] : memref<10000x128xf32, #tpu.memory_space<hbm>> -> memref<10000x128xf32, #tpu.memory_space<hbm>>
      tpu.enqueue_indirect_dma source(%dma_start3A_199 : memref<10000x128xf32, #tpu.memory_space<hbm>>) target(%arg12 : memref<128x128xf32, #tpu.memory_space<vmem>>) offsets(%dma_start3A_196 : memref<128xi32, #tpu.memory_space<vmem>>) semaphore(%arg15 : memref<!tpu.dma_semaphore, #tpu.memory_space<semaphore_mem>>)
      %dma_wait3A_200 = arith.constant 0 : i32
      %dma_wait3A_201 = arith.constant 0 : i32
      %dma_wait3A_202 = tpu.memref_slice %arg2[%dma_wait3A_200, %dma_wait3A_201] : memref<10000x128xf32, #tpu.memory_space<hbm>> -> memref<128x128xf32, #tpu.memory_space<hbm>>
      %dma_wait3A_203 = arith.constant 0 : i32
      %dma_wait3A_204 = arith.constant 0 : i32
      %dma_wait3A_205 = tpu.memref_slice %arg2[%dma_wait3A_203, %dma_wait3A_204] : memref<10000x128xf32, #tpu.memory_space<hbm>> -> memref<128x128xf32, #tpu.memory_space<hbm>>
      tpu.wait_dma2 semaphore(%arg14 : memref<!tpu.dma_semaphore, #tpu.memory_space<semaphore_mem>>) src(%dma_wait3A_205 : memref<128x128xf32, #tpu.memory_space<hbm>>) dst(%arg11 : memref<128x128xf32, #tpu.memory_space<vmem>>)
      "tpu.region"() ({
        %run_scoped3A = tpu.sem_alloc : memref<!tpu.dma_semaphore, #tpu.memory_space<semaphore_mem>>
        %dma_start3A_224 = arith.constant 0 : i32
        %dma_start3A_225 = tpu.memref_slice %arg10[%mul3A_191, %dma_start3A_224] : memref<63x128xi32, #tpu.memory_space<vmem>> -> memref<1x128xi32, #tpu.memory_space<vmem>>
        %dma_start3A_226 = tpu.memref_squeeze %dma_start3A_225 : memref<1x128xi32, #tpu.memory_space<vmem>> -> memref<128xi32, #tpu.memory_space<vmem>>
        %dma_start3A_227 = arith.constant 0 : i32
        %dma_start3A_228 = arith.constant 0 : i32
        %dma_start3A_229 = tpu.memref_slice %arg13[%dma_start3A_227, %dma_start3A_228] : memref<10112x128xf32, #tpu.memory_space<vmem_shared>> -> memref<10112x128xf32, #tpu.memory_space<vmem_shared>>
        tpu.enqueue_indirect_dma source(%arg11 : memref<128x128xf32, #tpu.memory_space<vmem>>) target(%dma_start3A_229 : memref<10112x128xf32, #tpu.memory_space<vmem_shared>>) offsets(%dma_start3A_226 : memref<128xi32, #tpu.memory_space<vmem>>) semaphore(%run_scoped3A : memref<!tpu.dma_semaphore, #tpu.memory_space<semaphore_mem>>) {add = true}
        %dma_wait3A_230 = arith.constant 0 : i32
        %dma_wait3A_231 = tpu.memref_slice %arg10[%mul3A_191, %dma_wait3A_230] : memref<63x128xi32, #tpu.memory_space<vmem>> -> memref<1x128xi32, #tpu.memory_space<vmem>>
        %dma_wait3A_232 = tpu.memref_squeeze %dma_wait3A_231 : memref<1x128xi32, #tpu.memory_space<vmem>> -> memref<128xi32, #tpu.memory_space<vmem>>
        %dma_wait3A_233 = arith.constant 0 : i32
        %dma_wait3A_234 = arith.constant 0 : i32
        %dma_wait3A_235 = tpu.memref_slice %arg13[%dma_wait3A_233, %dma_wait3A_234] : memref<10112x128xf32, #tpu.memory_space<vmem_shared>> -> memref<10112x128xf32, #tpu.memory_space<vmem_shared>>
        tpu.wait_indirect_dma semaphore(%run_scoped3A : memref<!tpu.dma_semaphore, #tpu.memory_space<semaphore_mem>>) src(%arg11 : memref<128x128xf32, #tpu.memory_space<vmem>>) dst(%dma_wait3A_235 : memref<10112x128xf32, #tpu.memory_space<vmem_shared>>)
        tpu.yield
      }) : () -> ()
      %add3A_206 = arith.constant 2 : i32
      %add3A_207 = arith.addi %mul3A_191, %add3A_206 : i32
      %sub3A_208 = arith.constant 1 : i32
      %sub3A_209 = arith.subi %select_n3A_26, %sub3A_208 : i32
      %min3A = arith.minsi %add3A_207, %sub3A_209 : i32
      %dma_start3A_210 = arith.constant 0 : i32
      %dma_start3A_211 = tpu.memref_slice %arg9[%min3A, %dma_start3A_210] : memref<63x128xi32, #tpu.memory_space<vmem>> -> memref<1x128xi32, #tpu.memory_space<vmem>>
      %dma_start3A_212 = tpu.memref_squeeze %dma_start3A_211 : memref<1x128xi32, #tpu.memory_space<vmem>> -> memref<128xi32, #tpu.memory_space<vmem>>
      %dma_start3A_213 = arith.constant 0 : i32
      %dma_start3A_214 = arith.constant 0 : i32
      %dma_start3A_215 = tpu.memref_slice %arg2[%dma_start3A_213, %dma_start3A_214] : memref<10000x128xf32, #tpu.memory_space<hbm>> -> memref<10000x128xf32, #tpu.memory_space<hbm>>
      tpu.enqueue_indirect_dma source(%dma_start3A_215 : memref<10000x128xf32, #tpu.memory_space<hbm>>) target(%arg11 : memref<128x128xf32, #tpu.memory_space<vmem>>) offsets(%dma_start3A_212 : memref<128xi32, #tpu.memory_space<vmem>>) semaphore(%arg14 : memref<!tpu.dma_semaphore, #tpu.memory_space<semaphore_mem>>)
      %dma_wait3A_216 = arith.constant 0 : i32
      %dma_wait3A_217 = arith.constant 0 : i32
      %dma_wait3A_218 = tpu.memref_slice %arg2[%dma_wait3A_216, %dma_wait3A_217] : memref<10000x128xf32, #tpu.memory_space<hbm>> -> memref<128x128xf32, #tpu.memory_space<hbm>>
      %dma_wait3A_219 = arith.constant 0 : i32
      %dma_wait3A_220 = arith.constant 0 : i32
      %dma_wait3A_221 = tpu.memref_slice %arg2[%dma_wait3A_219, %dma_wait3A_220] : memref<10000x128xf32, #tpu.memory_space<hbm>> -> memref<128x128xf32, #tpu.memory_space<hbm>>
      tpu.wait_dma2 semaphore(%arg15 : memref<!tpu.dma_semaphore, #tpu.memory_space<semaphore_mem>>) src(%dma_wait3A_221 : memref<128x128xf32, #tpu.memory_space<hbm>>) dst(%arg12 : memref<128x128xf32, #tpu.memory_space<vmem>>)
      %add3A_222 = arith.constant 1 : i32
      %add3A_223 = arith.addi %mul3A_191, %add3A_222 : i32
      "tpu.region"() ({
        %run_scoped3A = tpu.sem_alloc : memref<!tpu.dma_semaphore, #tpu.memory_space<semaphore_mem>>
        %dma_start3A_224 = arith.constant 0 : i32
        %dma_start3A_225 = tpu.memref_slice %arg10[%add3A_223, %dma_start3A_224] : memref<63x128xi32, #tpu.memory_space<vmem>> -> memref<1x128xi32, #tpu.memory_space<vmem>>
        %dma_start3A_226 = tpu.memref_squeeze %dma_start3A_225 : memref<1x128xi32, #tpu.memory_space<vmem>> -> memref<128xi32, #tpu.memory_space<vmem>>
        %dma_start3A_227 = arith.constant 0 : i32
        %dma_start3A_228 = arith.constant 0 : i32
        %dma_start3A_229 = tpu.memref_slice %arg13[%dma_start3A_227, %dma_start3A_228] : memref<10112x128xf32, #tpu.memory_space<vmem_shared>> -> memref<10112x128xf32, #tpu.memory_space<vmem_shared>>
        tpu.enqueue_indirect_dma source(%arg12 : memref<128x128xf32, #tpu.memory_space<vmem>>) target(%dma_start3A_229 : memref<10112x128xf32, #tpu.memory_space<vmem_shared>>) offsets(%dma_start3A_226 : memref<128xi32, #tpu.memory_space<vmem>>) semaphore(%run_scoped3A : memref<!tpu.dma_semaphore, #tpu.memory_space<semaphore_mem>>) {add = true}
        %dma_wait3A_230 = arith.constant 0 : i32
        %dma_wait3A_231 = tpu.memref_slice %arg10[%add3A_223, %dma_wait3A_230] : memref<63x128xi32, #tpu.memory_space<vmem>> -> memref<1x128xi32, #tpu.memory_space<vmem>>
        %dma_wait3A_232 = tpu.memref_squeeze %dma_wait3A_231 : memref<1x128xi32, #tpu.memory_space<vmem>> -> memref<128xi32, #tpu.memory_space<vmem>>
        %dma_wait3A_233 = arith.constant 0 : i32
        %dma_wait3A_234 = arith.constant 0 : i32
        %dma_wait3A_235 = tpu.memref_slice %arg13[%dma_wait3A_233, %dma_wait3A_234] : memref<10112x128xf32, #tpu.memory_space<vmem_shared>> -> memref<10112x128xf32, #tpu.memory_space<vmem_shared>>
        tpu.wait_indirect_dma semaphore(%run_scoped3A : memref<!tpu.dma_semaphore, #tpu.memory_space<semaphore_mem>>) src(%arg12 : memref<128x128xf32, #tpu.memory_space<vmem>>) dst(%dma_wait3A_235 : memref<10112x128xf32, #tpu.memory_space<vmem_shared>>)
        tpu.yield
      }) : () -> ()
    }
    %dma_wait3A = arith.constant 0 : i32
    %dma_wait3A_66 = arith.constant 0 : i32
    %dma_wait3A_67 = tpu.memref_slice %arg2[%dma_wait3A, %dma_wait3A_66] : memref<10000x128xf32, #tpu.memory_space<hbm>> -> memref<128x128xf32, #tpu.memory_space<hbm>>
    %dma_wait3A_68 = arith.constant 0 : i32
    %dma_wait3A_69 = arith.constant 0 : i32
    %dma_wait3A_70 = tpu.memref_slice %arg2[%dma_wait3A_68, %dma_wait3A_69] : memref<10000x128xf32, #tpu.memory_space<hbm>> -> memref<128x128xf32, #tpu.memory_space<hbm>>
    tpu.wait_dma2 semaphore(%arg14 : memref<!tpu.dma_semaphore, #tpu.memory_space<semaphore_mem>>) src(%dma_wait3A_70 : memref<128x128xf32, #tpu.memory_space<hbm>>) dst(%arg11 : memref<128x128xf32, #tpu.memory_space<vmem>>)
    %jit3A_71 = arith.constant 2 : i32
    %eq3A_72 = arith.constant 0 : i32
    %eq3A_73 = arith.cmpi eq, %jit3A_71, %eq3A_72 : i32
    %jit3A_74 = arith.constant 1 : i32
    %select_n3A_75 = arith.select %eq3A_73, %jit3A_74, %jit3A_71 : i32
    %rem3A_76 = arith.remsi %select_n3A_26, %select_n3A_75 : i32
    %ne3A_77 = arith.constant 0 : i32
    %ne3A_78 = arith.cmpi ne, %rem3A_76, %ne3A_77 : i32
    %lt3A = arith.constant 0 : i32
    %lt3A_79 = arith.cmpi slt, %rem3A_76, %lt3A : i32
    %lt3A_80 = arith.constant 0 : i32
    %lt3A_81 = arith.cmpi slt, %select_n3A_75, %lt3A_80 : i32
    %ne3A_82 = arith.xori %lt3A_79, %lt3A_81 : i1
    %and3A_83 = arith.andi %ne3A_82, %ne3A_78 : i1
    %add3A_84 = arith.addi %rem3A_76, %select_n3A_75 : i32
    %select_n3A_85 = arith.select %and3A_83, %add3A_84, %rem3A_76 : i32
    %eq3A_86 = arith.constant 1 : i32
    %eq3A_87 = arith.cmpi eq, %select_n3A_85, %eq3A_86 : i32
    %convert_element_type3A = arith.extui %eq3A_87 : i1 to i32
    %cond3A = arith.constant 0 : i32
    %cond3A_88 = arith.cmpi ne, %convert_element_type3A, %cond3A : i32
    scf.if %cond3A_88 {
      %sub3A_189 = arith.constant 1 : i32
      %sub3A_190 = arith.subi %select_n3A_26, %sub3A_189 : i32
      "tpu.region"() ({
        %run_scoped3A = tpu.sem_alloc : memref<!tpu.dma_semaphore, #tpu.memory_space<semaphore_mem>>
        %dma_start3A_191 = arith.constant 0 : i32
        %dma_start3A_192 = tpu.memref_slice %arg10[%sub3A_190, %dma_start3A_191] : memref<63x128xi32, #tpu.memory_space<vmem>> -> memref<1x128xi32, #tpu.memory_space<vmem>>
        %dma_start3A_193 = tpu.memref_squeeze %dma_start3A_192 : memref<1x128xi32, #tpu.memory_space<vmem>> -> memref<128xi32, #tpu.memory_space<vmem>>
        %dma_start3A_194 = arith.constant 0 : i32
        %dma_start3A_195 = arith.constant 0 : i32
        %dma_start3A_196 = tpu.memref_slice %arg13[%dma_start3A_194, %dma_start3A_195] : memref<10112x128xf32, #tpu.memory_space<vmem_shared>> -> memref<10112x128xf32, #tpu.memory_space<vmem_shared>>
        tpu.enqueue_indirect_dma source(%arg11 : memref<128x128xf32, #tpu.memory_space<vmem>>) target(%dma_start3A_196 : memref<10112x128xf32, #tpu.memory_space<vmem_shared>>) offsets(%dma_start3A_193 : memref<128xi32, #tpu.memory_space<vmem>>) semaphore(%run_scoped3A : memref<!tpu.dma_semaphore, #tpu.memory_space<semaphore_mem>>) {add = true}
        %dma_wait3A_197 = arith.constant 0 : i32
        %dma_wait3A_198 = tpu.memref_slice %arg10[%sub3A_190, %dma_wait3A_197] : memref<63x128xi32, #tpu.memory_space<vmem>> -> memref<1x128xi32, #tpu.memory_space<vmem>>
        %dma_wait3A_199 = tpu.memref_squeeze %dma_wait3A_198 : memref<1x128xi32, #tpu.memory_space<vmem>> -> memref<128xi32, #tpu.memory_space<vmem>>
        %dma_wait3A_200 = arith.constant 0 : i32
        %dma_wait3A_201 = arith.constant 0 : i32
        %dma_wait3A_202 = tpu.memref_slice %arg13[%dma_wait3A_200, %dma_wait3A_201] : memref<10112x128xf32, #tpu.memory_space<vmem_shared>> -> memref<10112x128xf32, #tpu.memory_space<vmem_shared>>
        tpu.wait_indirect_dma semaphore(%run_scoped3A : memref<!tpu.dma_semaphore, #tpu.memory_space<semaphore_mem>>) src(%arg11 : memref<128x128xf32, #tpu.memory_space<vmem>>) dst(%dma_wait3A_202 : memref<10112x128xf32, #tpu.memory_space<vmem_shared>>)
        tpu.yield
      }) : () -> ()
    } else {
    }
    %jit3A_89 = arith.constant 2 : i32
    %div3A_90 = arith.divsi %select_n3A, %jit3A_89 : i32
    %sign3A_91 = arith.constant 0 : i32
    %sign3A_92 = arith.cmpi sgt, %select_n3A, %sign3A_91 : i32
    %sign3A_93 = arith.extui %sign3A_92 : i1 to i32
    %sign3A_94 = arith.constant 0 : i32
    %sign3A_95 = arith.cmpi slt, %select_n3A, %sign3A_94 : i32
    %sign3A_96 = arith.extui %sign3A_95 : i1 to i32
    %sign3A_97 = arith.subi %sign3A_93, %sign3A_96 : i32
    %sign3A_98 = arith.constant 0 : i32
    %sign3A_99 = arith.cmpi sgt, %jit3A_89, %sign3A_98 : i32
    %sign3A_100 = arith.extui %sign3A_99 : i1 to i32
    %sign3A_101 = arith.constant 0 : i32
    %sign3A_102 = arith.cmpi slt, %jit3A_89, %sign3A_101 : i32
    %sign3A_103 = arith.extui %sign3A_102 : i1 to i32
    %sign3A_104 = arith.subi %sign3A_100, %sign3A_103 : i32
    %ne3A_105 = arith.cmpi ne, %sign3A_97, %sign3A_104 : i32
    %rem3A_106 = arith.remsi %select_n3A, %jit3A_89 : i32
    %ne3A_107 = arith.constant 0 : i32
    %ne3A_108 = arith.cmpi ne, %rem3A_106, %ne3A_107 : i32
    %and3A_109 = arith.andi %ne3A_105, %ne3A_108 : i1
    %sub3A_110 = arith.constant 1 : i32
    %sub3A_111 = arith.subi %div3A_90, %sub3A_110 : i32
    %select_n3A_112 = arith.select %and3A_109, %sub3A_111, %div3A_90 : i32
    "tpu.region"() ({
      %run_scoped3A = tpu.sem_alloc : memref<!tpu.dma_semaphore, #tpu.memory_space<semaphore_mem>>
      %dma_start3A_189 = arith.constant 0 : i32
      %dma_start3A_190 = arith.constant 0 : i32
      %dma_start3A_191 = tpu.memref_slice %arg4[%add3A, %dma_start3A_189, %dma_start3A_190] : memref<32x63x128xi32, #tpu.memory_space<hbm>> -> memref<1x63x128xi32, #tpu.memory_space<hbm>>
      %dma_start3A_192 = tpu.memref_squeeze %dma_start3A_191 : memref<1x63x128xi32, #tpu.memory_space<hbm>> -> memref<63x128xi32, #tpu.memory_space<hbm>>
      %dma_start3A_193 = arith.constant 0 : i32
      %dma_start3A_194 = arith.constant 0 : i32
      %dma_start3A_195 = tpu.memref_slice %arg4[%add3A, %dma_start3A_193, %dma_start3A_194] : memref<32x63x128xi32, #tpu.memory_space<hbm>> -> memref<1x63x128xi32, #tpu.memory_space<hbm>>
      %dma_start3A_196 = tpu.memref_squeeze %dma_start3A_195 : memref<1x63x128xi32, #tpu.memory_space<hbm>> -> memref<63x128xi32, #tpu.memory_space<hbm>>
      tpu.enqueue_dma source(%dma_start3A_196 : memref<63x128xi32, #tpu.memory_space<hbm>>) target(%arg9 : memref<63x128xi32, #tpu.memory_space<vmem>>) target_semaphore(%run_scoped3A : memref<!tpu.dma_semaphore, #tpu.memory_space<semaphore_mem>>)
      %dma_wait3A_197 = arith.constant 0 : i32
      %dma_wait3A_198 = arith.constant 0 : i32
      %dma_wait3A_199 = tpu.memref_slice %arg4[%add3A, %dma_wait3A_197, %dma_wait3A_198] : memref<32x63x128xi32, #tpu.memory_space<hbm>> -> memref<1x63x128xi32, #tpu.memory_space<hbm>>
      %dma_wait3A_200 = tpu.memref_squeeze %dma_wait3A_199 : memref<1x63x128xi32, #tpu.memory_space<hbm>> -> memref<63x128xi32, #tpu.memory_space<hbm>>
      %dma_wait3A_201 = arith.constant 0 : i32
      %dma_wait3A_202 = arith.constant 0 : i32
      %dma_wait3A_203 = tpu.memref_slice %arg4[%add3A, %dma_wait3A_201, %dma_wait3A_202] : memref<32x63x128xi32, #tpu.memory_space<hbm>> -> memref<1x63x128xi32, #tpu.memory_space<hbm>>
      %dma_wait3A_204 = tpu.memref_squeeze %dma_wait3A_203 : memref<1x63x128xi32, #tpu.memory_space<hbm>> -> memref<63x128xi32, #tpu.memory_space<hbm>>
      tpu.wait_dma2 semaphore(%run_scoped3A : memref<!tpu.dma_semaphore, #tpu.memory_space<semaphore_mem>>) src(%dma_wait3A_204 : memref<63x128xi32, #tpu.memory_space<hbm>>) dst(%arg9 : memref<63x128xi32, #tpu.memory_space<vmem>>)
      tpu.yield
    }) : () -> ()
    "tpu.region"() ({
      %run_scoped3A = tpu.sem_alloc : memref<!tpu.dma_semaphore, #tpu.memory_space<semaphore_mem>>
      %dma_start3A_189 = arith.constant 0 : i32
      %dma_start3A_190 = arith.constant 0 : i32
      %dma_start3A_191 = tpu.memref_slice %arg6[%add3A, %dma_start3A_189, %dma_start3A_190] : memref<32x63x128xi32, #tpu.memory_space<hbm>> -> memref<1x63x128xi32, #tpu.memory_space<hbm>>
      %dma_start3A_192 = tpu.memref_squeeze %dma_start3A_191 : memref<1x63x128xi32, #tpu.memory_space<hbm>> -> memref<63x128xi32, #tpu.memory_space<hbm>>
      %dma_start3A_193 = arith.constant 0 : i32
      %dma_start3A_194 = arith.constant 0 : i32
      %dma_start3A_195 = tpu.memref_slice %arg6[%add3A, %dma_start3A_193, %dma_start3A_194] : memref<32x63x128xi32, #tpu.memory_space<hbm>> -> memref<1x63x128xi32, #tpu.memory_space<hbm>>
      %dma_start3A_196 = tpu.memref_squeeze %dma_start3A_195 : memref<1x63x128xi32, #tpu.memory_space<hbm>> -> memref<63x128xi32, #tpu.memory_space<hbm>>
      tpu.enqueue_dma source(%dma_start3A_196 : memref<63x128xi32, #tpu.memory_space<hbm>>) target(%arg10 : memref<63x128xi32, #tpu.memory_space<vmem>>) target_semaphore(%run_scoped3A : memref<!tpu.dma_semaphore, #tpu.memory_space<semaphore_mem>>)
      %dma_wait3A_197 = arith.constant 0 : i32
      %dma_wait3A_198 = arith.constant 0 : i32
      %dma_wait3A_199 = tpu.memref_slice %arg6[%add3A, %dma_wait3A_197, %dma_wait3A_198] : memref<32x63x128xi32, #tpu.memory_space<hbm>> -> memref<1x63x128xi32, #tpu.memory_space<hbm>>
      %dma_wait3A_200 = tpu.memref_squeeze %dma_wait3A_199 : memref<1x63x128xi32, #tpu.memory_space<hbm>> -> memref<63x128xi32, #tpu.memory_space<hbm>>
      %dma_wait3A_201 = arith.constant 0 : i32
      %dma_wait3A_202 = arith.constant 0 : i32
      %dma_wait3A_203 = tpu.memref_slice %arg6[%add3A, %dma_wait3A_201, %dma_wait3A_202] : memref<32x63x128xi32, #tpu.memory_space<hbm>> -> memref<1x63x128xi32, #tpu.memory_space<hbm>>
      %dma_wait3A_204 = tpu.memref_squeeze %dma_wait3A_203 : memref<1x63x128xi32, #tpu.memory_space<hbm>> -> memref<63x128xi32, #tpu.memory_space<hbm>>
      tpu.wait_dma2 semaphore(%run_scoped3A : memref<!tpu.dma_semaphore, #tpu.memory_space<semaphore_mem>>) src(%dma_wait3A_204 : memref<63x128xi32, #tpu.memory_space<hbm>>) dst(%arg10 : memref<63x128xi32, #tpu.memory_space<vmem>>)
      tpu.yield
    }) : () -> ()
    %dma_start3A_113 = arith.constant 0 : i32
    %dma_start3A_114 = arith.constant 0 : i32
    %dma_start3A_115 = tpu.memref_slice %arg9[%dma_start3A_113, %dma_start3A_114] : memref<63x128xi32, #tpu.memory_space<vmem>> -> memref<1x128xi32, #tpu.memory_space<vmem>>
    %dma_start3A_116 = tpu.memref_squeeze %dma_start3A_115 : memref<1x128xi32, #tpu.memory_space<vmem>> -> memref<128xi32, #tpu.memory_space<vmem>>
    %dma_start3A_117 = arith.constant 0 : i32
    %dma_start3A_118 = arith.constant 0 : i32
    %dma_start3A_119 = tpu.memref_slice %arg2[%dma_start3A_117, %dma_start3A_118] : memref<10000x128xf32, #tpu.memory_space<hbm>> -> memref<10000x128xf32, #tpu.memory_space<hbm>>
    tpu.enqueue_indirect_dma source(%dma_start3A_119 : memref<10000x128xf32, #tpu.memory_space<hbm>>) target(%arg11 : memref<128x128xf32, #tpu.memory_space<vmem>>) offsets(%dma_start3A_116 : memref<128xi32, #tpu.memory_space<vmem>>) semaphore(%arg14 : memref<!tpu.dma_semaphore, #tpu.memory_space<semaphore_mem>>)
    %jit3A_120 = arith.constant 2 : i32
    %div3A_121 = arith.divsi %select_n3A_112, %jit3A_120 : i32
    %sign3A_122 = arith.constant 0 : i32
    %sign3A_123 = arith.cmpi sgt, %select_n3A_112, %sign3A_122 : i32
    %sign3A_124 = arith.extui %sign3A_123 : i1 to i32
    %sign3A_125 = arith.constant 0 : i32
    %sign3A_126 = arith.cmpi slt, %select_n3A_112, %sign3A_125 : i32
    %sign3A_127 = arith.extui %sign3A_126 : i1 to i32
    %sign3A_128 = arith.subi %sign3A_124, %sign3A_127 : i32
    %sign3A_129 = arith.constant 0 : i32
    %sign3A_130 = arith.cmpi sgt, %jit3A_120, %sign3A_129 : i32
    %sign3A_131 = arith.extui %sign3A_130 : i1 to i32
    %sign3A_132 = arith.constant 0 : i32
    %sign3A_133 = arith.cmpi slt, %jit3A_120, %sign3A_132 : i32
    %sign3A_134 = arith.extui %sign3A_133 : i1 to i32
    %sign3A_135 = arith.subi %sign3A_131, %sign3A_134 : i32
    %ne3A_136 = arith.cmpi ne, %sign3A_128, %sign3A_135 : i32
    %rem3A_137 = arith.remsi %select_n3A_112, %jit3A_120 : i32
    %ne3A_138 = arith.constant 0 : i32
    %ne3A_139 = arith.cmpi ne, %rem3A_137, %ne3A_138 : i32
    %and3A_140 = arith.andi %ne3A_136, %ne3A_139 : i1
    %sub3A_141 = arith.constant 1 : i32
    %sub3A_142 = arith.subi %div3A_121, %sub3A_141 : i32
    %select_n3A_143 = arith.select %and3A_140, %sub3A_142, %div3A_121 : i32
    %while3A_144 = arith.constant 0 : i32
    %while3A_145 = arith.constant 0 : i32
    %while3A_146 = arith.subi %select_n3A_143, %while3A_145 : i32
    %while3A_147 = arith.addi %while3A_145, %while3A_146 : i32
    %while3A_148 = arith.constant 1 : i32
    %while3A_149 = arith.divsi %while3A_146, %while3A_148 : i32
    %while3A_150 = arith.muli %while3A_149, %while3A_148 : i32
    %while3A_151 = arith.addi %while3A_145, %while3A_150 : i32
    %while3A_152 = arith.constant 1 : i32
    scf.for %while3A_189 = %while3A_145 to %while3A_151 step %while3A_152  : i32 {
      %mul3A_190 = arith.constant 2 : i32
      %mul3A_191 = arith.muli %mul3A_190, %while3A_189 : i32
      %add3A_192 = arith.constant 1 : i32
      %add3A_193 = arith.addi %mul3A_191, %add3A_192 : i32
      %dma_start3A_194 = arith.constant 0 : i32
      %dma_start3A_195 = tpu.memref_slice %arg9[%add3A_193, %dma_start3A_194] : memref<63x128xi32, #tpu.memory_space<vmem>> -> memref<1x128xi32, #tpu.memory_space<vmem>>
      %dma_start3A_196 = tpu.memref_squeeze %dma_start3A_195 : memref<1x128xi32, #tpu.memory_space<vmem>> -> memref<128xi32, #tpu.memory_space<vmem>>
      %dma_start3A_197 = arith.constant 0 : i32
      %dma_start3A_198 = arith.constant 0 : i32
      %dma_start3A_199 = tpu.memref_slice %arg2[%dma_start3A_197, %dma_start3A_198] : memref<10000x128xf32, #tpu.memory_space<hbm>> -> memref<10000x128xf32, #tpu.memory_space<hbm>>
      tpu.enqueue_indirect_dma source(%dma_start3A_199 : memref<10000x128xf32, #tpu.memory_space<hbm>>) target(%arg12 : memref<128x128xf32, #tpu.memory_space<vmem>>) offsets(%dma_start3A_196 : memref<128xi32, #tpu.memory_space<vmem>>) semaphore(%arg15 : memref<!tpu.dma_semaphore, #tpu.memory_space<semaphore_mem>>)
      %dma_wait3A_200 = arith.constant 0 : i32
      %dma_wait3A_201 = arith.constant 0 : i32
      %dma_wait3A_202 = tpu.memref_slice %arg2[%dma_wait3A_200, %dma_wait3A_201] : memref<10000x128xf32, #tpu.memory_space<hbm>> -> memref<128x128xf32, #tpu.memory_space<hbm>>
      %dma_wait3A_203 = arith.constant 0 : i32
      %dma_wait3A_204 = arith.constant 0 : i32
      %dma_wait3A_205 = tpu.memref_slice %arg2[%dma_wait3A_203, %dma_wait3A_204] : memref<10000x128xf32, #tpu.memory_space<hbm>> -> memref<128x128xf32, #tpu.memory_space<hbm>>
      tpu.wait_dma2 semaphore(%arg14 : memref<!tpu.dma_semaphore, #tpu.memory_space<semaphore_mem>>) src(%dma_wait3A_205 : memref<128x128xf32, #tpu.memory_space<hbm>>) dst(%arg11 : memref<128x128xf32, #tpu.memory_space<vmem>>)
      "tpu.region"() ({
        %run_scoped3A = tpu.sem_alloc : memref<!tpu.dma_semaphore, #tpu.memory_space<semaphore_mem>>
        %dma_start3A_224 = arith.constant 0 : i32
        %dma_start3A_225 = tpu.memref_slice %arg10[%mul3A_191, %dma_start3A_224] : memref<63x128xi32, #tpu.memory_space<vmem>> -> memref<1x128xi32, #tpu.memory_space<vmem>>
        %dma_start3A_226 = tpu.memref_squeeze %dma_start3A_225 : memref<1x128xi32, #tpu.memory_space<vmem>> -> memref<128xi32, #tpu.memory_space<vmem>>
        %dma_start3A_227 = arith.constant 0 : i32
        %dma_start3A_228 = arith.constant 0 : i32
        %dma_start3A_229 = tpu.memref_slice %arg13[%dma_start3A_227, %dma_start3A_228] : memref<10112x128xf32, #tpu.memory_space<vmem_shared>> -> memref<10112x128xf32, #tpu.memory_space<vmem_shared>>
        tpu.enqueue_indirect_dma source(%arg11 : memref<128x128xf32, #tpu.memory_space<vmem>>) target(%dma_start3A_229 : memref<10112x128xf32, #tpu.memory_space<vmem_shared>>) offsets(%dma_start3A_226 : memref<128xi32, #tpu.memory_space<vmem>>) semaphore(%run_scoped3A : memref<!tpu.dma_semaphore, #tpu.memory_space<semaphore_mem>>) {add = true}
        %dma_wait3A_230 = arith.constant 0 : i32
        %dma_wait3A_231 = tpu.memref_slice %arg10[%mul3A_191, %dma_wait3A_230] : memref<63x128xi32, #tpu.memory_space<vmem>> -> memref<1x128xi32, #tpu.memory_space<vmem>>
        %dma_wait3A_232 = tpu.memref_squeeze %dma_wait3A_231 : memref<1x128xi32, #tpu.memory_space<vmem>> -> memref<128xi32, #tpu.memory_space<vmem>>
        %dma_wait3A_233 = arith.constant 0 : i32
        %dma_wait3A_234 = arith.constant 0 : i32
        %dma_wait3A_235 = tpu.memref_slice %arg13[%dma_wait3A_233, %dma_wait3A_234] : memref<10112x128xf32, #tpu.memory_space<vmem_shared>> -> memref<10112x128xf32, #tpu.memory_space<vmem_shared>>
        tpu.wait_indirect_dma semaphore(%run_scoped3A : memref<!tpu.dma_semaphore, #tpu.memory_space<semaphore_mem>>) src(%arg11 : memref<128x128xf32, #tpu.memory_space<vmem>>) dst(%dma_wait3A_235 : memref<10112x128xf32, #tpu.memory_space<vmem_shared>>)
        tpu.yield
      }) : () -> ()
      %add3A_206 = arith.constant 2 : i32
      %add3A_207 = arith.addi %mul3A_191, %add3A_206 : i32
      %sub3A_208 = arith.constant 1 : i32
      %sub3A_209 = arith.subi %select_n3A_112, %sub3A_208 : i32
      %min3A = arith.minsi %add3A_207, %sub3A_209 : i32
      %dma_start3A_210 = arith.constant 0 : i32
      %dma_start3A_211 = tpu.memref_slice %arg9[%min3A, %dma_start3A_210] : memref<63x128xi32, #tpu.memory_space<vmem>> -> memref<1x128xi32, #tpu.memory_space<vmem>>
      %dma_start3A_212 = tpu.memref_squeeze %dma_start3A_211 : memref<1x128xi32, #tpu.memory_space<vmem>> -> memref<128xi32, #tpu.memory_space<vmem>>
      %dma_start3A_213 = arith.constant 0 : i32
      %dma_start3A_214 = arith.constant 0 : i32
      %dma_start3A_215 = tpu.memref_slice %arg2[%dma_start3A_213, %dma_start3A_214] : memref<10000x128xf32, #tpu.memory_space<hbm>> -> memref<10000x128xf32, #tpu.memory_space<hbm>>
      tpu.enqueue_indirect_dma source(%dma_start3A_215 : memref<10000x128xf32, #tpu.memory_space<hbm>>) target(%arg11 : memref<128x128xf32, #tpu.memory_space<vmem>>) offsets(%dma_start3A_212 : memref<128xi32, #tpu.memory_space<vmem>>) semaphore(%arg14 : memref<!tpu.dma_semaphore, #tpu.memory_space<semaphore_mem>>)
      %dma_wait3A_216 = arith.constant 0 : i32
      %dma_wait3A_217 = arith.constant 0 : i32
      %dma_wait3A_218 = tpu.memref_slice %arg2[%dma_wait3A_216, %dma_wait3A_217] : memref<10000x128xf32, #tpu.memory_space<hbm>> -> memref<128x128xf32, #tpu.memory_space<hbm>>
      %dma_wait3A_219 = arith.constant 0 : i32
      %dma_wait3A_220 = arith.constant 0 : i32
      %dma_wait3A_221 = tpu.memref_slice %arg2[%dma_wait3A_219, %dma_wait3A_220] : memref<10000x128xf32, #tpu.memory_space<hbm>> -> memref<128x128xf32, #tpu.memory_space<hbm>>
      tpu.wait_dma2 semaphore(%arg15 : memref<!tpu.dma_semaphore, #tpu.memory_space<semaphore_mem>>) src(%dma_wait3A_221 : memref<128x128xf32, #tpu.memory_space<hbm>>) dst(%arg12 : memref<128x128xf32, #tpu.memory_space<vmem>>)
      %add3A_222 = arith.constant 1 : i32
      %add3A_223 = arith.addi %mul3A_191, %add3A_222 : i32
      "tpu.region"() ({
        %run_scoped3A = tpu.sem_alloc : memref<!tpu.dma_semaphore, #tpu.memory_space<semaphore_mem>>
        %dma_start3A_224 = arith.constant 0 : i32
        %dma_start3A_225 = tpu.memref_slice %arg10[%add3A_223, %dma_start3A_224] : memref<63x128xi32, #tpu.memory_space<vmem>> -> memref<1x128xi32, #tpu.memory_space<vmem>>
        %dma_start3A_226 = tpu.memref_squeeze %dma_start3A_225 : memref<1x128xi32, #tpu.memory_space<vmem>> -> memref<128xi32, #tpu.memory_space<vmem>>
        %dma_start3A_227 = arith.constant 0 : i32
        %dma_start3A_228 = arith.constant 0 : i32
        %dma_start3A_229 = tpu.memref_slice %arg13[%dma_start3A_227, %dma_start3A_228] : memref<10112x128xf32, #tpu.memory_space<vmem_shared>> -> memref<10112x128xf32, #tpu.memory_space<vmem_shared>>
        tpu.enqueue_indirect_dma source(%arg12 : memref<128x128xf32, #tpu.memory_space<vmem>>) target(%dma_start3A_229 : memref<10112x128xf32, #tpu.memory_space<vmem_shared>>) offsets(%dma_start3A_226 : memref<128xi32, #tpu.memory_space<vmem>>) semaphore(%run_scoped3A : memref<!tpu.dma_semaphore, #tpu.memory_space<semaphore_mem>>) {add = true}
        %dma_wait3A_230 = arith.constant 0 : i32
        %dma_wait3A_231 = tpu.memref_slice %arg10[%add3A_223, %dma_wait3A_230] : memref<63x128xi32, #tpu.memory_space<vmem>> -> memref<1x128xi32, #tpu.memory_space<vmem>>
        %dma_wait3A_232 = tpu.memref_squeeze %dma_wait3A_231 : memref<1x128xi32, #tpu.memory_space<vmem>> -> memref<128xi32, #tpu.memory_space<vmem>>
        %dma_wait3A_233 = arith.constant 0 : i32
        %dma_wait3A_234 = arith.constant 0 : i32
        %dma_wait3A_235 = tpu.memref_slice %arg13[%dma_wait3A_233, %dma_wait3A_234] : memref<10112x128xf32, #tpu.memory_space<vmem_shared>> -> memref<10112x128xf32, #tpu.memory_space<vmem_shared>>
        tpu.wait_indirect_dma semaphore(%run_scoped3A : memref<!tpu.dma_semaphore, #tpu.memory_space<semaphore_mem>>) src(%arg12 : memref<128x128xf32, #tpu.memory_space<vmem>>) dst(%dma_wait3A_235 : memref<10112x128xf32, #tpu.memory_space<vmem_shared>>)
        tpu.yield
      }) : () -> ()
    }
    %while3A_153 = arith.constant 1 : i32
    scf.for %while3A_189 = %while3A_151 to %while3A_147 step %while3A_153  : i32 {
      %mul3A_190 = arith.constant 2 : i32
      %mul3A_191 = arith.muli %mul3A_190, %while3A_189 : i32
      %add3A_192 = arith.constant 1 : i32
      %add3A_193 = arith.addi %mul3A_191, %add3A_192 : i32
      %dma_start3A_194 = arith.constant 0 : i32
      %dma_start3A_195 = tpu.memref_slice %arg9[%add3A_193, %dma_start3A_194] : memref<63x128xi32, #tpu.memory_space<vmem>> -> memref<1x128xi32, #tpu.memory_space<vmem>>
      %dma_start3A_196 = tpu.memref_squeeze %dma_start3A_195 : memref<1x128xi32, #tpu.memory_space<vmem>> -> memref<128xi32, #tpu.memory_space<vmem>>
      %dma_start3A_197 = arith.constant 0 : i32
      %dma_start3A_198 = arith.constant 0 : i32
      %dma_start3A_199 = tpu.memref_slice %arg2[%dma_start3A_197, %dma_start3A_198] : memref<10000x128xf32, #tpu.memory_space<hbm>> -> memref<10000x128xf32, #tpu.memory_space<hbm>>
      tpu.enqueue_indirect_dma source(%dma_start3A_199 : memref<10000x128xf32, #tpu.memory_space<hbm>>) target(%arg12 : memref<128x128xf32, #tpu.memory_space<vmem>>) offsets(%dma_start3A_196 : memref<128xi32, #tpu.memory_space<vmem>>) semaphore(%arg15 : memref<!tpu.dma_semaphore, #tpu.memory_space<semaphore_mem>>)
      %dma_wait3A_200 = arith.constant 0 : i32
      %dma_wait3A_201 = arith.constant 0 : i32
      %dma_wait3A_202 = tpu.memref_slice %arg2[%dma_wait3A_200, %dma_wait3A_201] : memref<10000x128xf32, #tpu.memory_space<hbm>> -> memref<128x128xf32, #tpu.memory_space<hbm>>
      %dma_wait3A_203 = arith.constant 0 : i32
      %dma_wait3A_204 = arith.constant 0 : i32
      %dma_wait3A_205 = tpu.memref_slice %arg2[%dma_wait3A_203, %dma_wait3A_204] : memref<10000x128xf32, #tpu.memory_space<hbm>> -> memref<128x128xf32, #tpu.memory_space<hbm>>
      tpu.wait_dma2 semaphore(%arg14 : memref<!tpu.dma_semaphore, #tpu.memory_space<semaphore_mem>>) src(%dma_wait3A_205 : memref<128x128xf32, #tpu.memory_space<hbm>>) dst(%arg11 : memref<128x128xf32, #tpu.memory_space<vmem>>)
      "tpu.region"() ({
        %run_scoped3A = tpu.sem_alloc : memref<!tpu.dma_semaphore, #tpu.memory_space<semaphore_mem>>
        %dma_start3A_224 = arith.constant 0 : i32
        %dma_start3A_225 = tpu.memref_slice %arg10[%mul3A_191, %dma_start3A_224] : memref<63x128xi32, #tpu.memory_space<vmem>> -> memref<1x128xi32, #tpu.memory_space<vmem>>
        %dma_start3A_226 = tpu.memref_squeeze %dma_start3A_225 : memref<1x128xi32, #tpu.memory_space<vmem>> -> memref<128xi32, #tpu.memory_space<vmem>>
        %dma_start3A_227 = arith.constant 0 : i32
        %dma_start3A_228 = arith.constant 0 : i32
        %dma_start3A_229 = tpu.memref_slice %arg13[%dma_start3A_227, %dma_start3A_228] : memref<10112x128xf32, #tpu.memory_space<vmem_shared>> -> memref<10112x128xf32, #tpu.memory_space<vmem_shared>>
        tpu.enqueue_indirect_dma source(%arg11 : memref<128x128xf32, #tpu.memory_space<vmem>>) target(%dma_start3A_229 : memref<10112x128xf32, #tpu.memory_space<vmem_shared>>) offsets(%dma_start3A_226 : memref<128xi32, #tpu.memory_space<vmem>>) semaphore(%run_scoped3A : memref<!tpu.dma_semaphore, #tpu.memory_space<semaphore_mem>>) {add = true}
        %dma_wait3A_230 = arith.constant 0 : i32
        %dma_wait3A_231 = tpu.memref_slice %arg10[%mul3A_191, %dma_wait3A_230] : memref<63x128xi32, #tpu.memory_space<vmem>> -> memref<1x128xi32, #tpu.memory_space<vmem>>
        %dma_wait3A_232 = tpu.memref_squeeze %dma_wait3A_231 : memref<1x128xi32, #tpu.memory_space<vmem>> -> memref<128xi32, #tpu.memory_space<vmem>>
        %dma_wait3A_233 = arith.constant 0 : i32
        %dma_wait3A_234 = arith.constant 0 : i32
        %dma_wait3A_235 = tpu.memref_slice %arg13[%dma_wait3A_233, %dma_wait3A_234] : memref<10112x128xf32, #tpu.memory_space<vmem_shared>> -> memref<10112x128xf32, #tpu.memory_space<vmem_shared>>
        tpu.wait_indirect_dma semaphore(%run_scoped3A : memref<!tpu.dma_semaphore, #tpu.memory_space<semaphore_mem>>) src(%arg11 : memref<128x128xf32, #tpu.memory_space<vmem>>) dst(%dma_wait3A_235 : memref<10112x128xf32, #tpu.memory_space<vmem_shared>>)
        tpu.yield
      }) : () -> ()
      %add3A_206 = arith.constant 2 : i32
      %add3A_207 = arith.addi %mul3A_191, %add3A_206 : i32
      %sub3A_208 = arith.constant 1 : i32
      %sub3A_209 = arith.subi %select_n3A_112, %sub3A_208 : i32
      %min3A = arith.minsi %add3A_207, %sub3A_209 : i32
      %dma_start3A_210 = arith.constant 0 : i32
      %dma_start3A_211 = tpu.memref_slice %arg9[%min3A, %dma_start3A_210] : memref<63x128xi32, #tpu.memory_space<vmem>> -> memref<1x128xi32, #tpu.memory_space<vmem>>
      %dma_start3A_212 = tpu.memref_squeeze %dma_start3A_211 : memref<1x128xi32, #tpu.memory_space<vmem>> -> memref<128xi32, #tpu.memory_space<vmem>>
      %dma_start3A_213 = arith.constant 0 : i32
      %dma_start3A_214 = arith.constant 0 : i32
      %dma_start3A_215 = tpu.memref_slice %arg2[%dma_start3A_213, %dma_start3A_214] : memref<10000x128xf32, #tpu.memory_space<hbm>> -> memref<10000x128xf32, #tpu.memory_space<hbm>>
      tpu.enqueue_indirect_dma source(%dma_start3A_215 : memref<10000x128xf32, #tpu.memory_space<hbm>>) target(%arg11 : memref<128x128xf32, #tpu.memory_space<vmem>>) offsets(%dma_start3A_212 : memref<128xi32, #tpu.memory_space<vmem>>) semaphore(%arg14 : memref<!tpu.dma_semaphore, #tpu.memory_space<semaphore_mem>>)
      %dma_wait3A_216 = arith.constant 0 : i32
      %dma_wait3A_217 = arith.constant 0 : i32
      %dma_wait3A_218 = tpu.memref_slice %arg2[%dma_wait3A_216, %dma_wait3A_217] : memref<10000x128xf32, #tpu.memory_space<hbm>> -> memref<128x128xf32, #tpu.memory_space<hbm>>
      %dma_wait3A_219 = arith.constant 0 : i32
      %dma_wait3A_220 = arith.constant 0 : i32
      %dma_wait3A_221 = tpu.memref_slice %arg2[%dma_wait3A_219, %dma_wait3A_220] : memref<10000x128xf32, #tpu.memory_space<hbm>> -> memref<128x128xf32, #tpu.memory_space<hbm>>
      tpu.wait_dma2 semaphore(%arg15 : memref<!tpu.dma_semaphore, #tpu.memory_space<semaphore_mem>>) src(%dma_wait3A_221 : memref<128x128xf32, #tpu.memory_space<hbm>>) dst(%arg12 : memref<128x128xf32, #tpu.memory_space<vmem>>)
      %add3A_222 = arith.constant 1 : i32
      %add3A_223 = arith.addi %mul3A_191, %add3A_222 : i32
      "tpu.region"() ({
        %run_scoped3A = tpu.sem_alloc : memref<!tpu.dma_semaphore, #tpu.memory_space<semaphore_mem>>
        %dma_start3A_224 = arith.constant 0 : i32
        %dma_start3A_225 = tpu.memref_slice %arg10[%add3A_223, %dma_start3A_224] : memref<63x128xi32, #tpu.memory_space<vmem>> -> memref<1x128xi32, #tpu.memory_space<vmem>>
        %dma_start3A_226 = tpu.memref_squeeze %dma_start3A_225 : memref<1x128xi32, #tpu.memory_space<vmem>> -> memref<128xi32, #tpu.memory_space<vmem>>
        %dma_start3A_227 = arith.constant 0 : i32
        %dma_start3A_228 = arith.constant 0 : i32
        %dma_start3A_229 = tpu.memref_slice %arg13[%dma_start3A_227, %dma_start3A_228] : memref<10112x128xf32, #tpu.memory_space<vmem_shared>> -> memref<10112x128xf32, #tpu.memory_space<vmem_shared>>
        tpu.enqueue_indirect_dma source(%arg12 : memref<128x128xf32, #tpu.memory_space<vmem>>) target(%dma_start3A_229 : memref<10112x128xf32, #tpu.memory_space<vmem_shared>>) offsets(%dma_start3A_226 : memref<128xi32, #tpu.memory_space<vmem>>) semaphore(%run_scoped3A : memref<!tpu.dma_semaphore, #tpu.memory_space<semaphore_mem>>) {add = true}
        %dma_wait3A_230 = arith.constant 0 : i32
        %dma_wait3A_231 = tpu.memref_slice %arg10[%add3A_223, %dma_wait3A_230] : memref<63x128xi32, #tpu.memory_space<vmem>> -> memref<1x128xi32, #tpu.memory_space<vmem>>
        %dma_wait3A_232 = tpu.memref_squeeze %dma_wait3A_231 : memref<1x128xi32, #tpu.memory_space<vmem>> -> memref<128xi32, #tpu.memory_space<vmem>>
        %dma_wait3A_233 = arith.constant 0 : i32
        %dma_wait3A_234 = arith.constant 0 : i32
        %dma_wait3A_235 = tpu.memref_slice %arg13[%dma_wait3A_233, %dma_wait3A_234] : memref<10112x128xf32, #tpu.memory_space<vmem_shared>> -> memref<10112x128xf32, #tpu.memory_space<vmem_shared>>
        tpu.wait_indirect_dma semaphore(%run_scoped3A : memref<!tpu.dma_semaphore, #tpu.memory_space<semaphore_mem>>) src(%arg12 : memref<128x128xf32, #tpu.memory_space<vmem>>) dst(%dma_wait3A_235 : memref<10112x128xf32, #tpu.memory_space<vmem_shared>>)
        tpu.yield
      }) : () -> ()
    }
    %dma_wait3A_154 = arith.constant 0 : i32
    %dma_wait3A_155 = arith.constant 0 : i32
    %dma_wait3A_156 = tpu.memref_slice %arg2[%dma_wait3A_154, %dma_wait3A_155] : memref<10000x128xf32, #tpu.memory_space<hbm>> -> memref<128x128xf32, #tpu.memory_space<hbm>>
    %dma_wait3A_157 = arith.constant 0 : i32
    %dma_wait3A_158 = arith.constant 0 : i32
    %dma_wait3A_159 = tpu.memref_slice %arg2[%dma_wait3A_157, %dma_wait3A_158] : memref<10000x128xf32, #tpu.memory_space<hbm>> -> memref<128x128xf32, #tpu.memory_space<hbm>>
    tpu.wait_dma2 semaphore(%arg14 : memref<!tpu.dma_semaphore, #tpu.memory_space<semaphore_mem>>) src(%dma_wait3A_159 : memref<128x128xf32, #tpu.memory_space<hbm>>) dst(%arg11 : memref<128x128xf32, #tpu.memory_space<vmem>>)
    %jit3A_160 = arith.constant 2 : i32
    %eq3A_161 = arith.constant 0 : i32
    %eq3A_162 = arith.cmpi eq, %jit3A_160, %eq3A_161 : i32
    %jit3A_163 = arith.constant 1 : i32
    %select_n3A_164 = arith.select %eq3A_162, %jit3A_163, %jit3A_160 : i32
    %rem3A_165 = arith.remsi %select_n3A_112, %select_n3A_164 : i32
    %ne3A_166 = arith.constant 0 : i32
    %ne3A_167 = arith.cmpi ne, %rem3A_165, %ne3A_166 : i32
    %lt3A_168 = arith.constant 0 : i32
    %lt3A_169 = arith.cmpi slt, %rem3A_165, %lt3A_168 : i32
    %lt3A_170 = arith.constant 0 : i32
    %lt3A_171 = arith.cmpi slt, %select_n3A_164, %lt3A_170 : i32
    %ne3A_172 = arith.xori %lt3A_169, %lt3A_171 : i1
    %and3A_173 = arith.andi %ne3A_172, %ne3A_167 : i1
    %add3A_174 = arith.addi %rem3A_165, %select_n3A_164 : i32
    %select_n3A_175 = arith.select %and3A_173, %add3A_174, %rem3A_165 : i32
    %eq3A_176 = arith.constant 1 : i32
    %eq3A_177 = arith.cmpi eq, %select_n3A_175, %eq3A_176 : i32
    %convert_element_type3A_178 = arith.extui %eq3A_177 : i1 to i32
    %cond3A_179 = arith.constant 0 : i32
    %cond3A_180 = arith.cmpi ne, %convert_element_type3A_178, %cond3A_179 : i32
    scf.if %cond3A_180 {
      %sub3A_189 = arith.constant 1 : i32
      %sub3A_190 = arith.subi %select_n3A_112, %sub3A_189 : i32
      "tpu.region"() ({
        %run_scoped3A = tpu.sem_alloc : memref<!tpu.dma_semaphore, #tpu.memory_space<semaphore_mem>>
        %dma_start3A_191 = arith.constant 0 : i32
        %dma_start3A_192 = tpu.memref_slice %arg10[%sub3A_190, %dma_start3A_191] : memref<63x128xi32, #tpu.memory_space<vmem>> -> memref<1x128xi32, #tpu.memory_space<vmem>>
        %dma_start3A_193 = tpu.memref_squeeze %dma_start3A_192 : memref<1x128xi32, #tpu.memory_space<vmem>> -> memref<128xi32, #tpu.memory_space<vmem>>
        %dma_start3A_194 = arith.constant 0 : i32
        %dma_start3A_195 = arith.constant 0 : i32
        %dma_start3A_196 = tpu.memref_slice %arg13[%dma_start3A_194, %dma_start3A_195] : memref<10112x128xf32, #tpu.memory_space<vmem_shared>> -> memref<10112x128xf32, #tpu.memory_space<vmem_shared>>
        tpu.enqueue_indirect_dma source(%arg11 : memref<128x128xf32, #tpu.memory_space<vmem>>) target(%dma_start3A_196 : memref<10112x128xf32, #tpu.memory_space<vmem_shared>>) offsets(%dma_start3A_193 : memref<128xi32, #tpu.memory_space<vmem>>) semaphore(%run_scoped3A : memref<!tpu.dma_semaphore, #tpu.memory_space<semaphore_mem>>) {add = true}
        %dma_wait3A_197 = arith.constant 0 : i32
        %dma_wait3A_198 = tpu.memref_slice %arg10[%sub3A_190, %dma_wait3A_197] : memref<63x128xi32, #tpu.memory_space<vmem>> -> memref<1x128xi32, #tpu.memory_space<vmem>>
        %dma_wait3A_199 = tpu.memref_squeeze %dma_wait3A_198 : memref<1x128xi32, #tpu.memory_space<vmem>> -> memref<128xi32, #tpu.memory_space<vmem>>
        %dma_wait3A_200 = arith.constant 0 : i32
        %dma_wait3A_201 = arith.constant 0 : i32
        %dma_wait3A_202 = tpu.memref_slice %arg13[%dma_wait3A_200, %dma_wait3A_201] : memref<10112x128xf32, #tpu.memory_space<vmem_shared>> -> memref<10112x128xf32, #tpu.memory_space<vmem_shared>>
        tpu.wait_indirect_dma semaphore(%run_scoped3A : memref<!tpu.dma_semaphore, #tpu.memory_space<semaphore_mem>>) src(%arg11 : memref<128x128xf32, #tpu.memory_space<vmem>>) dst(%dma_wait3A_202 : memref<10112x128xf32, #tpu.memory_space<vmem_shared>>)
        tpu.yield
      }) : () -> ()
    } else {
    }
    %barrier3A_181 = arith.constant 0 : index
    tpu.barrier barrier_id(%barrier3A_181)
    %mul3A_182 = arith.constant 632 : i32
    %mul3A_183 = arith.muli %arg1, %mul3A_182 : i32
    %mul3A_184 = arith.constant 10112 : i32
    %mul3A_185 = arith.muli %arg0, %mul3A_184 : i32
    %mul3A_186 = arith.constant 632 : i32
    %mul3A_187 = arith.muli %arg1, %mul3A_186 : i32
    %add3A_188 = arith.addi %mul3A_185, %mul3A_187 : i32
    "tpu.region"() ({
      %run_scoped3A = tpu.sem_alloc : memref<!tpu.dma_semaphore, #tpu.memory_space<semaphore_mem>>
      %dma_start3A_189 = arith.constant 0 : i32
      %dma_start3A_190 = tpu.memref_slice %arg8[%add3A_188, %dma_start3A_189] : memref<20224x128xf32, #tpu.memory_space<hbm>> -> memref<632x128xf32, #tpu.memory_space<hbm>>
      %dma_start3A_191 = arith.constant 0 : i32
      %dma_start3A_192 = tpu.memref_slice %arg13[%mul3A_183, %dma_start3A_191] : memref<10112x128xf32, #tpu.memory_space<vmem_shared>> -> memref<632x128xf32, #tpu.memory_space<vmem_shared>>
      tpu.enqueue_dma source(%dma_start3A_192 : memref<632x128xf32, #tpu.memory_space<vmem_shared>>) target(%dma_start3A_190 : memref<632x128xf32, #tpu.memory_space<hbm>>) target_semaphore(%run_scoped3A : memref<!tpu.dma_semaphore, #tpu.memory_space<semaphore_mem>>)
      %dma_wait3A_193 = arith.constant 0 : i32
      %dma_wait3A_194 = tpu.memref_slice %arg8[%add3A_188, %dma_wait3A_193] : memref<20224x128xf32, #tpu.memory_space<hbm>> -> memref<632x128xf32, #tpu.memory_space<hbm>>
      %dma_wait3A_195 = arith.constant 0 : i32
      %dma_wait3A_196 = tpu.memref_slice %arg13[%mul3A_183, %dma_wait3A_195] : memref<10112x128xf32, #tpu.memory_space<vmem_shared>> -> memref<632x128xf32, #tpu.memory_space<vmem_shared>>
      tpu.wait_dma2 semaphore(%run_scoped3A : memref<!tpu.dma_semaphore, #tpu.memory_space<semaphore_mem>>) src(%dma_wait3A_196 : memref<632x128xf32, #tpu.memory_space<vmem_shared>>) dst(%dma_wait3A_194 : memref<632x128xf32, #tpu.memory_space<hbm>>)
      tpu.yield
    }) : () -> ()
    return
  }
}

#map = affine_map<(d0, d1) -> (0, 0)>
#map1 = affine_map<(d0, d1) -> (0, 0, 0)>
module attributes {stable_mosaic.version = 14 : i64} {
  func.func @body(%arg0: i32, %arg1: i32, %arg2: memref<10000x128xf32, #tpu.memory_space<hbm>>, %arg3: memref<32x63x128xi32, #tpu.memory_space<hbm>>, %arg4: memref<32x63x128xi32, #tpu.memory_space<hbm>>, %arg5: memref<32x63x128xi32, #tpu.memory_space<hbm>>, %arg6: memref<32x63x128xi32, #tpu.memory_space<hbm>>, %arg7: memref<10112x128xf32, #tpu.memory_space<hbm>>, %arg8: memref<20224x128xf32, #tpu.memory_space<hbm>>, %arg9: memref<63x128xi32, #tpu.memory_space<vmem>>, %arg10: memref<63x128xi32, #tpu.memory_space<vmem>>, %arg11: memref<128x128xf32, #tpu.memory_space<vmem>>, %arg12: memref<128x128xf32, #tpu.memory_space<vmem>>, %arg13: memref<10112x128xf32, #tpu.memory_space<vmem_shared>>, %arg14: memref<!tpu.dma_semaphore, #tpu.memory_space<semaphore_mem>>, %arg15: memref<!tpu.dma_semaphore, #tpu.memory_space<semaphore_mem>>) attributes {dimension_semantics = [#tpu.dimension_semantics<core_parallel>, #tpu.dimension_semantics<subcore_parallel>], iteration_bounds = array<i64: 2, 16>, scalar_prefetch = 0 : i64, scratch_operands = 7 : i64, tpu.core_type = #tpu.core_type<sc_vector_subcore>, window_params = [{transform_indices = #map}, {transform_indices = #map1}, {transform_indices = #map1}, {transform_indices = #map1}, {transform_indices = #map1}, {transform_indices = #map}, {transform_indices = #map}]} {
    %mul3A = arith.constant 2 : i32
    %mul3A_0 = arith.muli %arg1, %mul3A : i32
    %add3A = arith.addi %mul3A_0, %arg0 : i32
    %eq3A = arith.constant 0 : i32
    %eq3A_1 = arith.cmpi eq, %arg0, %eq3A : i32
    %jit3A = arith.constant 125 : i32
    %jit3A_2 = arith.constant 33 : i32
    %select_n3A = arith.select %eq3A_1, %jit3A, %jit3A_2 : i32
    %mul3A_3 = arith.constant 632 : i32
    %mul3A_4 = arith.muli %arg1, %mul3A_3 : i32
    %mul3A_5 = arith.constant 632 : i32
    %mul3A_6 = arith.muli %arg1, %mul3A_5 : i32
    "tpu.region"() ({
      %run_scoped3A = tpu.sem_alloc : memref<!tpu.dma_semaphore, #tpu.memory_space<semaphore_mem>>
      %dma_start3A_189 = arith.constant 0 : i32
      %dma_start3A_190 = tpu.memref_slice %arg13[%mul3A_6, %dma_start3A_189] : memref<10112x128xf32, #tpu.memory_space<vmem_shared>> -> memref<632x128xf32, #tpu.memory_space<vmem_shared>>
      %dma_start3A_191 = arith.constant 0 : i32
      %dma_start3A_192 = tpu.memref_slice %arg7[%mul3A_4, %dma_start3A_191] : memref<10112x128xf32, #tpu.memory_space<hbm>> -> memref<632x128xf32, #tpu.memory_space<hbm>>
      tpu.enqueue_dma source(%dma_start3A_192 : memref<632x128xf32, #tpu.memory_space<hbm>>) target(%dma_start3A_190 : memref<632x128xf32, #tpu.memory_space<vmem_shared>>) target_semaphore(%run_scoped3A : memref<!tpu.dma_semaphore, #tpu.memory_space<semaphore_mem>>)
      %dma_wait3A_193 = arith.constant 0 : i32
      %dma_wait3A_194 = tpu.memref_slice %arg13[%mul3A_6, %dma_wait3A_193] : memref<10112x128xf32, #tpu.memory_space<vmem_shared>> -> memref<632x128xf32, #tpu.memory_space<vmem_shared>>
      %dma_wait3A_195 = arith.constant 0 : i32
      %dma_wait3A_196 = tpu.memref_slice %arg7[%mul3A_4, %dma_wait3A_195] : memref<10112x128xf32, #tpu.memory_space<hbm>> -> memref<632x128xf32, #tpu.memory_space<hbm>>
      tpu.wait_dma2 semaphore(%run_scoped3A : memref<!tpu.dma_semaphore, #tpu.memory_space<semaphore_mem>>) src(%dma_wait3A_196 : memref<632x128xf32, #tpu.memory_space<hbm>>) dst(%dma_wait3A_194 : memref<632x128xf32, #tpu.memory_space<vmem_shared>>)
      tpu.yield
    }) : () -> ()
    %barrier3A = arith.constant 0 : index
    tpu.barrier barrier_id(%barrier3A)
    %add3A_7 = arith.constant 1 : i32
    %add3A_8 = arith.addi %select_n3A, %add3A_7 : i32
    %jit3A_9 = arith.constant 2 : i32
    %div3A = arith.divsi %add3A_8, %jit3A_9 : i32
    %sign3A = arith.constant 0 : i32
    %sign3A_10 = arith.cmpi sgt, %add3A_8, %sign3A : i32
    %sign3A_11 = arith.extui %sign3A_10 : i1 to i32
    %sign3A_12 = arith.constant 0 : i32
    %sign3A_13 = arith.cmpi slt, %add3A_8, %sign3A_12 : i32
    %sign3A_14 = arith.extui %sign3A_13 : i1 to i32
    %sign3A_15 = arith.subi %sign3A_11, %sign3A_14 : i32
    %sign3A_16 = arith.constant 0 : i32
    %sign3A_17 = arith.cmpi sgt, %jit3A_9, %sign3A_16 : i32
    %sign3A_18 = arith.extui %sign3A_17 : i1 to i32
    %sign3A_19 = arith.constant 0 : i32
    %sign3A_20 = arith.cmpi slt, %jit3A_9, %sign3A_19 : i32
    %sign3A_21 = arith.extui %sign3A_20 : i1 to i32
    %sign3A_22 = arith.subi %sign3A_18, %sign3A_21 : i32
    %ne3A = arith.cmpi ne, %sign3A_15, %sign3A_22 : i32
    %rem3A = arith.remsi %add3A_8, %jit3A_9 : i32
    %ne3A_23 = arith.constant 0 : i32
    %ne3A_24 = arith.cmpi ne, %rem3A, %ne3A_23 : i32
    %and3A = arith.andi %ne3A, %ne3A_24 : i1
    %sub3A = arith.constant 1 : i32
    %sub3A_25 = arith.subi %div3A, %sub3A : i32
    %select_n3A_26 = arith.select %and3A, %sub3A_25, %div3A : i32
    "tpu.region"() ({
      %run_scoped3A = tpu.sem_alloc : memref<!tpu.dma_semaphore, #tpu.memory_space<semaphore_mem>>
      %dma_start3A_189 = arith.constant 0 : i32
      %dma_start3A_190 = arith.constant 0 : i32
      %dma_start3A_191 = tpu.memref_slice %arg3[%add3A, %dma_start3A_189, %dma_start3A_190] : memref<32x63x128xi32, #tpu.memory_space<hbm>> -> memref<1x63x128xi32, #tpu.memory_space<hbm>>
      %dma_start3A_192 = tpu.memref_squeeze %dma_start3A_191 : memref<1x63x128xi32, #tpu.memory_space<hbm>> -> memref<63x128xi32, #tpu.memory_space<hbm>>
      %dma_start3A_193 = arith.constant 0 : i32
      %dma_start3A_194 = arith.constant 0 : i32
      %dma_start3A_195 = tpu.memref_slice %arg3[%add3A, %dma_start3A_193, %dma_start3A_194] : memref<32x63x128xi32, #tpu.memory_space<hbm>> -> memref<1x63x128xi32, #tpu.memory_space<hbm>>
      %dma_start3A_196 = tpu.memref_squeeze %dma_start3A_195 : memref<1x63x128xi32, #tpu.memory_space<hbm>> -> memref<63x128xi32, #tpu.memory_space<hbm>>
      tpu.enqueue_dma source(%dma_start3A_196 : memref<63x128xi32, #tpu.memory_space<hbm>>) target(%arg9 : memref<63x128xi32, #tpu.memory_space<vmem>>) target_semaphore(%run_scoped3A : memref<!tpu.dma_semaphore, #tpu.memory_space<semaphore_mem>>)
      %dma_wait3A_197 = arith.constant 0 : i32
      %dma_wait3A_198 = arith.constant 0 : i32
      %dma_wait3A_199 = tpu.memref_slice %arg3[%add3A, %dma_wait3A_197, %dma_wait3A_198] : memref<32x63x128xi32, #tpu.memory_space<hbm>> -> memref<1x63x128xi32, #tpu.memory_space<hbm>>
      %dma_wait3A_200 = tpu.memref_squeeze %dma_wait3A_199 : memref<1x63x128xi32, #tpu.memory_space<hbm>> -> memref<63x128xi32, #tpu.memory_space<hbm>>
      %dma_wait3A_201 = arith.constant 0 : i32
      %dma_wait3A_202 = arith.constant 0 : i32
      %dma_wait3A_203 = tpu.memref_slice %arg3[%add3A, %dma_wait3A_201, %dma_wait3A_202] : memref<32x63x128xi32, #tpu.memory_space<hbm>> -> memref<1x63x128xi32, #tpu.memory_space<hbm>>
      %dma_wait3A_204 = tpu.memref_squeeze %dma_wait3A_203 : memref<1x63x128xi32, #tpu.memory_space<hbm>> -> memref<63x128xi32, #tpu.memory_space<hbm>>
      tpu.wait_dma2 semaphore(%run_scoped3A : memref<!tpu.dma_semaphore, #tpu.memory_space<semaphore_mem>>) src(%dma_wait3A_204 : memref<63x128xi32, #tpu.memory_space<hbm>>) dst(%arg9 : memref<63x128xi32, #tpu.memory_space<vmem>>)
      tpu.yield
    }) : () -> ()
    "tpu.region"() ({
      %run_scoped3A = tpu.sem_alloc : memref<!tpu.dma_semaphore, #tpu.memory_space<semaphore_mem>>
      %dma_start3A_189 = arith.constant 0 : i32
      %dma_start3A_190 = arith.constant 0 : i32
      %dma_start3A_191 = tpu.memref_slice %arg5[%add3A, %dma_start3A_189, %dma_start3A_190] : memref<32x63x128xi32, #tpu.memory_space<hbm>> -> memref<1x63x128xi32, #tpu.memory_space<hbm>>
      %dma_start3A_192 = tpu.memref_squeeze %dma_start3A_191 : memref<1x63x128xi32, #tpu.memory_space<hbm>> -> memref<63x128xi32, #tpu.memory_space<hbm>>
      %dma_start3A_193 = arith.constant 0 : i32
      %dma_start3A_194 = arith.constant 0 : i32
      %dma_start3A_195 = tpu.memref_slice %arg5[%add3A, %dma_start3A_193, %dma_start3A_194] : memref<32x63x128xi32, #tpu.memory_space<hbm>> -> memref<1x63x128xi32, #tpu.memory_space<hbm>>
      %dma_start3A_196 = tpu.memref_squeeze %dma_start3A_195 : memref<1x63x128xi32, #tpu.memory_space<hbm>> -> memref<63x128xi32, #tpu.memory_space<hbm>>
      tpu.enqueue_dma source(%dma_start3A_196 : memref<63x128xi32, #tpu.memory_space<hbm>>) target(%arg10 : memref<63x128xi32, #tpu.memory_space<vmem>>) target_semaphore(%run_scoped3A : memref<!tpu.dma_semaphore, #tpu.memory_space<semaphore_mem>>)
      %dma_wait3A_197 = arith.constant 0 : i32
      %dma_wait3A_198 = arith.constant 0 : i32
      %dma_wait3A_199 = tpu.memref_slice %arg5[%add3A, %dma_wait3A_197, %dma_wait3A_198] : memref<32x63x128xi32, #tpu.memory_space<hbm>> -> memref<1x63x128xi32, #tpu.memory_space<hbm>>
      %dma_wait3A_200 = tpu.memref_squeeze %dma_wait3A_199 : memref<1x63x128xi32, #tpu.memory_space<hbm>> -> memref<63x128xi32, #tpu.memory_space<hbm>>
      %dma_wait3A_201 = arith.constant 0 : i32
      %dma_wait3A_202 = arith.constant 0 : i32
      %dma_wait3A_203 = tpu.memref_slice %arg5[%add3A, %dma_wait3A_201, %dma_wait3A_202] : memref<32x63x128xi32, #tpu.memory_space<hbm>> -> memref<1x63x128xi32, #tpu.memory_space<hbm>>
      %dma_wait3A_204 = tpu.memref_squeeze %dma_wait3A_203 : memref<1x63x128xi32, #tpu.memory_space<hbm>> -> memref<63x128xi32, #tpu.memory_space<hbm>>
      tpu.wait_dma2 semaphore(%run_scoped3A : memref<!tpu.dma_semaphore, #tpu.memory_space<semaphore_mem>>) src(%dma_wait3A_204 : memref<63x128xi32, #tpu.memory_space<hbm>>) dst(%arg10 : memref<63x128xi32, #tpu.memory_space<vmem>>)
      tpu.yield
    }) : () -> ()
    %dma_start3A = arith.constant 0 : i32
    %dma_start3A_27 = arith.constant 0 : i32
    %dma_start3A_28 = tpu.memref_slice %arg9[%dma_start3A, %dma_start3A_27] : memref<63x128xi32, #tpu.memory_space<vmem>> -> memref<1x128xi32, #tpu.memory_space<vmem>>
    %dma_start3A_29 = tpu.memref_squeeze %dma_start3A_28 : memref<1x128xi32, #tpu.memory_space<vmem>> -> memref<128xi32, #tpu.memory_space<vmem>>
    %dma_start3A_30 = arith.constant 0 : i32
    %dma_start3A_31 = arith.constant 0 : i32
    %dma_start3A_32 = tpu.memref_slice %arg2[%dma_start3A_30, %dma_start3A_31] : memref<10000x128xf32, #tpu.memory_space<hbm>> -> memref<10000x128xf32, #tpu.memory_space<hbm>>
    tpu.enqueue_indirect_dma source(%dma_start3A_32 : memref<10000x128xf32, #tpu.memory_space<hbm>>) target(%arg11 : memref<128x128xf32, #tpu.memory_space<vmem>>) offsets(%dma_start3A_29 : memref<128xi32, #tpu.memory_space<vmem>>) semaphore(%arg14 : memref<!tpu.dma_semaphore, #tpu.memory_space<semaphore_mem>>)
    %jit3A_33 = arith.constant 2 : i32
    %div3A_34 = arith.divsi %select_n3A_26, %jit3A_33 : i32
    %sign3A_35 = arith.constant 0 : i32
    %sign3A_36 = arith.cmpi sgt, %select_n3A_26, %sign3A_35 : i32
    %sign3A_37 = arith.extui %sign3A_36 : i1 to i32
    %sign3A_38 = arith.constant 0 : i32
    %sign3A_39 = arith.cmpi slt, %select_n3A_26, %sign3A_38 : i32
    %sign3A_40 = arith.extui %sign3A_39 : i1 to i32
    %sign3A_41 = arith.subi %sign3A_37, %sign3A_40 : i32
    %sign3A_42 = arith.constant 0 : i32
    %sign3A_43 = arith.cmpi sgt, %jit3A_33, %sign3A_42 : i32
    %sign3A_44 = arith.extui %sign3A_43 : i1 to i32
    %sign3A_45 = arith.constant 0 : i32
    %sign3A_46 = arith.cmpi slt, %jit3A_33, %sign3A_45 : i32
    %sign3A_47 = arith.extui %sign3A_46 : i1 to i32
    %sign3A_48 = arith.subi %sign3A_44, %sign3A_47 : i32
    %ne3A_49 = arith.cmpi ne, %sign3A_41, %sign3A_48 : i32
    %rem3A_50 = arith.remsi %select_n3A_26, %jit3A_33 : i32
    %ne3A_51 = arith.constant 0 : i32
    %ne3A_52 = arith.cmpi ne, %rem3A_50, %ne3A_51 : i32
    %and3A_53 = arith.andi %ne3A_49, %ne3A_52 : i1
    %sub3A_54 = arith.constant 1 : i32
    %sub3A_55 = arith.subi %div3A_34, %sub3A_54 : i32
    %select_n3A_56 = arith.select %and3A_53, %sub3A_55, %div3A_34 : i32
    %while3A = arith.constant 0 : i32
    %while3A_57 = arith.constant 0 : i32
    %while3A_58 = arith.subi %select_n3A_56, %while3A_57 : i32
    %while3A_59 = arith.addi %while3A_57, %while3A_58 : i32
    %while3A_60 = arith.constant 1 : i32
    %while3A_61 = arith.divsi %while3A_58, %while3A_60 : i32
    %while3A_62 = arith.muli %while3A_61, %while3A_60 : i32
    %while3A_63 = arith.addi %while3A_57, %while3A_62 : i32
    %while3A_64 = arith.constant 1 : i32
    scf.for %while3A_189 = %while3A_57 to %while3A_63 step %while3A_64  : i32 {
      %mul3A_190 = arith.constant 2 : i32
      %mul3A_191 = arith.muli %mul3A_190, %while3A_189 : i32
      %add3A_192 = arith.constant 1 : i32
      %add3A_193 = arith.addi %mul3A_191, %add3A_192 : i32
      %dma_start3A_194 = arith.constant 0 : i32
      %dma_start3A_195 = tpu.memref_slice %arg9[%add3A_193, %dma_start3A_194] : memref<63x128xi32, #tpu.memory_space<vmem>> -> memref<1x128xi32, #tpu.memory_space<vmem>>
      %dma_start3A_196 = tpu.memref_squeeze %dma_start3A_195 : memref<1x128xi32, #tpu.memory_space<vmem>> -> memref<128xi32, #tpu.memory_space<vmem>>
      %dma_start3A_197 = arith.constant 0 : i32
      %dma_start3A_198 = arith.constant 0 : i32
      %dma_start3A_199 = tpu.memref_slice %arg2[%dma_start3A_197, %dma_start3A_198] : memref<10000x128xf32, #tpu.memory_space<hbm>> -> memref<10000x128xf32, #tpu.memory_space<hbm>>
      tpu.enqueue_indirect_dma source(%dma_start3A_199 : memref<10000x128xf32, #tpu.memory_space<hbm>>) target(%arg12 : memref<128x128xf32, #tpu.memory_space<vmem>>) offsets(%dma_start3A_196 : memref<128xi32, #tpu.memory_space<vmem>>) semaphore(%arg15 : memref<!tpu.dma_semaphore, #tpu.memory_space<semaphore_mem>>)
      %dma_wait3A_200 = arith.constant 0 : i32
      %dma_wait3A_201 = arith.constant 0 : i32
      %dma_wait3A_202 = tpu.memref_slice %arg2[%dma_wait3A_200, %dma_wait3A_201] : memref<10000x128xf32, #tpu.memory_space<hbm>> -> memref<128x128xf32, #tpu.memory_space<hbm>>
      %dma_wait3A_203 = arith.constant 0 : i32
      %dma_wait3A_204 = arith.constant 0 : i32
      %dma_wait3A_205 = tpu.memref_slice %arg2[%dma_wait3A_203, %dma_wait3A_204] : memref<10000x128xf32, #tpu.memory_space<hbm>> -> memref<128x128xf32, #tpu.memory_space<hbm>>
      tpu.wait_dma2 semaphore(%arg14 : memref<!tpu.dma_semaphore, #tpu.memory_space<semaphore_mem>>) src(%dma_wait3A_205 : memref<128x128xf32, #tpu.memory_space<hbm>>) dst(%arg11 : memref<128x128xf32, #tpu.memory_space<vmem>>)
      "tpu.region"() ({
        %run_scoped3A = tpu.sem_alloc : memref<!tpu.dma_semaphore, #tpu.memory_space<semaphore_mem>>
        %dma_start3A_224 = arith.constant 0 : i32
        %dma_start3A_225 = tpu.memref_slice %arg10[%mul3A_191, %dma_start3A_224] : memref<63x128xi32, #tpu.memory_space<vmem>> -> memref<1x128xi32, #tpu.memory_space<vmem>>
        %dma_start3A_226 = tpu.memref_squeeze %dma_start3A_225 : memref<1x128xi32, #tpu.memory_space<vmem>> -> memref<128xi32, #tpu.memory_space<vmem>>
        %dma_start3A_227 = arith.constant 0 : i32
        %dma_start3A_228 = arith.constant 0 : i32
        %dma_start3A_229 = tpu.memref_slice %arg13[%dma_start3A_227, %dma_start3A_228] : memref<10112x128xf32, #tpu.memory_space<vmem_shared>> -> memref<10112x128xf32, #tpu.memory_space<vmem_shared>>
        tpu.enqueue_indirect_dma source(%arg11 : memref<128x128xf32, #tpu.memory_space<vmem>>) target(%dma_start3A_229 : memref<10112x128xf32, #tpu.memory_space<vmem_shared>>) offsets(%dma_start3A_226 : memref<128xi32, #tpu.memory_space<vmem>>) semaphore(%run_scoped3A : memref<!tpu.dma_semaphore, #tpu.memory_space<semaphore_mem>>) {add = true}
        %dma_wait3A_230 = arith.constant 0 : i32
        %dma_wait3A_231 = tpu.memref_slice %arg10[%mul3A_191, %dma_wait3A_230] : memref<63x128xi32, #tpu.memory_space<vmem>> -> memref<1x128xi32, #tpu.memory_space<vmem>>
        %dma_wait3A_232 = tpu.memref_squeeze %dma_wait3A_231 : memref<1x128xi32, #tpu.memory_space<vmem>> -> memref<128xi32, #tpu.memory_space<vmem>>
        %dma_wait3A_233 = arith.constant 0 : i32
        %dma_wait3A_234 = arith.constant 0 : i32
        %dma_wait3A_235 = tpu.memref_slice %arg13[%dma_wait3A_233, %dma_wait3A_234] : memref<10112x128xf32, #tpu.memory_space<vmem_shared>> -> memref<10112x128xf32, #tpu.memory_space<vmem_shared>>
        tpu.wait_indirect_dma semaphore(%run_scoped3A : memref<!tpu.dma_semaphore, #tpu.memory_space<semaphore_mem>>) src(%arg11 : memref<128x128xf32, #tpu.memory_space<vmem>>) dst(%dma_wait3A_235 : memref<10112x128xf32, #tpu.memory_space<vmem_shared>>)
        tpu.yield
      }) : () -> ()
      %add3A_206 = arith.constant 2 : i32
      %add3A_207 = arith.addi %mul3A_191, %add3A_206 : i32
      %sub3A_208 = arith.constant 1 : i32
      %sub3A_209 = arith.subi %select_n3A_26, %sub3A_208 : i32
      %min3A = arith.minsi %add3A_207, %sub3A_209 : i32
      %dma_start3A_210 = arith.constant 0 : i32
      %dma_start3A_211 = tpu.memref_slice %arg9[%min3A, %dma_start3A_210] : memref<63x128xi32, #tpu.memory_space<vmem>> -> memref<1x128xi32, #tpu.memory_space<vmem>>
      %dma_start3A_212 = tpu.memref_squeeze %dma_start3A_211 : memref<1x128xi32, #tpu.memory_space<vmem>> -> memref<128xi32, #tpu.memory_space<vmem>>
      %dma_start3A_213 = arith.constant 0 : i32
      %dma_start3A_214 = arith.constant 0 : i32
      %dma_start3A_215 = tpu.memref_slice %arg2[%dma_start3A_213, %dma_start3A_214] : memref<10000x128xf32, #tpu.memory_space<hbm>> -> memref<10000x128xf32, #tpu.memory_space<hbm>>
      tpu.enqueue_indirect_dma source(%dma_start3A_215 : memref<10000x128xf32, #tpu.memory_space<hbm>>) target(%arg11 : memref<128x128xf32, #tpu.memory_space<vmem>>) offsets(%dma_start3A_212 : memref<128xi32, #tpu.memory_space<vmem>>) semaphore(%arg14 : memref<!tpu.dma_semaphore, #tpu.memory_space<semaphore_mem>>)
      %dma_wait3A_216 = arith.constant 0 : i32
      %dma_wait3A_217 = arith.constant 0 : i32
      %dma_wait3A_218 = tpu.memref_slice %arg2[%dma_wait3A_216, %dma_wait3A_217] : memref<10000x128xf32, #tpu.memory_space<hbm>> -> memref<128x128xf32, #tpu.memory_space<hbm>>
      %dma_wait3A_219 = arith.constant 0 : i32
      %dma_wait3A_220 = arith.constant 0 : i32
      %dma_wait3A_221 = tpu.memref_slice %arg2[%dma_wait3A_219, %dma_wait3A_220] : memref<10000x128xf32, #tpu.memory_space<hbm>> -> memref<128x128xf32, #tpu.memory_space<hbm>>
      tpu.wait_dma2 semaphore(%arg15 : memref<!tpu.dma_semaphore, #tpu.memory_space<semaphore_mem>>) src(%dma_wait3A_221 : memref<128x128xf32, #tpu.memory_space<hbm>>) dst(%arg12 : memref<128x128xf32, #tpu.memory_space<vmem>>)
      %add3A_222 = arith.constant 1 : i32
      %add3A_223 = arith.addi %mul3A_191, %add3A_222 : i32
      "tpu.region"() ({
        %run_scoped3A = tpu.sem_alloc : memref<!tpu.dma_semaphore, #tpu.memory_space<semaphore_mem>>
        %dma_start3A_224 = arith.constant 0 : i32
        %dma_start3A_225 = tpu.memref_slice %arg10[%add3A_223, %dma_start3A_224] : memref<63x128xi32, #tpu.memory_space<vmem>> -> memref<1x128xi32, #tpu.memory_space<vmem>>
        %dma_start3A_226 = tpu.memref_squeeze %dma_start3A_225 : memref<1x128xi32, #tpu.memory_space<vmem>> -> memref<128xi32, #tpu.memory_space<vmem>>
        %dma_start3A_227 = arith.constant 0 : i32
        %dma_start3A_228 = arith.constant 0 : i32
        %dma_start3A_229 = tpu.memref_slice %arg13[%dma_start3A_227, %dma_start3A_228] : memref<10112x128xf32, #tpu.memory_space<vmem_shared>> -> memref<10112x128xf32, #tpu.memory_space<vmem_shared>>
        tpu.enqueue_indirect_dma source(%arg12 : memref<128x128xf32, #tpu.memory_space<vmem>>) target(%dma_start3A_229 : memref<10112x128xf32, #tpu.memory_space<vmem_shared>>) offsets(%dma_start3A_226 : memref<128xi32, #tpu.memory_space<vmem>>) semaphore(%run_scoped3A : memref<!tpu.dma_semaphore, #tpu.memory_space<semaphore_mem>>) {add = true}
        %dma_wait3A_230 = arith.constant 0 : i32
        %dma_wait3A_231 = tpu.memref_slice %arg10[%add3A_223, %dma_wait3A_230] : memref<63x128xi32, #tpu.memory_space<vmem>> -> memref<1x128xi32, #tpu.memory_space<vmem>>
        %dma_wait3A_232 = tpu.memref_squeeze %dma_wait3A_231 : memref<1x128xi32, #tpu.memory_space<vmem>> -> memref<128xi32, #tpu.memory_space<vmem>>
        %dma_wait3A_233 = arith.constant 0 : i32
        %dma_wait3A_234 = arith.constant 0 : i32
        %dma_wait3A_235 = tpu.memref_slice %arg13[%dma_wait3A_233, %dma_wait3A_234] : memref<10112x128xf32, #tpu.memory_space<vmem_shared>> -> memref<10112x128xf32, #tpu.memory_space<vmem_shared>>
        tpu.wait_indirect_dma semaphore(%run_scoped3A : memref<!tpu.dma_semaphore, #tpu.memory_space<semaphore_mem>>) src(%arg12 : memref<128x128xf32, #tpu.memory_space<vmem>>) dst(%dma_wait3A_235 : memref<10112x128xf32, #tpu.memory_space<vmem_shared>>)
        tpu.yield
      }) : () -> ()
    }
    %while3A_65 = arith.constant 1 : i32
    scf.for %while3A_189 = %while3A_63 to %while3A_59 step %while3A_65  : i32 {
      %mul3A_190 = arith.constant 2 : i32
      %mul3A_191 = arith.muli %mul3A_190, %while3A_189 : i32
      %add3A_192 = arith.constant 1 : i32
      %add3A_193 = arith.addi %mul3A_191, %add3A_192 : i32
      %dma_start3A_194 = arith.constant 0 : i32
      %dma_start3A_195 = tpu.memref_slice %arg9[%add3A_193, %dma_start3A_194] : memref<63x128xi32, #tpu.memory_space<vmem>> -> memref<1x128xi32, #tpu.memory_space<vmem>>
      %dma_start3A_196 = tpu.memref_squeeze %dma_start3A_195 : memref<1x128xi32, #tpu.memory_space<vmem>> -> memref<128xi32, #tpu.memory_space<vmem>>
      %dma_start3A_197 = arith.constant 0 : i32
      %dma_start3A_198 = arith.constant 0 : i32
      %dma_start3A_199 = tpu.memref_slice %arg2[%dma_start3A_197, %dma_start3A_198] : memref<10000x128xf32, #tpu.memory_space<hbm>> -> memref<10000x128xf32, #tpu.memory_space<hbm>>
      tpu.enqueue_indirect_dma source(%dma_start3A_199 : memref<10000x128xf32, #tpu.memory_space<hbm>>) target(%arg12 : memref<128x128xf32, #tpu.memory_space<vmem>>) offsets(%dma_start3A_196 : memref<128xi32, #tpu.memory_space<vmem>>) semaphore(%arg15 : memref<!tpu.dma_semaphore, #tpu.memory_space<semaphore_mem>>)
      %dma_wait3A_200 = arith.constant 0 : i32
      %dma_wait3A_201 = arith.constant 0 : i32
      %dma_wait3A_202 = tpu.memref_slice %arg2[%dma_wait3A_200, %dma_wait3A_201] : memref<10000x128xf32, #tpu.memory_space<hbm>> -> memref<128x128xf32, #tpu.memory_space<hbm>>
      %dma_wait3A_203 = arith.constant 0 : i32
      %dma_wait3A_204 = arith.constant 0 : i32
      %dma_wait3A_205 = tpu.memref_slice %arg2[%dma_wait3A_203, %dma_wait3A_204] : memref<10000x128xf32, #tpu.memory_space<hbm>> -> memref<128x128xf32, #tpu.memory_space<hbm>>
      tpu.wait_dma2 semaphore(%arg14 : memref<!tpu.dma_semaphore, #tpu.memory_space<semaphore_mem>>) src(%dma_wait3A_205 : memref<128x128xf32, #tpu.memory_space<hbm>>) dst(%arg11 : memref<128x128xf32, #tpu.memory_space<vmem>>)
      "tpu.region"() ({
        %run_scoped3A = tpu.sem_alloc : memref<!tpu.dma_semaphore, #tpu.memory_space<semaphore_mem>>
        %dma_start3A_224 = arith.constant 0 : i32
        %dma_start3A_225 = tpu.memref_slice %arg10[%mul3A_191, %dma_start3A_224] : memref<63x128xi32, #tpu.memory_space<vmem>> -> memref<1x128xi32, #tpu.memory_space<vmem>>
        %dma_start3A_226 = tpu.memref_squeeze %dma_start3A_225 : memref<1x128xi32, #tpu.memory_space<vmem>> -> memref<128xi32, #tpu.memory_space<vmem>>
        %dma_start3A_227 = arith.constant 0 : i32
        %dma_start3A_228 = arith.constant 0 : i32
        %dma_start3A_229 = tpu.memref_slice %arg13[%dma_start3A_227, %dma_start3A_228] : memref<10112x128xf32, #tpu.memory_space<vmem_shared>> -> memref<10112x128xf32, #tpu.memory_space<vmem_shared>>
        tpu.enqueue_indirect_dma source(%arg11 : memref<128x128xf32, #tpu.memory_space<vmem>>) target(%dma_start3A_229 : memref<10112x128xf32, #tpu.memory_space<vmem_shared>>) offsets(%dma_start3A_226 : memref<128xi32, #tpu.memory_space<vmem>>) semaphore(%run_scoped3A : memref<!tpu.dma_semaphore, #tpu.memory_space<semaphore_mem>>) {add = true}
        %dma_wait3A_230 = arith.constant 0 : i32
        %dma_wait3A_231 = tpu.memref_slice %arg10[%mul3A_191, %dma_wait3A_230] : memref<63x128xi32, #tpu.memory_space<vmem>> -> memref<1x128xi32, #tpu.memory_space<vmem>>
        %dma_wait3A_232 = tpu.memref_squeeze %dma_wait3A_231 : memref<1x128xi32, #tpu.memory_space<vmem>> -> memref<128xi32, #tpu.memory_space<vmem>>
        %dma_wait3A_233 = arith.constant 0 : i32
        %dma_wait3A_234 = arith.constant 0 : i32
        %dma_wait3A_235 = tpu.memref_slice %arg13[%dma_wait3A_233, %dma_wait3A_234] : memref<10112x128xf32, #tpu.memory_space<vmem_shared>> -> memref<10112x128xf32, #tpu.memory_space<vmem_shared>>
        tpu.wait_indirect_dma semaphore(%run_scoped3A : memref<!tpu.dma_semaphore, #tpu.memory_space<semaphore_mem>>) src(%arg11 : memref<128x128xf32, #tpu.memory_space<vmem>>) dst(%dma_wait3A_235 : memref<10112x128xf32, #tpu.memory_space<vmem_shared>>)
        tpu.yield
      }) : () -> ()
      %add3A_206 = arith.constant 2 : i32
      %add3A_207 = arith.addi %mul3A_191, %add3A_206 : i32
      %sub3A_208 = arith.constant 1 : i32
      %sub3A_209 = arith.subi %select_n3A_26, %sub3A_208 : i32
      %min3A = arith.minsi %add3A_207, %sub3A_209 : i32
      %dma_start3A_210 = arith.constant 0 : i32
      %dma_start3A_211 = tpu.memref_slice %arg9[%min3A, %dma_start3A_210] : memref<63x128xi32, #tpu.memory_space<vmem>> -> memref<1x128xi32, #tpu.memory_space<vmem>>
      %dma_start3A_212 = tpu.memref_squeeze %dma_start3A_211 : memref<1x128xi32, #tpu.memory_space<vmem>> -> memref<128xi32, #tpu.memory_space<vmem>>
      %dma_start3A_213 = arith.constant 0 : i32
      %dma_start3A_214 = arith.constant 0 : i32
      %dma_start3A_215 = tpu.memref_slice %arg2[%dma_start3A_213, %dma_start3A_214] : memref<10000x128xf32, #tpu.memory_space<hbm>> -> memref<10000x128xf32, #tpu.memory_space<hbm>>
      tpu.enqueue_indirect_dma source(%dma_start3A_215 : memref<10000x128xf32, #tpu.memory_space<hbm>>) target(%arg11 : memref<128x128xf32, #tpu.memory_space<vmem>>) offsets(%dma_start3A_212 : memref<128xi32, #tpu.memory_space<vmem>>) semaphore(%arg14 : memref<!tpu.dma_semaphore, #tpu.memory_space<semaphore_mem>>)
      %dma_wait3A_216 = arith.constant 0 : i32
      %dma_wait3A_217 = arith.constant 0 : i32
      %dma_wait3A_218 = tpu.memref_slice %arg2[%dma_wait3A_216, %dma_wait3A_217] : memref<10000x128xf32, #tpu.memory_space<hbm>> -> memref<128x128xf32, #tpu.memory_space<hbm>>
      %dma_wait3A_219 = arith.constant 0 : i32
      %dma_wait3A_220 = arith.constant 0 : i32
      %dma_wait3A_221 = tpu.memref_slice %arg2[%dma_wait3A_219, %dma_wait3A_220] : memref<10000x128xf32, #tpu.memory_space<hbm>> -> memref<128x128xf32, #tpu.memory_space<hbm>>
      tpu.wait_dma2 semaphore(%arg15 : memref<!tpu.dma_semaphore, #tpu.memory_space<semaphore_mem>>) src(%dma_wait3A_221 : memref<128x128xf32, #tpu.memory_space<hbm>>) dst(%arg12 : memref<128x128xf32, #tpu.memory_space<vmem>>)
      %add3A_222 = arith.constant 1 : i32
      %add3A_223 = arith.addi %mul3A_191, %add3A_222 : i32
      "tpu.region"() ({
        %run_scoped3A = tpu.sem_alloc : memref<!tpu.dma_semaphore, #tpu.memory_space<semaphore_mem>>
        %dma_start3A_224 = arith.constant 0 : i32
        %dma_start3A_225 = tpu.memref_slice %arg10[%add3A_223, %dma_start3A_224] : memref<63x128xi32, #tpu.memory_space<vmem>> -> memref<1x128xi32, #tpu.memory_space<vmem>>
        %dma_start3A_226 = tpu.memref_squeeze %dma_start3A_225 : memref<1x128xi32, #tpu.memory_space<vmem>> -> memref<128xi32, #tpu.memory_space<vmem>>
        %dma_start3A_227 = arith.constant 0 : i32
        %dma_start3A_228 = arith.constant 0 : i32
        %dma_start3A_229 = tpu.memref_slice %arg13[%dma_start3A_227, %dma_start3A_228] : memref<10112x128xf32, #tpu.memory_space<vmem_shared>> -> memref<10112x128xf32, #tpu.memory_space<vmem_shared>>
        tpu.enqueue_indirect_dma source(%arg12 : memref<128x128xf32, #tpu.memory_space<vmem>>) target(%dma_start3A_229 : memref<10112x128xf32, #tpu.memory_space<vmem_shared>>) offsets(%dma_start3A_226 : memref<128xi32, #tpu.memory_space<vmem>>) semaphore(%run_scoped3A : memref<!tpu.dma_semaphore, #tpu.memory_space<semaphore_mem>>) {add = true}
        %dma_wait3A_230 = arith.constant 0 : i32
        %dma_wait3A_231 = tpu.memref_slice %arg10[%add3A_223, %dma_wait3A_230] : memref<63x128xi32, #tpu.memory_space<vmem>> -> memref<1x128xi32, #tpu.memory_space<vmem>>
        %dma_wait3A_232 = tpu.memref_squeeze %dma_wait3A_231 : memref<1x128xi32, #tpu.memory_space<vmem>> -> memref<128xi32, #tpu.memory_space<vmem>>
        %dma_wait3A_233 = arith.constant 0 : i32
        %dma_wait3A_234 = arith.constant 0 : i32
        %dma_wait3A_235 = tpu.memref_slice %arg13[%dma_wait3A_233, %dma_wait3A_234] : memref<10112x128xf32, #tpu.memory_space<vmem_shared>> -> memref<10112x128xf32, #tpu.memory_space<vmem_shared>>
        tpu.wait_indirect_dma semaphore(%run_scoped3A : memref<!tpu.dma_semaphore, #tpu.memory_space<semaphore_mem>>) src(%arg12 : memref<128x128xf32, #tpu.memory_space<vmem>>) dst(%dma_wait3A_235 : memref<10112x128xf32, #tpu.memory_space<vmem_shared>>)
        tpu.yield
      }) : () -> ()
    }
    %dma_wait3A = arith.constant 0 : i32
    %dma_wait3A_66 = arith.constant 0 : i32
    %dma_wait3A_67 = tpu.memref_slice %arg2[%dma_wait3A, %dma_wait3A_66] : memref<10000x128xf32, #tpu.memory_space<hbm>> -> memref<128x128xf32, #tpu.memory_space<hbm>>
    %dma_wait3A_68 = arith.constant 0 : i32
    %dma_wait3A_69 = arith.constant 0 : i32
    %dma_wait3A_70 = tpu.memref_slice %arg2[%dma_wait3A_68, %dma_wait3A_69] : memref<10000x128xf32, #tpu.memory_space<hbm>> -> memref<128x128xf32, #tpu.memory_space<hbm>>
    tpu.wait_dma2 semaphore(%arg14 : memref<!tpu.dma_semaphore, #tpu.memory_space<semaphore_mem>>) src(%dma_wait3A_70 : memref<128x128xf32, #tpu.memory_space<hbm>>) dst(%arg11 : memref<128x128xf32, #tpu.memory_space<vmem>>)
    %jit3A_71 = arith.constant 2 : i32
    %eq3A_72 = arith.constant 0 : i32
    %eq3A_73 = arith.cmpi eq, %jit3A_71, %eq3A_72 : i32
    %jit3A_74 = arith.constant 1 : i32
    %select_n3A_75 = arith.select %eq3A_73, %jit3A_74, %jit3A_71 : i32
    %rem3A_76 = arith.remsi %select_n3A_26, %select_n3A_75 : i32
    %ne3A_77 = arith.constant 0 : i32
    %ne3A_78 = arith.cmpi ne, %rem3A_76, %ne3A_77 : i32
    %lt3A = arith.constant 0 : i32
    %lt3A_79 = arith.cmpi slt, %rem3A_76, %lt3A : i32
    %lt3A_80 = arith.constant 0 : i32
    %lt3A_81 = arith.cmpi slt, %select_n3A_75, %lt3A_80 : i32
    %ne3A_82 = arith.xori %lt3A_79, %lt3A_81 : i1
    %and3A_83 = arith.andi %ne3A_82, %ne3A_78 : i1
    %add3A_84 = arith.addi %rem3A_76, %select_n3A_75 : i32
    %select_n3A_85 = arith.select %and3A_83, %add3A_84, %rem3A_76 : i32
    %eq3A_86 = arith.constant 1 : i32
    %eq3A_87 = arith.cmpi eq, %select_n3A_85, %eq3A_86 : i32
    %convert_element_type3A = arith.extui %eq3A_87 : i1 to i32
    %cond3A = arith.constant 0 : i32
    %cond3A_88 = arith.cmpi ne, %convert_element_type3A, %cond3A : i32
    scf.if %cond3A_88 {
      %sub3A_189 = arith.constant 1 : i32
      %sub3A_190 = arith.subi %select_n3A_26, %sub3A_189 : i32
      "tpu.region"() ({
        %run_scoped3A = tpu.sem_alloc : memref<!tpu.dma_semaphore, #tpu.memory_space<semaphore_mem>>
        %dma_start3A_191 = arith.constant 0 : i32
        %dma_start3A_192 = tpu.memref_slice %arg10[%sub3A_190, %dma_start3A_191] : memref<63x128xi32, #tpu.memory_space<vmem>> -> memref<1x128xi32, #tpu.memory_space<vmem>>
        %dma_start3A_193 = tpu.memref_squeeze %dma_start3A_192 : memref<1x128xi32, #tpu.memory_space<vmem>> -> memref<128xi32, #tpu.memory_space<vmem>>
        %dma_start3A_194 = arith.constant 0 : i32
        %dma_start3A_195 = arith.constant 0 : i32
        %dma_start3A_196 = tpu.memref_slice %arg13[%dma_start3A_194, %dma_start3A_195] : memref<10112x128xf32, #tpu.memory_space<vmem_shared>> -> memref<10112x128xf32, #tpu.memory_space<vmem_shared>>
        tpu.enqueue_indirect_dma source(%arg11 : memref<128x128xf32, #tpu.memory_space<vmem>>) target(%dma_start3A_196 : memref<10112x128xf32, #tpu.memory_space<vmem_shared>>) offsets(%dma_start3A_193 : memref<128xi32, #tpu.memory_space<vmem>>) semaphore(%run_scoped3A : memref<!tpu.dma_semaphore, #tpu.memory_space<semaphore_mem>>) {add = true}
        %dma_wait3A_197 = arith.constant 0 : i32
        %dma_wait3A_198 = tpu.memref_slice %arg10[%sub3A_190, %dma_wait3A_197] : memref<63x128xi32, #tpu.memory_space<vmem>> -> memref<1x128xi32, #tpu.memory_space<vmem>>
        %dma_wait3A_199 = tpu.memref_squeeze %dma_wait3A_198 : memref<1x128xi32, #tpu.memory_space<vmem>> -> memref<128xi32, #tpu.memory_space<vmem>>
        %dma_wait3A_200 = arith.constant 0 : i32
        %dma_wait3A_201 = arith.constant 0 : i32
        %dma_wait3A_202 = tpu.memref_slice %arg13[%dma_wait3A_200, %dma_wait3A_201] : memref<10112x128xf32, #tpu.memory_space<vmem_shared>> -> memref<10112x128xf32, #tpu.memory_space<vmem_shared>>
        tpu.wait_indirect_dma semaphore(%run_scoped3A : memref<!tpu.dma_semaphore, #tpu.memory_space<semaphore_mem>>) src(%arg11 : memref<128x128xf32, #tpu.memory_space<vmem>>) dst(%dma_wait3A_202 : memref<10112x128xf32, #tpu.memory_space<vmem_shared>>)
        tpu.yield
      }) : () -> ()
    } else {
    }
    %jit3A_89 = arith.constant 2 : i32
    %div3A_90 = arith.divsi %select_n3A, %jit3A_89 : i32
    %sign3A_91 = arith.constant 0 : i32
    %sign3A_92 = arith.cmpi sgt, %select_n3A, %sign3A_91 : i32
    %sign3A_93 = arith.extui %sign3A_92 : i1 to i32
    %sign3A_94 = arith.constant 0 : i32
    %sign3A_95 = arith.cmpi slt, %select_n3A, %sign3A_94 : i32
    %sign3A_96 = arith.extui %sign3A_95 : i1 to i32
    %sign3A_97 = arith.subi %sign3A_93, %sign3A_96 : i32
    %sign3A_98 = arith.constant 0 : i32
    %sign3A_99 = arith.cmpi sgt, %jit3A_89, %sign3A_98 : i32
    %sign3A_100 = arith.extui %sign3A_99 : i1 to i32
    %sign3A_101 = arith.constant 0 : i32
    %sign3A_102 = arith.cmpi slt, %jit3A_89, %sign3A_101 : i32
    %sign3A_103 = arith.extui %sign3A_102 : i1 to i32
    %sign3A_104 = arith.subi %sign3A_100, %sign3A_103 : i32
    %ne3A_105 = arith.cmpi ne, %sign3A_97, %sign3A_104 : i32
    %rem3A_106 = arith.remsi %select_n3A, %jit3A_89 : i32
    %ne3A_107 = arith.constant 0 : i32
    %ne3A_108 = arith.cmpi ne, %rem3A_106, %ne3A_107 : i32
    %and3A_109 = arith.andi %ne3A_105, %ne3A_108 : i1
    %sub3A_110 = arith.constant 1 : i32
    %sub3A_111 = arith.subi %div3A_90, %sub3A_110 : i32
    %select_n3A_112 = arith.select %and3A_109, %sub3A_111, %div3A_90 : i32
    "tpu.region"() ({
      %run_scoped3A = tpu.sem_alloc : memref<!tpu.dma_semaphore, #tpu.memory_space<semaphore_mem>>
      %dma_start3A_189 = arith.constant 0 : i32
      %dma_start3A_190 = arith.constant 0 : i32
      %dma_start3A_191 = tpu.memref_slice %arg4[%add3A, %dma_start3A_189, %dma_start3A_190] : memref<32x63x128xi32, #tpu.memory_space<hbm>> -> memref<1x63x128xi32, #tpu.memory_space<hbm>>
      %dma_start3A_192 = tpu.memref_squeeze %dma_start3A_191 : memref<1x63x128xi32, #tpu.memory_space<hbm>> -> memref<63x128xi32, #tpu.memory_space<hbm>>
      %dma_start3A_193 = arith.constant 0 : i32
      %dma_start3A_194 = arith.constant 0 : i32
      %dma_start3A_195 = tpu.memref_slice %arg4[%add3A, %dma_start3A_193, %dma_start3A_194] : memref<32x63x128xi32, #tpu.memory_space<hbm>> -> memref<1x63x128xi32, #tpu.memory_space<hbm>>
      %dma_start3A_196 = tpu.memref_squeeze %dma_start3A_195 : memref<1x63x128xi32, #tpu.memory_space<hbm>> -> memref<63x128xi32, #tpu.memory_space<hbm>>
      tpu.enqueue_dma source(%dma_start3A_196 : memref<63x128xi32, #tpu.memory_space<hbm>>) target(%arg9 : memref<63x128xi32, #tpu.memory_space<vmem>>) target_semaphore(%run_scoped3A : memref<!tpu.dma_semaphore, #tpu.memory_space<semaphore_mem>>)
      %dma_wait3A_197 = arith.constant 0 : i32
      %dma_wait3A_198 = arith.constant 0 : i32
      %dma_wait3A_199 = tpu.memref_slice %arg4[%add3A, %dma_wait3A_197, %dma_wait3A_198] : memref<32x63x128xi32, #tpu.memory_space<hbm>> -> memref<1x63x128xi32, #tpu.memory_space<hbm>>
      %dma_wait3A_200 = tpu.memref_squeeze %dma_wait3A_199 : memref<1x63x128xi32, #tpu.memory_space<hbm>> -> memref<63x128xi32, #tpu.memory_space<hbm>>
      %dma_wait3A_201 = arith.constant 0 : i32
      %dma_wait3A_202 = arith.constant 0 : i32
      %dma_wait3A_203 = tpu.memref_slice %arg4[%add3A, %dma_wait3A_201, %dma_wait3A_202] : memref<32x63x128xi32, #tpu.memory_space<hbm>> -> memref<1x63x128xi32, #tpu.memory_space<hbm>>
      %dma_wait3A_204 = tpu.memref_squeeze %dma_wait3A_203 : memref<1x63x128xi32, #tpu.memory_space<hbm>> -> memref<63x128xi32, #tpu.memory_space<hbm>>
      tpu.wait_dma2 semaphore(%run_scoped3A : memref<!tpu.dma_semaphore, #tpu.memory_space<semaphore_mem>>) src(%dma_wait3A_204 : memref<63x128xi32, #tpu.memory_space<hbm>>) dst(%arg9 : memref<63x128xi32, #tpu.memory_space<vmem>>)
      tpu.yield
    }) : () -> ()
    "tpu.region"() ({
      %run_scoped3A = tpu.sem_alloc : memref<!tpu.dma_semaphore, #tpu.memory_space<semaphore_mem>>
      %dma_start3A_189 = arith.constant 0 : i32
      %dma_start3A_190 = arith.constant 0 : i32
      %dma_start3A_191 = tpu.memref_slice %arg6[%add3A, %dma_start3A_189, %dma_start3A_190] : memref<32x63x128xi32, #tpu.memory_space<hbm>> -> memref<1x63x128xi32, #tpu.memory_space<hbm>>
      %dma_start3A_192 = tpu.memref_squeeze %dma_start3A_191 : memref<1x63x128xi32, #tpu.memory_space<hbm>> -> memref<63x128xi32, #tpu.memory_space<hbm>>
      %dma_start3A_193 = arith.constant 0 : i32
      %dma_start3A_194 = arith.constant 0 : i32
      %dma_start3A_195 = tpu.memref_slice %arg6[%add3A, %dma_start3A_193, %dma_start3A_194] : memref<32x63x128xi32, #tpu.memory_space<hbm>> -> memref<1x63x128xi32, #tpu.memory_space<hbm>>
      %dma_start3A_196 = tpu.memref_squeeze %dma_start3A_195 : memref<1x63x128xi32, #tpu.memory_space<hbm>> -> memref<63x128xi32, #tpu.memory_space<hbm>>
      tpu.enqueue_dma source(%dma_start3A_196 : memref<63x128xi32, #tpu.memory_space<hbm>>) target(%arg10 : memref<63x128xi32, #tpu.memory_space<vmem>>) target_semaphore(%run_scoped3A : memref<!tpu.dma_semaphore, #tpu.memory_space<semaphore_mem>>)
      %dma_wait3A_197 = arith.constant 0 : i32
      %dma_wait3A_198 = arith.constant 0 : i32
      %dma_wait3A_199 = tpu.memref_slice %arg6[%add3A, %dma_wait3A_197, %dma_wait3A_198] : memref<32x63x128xi32, #tpu.memory_space<hbm>> -> memref<1x63x128xi32, #tpu.memory_space<hbm>>
      %dma_wait3A_200 = tpu.memref_squeeze %dma_wait3A_199 : memref<1x63x128xi32, #tpu.memory_space<hbm>> -> memref<63x128xi32, #tpu.memory_space<hbm>>
      %dma_wait3A_201 = arith.constant 0 : i32
      %dma_wait3A_202 = arith.constant 0 : i32
      %dma_wait3A_203 = tpu.memref_slice %arg6[%add3A, %dma_wait3A_201, %dma_wait3A_202] : memref<32x63x128xi32, #tpu.memory_space<hbm>> -> memref<1x63x128xi32, #tpu.memory_space<hbm>>
      %dma_wait3A_204 = tpu.memref_squeeze %dma_wait3A_203 : memref<1x63x128xi32, #tpu.memory_space<hbm>> -> memref<63x128xi32, #tpu.memory_space<hbm>>
      tpu.wait_dma2 semaphore(%run_scoped3A : memref<!tpu.dma_semaphore, #tpu.memory_space<semaphore_mem>>) src(%dma_wait3A_204 : memref<63x128xi32, #tpu.memory_space<hbm>>) dst(%arg10 : memref<63x128xi32, #tpu.memory_space<vmem>>)
      tpu.yield
    }) : () -> ()
    %dma_start3A_113 = arith.constant 0 : i32
    %dma_start3A_114 = arith.constant 0 : i32
    %dma_start3A_115 = tpu.memref_slice %arg9[%dma_start3A_113, %dma_start3A_114] : memref<63x128xi32, #tpu.memory_space<vmem>> -> memref<1x128xi32, #tpu.memory_space<vmem>>
    %dma_start3A_116 = tpu.memref_squeeze %dma_start3A_115 : memref<1x128xi32, #tpu.memory_space<vmem>> -> memref<128xi32, #tpu.memory_space<vmem>>
    %dma_start3A_117 = arith.constant 0 : i32
    %dma_start3A_118 = arith.constant 0 : i32
    %dma_start3A_119 = tpu.memref_slice %arg2[%dma_start3A_117, %dma_start3A_118] : memref<10000x128xf32, #tpu.memory_space<hbm>> -> memref<10000x128xf32, #tpu.memory_space<hbm>>
    tpu.enqueue_indirect_dma source(%dma_start3A_119 : memref<10000x128xf32, #tpu.memory_space<hbm>>) target(%arg11 : memref<128x128xf32, #tpu.memory_space<vmem>>) offsets(%dma_start3A_116 : memref<128xi32, #tpu.memory_space<vmem>>) semaphore(%arg14 : memref<!tpu.dma_semaphore, #tpu.memory_space<semaphore_mem>>)
    %jit3A_120 = arith.constant 2 : i32
    %div3A_121 = arith.divsi %select_n3A_112, %jit3A_120 : i32
    %sign3A_122 = arith.constant 0 : i32
    %sign3A_123 = arith.cmpi sgt, %select_n3A_112, %sign3A_122 : i32
    %sign3A_124 = arith.extui %sign3A_123 : i1 to i32
    %sign3A_125 = arith.constant 0 : i32
    %sign3A_126 = arith.cmpi slt, %select_n3A_112, %sign3A_125 : i32
    %sign3A_127 = arith.extui %sign3A_126 : i1 to i32
    %sign3A_128 = arith.subi %sign3A_124, %sign3A_127 : i32
    %sign3A_129 = arith.constant 0 : i32
    %sign3A_130 = arith.cmpi sgt, %jit3A_120, %sign3A_129 : i32
    %sign3A_131 = arith.extui %sign3A_130 : i1 to i32
    %sign3A_132 = arith.constant 0 : i32
    %sign3A_133 = arith.cmpi slt, %jit3A_120, %sign3A_132 : i32
    %sign3A_134 = arith.extui %sign3A_133 : i1 to i32
    %sign3A_135 = arith.subi %sign3A_131, %sign3A_134 : i32
    %ne3A_136 = arith.cmpi ne, %sign3A_128, %sign3A_135 : i32
    %rem3A_137 = arith.remsi %select_n3A_112, %jit3A_120 : i32
    %ne3A_138 = arith.constant 0 : i32
    %ne3A_139 = arith.cmpi ne, %rem3A_137, %ne3A_138 : i32
    %and3A_140 = arith.andi %ne3A_136, %ne3A_139 : i1
    %sub3A_141 = arith.constant 1 : i32
    %sub3A_142 = arith.subi %div3A_121, %sub3A_141 : i32
    %select_n3A_143 = arith.select %and3A_140, %sub3A_142, %div3A_121 : i32
    %while3A_144 = arith.constant 0 : i32
    %while3A_145 = arith.constant 0 : i32
    %while3A_146 = arith.subi %select_n3A_143, %while3A_145 : i32
    %while3A_147 = arith.addi %while3A_145, %while3A_146 : i32
    %while3A_148 = arith.constant 1 : i32
    %while3A_149 = arith.divsi %while3A_146, %while3A_148 : i32
    %while3A_150 = arith.muli %while3A_149, %while3A_148 : i32
    %while3A_151 = arith.addi %while3A_145, %while3A_150 : i32
    %while3A_152 = arith.constant 1 : i32
    scf.for %while3A_189 = %while3A_145 to %while3A_151 step %while3A_152  : i32 {
      %mul3A_190 = arith.constant 2 : i32
      %mul3A_191 = arith.muli %mul3A_190, %while3A_189 : i32
      %add3A_192 = arith.constant 1 : i32
      %add3A_193 = arith.addi %mul3A_191, %add3A_192 : i32
      %dma_start3A_194 = arith.constant 0 : i32
      %dma_start3A_195 = tpu.memref_slice %arg9[%add3A_193, %dma_start3A_194] : memref<63x128xi32, #tpu.memory_space<vmem>> -> memref<1x128xi32, #tpu.memory_space<vmem>>
      %dma_start3A_196 = tpu.memref_squeeze %dma_start3A_195 : memref<1x128xi32, #tpu.memory_space<vmem>> -> memref<128xi32, #tpu.memory_space<vmem>>
      %dma_start3A_197 = arith.constant 0 : i32
      %dma_start3A_198 = arith.constant 0 : i32
      %dma_start3A_199 = tpu.memref_slice %arg2[%dma_start3A_197, %dma_start3A_198] : memref<10000x128xf32, #tpu.memory_space<hbm>> -> memref<10000x128xf32, #tpu.memory_space<hbm>>
      tpu.enqueue_indirect_dma source(%dma_start3A_199 : memref<10000x128xf32, #tpu.memory_space<hbm>>) target(%arg12 : memref<128x128xf32, #tpu.memory_space<vmem>>) offsets(%dma_start3A_196 : memref<128xi32, #tpu.memory_space<vmem>>) semaphore(%arg15 : memref<!tpu.dma_semaphore, #tpu.memory_space<semaphore_mem>>)
      %dma_wait3A_200 = arith.constant 0 : i32
      %dma_wait3A_201 = arith.constant 0 : i32
      %dma_wait3A_202 = tpu.memref_slice %arg2[%dma_wait3A_200, %dma_wait3A_201] : memref<10000x128xf32, #tpu.memory_space<hbm>> -> memref<128x128xf32, #tpu.memory_space<hbm>>
      %dma_wait3A_203 = arith.constant 0 : i32
      %dma_wait3A_204 = arith.constant 0 : i32
      %dma_wait3A_205 = tpu.memref_slice %arg2[%dma_wait3A_203, %dma_wait3A_204] : memref<10000x128xf32, #tpu.memory_space<hbm>> -> memref<128x128xf32, #tpu.memory_space<hbm>>
      tpu.wait_dma2 semaphore(%arg14 : memref<!tpu.dma_semaphore, #tpu.memory_space<semaphore_mem>>) src(%dma_wait3A_205 : memref<128x128xf32, #tpu.memory_space<hbm>>) dst(%arg11 : memref<128x128xf32, #tpu.memory_space<vmem>>)
      "tpu.region"() ({
        %run_scoped3A = tpu.sem_alloc : memref<!tpu.dma_semaphore, #tpu.memory_space<semaphore_mem>>
        %dma_start3A_224 = arith.constant 0 : i32
        %dma_start3A_225 = tpu.memref_slice %arg10[%mul3A_191, %dma_start3A_224] : memref<63x128xi32, #tpu.memory_space<vmem>> -> memref<1x128xi32, #tpu.memory_space<vmem>>
        %dma_start3A_226 = tpu.memref_squeeze %dma_start3A_225 : memref<1x128xi32, #tpu.memory_space<vmem>> -> memref<128xi32, #tpu.memory_space<vmem>>
        %dma_start3A_227 = arith.constant 0 : i32
        %dma_start3A_228 = arith.constant 0 : i32
        %dma_start3A_229 = tpu.memref_slice %arg13[%dma_start3A_227, %dma_start3A_228] : memref<10112x128xf32, #tpu.memory_space<vmem_shared>> -> memref<10112x128xf32, #tpu.memory_space<vmem_shared>>
        tpu.enqueue_indirect_dma source(%arg11 : memref<128x128xf32, #tpu.memory_space<vmem>>) target(%dma_start3A_229 : memref<10112x128xf32, #tpu.memory_space<vmem_shared>>) offsets(%dma_start3A_226 : memref<128xi32, #tpu.memory_space<vmem>>) semaphore(%run_scoped3A : memref<!tpu.dma_semaphore, #tpu.memory_space<semaphore_mem>>) {add = true}
        %dma_wait3A_230 = arith.constant 0 : i32
        %dma_wait3A_231 = tpu.memref_slice %arg10[%mul3A_191, %dma_wait3A_230] : memref<63x128xi32, #tpu.memory_space<vmem>> -> memref<1x128xi32, #tpu.memory_space<vmem>>
        %dma_wait3A_232 = tpu.memref_squeeze %dma_wait3A_231 : memref<1x128xi32, #tpu.memory_space<vmem>> -> memref<128xi32, #tpu.memory_space<vmem>>
        %dma_wait3A_233 = arith.constant 0 : i32
        %dma_wait3A_234 = arith.constant 0 : i32
        %dma_wait3A_235 = tpu.memref_slice %arg13[%dma_wait3A_233, %dma_wait3A_234] : memref<10112x128xf32, #tpu.memory_space<vmem_shared>> -> memref<10112x128xf32, #tpu.memory_space<vmem_shared>>
        tpu.wait_indirect_dma semaphore(%run_scoped3A : memref<!tpu.dma_semaphore, #tpu.memory_space<semaphore_mem>>) src(%arg11 : memref<128x128xf32, #tpu.memory_space<vmem>>) dst(%dma_wait3A_235 : memref<10112x128xf32, #tpu.memory_space<vmem_shared>>)
        tpu.yield
      }) : () -> ()
      %add3A_206 = arith.constant 2 : i32
      %add3A_207 = arith.addi %mul3A_191, %add3A_206 : i32
      %sub3A_208 = arith.constant 1 : i32
      %sub3A_209 = arith.subi %select_n3A_112, %sub3A_208 : i32
      %min3A = arith.minsi %add3A_207, %sub3A_209 : i32
      %dma_start3A_210 = arith.constant 0 : i32
      %dma_start3A_211 = tpu.memref_slice %arg9[%min3A, %dma_start3A_210] : memref<63x128xi32, #tpu.memory_space<vmem>> -> memref<1x128xi32, #tpu.memory_space<vmem>>
      %dma_start3A_212 = tpu.memref_squeeze %dma_start3A_211 : memref<1x128xi32, #tpu.memory_space<vmem>> -> memref<128xi32, #tpu.memory_space<vmem>>
      %dma_start3A_213 = arith.constant 0 : i32
      %dma_start3A_214 = arith.constant 0 : i32
      %dma_start3A_215 = tpu.memref_slice %arg2[%dma_start3A_213, %dma_start3A_214] : memref<10000x128xf32, #tpu.memory_space<hbm>> -> memref<10000x128xf32, #tpu.memory_space<hbm>>
      tpu.enqueue_indirect_dma source(%dma_start3A_215 : memref<10000x128xf32, #tpu.memory_space<hbm>>) target(%arg11 : memref<128x128xf32, #tpu.memory_space<vmem>>) offsets(%dma_start3A_212 : memref<128xi32, #tpu.memory_space<vmem>>) semaphore(%arg14 : memref<!tpu.dma_semaphore, #tpu.memory_space<semaphore_mem>>)
      %dma_wait3A_216 = arith.constant 0 : i32
      %dma_wait3A_217 = arith.constant 0 : i32
      %dma_wait3A_218 = tpu.memref_slice %arg2[%dma_wait3A_216, %dma_wait3A_217] : memref<10000x128xf32, #tpu.memory_space<hbm>> -> memref<128x128xf32, #tpu.memory_space<hbm>>
      %dma_wait3A_219 = arith.constant 0 : i32
      %dma_wait3A_220 = arith.constant 0 : i32
      %dma_wait3A_221 = tpu.memref_slice %arg2[%dma_wait3A_219, %dma_wait3A_220] : memref<10000x128xf32, #tpu.memory_space<hbm>> -> memref<128x128xf32, #tpu.memory_space<hbm>>
      tpu.wait_dma2 semaphore(%arg15 : memref<!tpu.dma_semaphore, #tpu.memory_space<semaphore_mem>>) src(%dma_wait3A_221 : memref<128x128xf32, #tpu.memory_space<hbm>>) dst(%arg12 : memref<128x128xf32, #tpu.memory_space<vmem>>)
      %add3A_222 = arith.constant 1 : i32
      %add3A_223 = arith.addi %mul3A_191, %add3A_222 : i32
      "tpu.region"() ({
        %run_scoped3A = tpu.sem_alloc : memref<!tpu.dma_semaphore, #tpu.memory_space<semaphore_mem>>
        %dma_start3A_224 = arith.constant 0 : i32
        %dma_start3A_225 = tpu.memref_slice %arg10[%add3A_223, %dma_start3A_224] : memref<63x128xi32, #tpu.memory_space<vmem>> -> memref<1x128xi32, #tpu.memory_space<vmem>>
        %dma_start3A_226 = tpu.memref_squeeze %dma_start3A_225 : memref<1x128xi32, #tpu.memory_space<vmem>> -> memref<128xi32, #tpu.memory_space<vmem>>
        %dma_start3A_227 = arith.constant 0 : i32
        %dma_start3A_228 = arith.constant 0 : i32
        %dma_start3A_229 = tpu.memref_slice %arg13[%dma_start3A_227, %dma_start3A_228] : memref<10112x128xf32, #tpu.memory_space<vmem_shared>> -> memref<10112x128xf32, #tpu.memory_space<vmem_shared>>
        tpu.enqueue_indirect_dma source(%arg12 : memref<128x128xf32, #tpu.memory_space<vmem>>) target(%dma_start3A_229 : memref<10112x128xf32, #tpu.memory_space<vmem_shared>>) offsets(%dma_start3A_226 : memref<128xi32, #tpu.memory_space<vmem>>) semaphore(%run_scoped3A : memref<!tpu.dma_semaphore, #tpu.memory_space<semaphore_mem>>) {add = true}
        %dma_wait3A_230 = arith.constant 0 : i32
        %dma_wait3A_231 = tpu.memref_slice %arg10[%add3A_223, %dma_wait3A_230] : memref<63x128xi32, #tpu.memory_space<vmem>> -> memref<1x128xi32, #tpu.memory_space<vmem>>
        %dma_wait3A_232 = tpu.memref_squeeze %dma_wait3A_231 : memref<1x128xi32, #tpu.memory_space<vmem>> -> memref<128xi32, #tpu.memory_space<vmem>>
        %dma_wait3A_233 = arith.constant 0 : i32
        %dma_wait3A_234 = arith.constant 0 : i32
        %dma_wait3A_235 = tpu.memref_slice %arg13[%dma_wait3A_233, %dma_wait3A_234] : memref<10112x128xf32, #tpu.memory_space<vmem_shared>> -> memref<10112x128xf32, #tpu.memory_space<vmem_shared>>
        tpu.wait_indirect_dma semaphore(%run_scoped3A : memref<!tpu.dma_semaphore, #tpu.memory_space<semaphore_mem>>) src(%arg12 : memref<128x128xf32, #tpu.memory_space<vmem>>) dst(%dma_wait3A_235 : memref<10112x128xf32, #tpu.memory_space<vmem_shared>>)
        tpu.yield
      }) : () -> ()
    }
    %while3A_153 = arith.constant 1 : i32
    scf.for %while3A_189 = %while3A_151 to %while3A_147 step %while3A_153  : i32 {
      %mul3A_190 = arith.constant 2 : i32
      %mul3A_191 = arith.muli %mul3A_190, %while3A_189 : i32
      %add3A_192 = arith.constant 1 : i32
      %add3A_193 = arith.addi %mul3A_191, %add3A_192 : i32
      %dma_start3A_194 = arith.constant 0 : i32
      %dma_start3A_195 = tpu.memref_slice %arg9[%add3A_193, %dma_start3A_194] : memref<63x128xi32, #tpu.memory_space<vmem>> -> memref<1x128xi32, #tpu.memory_space<vmem>>
      %dma_start3A_196 = tpu.memref_squeeze %dma_start3A_195 : memref<1x128xi32, #tpu.memory_space<vmem>> -> memref<128xi32, #tpu.memory_space<vmem>>
      %dma_start3A_197 = arith.constant 0 : i32
      %dma_start3A_198 = arith.constant 0 : i32
      %dma_start3A_199 = tpu.memref_slice %arg2[%dma_start3A_197, %dma_start3A_198] : memref<10000x128xf32, #tpu.memory_space<hbm>> -> memref<10000x128xf32, #tpu.memory_space<hbm>>
      tpu.enqueue_indirect_dma source(%dma_start3A_199 : memref<10000x128xf32, #tpu.memory_space<hbm>>) target(%arg12 : memref<128x128xf32, #tpu.memory_space<vmem>>) offsets(%dma_start3A_196 : memref<128xi32, #tpu.memory_space<vmem>>) semaphore(%arg15 : memref<!tpu.dma_semaphore, #tpu.memory_space<semaphore_mem>>)
      %dma_wait3A_200 = arith.constant 0 : i32
      %dma_wait3A_201 = arith.constant 0 : i32
      %dma_wait3A_202 = tpu.memref_slice %arg2[%dma_wait3A_200, %dma_wait3A_201] : memref<10000x128xf32, #tpu.memory_space<hbm>> -> memref<128x128xf32, #tpu.memory_space<hbm>>
      %dma_wait3A_203 = arith.constant 0 : i32
      %dma_wait3A_204 = arith.constant 0 : i32
      %dma_wait3A_205 = tpu.memref_slice %arg2[%dma_wait3A_203, %dma_wait3A_204] : memref<10000x128xf32, #tpu.memory_space<hbm>> -> memref<128x128xf32, #tpu.memory_space<hbm>>
      tpu.wait_dma2 semaphore(%arg14 : memref<!tpu.dma_semaphore, #tpu.memory_space<semaphore_mem>>) src(%dma_wait3A_205 : memref<128x128xf32, #tpu.memory_space<hbm>>) dst(%arg11 : memref<128x128xf32, #tpu.memory_space<vmem>>)
      "tpu.region"() ({
        %run_scoped3A = tpu.sem_alloc : memref<!tpu.dma_semaphore, #tpu.memory_space<semaphore_mem>>
        %dma_start3A_224 = arith.constant 0 : i32
        %dma_start3A_225 = tpu.memref_slice %arg10[%mul3A_191, %dma_start3A_224] : memref<63x128xi32, #tpu.memory_space<vmem>> -> memref<1x128xi32, #tpu.memory_space<vmem>>
        %dma_start3A_226 = tpu.memref_squeeze %dma_start3A_225 : memref<1x128xi32, #tpu.memory_space<vmem>> -> memref<128xi32, #tpu.memory_space<vmem>>
        %dma_start3A_227 = arith.constant 0 : i32
        %dma_start3A_228 = arith.constant 0 : i32
        %dma_start3A_229 = tpu.memref_slice %arg13[%dma_start3A_227, %dma_start3A_228] : memref<10112x128xf32, #tpu.memory_space<vmem_shared>> -> memref<10112x128xf32, #tpu.memory_space<vmem_shared>>
        tpu.enqueue_indirect_dma source(%arg11 : memref<128x128xf32, #tpu.memory_space<vmem>>) target(%dma_start3A_229 : memref<10112x128xf32, #tpu.memory_space<vmem_shared>>) offsets(%dma_start3A_226 : memref<128xi32, #tpu.memory_space<vmem>>) semaphore(%run_scoped3A : memref<!tpu.dma_semaphore, #tpu.memory_space<semaphore_mem>>) {add = true}
        %dma_wait3A_230 = arith.constant 0 : i32
        %dma_wait3A_231 = tpu.memref_slice %arg10[%mul3A_191, %dma_wait3A_230] : memref<63x128xi32, #tpu.memory_space<vmem>> -> memref<1x128xi32, #tpu.memory_space<vmem>>
        %dma_wait3A_232 = tpu.memref_squeeze %dma_wait3A_231 : memref<1x128xi32, #tpu.memory_space<vmem>> -> memref<128xi32, #tpu.memory_space<vmem>>
        %dma_wait3A_233 = arith.constant 0 : i32
        %dma_wait3A_234 = arith.constant 0 : i32
        %dma_wait3A_235 = tpu.memref_slice %arg13[%dma_wait3A_233, %dma_wait3A_234] : memref<10112x128xf32, #tpu.memory_space<vmem_shared>> -> memref<10112x128xf32, #tpu.memory_space<vmem_shared>>
        tpu.wait_indirect_dma semaphore(%run_scoped3A : memref<!tpu.dma_semaphore, #tpu.memory_space<semaphore_mem>>) src(%arg11 : memref<128x128xf32, #tpu.memory_space<vmem>>) dst(%dma_wait3A_235 : memref<10112x128xf32, #tpu.memory_space<vmem_shared>>)
        tpu.yield
      }) : () -> ()
      %add3A_206 = arith.constant 2 : i32
      %add3A_207 = arith.addi %mul3A_191, %add3A_206 : i32
      %sub3A_208 = arith.constant 1 : i32
      %sub3A_209 = arith.subi %select_n3A_112, %sub3A_208 : i32
      %min3A = arith.minsi %add3A_207, %sub3A_209 : i32
      %dma_start3A_210 = arith.constant 0 : i32
      %dma_start3A_211 = tpu.memref_slice %arg9[%min3A, %dma_start3A_210] : memref<63x128xi32, #tpu.memory_space<vmem>> -> memref<1x128xi32, #tpu.memory_space<vmem>>
      %dma_start3A_212 = tpu.memref_squeeze %dma_start3A_211 : memref<1x128xi32, #tpu.memory_space<vmem>> -> memref<128xi32, #tpu.memory_space<vmem>>
      %dma_start3A_213 = arith.constant 0 : i32
      %dma_start3A_214 = arith.constant 0 : i32
      %dma_start3A_215 = tpu.memref_slice %arg2[%dma_start3A_213, %dma_start3A_214] : memref<10000x128xf32, #tpu.memory_space<hbm>> -> memref<10000x128xf32, #tpu.memory_space<hbm>>
      tpu.enqueue_indirect_dma source(%dma_start3A_215 : memref<10000x128xf32, #tpu.memory_space<hbm>>) target(%arg11 : memref<128x128xf32, #tpu.memory_space<vmem>>) offsets(%dma_start3A_212 : memref<128xi32, #tpu.memory_space<vmem>>) semaphore(%arg14 : memref<!tpu.dma_semaphore, #tpu.memory_space<semaphore_mem>>)
      %dma_wait3A_216 = arith.constant 0 : i32
      %dma_wait3A_217 = arith.constant 0 : i32
      %dma_wait3A_218 = tpu.memref_slice %arg2[%dma_wait3A_216, %dma_wait3A_217] : memref<10000x128xf32, #tpu.memory_space<hbm>> -> memref<128x128xf32, #tpu.memory_space<hbm>>
      %dma_wait3A_219 = arith.constant 0 : i32
      %dma_wait3A_220 = arith.constant 0 : i32
      %dma_wait3A_221 = tpu.memref_slice %arg2[%dma_wait3A_219, %dma_wait3A_220] : memref<10000x128xf32, #tpu.memory_space<hbm>> -> memref<128x128xf32, #tpu.memory_space<hbm>>
      tpu.wait_dma2 semaphore(%arg15 : memref<!tpu.dma_semaphore, #tpu.memory_space<semaphore_mem>>) src(%dma_wait3A_221 : memref<128x128xf32, #tpu.memory_space<hbm>>) dst(%arg12 : memref<128x128xf32, #tpu.memory_space<vmem>>)
      %add3A_222 = arith.constant 1 : i32
      %add3A_223 = arith.addi %mul3A_191, %add3A_222 : i32
      "tpu.region"() ({
        %run_scoped3A = tpu.sem_alloc : memref<!tpu.dma_semaphore, #tpu.memory_space<semaphore_mem>>
        %dma_start3A_224 = arith.constant 0 : i32
        %dma_start3A_225 = tpu.memref_slice %arg10[%add3A_223, %dma_start3A_224] : memref<63x128xi32, #tpu.memory_space<vmem>> -> memref<1x128xi32, #tpu.memory_space<vmem>>
        %dma_start3A_226 = tpu.memref_squeeze %dma_start3A_225 : memref<1x128xi32, #tpu.memory_space<vmem>> -> memref<128xi32, #tpu.memory_space<vmem>>
        %dma_start3A_227 = arith.constant 0 : i32
        %dma_start3A_228 = arith.constant 0 : i32
        %dma_start3A_229 = tpu.memref_slice %arg13[%dma_start3A_227, %dma_start3A_228] : memref<10112x128xf32, #tpu.memory_space<vmem_shared>> -> memref<10112x128xf32, #tpu.memory_space<vmem_shared>>
        tpu.enqueue_indirect_dma source(%arg12 : memref<128x128xf32, #tpu.memory_space<vmem>>) target(%dma_start3A_229 : memref<10112x128xf32, #tpu.memory_space<vmem_shared>>) offsets(%dma_start3A_226 : memref<128xi32, #tpu.memory_space<vmem>>) semaphore(%run_scoped3A : memref<!tpu.dma_semaphore, #tpu.memory_space<semaphore_mem>>) {add = true}
        %dma_wait3A_230 = arith.constant 0 : i32
        %dma_wait3A_231 = tpu.memref_slice %arg10[%add3A_223, %dma_wait3A_230] : memref<63x128xi32, #tpu.memory_space<vmem>> -> memref<1x128xi32, #tpu.memory_space<vmem>>
        %dma_wait3A_232 = tpu.memref_squeeze %dma_wait3A_231 : memref<1x128xi32, #tpu.memory_space<vmem>> -> memref<128xi32, #tpu.memory_space<vmem>>
        %dma_wait3A_233 = arith.constant 0 : i32
        %dma_wait3A_234 = arith.constant 0 : i32
        %dma_wait3A_235 = tpu.memref_slice %arg13[%dma_wait3A_233, %dma_wait3A_234] : memref<10112x128xf32, #tpu.memory_space<vmem_shared>> -> memref<10112x128xf32, #tpu.memory_space<vmem_shared>>
        tpu.wait_indirect_dma semaphore(%run_scoped3A : memref<!tpu.dma_semaphore, #tpu.memory_space<semaphore_mem>>) src(%arg12 : memref<128x128xf32, #tpu.memory_space<vmem>>) dst(%dma_wait3A_235 : memref<10112x128xf32, #tpu.memory_space<vmem_shared>>)
        tpu.yield
      }) : () -> ()
    }
    %dma_wait3A_154 = arith.constant 0 : i32
    %dma_wait3A_155 = arith.constant 0 : i32
    %dma_wait3A_156 = tpu.memref_slice %arg2[%dma_wait3A_154, %dma_wait3A_155] : memref<10000x128xf32, #tpu.memory_space<hbm>> -> memref<128x128xf32, #tpu.memory_space<hbm>>
    %dma_wait3A_157 = arith.constant 0 : i32
    %dma_wait3A_158 = arith.constant 0 : i32
    %dma_wait3A_159 = tpu.memref_slice %arg2[%dma_wait3A_157, %dma_wait3A_158] : memref<10000x128xf32, #tpu.memory_space<hbm>> -> memref<128x128xf32, #tpu.memory_space<hbm>>
    tpu.wait_dma2 semaphore(%arg14 : memref<!tpu.dma_semaphore, #tpu.memory_space<semaphore_mem>>) src(%dma_wait3A_159 : memref<128x128xf32, #tpu.memory_space<hbm>>) dst(%arg11 : memref<128x128xf32, #tpu.memory_space<vmem>>)
    %jit3A_160 = arith.constant 2 : i32
    %eq3A_161 = arith.constant 0 : i32
    %eq3A_162 = arith.cmpi eq, %jit3A_160, %eq3A_161 : i32
    %jit3A_163 = arith.constant 1 : i32
    %select_n3A_164 = arith.select %eq3A_162, %jit3A_163, %jit3A_160 : i32
    %rem3A_165 = arith.remsi %select_n3A_112, %select_n3A_164 : i32
    %ne3A_166 = arith.constant 0 : i32
    %ne3A_167 = arith.cmpi ne, %rem3A_165, %ne3A_166 : i32
    %lt3A_168 = arith.constant 0 : i32
    %lt3A_169 = arith.cmpi slt, %rem3A_165, %lt3A_168 : i32
    %lt3A_170 = arith.constant 0 : i32
    %lt3A_171 = arith.cmpi slt, %select_n3A_164, %lt3A_170 : i32
    %ne3A_172 = arith.xori %lt3A_169, %lt3A_171 : i1
    %and3A_173 = arith.andi %ne3A_172, %ne3A_167 : i1
    %add3A_174 = arith.addi %rem3A_165, %select_n3A_164 : i32
    %select_n3A_175 = arith.select %and3A_173, %add3A_174, %rem3A_165 : i32
    %eq3A_176 = arith.constant 1 : i32
    %eq3A_177 = arith.cmpi eq, %select_n3A_175, %eq3A_176 : i32
    %convert_element_type3A_178 = arith.extui %eq3A_177 : i1 to i32
    %cond3A_179 = arith.constant 0 : i32
    %cond3A_180 = arith.cmpi ne, %convert_element_type3A_178, %cond3A_179 : i32
    scf.if %cond3A_180 {
      %sub3A_189 = arith.constant 1 : i32
      %sub3A_190 = arith.subi %select_n3A_112, %sub3A_189 : i32
      "tpu.region"() ({
        %run_scoped3A = tpu.sem_alloc : memref<!tpu.dma_semaphore, #tpu.memory_space<semaphore_mem>>
        %dma_start3A_191 = arith.constant 0 : i32
        %dma_start3A_192 = tpu.memref_slice %arg10[%sub3A_190, %dma_start3A_191] : memref<63x128xi32, #tpu.memory_space<vmem>> -> memref<1x128xi32, #tpu.memory_space<vmem>>
        %dma_start3A_193 = tpu.memref_squeeze %dma_start3A_192 : memref<1x128xi32, #tpu.memory_space<vmem>> -> memref<128xi32, #tpu.memory_space<vmem>>
        %dma_start3A_194 = arith.constant 0 : i32
        %dma_start3A_195 = arith.constant 0 : i32
        %dma_start3A_196 = tpu.memref_slice %arg13[%dma_start3A_194, %dma_start3A_195] : memref<10112x128xf32, #tpu.memory_space<vmem_shared>> -> memref<10112x128xf32, #tpu.memory_space<vmem_shared>>
        tpu.enqueue_indirect_dma source(%arg11 : memref<128x128xf32, #tpu.memory_space<vmem>>) target(%dma_start3A_196 : memref<10112x128xf32, #tpu.memory_space<vmem_shared>>) offsets(%dma_start3A_193 : memref<128xi32, #tpu.memory_space<vmem>>) semaphore(%run_scoped3A : memref<!tpu.dma_semaphore, #tpu.memory_space<semaphore_mem>>) {add = true}
        %dma_wait3A_197 = arith.constant 0 : i32
        %dma_wait3A_198 = tpu.memref_slice %arg10[%sub3A_190, %dma_wait3A_197] : memref<63x128xi32, #tpu.memory_space<vmem>> -> memref<1x128xi32, #tpu.memory_space<vmem>>
        %dma_wait3A_199 = tpu.memref_squeeze %dma_wait3A_198 : memref<1x128xi32, #tpu.memory_space<vmem>> -> memref<128xi32, #tpu.memory_space<vmem>>
        %dma_wait3A_200 = arith.constant 0 : i32
        %dma_wait3A_201 = arith.constant 0 : i32
        %dma_wait3A_202 = tpu.memref_slice %arg13[%dma_wait3A_200, %dma_wait3A_201] : memref<10112x128xf32, #tpu.memory_space<vmem_shared>> -> memref<10112x128xf32, #tpu.memory_space<vmem_shared>>
        tpu.wait_indirect_dma semaphore(%run_scoped3A : memref<!tpu.dma_semaphore, #tpu.memory_space<semaphore_mem>>) src(%arg11 : memref<128x128xf32, #tpu.memory_space<vmem>>) dst(%dma_wait3A_202 : memref<10112x128xf32, #tpu.memory_space<vmem_shared>>)
        tpu.yield
      }) : () -> ()
    } else {
    }
    %barrier3A_181 = arith.constant 0 : index
    tpu.barrier barrier_id(%barrier3A_181)
    %mul3A_182 = arith.constant 632 : i32
    %mul3A_183 = arith.muli %arg1, %mul3A_182 : i32
    %mul3A_184 = arith.constant 10112 : i32
    %mul3A_185 = arith.muli %arg0, %mul3A_184 : i32
    %mul3A_186 = arith.constant 632 : i32
    %mul3A_187 = arith.muli %arg1, %mul3A_186 : i32
    %add3A_188 = arith.addi %mul3A_185, %mul3A_187 : i32
    "tpu.region"() ({
      %run_scoped3A = tpu.sem_alloc : memref<!tpu.dma_semaphore, #tpu.memory_space<semaphore_mem>>
      %dma_start3A_189 = arith.constant 0 : i32
      %dma_start3A_190 = tpu.memref_slice %arg8[%add3A_188, %dma_start3A_189] : memref<20224x128xf32, #tpu.memory_space<hbm>> -> memref<632x128xf32, #tpu.memory_space<hbm>>
      %dma_start3A_191 = arith.constant 0 : i32
      %dma_start3A_192 = tpu.memref_slice %arg13[%mul3A_183, %dma_start3A_191] : memref<10112x128xf32, #tpu.memory_space<vmem_shared>> -> memref<632x128xf32, #tpu.memory_space<vmem_shared>>
      tpu.enqueue_dma source(%dma_start3A_192 : memref<632x128xf32, #tpu.memory_space<vmem_shared>>) target(%dma_start3A_190 : memref<632x128xf32, #tpu.memory_space<hbm>>) target_semaphore(%run_scoped3A : memref<!tpu.dma_semaphore, #tpu.memory_space<semaphore_mem>>)
      %dma_wait3A_193 = arith.constant 0 : i32
      %dma_wait3A_194 = tpu.memref_slice %arg8[%add3A_188, %dma_wait3A_193] : memref<20224x128xf32, #tpu.memory_space<hbm>> -> memref<632x128xf32, #tpu.memory_space<hbm>>
      %dma_wait3A_195 = arith.constant 0 : i32
      %dma_wait3A_196 = tpu.memref_slice %arg13[%mul3A_183, %dma_wait3A_195] : memref<10112x128xf32, #tpu.memory_space<vmem_shared>> -> memref<632x128xf32, #tpu.memory_space<vmem_shared>>
      tpu.wait_dma2 semaphore(%run_scoped3A : memref<!tpu.dma_semaphore, #tpu.memory_space<semaphore_mem>>) src(%dma_wait3A_196 : memref<632x128xf32, #tpu.memory_space<vmem_shared>>) dst(%dma_wait3A_194 : memref<632x128xf32, #tpu.memory_space<hbm>>)
      tpu.yield
    }) : () -> ()
    return
  }
}

#map = affine_map<(d0, d1) -> (0, 0)>
#map1 = affine_map<(d0, d1) -> (0, 0, 0)>
module attributes {stable_mosaic.version = 14 : i64} {
  func.func @body(%arg0: i32, %arg1: i32, %arg2: memref<10000x128xf32, #tpu.memory_space<hbm>>, %arg3: memref<32x63x128xi32, #tpu.memory_space<hbm>>, %arg4: memref<32x63x128xi32, #tpu.memory_space<hbm>>, %arg5: memref<32x63x128xi32, #tpu.memory_space<hbm>>, %arg6: memref<32x63x128xi32, #tpu.memory_space<hbm>>, %arg7: memref<10112x128xf32, #tpu.memory_space<hbm>>, %arg8: memref<20224x128xf32, #tpu.memory_space<hbm>>, %arg9: memref<63x128xi32, #tpu.memory_space<vmem>>, %arg10: memref<63x128xi32, #tpu.memory_space<vmem>>, %arg11: memref<128x128xf32, #tpu.memory_space<vmem>>, %arg12: memref<128x128xf32, #tpu.memory_space<vmem>>, %arg13: memref<10112x128xf32, #tpu.memory_space<vmem_shared>>, %arg14: memref<!tpu.dma_semaphore, #tpu.memory_space<semaphore_mem>>, %arg15: memref<!tpu.dma_semaphore, #tpu.memory_space<semaphore_mem>>) attributes {dimension_semantics = [#tpu.dimension_semantics<core_parallel>, #tpu.dimension_semantics<subcore_parallel>], iteration_bounds = array<i64: 2, 16>, scalar_prefetch = 0 : i64, scratch_operands = 7 : i64, tpu.core_type = #tpu.core_type<sc_vector_subcore>, window_params = [{transform_indices = #map}, {transform_indices = #map1}, {transform_indices = #map1}, {transform_indices = #map1}, {transform_indices = #map1}, {transform_indices = #map}, {transform_indices = #map}]} {
    %mul3A = arith.constant 2 : i32
    %mul3A_0 = arith.muli %arg1, %mul3A : i32
    %add3A = arith.addi %mul3A_0, %arg0 : i32
    %eq3A = arith.constant 0 : i32
    %eq3A_1 = arith.cmpi eq, %arg0, %eq3A : i32
    %jit3A = arith.constant 125 : i32
    %jit3A_2 = arith.constant 33 : i32
    %select_n3A = arith.select %eq3A_1, %jit3A, %jit3A_2 : i32
    %mul3A_3 = arith.constant 632 : i32
    %mul3A_4 = arith.muli %arg1, %mul3A_3 : i32
    %mul3A_5 = arith.constant 632 : i32
    %mul3A_6 = arith.muli %arg1, %mul3A_5 : i32
    "tpu.region"() ({
      %run_scoped3A = tpu.sem_alloc : memref<!tpu.dma_semaphore, #tpu.memory_space<semaphore_mem>>
      %dma_start3A_189 = arith.constant 0 : i32
      %dma_start3A_190 = tpu.memref_slice %arg13[%mul3A_6, %dma_start3A_189] : memref<10112x128xf32, #tpu.memory_space<vmem_shared>> -> memref<632x128xf32, #tpu.memory_space<vmem_shared>>
      %dma_start3A_191 = arith.constant 0 : i32
      %dma_start3A_192 = tpu.memref_slice %arg7[%mul3A_4, %dma_start3A_191] : memref<10112x128xf32, #tpu.memory_space<hbm>> -> memref<632x128xf32, #tpu.memory_space<hbm>>
      tpu.enqueue_dma source(%dma_start3A_192 : memref<632x128xf32, #tpu.memory_space<hbm>>) target(%dma_start3A_190 : memref<632x128xf32, #tpu.memory_space<vmem_shared>>) target_semaphore(%run_scoped3A : memref<!tpu.dma_semaphore, #tpu.memory_space<semaphore_mem>>)
      %dma_wait3A_193 = arith.constant 0 : i32
      %dma_wait3A_194 = tpu.memref_slice %arg13[%mul3A_6, %dma_wait3A_193] : memref<10112x128xf32, #tpu.memory_space<vmem_shared>> -> memref<632x128xf32, #tpu.memory_space<vmem_shared>>
      %dma_wait3A_195 = arith.constant 0 : i32
      %dma_wait3A_196 = tpu.memref_slice %arg7[%mul3A_4, %dma_wait3A_195] : memref<10112x128xf32, #tpu.memory_space<hbm>> -> memref<632x128xf32, #tpu.memory_space<hbm>>
      tpu.wait_dma2 semaphore(%run_scoped3A : memref<!tpu.dma_semaphore, #tpu.memory_space<semaphore_mem>>) src(%dma_wait3A_196 : memref<632x128xf32, #tpu.memory_space<hbm>>) dst(%dma_wait3A_194 : memref<632x128xf32, #tpu.memory_space<vmem_shared>>)
      tpu.yield
    }) : () -> ()
    %barrier3A = arith.constant 0 : index
    tpu.barrier barrier_id(%barrier3A)
    %add3A_7 = arith.constant 1 : i32
    %add3A_8 = arith.addi %select_n3A, %add3A_7 : i32
    %jit3A_9 = arith.constant 2 : i32
    %div3A = arith.divsi %add3A_8, %jit3A_9 : i32
    %sign3A = arith.constant 0 : i32
    %sign3A_10 = arith.cmpi sgt, %add3A_8, %sign3A : i32
    %sign3A_11 = arith.extui %sign3A_10 : i1 to i32
    %sign3A_12 = arith.constant 0 : i32
    %sign3A_13 = arith.cmpi slt, %add3A_8, %sign3A_12 : i32
    %sign3A_14 = arith.extui %sign3A_13 : i1 to i32
    %sign3A_15 = arith.subi %sign3A_11, %sign3A_14 : i32
    %sign3A_16 = arith.constant 0 : i32
    %sign3A_17 = arith.cmpi sgt, %jit3A_9, %sign3A_16 : i32
    %sign3A_18 = arith.extui %sign3A_17 : i1 to i32
    %sign3A_19 = arith.constant 0 : i32
    %sign3A_20 = arith.cmpi slt, %jit3A_9, %sign3A_19 : i32
    %sign3A_21 = arith.extui %sign3A_20 : i1 to i32
    %sign3A_22 = arith.subi %sign3A_18, %sign3A_21 : i32
    %ne3A = arith.cmpi ne, %sign3A_15, %sign3A_22 : i32
    %rem3A = arith.remsi %add3A_8, %jit3A_9 : i32
    %ne3A_23 = arith.constant 0 : i32
    %ne3A_24 = arith.cmpi ne, %rem3A, %ne3A_23 : i32
    %and3A = arith.andi %ne3A, %ne3A_24 : i1
    %sub3A = arith.constant 1 : i32
    %sub3A_25 = arith.subi %div3A, %sub3A : i32
    %select_n3A_26 = arith.select %and3A, %sub3A_25, %div3A : i32
    "tpu.region"() ({
      %run_scoped3A = tpu.sem_alloc : memref<!tpu.dma_semaphore, #tpu.memory_space<semaphore_mem>>
      %dma_start3A_189 = arith.constant 0 : i32
      %dma_start3A_190 = arith.constant 0 : i32
      %dma_start3A_191 = tpu.memref_slice %arg3[%add3A, %dma_start3A_189, %dma_start3A_190] : memref<32x63x128xi32, #tpu.memory_space<hbm>> -> memref<1x63x128xi32, #tpu.memory_space<hbm>>
      %dma_start3A_192 = tpu.memref_squeeze %dma_start3A_191 : memref<1x63x128xi32, #tpu.memory_space<hbm>> -> memref<63x128xi32, #tpu.memory_space<hbm>>
      %dma_start3A_193 = arith.constant 0 : i32
      %dma_start3A_194 = arith.constant 0 : i32
      %dma_start3A_195 = tpu.memref_slice %arg3[%add3A, %dma_start3A_193, %dma_start3A_194] : memref<32x63x128xi32, #tpu.memory_space<hbm>> -> memref<1x63x128xi32, #tpu.memory_space<hbm>>
      %dma_start3A_196 = tpu.memref_squeeze %dma_start3A_195 : memref<1x63x128xi32, #tpu.memory_space<hbm>> -> memref<63x128xi32, #tpu.memory_space<hbm>>
      tpu.enqueue_dma source(%dma_start3A_196 : memref<63x128xi32, #tpu.memory_space<hbm>>) target(%arg9 : memref<63x128xi32, #tpu.memory_space<vmem>>) target_semaphore(%run_scoped3A : memref<!tpu.dma_semaphore, #tpu.memory_space<semaphore_mem>>)
      %dma_wait3A_197 = arith.constant 0 : i32
      %dma_wait3A_198 = arith.constant 0 : i32
      %dma_wait3A_199 = tpu.memref_slice %arg3[%add3A, %dma_wait3A_197, %dma_wait3A_198] : memref<32x63x128xi32, #tpu.memory_space<hbm>> -> memref<1x63x128xi32, #tpu.memory_space<hbm>>
      %dma_wait3A_200 = tpu.memref_squeeze %dma_wait3A_199 : memref<1x63x128xi32, #tpu.memory_space<hbm>> -> memref<63x128xi32, #tpu.memory_space<hbm>>
      %dma_wait3A_201 = arith.constant 0 : i32
      %dma_wait3A_202 = arith.constant 0 : i32
      %dma_wait3A_203 = tpu.memref_slice %arg3[%add3A, %dma_wait3A_201, %dma_wait3A_202] : memref<32x63x128xi32, #tpu.memory_space<hbm>> -> memref<1x63x128xi32, #tpu.memory_space<hbm>>
      %dma_wait3A_204 = tpu.memref_squeeze %dma_wait3A_203 : memref<1x63x128xi32, #tpu.memory_space<hbm>> -> memref<63x128xi32, #tpu.memory_space<hbm>>
      tpu.wait_dma2 semaphore(%run_scoped3A : memref<!tpu.dma_semaphore, #tpu.memory_space<semaphore_mem>>) src(%dma_wait3A_204 : memref<63x128xi32, #tpu.memory_space<hbm>>) dst(%arg9 : memref<63x128xi32, #tpu.memory_space<vmem>>)
      tpu.yield
    }) : () -> ()
    "tpu.region"() ({
      %run_scoped3A = tpu.sem_alloc : memref<!tpu.dma_semaphore, #tpu.memory_space<semaphore_mem>>
      %dma_start3A_189 = arith.constant 0 : i32
      %dma_start3A_190 = arith.constant 0 : i32
      %dma_start3A_191 = tpu.memref_slice %arg5[%add3A, %dma_start3A_189, %dma_start3A_190] : memref<32x63x128xi32, #tpu.memory_space<hbm>> -> memref<1x63x128xi32, #tpu.memory_space<hbm>>
      %dma_start3A_192 = tpu.memref_squeeze %dma_start3A_191 : memref<1x63x128xi32, #tpu.memory_space<hbm>> -> memref<63x128xi32, #tpu.memory_space<hbm>>
      %dma_start3A_193 = arith.constant 0 : i32
      %dma_start3A_194 = arith.constant 0 : i32
      %dma_start3A_195 = tpu.memref_slice %arg5[%add3A, %dma_start3A_193, %dma_start3A_194] : memref<32x63x128xi32, #tpu.memory_space<hbm>> -> memref<1x63x128xi32, #tpu.memory_space<hbm>>
      %dma_start3A_196 = tpu.memref_squeeze %dma_start3A_195 : memref<1x63x128xi32, #tpu.memory_space<hbm>> -> memref<63x128xi32, #tpu.memory_space<hbm>>
      tpu.enqueue_dma source(%dma_start3A_196 : memref<63x128xi32, #tpu.memory_space<hbm>>) target(%arg10 : memref<63x128xi32, #tpu.memory_space<vmem>>) target_semaphore(%run_scoped3A : memref<!tpu.dma_semaphore, #tpu.memory_space<semaphore_mem>>)
      %dma_wait3A_197 = arith.constant 0 : i32
      %dma_wait3A_198 = arith.constant 0 : i32
      %dma_wait3A_199 = tpu.memref_slice %arg5[%add3A, %dma_wait3A_197, %dma_wait3A_198] : memref<32x63x128xi32, #tpu.memory_space<hbm>> -> memref<1x63x128xi32, #tpu.memory_space<hbm>>
      %dma_wait3A_200 = tpu.memref_squeeze %dma_wait3A_199 : memref<1x63x128xi32, #tpu.memory_space<hbm>> -> memref<63x128xi32, #tpu.memory_space<hbm>>
      %dma_wait3A_201 = arith.constant 0 : i32
      %dma_wait3A_202 = arith.constant 0 : i32
      %dma_wait3A_203 = tpu.memref_slice %arg5[%add3A, %dma_wait3A_201, %dma_wait3A_202] : memref<32x63x128xi32, #tpu.memory_space<hbm>> -> memref<1x63x128xi32, #tpu.memory_space<hbm>>
      %dma_wait3A_204 = tpu.memref_squeeze %dma_wait3A_203 : memref<1x63x128xi32, #tpu.memory_space<hbm>> -> memref<63x128xi32, #tpu.memory_space<hbm>>
      tpu.wait_dma2 semaphore(%run_scoped3A : memref<!tpu.dma_semaphore, #tpu.memory_space<semaphore_mem>>) src(%dma_wait3A_204 : memref<63x128xi32, #tpu.memory_space<hbm>>) dst(%arg10 : memref<63x128xi32, #tpu.memory_space<vmem>>)
      tpu.yield
    }) : () -> ()
    %dma_start3A = arith.constant 0 : i32
    %dma_start3A_27 = arith.constant 0 : i32
    %dma_start3A_28 = tpu.memref_slice %arg9[%dma_start3A, %dma_start3A_27] : memref<63x128xi32, #tpu.memory_space<vmem>> -> memref<1x128xi32, #tpu.memory_space<vmem>>
    %dma_start3A_29 = tpu.memref_squeeze %dma_start3A_28 : memref<1x128xi32, #tpu.memory_space<vmem>> -> memref<128xi32, #tpu.memory_space<vmem>>
    %dma_start3A_30 = arith.constant 0 : i32
    %dma_start3A_31 = arith.constant 0 : i32
    %dma_start3A_32 = tpu.memref_slice %arg2[%dma_start3A_30, %dma_start3A_31] : memref<10000x128xf32, #tpu.memory_space<hbm>> -> memref<10000x128xf32, #tpu.memory_space<hbm>>
    tpu.enqueue_indirect_dma source(%dma_start3A_32 : memref<10000x128xf32, #tpu.memory_space<hbm>>) target(%arg11 : memref<128x128xf32, #tpu.memory_space<vmem>>) offsets(%dma_start3A_29 : memref<128xi32, #tpu.memory_space<vmem>>) semaphore(%arg14 : memref<!tpu.dma_semaphore, #tpu.memory_space<semaphore_mem>>)
    %jit3A_33 = arith.constant 2 : i32
    %div3A_34 = arith.divsi %select_n3A_26, %jit3A_33 : i32
    %sign3A_35 = arith.constant 0 : i32
    %sign3A_36 = arith.cmpi sgt, %select_n3A_26, %sign3A_35 : i32
    %sign3A_37 = arith.extui %sign3A_36 : i1 to i32
    %sign3A_38 = arith.constant 0 : i32
    %sign3A_39 = arith.cmpi slt, %select_n3A_26, %sign3A_38 : i32
    %sign3A_40 = arith.extui %sign3A_39 : i1 to i32
    %sign3A_41 = arith.subi %sign3A_37, %sign3A_40 : i32
    %sign3A_42 = arith.constant 0 : i32
    %sign3A_43 = arith.cmpi sgt, %jit3A_33, %sign3A_42 : i32
    %sign3A_44 = arith.extui %sign3A_43 : i1 to i32
    %sign3A_45 = arith.constant 0 : i32
    %sign3A_46 = arith.cmpi slt, %jit3A_33, %sign3A_45 : i32
    %sign3A_47 = arith.extui %sign3A_46 : i1 to i32
    %sign3A_48 = arith.subi %sign3A_44, %sign3A_47 : i32
    %ne3A_49 = arith.cmpi ne, %sign3A_41, %sign3A_48 : i32
    %rem3A_50 = arith.remsi %select_n3A_26, %jit3A_33 : i32
    %ne3A_51 = arith.constant 0 : i32
    %ne3A_52 = arith.cmpi ne, %rem3A_50, %ne3A_51 : i32
    %and3A_53 = arith.andi %ne3A_49, %ne3A_52 : i1
    %sub3A_54 = arith.constant 1 : i32
    %sub3A_55 = arith.subi %div3A_34, %sub3A_54 : i32
    %select_n3A_56 = arith.select %and3A_53, %sub3A_55, %div3A_34 : i32
    %while3A = arith.constant 0 : i32
    %while3A_57 = arith.constant 0 : i32
    %while3A_58 = arith.subi %select_n3A_56, %while3A_57 : i32
    %while3A_59 = arith.addi %while3A_57, %while3A_58 : i32
    %while3A_60 = arith.constant 1 : i32
    %while3A_61 = arith.divsi %while3A_58, %while3A_60 : i32
    %while3A_62 = arith.muli %while3A_61, %while3A_60 : i32
    %while3A_63 = arith.addi %while3A_57, %while3A_62 : i32
    %while3A_64 = arith.constant 1 : i32
    scf.for %while3A_189 = %while3A_57 to %while3A_63 step %while3A_64  : i32 {
      %mul3A_190 = arith.constant 2 : i32
      %mul3A_191 = arith.muli %mul3A_190, %while3A_189 : i32
      %add3A_192 = arith.constant 1 : i32
      %add3A_193 = arith.addi %mul3A_191, %add3A_192 : i32
      %dma_start3A_194 = arith.constant 0 : i32
      %dma_start3A_195 = tpu.memref_slice %arg9[%add3A_193, %dma_start3A_194] : memref<63x128xi32, #tpu.memory_space<vmem>> -> memref<1x128xi32, #tpu.memory_space<vmem>>
      %dma_start3A_196 = tpu.memref_squeeze %dma_start3A_195 : memref<1x128xi32, #tpu.memory_space<vmem>> -> memref<128xi32, #tpu.memory_space<vmem>>
      %dma_start3A_197 = arith.constant 0 : i32
      %dma_start3A_198 = arith.constant 0 : i32
      %dma_start3A_199 = tpu.memref_slice %arg2[%dma_start3A_197, %dma_start3A_198] : memref<10000x128xf32, #tpu.memory_space<hbm>> -> memref<10000x128xf32, #tpu.memory_space<hbm>>
      tpu.enqueue_indirect_dma source(%dma_start3A_199 : memref<10000x128xf32, #tpu.memory_space<hbm>>) target(%arg12 : memref<128x128xf32, #tpu.memory_space<vmem>>) offsets(%dma_start3A_196 : memref<128xi32, #tpu.memory_space<vmem>>) semaphore(%arg15 : memref<!tpu.dma_semaphore, #tpu.memory_space<semaphore_mem>>)
      %dma_wait3A_200 = arith.constant 0 : i32
      %dma_wait3A_201 = arith.constant 0 : i32
      %dma_wait3A_202 = tpu.memref_slice %arg2[%dma_wait3A_200, %dma_wait3A_201] : memref<10000x128xf32, #tpu.memory_space<hbm>> -> memref<128x128xf32, #tpu.memory_space<hbm>>
      %dma_wait3A_203 = arith.constant 0 : i32
      %dma_wait3A_204 = arith.constant 0 : i32
      %dma_wait3A_205 = tpu.memref_slice %arg2[%dma_wait3A_203, %dma_wait3A_204] : memref<10000x128xf32, #tpu.memory_space<hbm>> -> memref<128x128xf32, #tpu.memory_space<hbm>>
      tpu.wait_dma2 semaphore(%arg14 : memref<!tpu.dma_semaphore, #tpu.memory_space<semaphore_mem>>) src(%dma_wait3A_205 : memref<128x128xf32, #tpu.memory_space<hbm>>) dst(%arg11 : memref<128x128xf32, #tpu.memory_space<vmem>>)
      "tpu.region"() ({
        %run_scoped3A = tpu.sem_alloc : memref<!tpu.dma_semaphore, #tpu.memory_space<semaphore_mem>>
        %dma_start3A_224 = arith.constant 0 : i32
        %dma_start3A_225 = tpu.memref_slice %arg10[%mul3A_191, %dma_start3A_224] : memref<63x128xi32, #tpu.memory_space<vmem>> -> memref<1x128xi32, #tpu.memory_space<vmem>>
        %dma_start3A_226 = tpu.memref_squeeze %dma_start3A_225 : memref<1x128xi32, #tpu.memory_space<vmem>> -> memref<128xi32, #tpu.memory_space<vmem>>
        %dma_start3A_227 = arith.constant 0 : i32
        %dma_start3A_228 = arith.constant 0 : i32
        %dma_start3A_229 = tpu.memref_slice %arg13[%dma_start3A_227, %dma_start3A_228] : memref<10112x128xf32, #tpu.memory_space<vmem_shared>> -> memref<10112x128xf32, #tpu.memory_space<vmem_shared>>
        tpu.enqueue_indirect_dma source(%arg11 : memref<128x128xf32, #tpu.memory_space<vmem>>) target(%dma_start3A_229 : memref<10112x128xf32, #tpu.memory_space<vmem_shared>>) offsets(%dma_start3A_226 : memref<128xi32, #tpu.memory_space<vmem>>) semaphore(%run_scoped3A : memref<!tpu.dma_semaphore, #tpu.memory_space<semaphore_mem>>) {add = true}
        %dma_wait3A_230 = arith.constant 0 : i32
        %dma_wait3A_231 = tpu.memref_slice %arg10[%mul3A_191, %dma_wait3A_230] : memref<63x128xi32, #tpu.memory_space<vmem>> -> memref<1x128xi32, #tpu.memory_space<vmem>>
        %dma_wait3A_232 = tpu.memref_squeeze %dma_wait3A_231 : memref<1x128xi32, #tpu.memory_space<vmem>> -> memref<128xi32, #tpu.memory_space<vmem>>
        %dma_wait3A_233 = arith.constant 0 : i32
        %dma_wait3A_234 = arith.constant 0 : i32
        %dma_wait3A_235 = tpu.memref_slice %arg13[%dma_wait3A_233, %dma_wait3A_234] : memref<10112x128xf32, #tpu.memory_space<vmem_shared>> -> memref<10112x128xf32, #tpu.memory_space<vmem_shared>>
        tpu.wait_indirect_dma semaphore(%run_scoped3A : memref<!tpu.dma_semaphore, #tpu.memory_space<semaphore_mem>>) src(%arg11 : memref<128x128xf32, #tpu.memory_space<vmem>>) dst(%dma_wait3A_235 : memref<10112x128xf32, #tpu.memory_space<vmem_shared>>)
        tpu.yield
      }) : () -> ()
      %add3A_206 = arith.constant 2 : i32
      %add3A_207 = arith.addi %mul3A_191, %add3A_206 : i32
      %sub3A_208 = arith.constant 1 : i32
      %sub3A_209 = arith.subi %select_n3A_26, %sub3A_208 : i32
      %min3A = arith.minsi %add3A_207, %sub3A_209 : i32
      %dma_start3A_210 = arith.constant 0 : i32
      %dma_start3A_211 = tpu.memref_slice %arg9[%min3A, %dma_start3A_210] : memref<63x128xi32, #tpu.memory_space<vmem>> -> memref<1x128xi32, #tpu.memory_space<vmem>>
      %dma_start3A_212 = tpu.memref_squeeze %dma_start3A_211 : memref<1x128xi32, #tpu.memory_space<vmem>> -> memref<128xi32, #tpu.memory_space<vmem>>
      %dma_start3A_213 = arith.constant 0 : i32
      %dma_start3A_214 = arith.constant 0 : i32
      %dma_start3A_215 = tpu.memref_slice %arg2[%dma_start3A_213, %dma_start3A_214] : memref<10000x128xf32, #tpu.memory_space<hbm>> -> memref<10000x128xf32, #tpu.memory_space<hbm>>
      tpu.enqueue_indirect_dma source(%dma_start3A_215 : memref<10000x128xf32, #tpu.memory_space<hbm>>) target(%arg11 : memref<128x128xf32, #tpu.memory_space<vmem>>) offsets(%dma_start3A_212 : memref<128xi32, #tpu.memory_space<vmem>>) semaphore(%arg14 : memref<!tpu.dma_semaphore, #tpu.memory_space<semaphore_mem>>)
      %dma_wait3A_216 = arith.constant 0 : i32
      %dma_wait3A_217 = arith.constant 0 : i32
      %dma_wait3A_218 = tpu.memref_slice %arg2[%dma_wait3A_216, %dma_wait3A_217] : memref<10000x128xf32, #tpu.memory_space<hbm>> -> memref<128x128xf32, #tpu.memory_space<hbm>>
      %dma_wait3A_219 = arith.constant 0 : i32
      %dma_wait3A_220 = arith.constant 0 : i32
      %dma_wait3A_221 = tpu.memref_slice %arg2[%dma_wait3A_219, %dma_wait3A_220] : memref<10000x128xf32, #tpu.memory_space<hbm>> -> memref<128x128xf32, #tpu.memory_space<hbm>>
      tpu.wait_dma2 semaphore(%arg15 : memref<!tpu.dma_semaphore, #tpu.memory_space<semaphore_mem>>) src(%dma_wait3A_221 : memref<128x128xf32, #tpu.memory_space<hbm>>) dst(%arg12 : memref<128x128xf32, #tpu.memory_space<vmem>>)
      %add3A_222 = arith.constant 1 : i32
      %add3A_223 = arith.addi %mul3A_191, %add3A_222 : i32
      "tpu.region"() ({
        %run_scoped3A = tpu.sem_alloc : memref<!tpu.dma_semaphore, #tpu.memory_space<semaphore_mem>>
        %dma_start3A_224 = arith.constant 0 : i32
        %dma_start3A_225 = tpu.memref_slice %arg10[%add3A_223, %dma_start3A_224] : memref<63x128xi32, #tpu.memory_space<vmem>> -> memref<1x128xi32, #tpu.memory_space<vmem>>
        %dma_start3A_226 = tpu.memref_squeeze %dma_start3A_225 : memref<1x128xi32, #tpu.memory_space<vmem>> -> memref<128xi32, #tpu.memory_space<vmem>>
        %dma_start3A_227 = arith.constant 0 : i32
        %dma_start3A_228 = arith.constant 0 : i32
        %dma_start3A_229 = tpu.memref_slice %arg13[%dma_start3A_227, %dma_start3A_228] : memref<10112x128xf32, #tpu.memory_space<vmem_shared>> -> memref<10112x128xf32, #tpu.memory_space<vmem_shared>>
        tpu.enqueue_indirect_dma source(%arg12 : memref<128x128xf32, #tpu.memory_space<vmem>>) target(%dma_start3A_229 : memref<10112x128xf32, #tpu.memory_space<vmem_shared>>) offsets(%dma_start3A_226 : memref<128xi32, #tpu.memory_space<vmem>>) semaphore(%run_scoped3A : memref<!tpu.dma_semaphore, #tpu.memory_space<semaphore_mem>>) {add = true}
        %dma_wait3A_230 = arith.constant 0 : i32
        %dma_wait3A_231 = tpu.memref_slice %arg10[%add3A_223, %dma_wait3A_230] : memref<63x128xi32, #tpu.memory_space<vmem>> -> memref<1x128xi32, #tpu.memory_space<vmem>>
        %dma_wait3A_232 = tpu.memref_squeeze %dma_wait3A_231 : memref<1x128xi32, #tpu.memory_space<vmem>> -> memref<128xi32, #tpu.memory_space<vmem>>
        %dma_wait3A_233 = arith.constant 0 : i32
        %dma_wait3A_234 = arith.constant 0 : i32
        %dma_wait3A_235 = tpu.memref_slice %arg13[%dma_wait3A_233, %dma_wait3A_234] : memref<10112x128xf32, #tpu.memory_space<vmem_shared>> -> memref<10112x128xf32, #tpu.memory_space<vmem_shared>>
        tpu.wait_indirect_dma semaphore(%run_scoped3A : memref<!tpu.dma_semaphore, #tpu.memory_space<semaphore_mem>>) src(%arg12 : memref<128x128xf32, #tpu.memory_space<vmem>>) dst(%dma_wait3A_235 : memref<10112x128xf32, #tpu.memory_space<vmem_shared>>)
        tpu.yield
      }) : () -> ()
    }
    %while3A_65 = arith.constant 1 : i32
    scf.for %while3A_189 = %while3A_63 to %while3A_59 step %while3A_65  : i32 {
      %mul3A_190 = arith.constant 2 : i32
      %mul3A_191 = arith.muli %mul3A_190, %while3A_189 : i32
      %add3A_192 = arith.constant 1 : i32
      %add3A_193 = arith.addi %mul3A_191, %add3A_192 : i32
      %dma_start3A_194 = arith.constant 0 : i32
      %dma_start3A_195 = tpu.memref_slice %arg9[%add3A_193, %dma_start3A_194] : memref<63x128xi32, #tpu.memory_space<vmem>> -> memref<1x128xi32, #tpu.memory_space<vmem>>
      %dma_start3A_196 = tpu.memref_squeeze %dma_start3A_195 : memref<1x128xi32, #tpu.memory_space<vmem>> -> memref<128xi32, #tpu.memory_space<vmem>>
      %dma_start3A_197 = arith.constant 0 : i32
      %dma_start3A_198 = arith.constant 0 : i32
      %dma_start3A_199 = tpu.memref_slice %arg2[%dma_start3A_197, %dma_start3A_198] : memref<10000x128xf32, #tpu.memory_space<hbm>> -> memref<10000x128xf32, #tpu.memory_space<hbm>>
      tpu.enqueue_indirect_dma source(%dma_start3A_199 : memref<10000x128xf32, #tpu.memory_space<hbm>>) target(%arg12 : memref<128x128xf32, #tpu.memory_space<vmem>>) offsets(%dma_start3A_196 : memref<128xi32, #tpu.memory_space<vmem>>) semaphore(%arg15 : memref<!tpu.dma_semaphore, #tpu.memory_space<semaphore_mem>>)
      %dma_wait3A_200 = arith.constant 0 : i32
      %dma_wait3A_201 = arith.constant 0 : i32
      %dma_wait3A_202 = tpu.memref_slice %arg2[%dma_wait3A_200, %dma_wait3A_201] : memref<10000x128xf32, #tpu.memory_space<hbm>> -> memref<128x128xf32, #tpu.memory_space<hbm>>
      %dma_wait3A_203 = arith.constant 0 : i32
      %dma_wait3A_204 = arith.constant 0 : i32
      %dma_wait3A_205 = tpu.memref_slice %arg2[%dma_wait3A_203, %dma_wait3A_204] : memref<10000x128xf32, #tpu.memory_space<hbm>> -> memref<128x128xf32, #tpu.memory_space<hbm>>
      tpu.wait_dma2 semaphore(%arg14 : memref<!tpu.dma_semaphore, #tpu.memory_space<semaphore_mem>>) src(%dma_wait3A_205 : memref<128x128xf32, #tpu.memory_space<hbm>>) dst(%arg11 : memref<128x128xf32, #tpu.memory_space<vmem>>)
      "tpu.region"() ({
        %run_scoped3A = tpu.sem_alloc : memref<!tpu.dma_semaphore, #tpu.memory_space<semaphore_mem>>
        %dma_start3A_224 = arith.constant 0 : i32
        %dma_start3A_225 = tpu.memref_slice %arg10[%mul3A_191, %dma_start3A_224] : memref<63x128xi32, #tpu.memory_space<vmem>> -> memref<1x128xi32, #tpu.memory_space<vmem>>
        %dma_start3A_226 = tpu.memref_squeeze %dma_start3A_225 : memref<1x128xi32, #tpu.memory_space<vmem>> -> memref<128xi32, #tpu.memory_space<vmem>>
        %dma_start3A_227 = arith.constant 0 : i32
        %dma_start3A_228 = arith.constant 0 : i32
        %dma_start3A_229 = tpu.memref_slice %arg13[%dma_start3A_227, %dma_start3A_228] : memref<10112x128xf32, #tpu.memory_space<vmem_shared>> -> memref<10112x128xf32, #tpu.memory_space<vmem_shared>>
        tpu.enqueue_indirect_dma source(%arg11 : memref<128x128xf32, #tpu.memory_space<vmem>>) target(%dma_start3A_229 : memref<10112x128xf32, #tpu.memory_space<vmem_shared>>) offsets(%dma_start3A_226 : memref<128xi32, #tpu.memory_space<vmem>>) semaphore(%run_scoped3A : memref<!tpu.dma_semaphore, #tpu.memory_space<semaphore_mem>>) {add = true}
        %dma_wait3A_230 = arith.constant 0 : i32
        %dma_wait3A_231 = tpu.memref_slice %arg10[%mul3A_191, %dma_wait3A_230] : memref<63x128xi32, #tpu.memory_space<vmem>> -> memref<1x128xi32, #tpu.memory_space<vmem>>
        %dma_wait3A_232 = tpu.memref_squeeze %dma_wait3A_231 : memref<1x128xi32, #tpu.memory_space<vmem>> -> memref<128xi32, #tpu.memory_space<vmem>>
        %dma_wait3A_233 = arith.constant 0 : i32
        %dma_wait3A_234 = arith.constant 0 : i32
        %dma_wait3A_235 = tpu.memref_slice %arg13[%dma_wait3A_233, %dma_wait3A_234] : memref<10112x128xf32, #tpu.memory_space<vmem_shared>> -> memref<10112x128xf32, #tpu.memory_space<vmem_shared>>
        tpu.wait_indirect_dma semaphore(%run_scoped3A : memref<!tpu.dma_semaphore, #tpu.memory_space<semaphore_mem>>) src(%arg11 : memref<128x128xf32, #tpu.memory_space<vmem>>) dst(%dma_wait3A_235 : memref<10112x128xf32, #tpu.memory_space<vmem_shared>>)
        tpu.yield
      }) : () -> ()
      %add3A_206 = arith.constant 2 : i32
      %add3A_207 = arith.addi %mul3A_191, %add3A_206 : i32
      %sub3A_208 = arith.constant 1 : i32
      %sub3A_209 = arith.subi %select_n3A_26, %sub3A_208 : i32
      %min3A = arith.minsi %add3A_207, %sub3A_209 : i32
      %dma_start3A_210 = arith.constant 0 : i32
      %dma_start3A_211 = tpu.memref_slice %arg9[%min3A, %dma_start3A_210] : memref<63x128xi32, #tpu.memory_space<vmem>> -> memref<1x128xi32, #tpu.memory_space<vmem>>
      %dma_start3A_212 = tpu.memref_squeeze %dma_start3A_211 : memref<1x128xi32, #tpu.memory_space<vmem>> -> memref<128xi32, #tpu.memory_space<vmem>>
      %dma_start3A_213 = arith.constant 0 : i32
      %dma_start3A_214 = arith.constant 0 : i32
      %dma_start3A_215 = tpu.memref_slice %arg2[%dma_start3A_213, %dma_start3A_214] : memref<10000x128xf32, #tpu.memory_space<hbm>> -> memref<10000x128xf32, #tpu.memory_space<hbm>>
      tpu.enqueue_indirect_dma source(%dma_start3A_215 : memref<10000x128xf32, #tpu.memory_space<hbm>>) target(%arg11 : memref<128x128xf32, #tpu.memory_space<vmem>>) offsets(%dma_start3A_212 : memref<128xi32, #tpu.memory_space<vmem>>) semaphore(%arg14 : memref<!tpu.dma_semaphore, #tpu.memory_space<semaphore_mem>>)
      %dma_wait3A_216 = arith.constant 0 : i32
      %dma_wait3A_217 = arith.constant 0 : i32
      %dma_wait3A_218 = tpu.memref_slice %arg2[%dma_wait3A_216, %dma_wait3A_217] : memref<10000x128xf32, #tpu.memory_space<hbm>> -> memref<128x128xf32, #tpu.memory_space<hbm>>
      %dma_wait3A_219 = arith.constant 0 : i32
      %dma_wait3A_220 = arith.constant 0 : i32
      %dma_wait3A_221 = tpu.memref_slice %arg2[%dma_wait3A_219, %dma_wait3A_220] : memref<10000x128xf32, #tpu.memory_space<hbm>> -> memref<128x128xf32, #tpu.memory_space<hbm>>
      tpu.wait_dma2 semaphore(%arg15 : memref<!tpu.dma_semaphore, #tpu.memory_space<semaphore_mem>>) src(%dma_wait3A_221 : memref<128x128xf32, #tpu.memory_space<hbm>>) dst(%arg12 : memref<128x128xf32, #tpu.memory_space<vmem>>)
      %add3A_222 = arith.constant 1 : i32
      %add3A_223 = arith.addi %mul3A_191, %add3A_222 : i32
      "tpu.region"() ({
        %run_scoped3A = tpu.sem_alloc : memref<!tpu.dma_semaphore, #tpu.memory_space<semaphore_mem>>
        %dma_start3A_224 = arith.constant 0 : i32
        %dma_start3A_225 = tpu.memref_slice %arg10[%add3A_223, %dma_start3A_224] : memref<63x128xi32, #tpu.memory_space<vmem>> -> memref<1x128xi32, #tpu.memory_space<vmem>>
        %dma_start3A_226 = tpu.memref_squeeze %dma_start3A_225 : memref<1x128xi32, #tpu.memory_space<vmem>> -> memref<128xi32, #tpu.memory_space<vmem>>
        %dma_start3A_227 = arith.constant 0 : i32
        %dma_start3A_228 = arith.constant 0 : i32
        %dma_start3A_229 = tpu.memref_slice %arg13[%dma_start3A_227, %dma_start3A_228] : memref<10112x128xf32, #tpu.memory_space<vmem_shared>> -> memref<10112x128xf32, #tpu.memory_space<vmem_shared>>
        tpu.enqueue_indirect_dma source(%arg12 : memref<128x128xf32, #tpu.memory_space<vmem>>) target(%dma_start3A_229 : memref<10112x128xf32, #tpu.memory_space<vmem_shared>>) offsets(%dma_start3A_226 : memref<128xi32, #tpu.memory_space<vmem>>) semaphore(%run_scoped3A : memref<!tpu.dma_semaphore, #tpu.memory_space<semaphore_mem>>) {add = true}
        %dma_wait3A_230 = arith.constant 0 : i32
        %dma_wait3A_231 = tpu.memref_slice %arg10[%add3A_223, %dma_wait3A_230] : memref<63x128xi32, #tpu.memory_space<vmem>> -> memref<1x128xi32, #tpu.memory_space<vmem>>
        %dma_wait3A_232 = tpu.memref_squeeze %dma_wait3A_231 : memref<1x128xi32, #tpu.memory_space<vmem>> -> memref<128xi32, #tpu.memory_space<vmem>>
        %dma_wait3A_233 = arith.constant 0 : i32
        %dma_wait3A_234 = arith.constant 0 : i32
        %dma_wait3A_235 = tpu.memref_slice %arg13[%dma_wait3A_233, %dma_wait3A_234] : memref<10112x128xf32, #tpu.memory_space<vmem_shared>> -> memref<10112x128xf32, #tpu.memory_space<vmem_shared>>
        tpu.wait_indirect_dma semaphore(%run_scoped3A : memref<!tpu.dma_semaphore, #tpu.memory_space<semaphore_mem>>) src(%arg12 : memref<128x128xf32, #tpu.memory_space<vmem>>) dst(%dma_wait3A_235 : memref<10112x128xf32, #tpu.memory_space<vmem_shared>>)
        tpu.yield
      }) : () -> ()
    }
    %dma_wait3A = arith.constant 0 : i32
    %dma_wait3A_66 = arith.constant 0 : i32
    %dma_wait3A_67 = tpu.memref_slice %arg2[%dma_wait3A, %dma_wait3A_66] : memref<10000x128xf32, #tpu.memory_space<hbm>> -> memref<128x128xf32, #tpu.memory_space<hbm>>
    %dma_wait3A_68 = arith.constant 0 : i32
    %dma_wait3A_69 = arith.constant 0 : i32
    %dma_wait3A_70 = tpu.memref_slice %arg2[%dma_wait3A_68, %dma_wait3A_69] : memref<10000x128xf32, #tpu.memory_space<hbm>> -> memref<128x128xf32, #tpu.memory_space<hbm>>
    tpu.wait_dma2 semaphore(%arg14 : memref<!tpu.dma_semaphore, #tpu.memory_space<semaphore_mem>>) src(%dma_wait3A_70 : memref<128x128xf32, #tpu.memory_space<hbm>>) dst(%arg11 : memref<128x128xf32, #tpu.memory_space<vmem>>)
    %jit3A_71 = arith.constant 2 : i32
    %eq3A_72 = arith.constant 0 : i32
    %eq3A_73 = arith.cmpi eq, %jit3A_71, %eq3A_72 : i32
    %jit3A_74 = arith.constant 1 : i32
    %select_n3A_75 = arith.select %eq3A_73, %jit3A_74, %jit3A_71 : i32
    %rem3A_76 = arith.remsi %select_n3A_26, %select_n3A_75 : i32
    %ne3A_77 = arith.constant 0 : i32
    %ne3A_78 = arith.cmpi ne, %rem3A_76, %ne3A_77 : i32
    %lt3A = arith.constant 0 : i32
    %lt3A_79 = arith.cmpi slt, %rem3A_76, %lt3A : i32
    %lt3A_80 = arith.constant 0 : i32
    %lt3A_81 = arith.cmpi slt, %select_n3A_75, %lt3A_80 : i32
    %ne3A_82 = arith.xori %lt3A_79, %lt3A_81 : i1
    %and3A_83 = arith.andi %ne3A_82, %ne3A_78 : i1
    %add3A_84 = arith.addi %rem3A_76, %select_n3A_75 : i32
    %select_n3A_85 = arith.select %and3A_83, %add3A_84, %rem3A_76 : i32
    %eq3A_86 = arith.constant 1 : i32
    %eq3A_87 = arith.cmpi eq, %select_n3A_85, %eq3A_86 : i32
    %convert_element_type3A = arith.extui %eq3A_87 : i1 to i32
    %cond3A = arith.constant 0 : i32
    %cond3A_88 = arith.cmpi ne, %convert_element_type3A, %cond3A : i32
    scf.if %cond3A_88 {
      %sub3A_189 = arith.constant 1 : i32
      %sub3A_190 = arith.subi %select_n3A_26, %sub3A_189 : i32
      "tpu.region"() ({
        %run_scoped3A = tpu.sem_alloc : memref<!tpu.dma_semaphore, #tpu.memory_space<semaphore_mem>>
        %dma_start3A_191 = arith.constant 0 : i32
        %dma_start3A_192 = tpu.memref_slice %arg10[%sub3A_190, %dma_start3A_191] : memref<63x128xi32, #tpu.memory_space<vmem>> -> memref<1x128xi32, #tpu.memory_space<vmem>>
        %dma_start3A_193 = tpu.memref_squeeze %dma_start3A_192 : memref<1x128xi32, #tpu.memory_space<vmem>> -> memref<128xi32, #tpu.memory_space<vmem>>
        %dma_start3A_194 = arith.constant 0 : i32
        %dma_start3A_195 = arith.constant 0 : i32
        %dma_start3A_196 = tpu.memref_slice %arg13[%dma_start3A_194, %dma_start3A_195] : memref<10112x128xf32, #tpu.memory_space<vmem_shared>> -> memref<10112x128xf32, #tpu.memory_space<vmem_shared>>
        tpu.enqueue_indirect_dma source(%arg11 : memref<128x128xf32, #tpu.memory_space<vmem>>) target(%dma_start3A_196 : memref<10112x128xf32, #tpu.memory_space<vmem_shared>>) offsets(%dma_start3A_193 : memref<128xi32, #tpu.memory_space<vmem>>) semaphore(%run_scoped3A : memref<!tpu.dma_semaphore, #tpu.memory_space<semaphore_mem>>) {add = true}
        %dma_wait3A_197 = arith.constant 0 : i32
        %dma_wait3A_198 = tpu.memref_slice %arg10[%sub3A_190, %dma_wait3A_197] : memref<63x128xi32, #tpu.memory_space<vmem>> -> memref<1x128xi32, #tpu.memory_space<vmem>>
        %dma_wait3A_199 = tpu.memref_squeeze %dma_wait3A_198 : memref<1x128xi32, #tpu.memory_space<vmem>> -> memref<128xi32, #tpu.memory_space<vmem>>
        %dma_wait3A_200 = arith.constant 0 : i32
        %dma_wait3A_201 = arith.constant 0 : i32
        %dma_wait3A_202 = tpu.memref_slice %arg13[%dma_wait3A_200, %dma_wait3A_201] : memref<10112x128xf32, #tpu.memory_space<vmem_shared>> -> memref<10112x128xf32, #tpu.memory_space<vmem_shared>>
        tpu.wait_indirect_dma semaphore(%run_scoped3A : memref<!tpu.dma_semaphore, #tpu.memory_space<semaphore_mem>>) src(%arg11 : memref<128x128xf32, #tpu.memory_space<vmem>>) dst(%dma_wait3A_202 : memref<10112x128xf32, #tpu.memory_space<vmem_shared>>)
        tpu.yield
      }) : () -> ()
    } else {
    }
    %jit3A_89 = arith.constant 2 : i32
    %div3A_90 = arith.divsi %select_n3A, %jit3A_89 : i32
    %sign3A_91 = arith.constant 0 : i32
    %sign3A_92 = arith.cmpi sgt, %select_n3A, %sign3A_91 : i32
    %sign3A_93 = arith.extui %sign3A_92 : i1 to i32
    %sign3A_94 = arith.constant 0 : i32
    %sign3A_95 = arith.cmpi slt, %select_n3A, %sign3A_94 : i32
    %sign3A_96 = arith.extui %sign3A_95 : i1 to i32
    %sign3A_97 = arith.subi %sign3A_93, %sign3A_96 : i32
    %sign3A_98 = arith.constant 0 : i32
    %sign3A_99 = arith.cmpi sgt, %jit3A_89, %sign3A_98 : i32
    %sign3A_100 = arith.extui %sign3A_99 : i1 to i32
    %sign3A_101 = arith.constant 0 : i32
    %sign3A_102 = arith.cmpi slt, %jit3A_89, %sign3A_101 : i32
    %sign3A_103 = arith.extui %sign3A_102 : i1 to i32
    %sign3A_104 = arith.subi %sign3A_100, %sign3A_103 : i32
    %ne3A_105 = arith.cmpi ne, %sign3A_97, %sign3A_104 : i32
    %rem3A_106 = arith.remsi %select_n3A, %jit3A_89 : i32
    %ne3A_107 = arith.constant 0 : i32
    %ne3A_108 = arith.cmpi ne, %rem3A_106, %ne3A_107 : i32
    %and3A_109 = arith.andi %ne3A_105, %ne3A_108 : i1
    %sub3A_110 = arith.constant 1 : i32
    %sub3A_111 = arith.subi %div3A_90, %sub3A_110 : i32
    %select_n3A_112 = arith.select %and3A_109, %sub3A_111, %div3A_90 : i32
    "tpu.region"() ({
      %run_scoped3A = tpu.sem_alloc : memref<!tpu.dma_semaphore, #tpu.memory_space<semaphore_mem>>
      %dma_start3A_189 = arith.constant 0 : i32
      %dma_start3A_190 = arith.constant 0 : i32
      %dma_start3A_191 = tpu.memref_slice %arg4[%add3A, %dma_start3A_189, %dma_start3A_190] : memref<32x63x128xi32, #tpu.memory_space<hbm>> -> memref<1x63x128xi32, #tpu.memory_space<hbm>>
      %dma_start3A_192 = tpu.memref_squeeze %dma_start3A_191 : memref<1x63x128xi32, #tpu.memory_space<hbm>> -> memref<63x128xi32, #tpu.memory_space<hbm>>
      %dma_start3A_193 = arith.constant 0 : i32
      %dma_start3A_194 = arith.constant 0 : i32
      %dma_start3A_195 = tpu.memref_slice %arg4[%add3A, %dma_start3A_193, %dma_start3A_194] : memref<32x63x128xi32, #tpu.memory_space<hbm>> -> memref<1x63x128xi32, #tpu.memory_space<hbm>>
      %dma_start3A_196 = tpu.memref_squeeze %dma_start3A_195 : memref<1x63x128xi32, #tpu.memory_space<hbm>> -> memref<63x128xi32, #tpu.memory_space<hbm>>
      tpu.enqueue_dma source(%dma_start3A_196 : memref<63x128xi32, #tpu.memory_space<hbm>>) target(%arg9 : memref<63x128xi32, #tpu.memory_space<vmem>>) target_semaphore(%run_scoped3A : memref<!tpu.dma_semaphore, #tpu.memory_space<semaphore_mem>>)
      %dma_wait3A_197 = arith.constant 0 : i32
      %dma_wait3A_198 = arith.constant 0 : i32
      %dma_wait3A_199 = tpu.memref_slice %arg4[%add3A, %dma_wait3A_197, %dma_wait3A_198] : memref<32x63x128xi32, #tpu.memory_space<hbm>> -> memref<1x63x128xi32, #tpu.memory_space<hbm>>
      %dma_wait3A_200 = tpu.memref_squeeze %dma_wait3A_199 : memref<1x63x128xi32, #tpu.memory_space<hbm>> -> memref<63x128xi32, #tpu.memory_space<hbm>>
      %dma_wait3A_201 = arith.constant 0 : i32
      %dma_wait3A_202 = arith.constant 0 : i32
      %dma_wait3A_203 = tpu.memref_slice %arg4[%add3A, %dma_wait3A_201, %dma_wait3A_202] : memref<32x63x128xi32, #tpu.memory_space<hbm>> -> memref<1x63x128xi32, #tpu.memory_space<hbm>>
      %dma_wait3A_204 = tpu.memref_squeeze %dma_wait3A_203 : memref<1x63x128xi32, #tpu.memory_space<hbm>> -> memref<63x128xi32, #tpu.memory_space<hbm>>
      tpu.wait_dma2 semaphore(%run_scoped3A : memref<!tpu.dma_semaphore, #tpu.memory_space<semaphore_mem>>) src(%dma_wait3A_204 : memref<63x128xi32, #tpu.memory_space<hbm>>) dst(%arg9 : memref<63x128xi32, #tpu.memory_space<vmem>>)
      tpu.yield
    }) : () -> ()
    "tpu.region"() ({
      %run_scoped3A = tpu.sem_alloc : memref<!tpu.dma_semaphore, #tpu.memory_space<semaphore_mem>>
      %dma_start3A_189 = arith.constant 0 : i32
      %dma_start3A_190 = arith.constant 0 : i32
      %dma_start3A_191 = tpu.memref_slice %arg6[%add3A, %dma_start3A_189, %dma_start3A_190] : memref<32x63x128xi32, #tpu.memory_space<hbm>> -> memref<1x63x128xi32, #tpu.memory_space<hbm>>
      %dma_start3A_192 = tpu.memref_squeeze %dma_start3A_191 : memref<1x63x128xi32, #tpu.memory_space<hbm>> -> memref<63x128xi32, #tpu.memory_space<hbm>>
      %dma_start3A_193 = arith.constant 0 : i32
      %dma_start3A_194 = arith.constant 0 : i32
      %dma_start3A_195 = tpu.memref_slice %arg6[%add3A, %dma_start3A_193, %dma_start3A_194] : memref<32x63x128xi32, #tpu.memory_space<hbm>> -> memref<1x63x128xi32, #tpu.memory_space<hbm>>
      %dma_start3A_196 = tpu.memref_squeeze %dma_start3A_195 : memref<1x63x128xi32, #tpu.memory_space<hbm>> -> memref<63x128xi32, #tpu.memory_space<hbm>>
      tpu.enqueue_dma source(%dma_start3A_196 : memref<63x128xi32, #tpu.memory_space<hbm>>) target(%arg10 : memref<63x128xi32, #tpu.memory_space<vmem>>) target_semaphore(%run_scoped3A : memref<!tpu.dma_semaphore, #tpu.memory_space<semaphore_mem>>)
      %dma_wait3A_197 = arith.constant 0 : i32
      %dma_wait3A_198 = arith.constant 0 : i32
      %dma_wait3A_199 = tpu.memref_slice %arg6[%add3A, %dma_wait3A_197, %dma_wait3A_198] : memref<32x63x128xi32, #tpu.memory_space<hbm>> -> memref<1x63x128xi32, #tpu.memory_space<hbm>>
      %dma_wait3A_200 = tpu.memref_squeeze %dma_wait3A_199 : memref<1x63x128xi32, #tpu.memory_space<hbm>> -> memref<63x128xi32, #tpu.memory_space<hbm>>
      %dma_wait3A_201 = arith.constant 0 : i32
      %dma_wait3A_202 = arith.constant 0 : i32
      %dma_wait3A_203 = tpu.memref_slice %arg6[%add3A, %dma_wait3A_201, %dma_wait3A_202] : memref<32x63x128xi32, #tpu.memory_space<hbm>> -> memref<1x63x128xi32, #tpu.memory_space<hbm>>
      %dma_wait3A_204 = tpu.memref_squeeze %dma_wait3A_203 : memref<1x63x128xi32, #tpu.memory_space<hbm>> -> memref<63x128xi32, #tpu.memory_space<hbm>>
      tpu.wait_dma2 semaphore(%run_scoped3A : memref<!tpu.dma_semaphore, #tpu.memory_space<semaphore_mem>>) src(%dma_wait3A_204 : memref<63x128xi32, #tpu.memory_space<hbm>>) dst(%arg10 : memref<63x128xi32, #tpu.memory_space<vmem>>)
      tpu.yield
    }) : () -> ()
    %dma_start3A_113 = arith.constant 0 : i32
    %dma_start3A_114 = arith.constant 0 : i32
    %dma_start3A_115 = tpu.memref_slice %arg9[%dma_start3A_113, %dma_start3A_114] : memref<63x128xi32, #tpu.memory_space<vmem>> -> memref<1x128xi32, #tpu.memory_space<vmem>>
    %dma_start3A_116 = tpu.memref_squeeze %dma_start3A_115 : memref<1x128xi32, #tpu.memory_space<vmem>> -> memref<128xi32, #tpu.memory_space<vmem>>
    %dma_start3A_117 = arith.constant 0 : i32
    %dma_start3A_118 = arith.constant 0 : i32
    %dma_start3A_119 = tpu.memref_slice %arg2[%dma_start3A_117, %dma_start3A_118] : memref<10000x128xf32, #tpu.memory_space<hbm>> -> memref<10000x128xf32, #tpu.memory_space<hbm>>
    tpu.enqueue_indirect_dma source(%dma_start3A_119 : memref<10000x128xf32, #tpu.memory_space<hbm>>) target(%arg11 : memref<128x128xf32, #tpu.memory_space<vmem>>) offsets(%dma_start3A_116 : memref<128xi32, #tpu.memory_space<vmem>>) semaphore(%arg14 : memref<!tpu.dma_semaphore, #tpu.memory_space<semaphore_mem>>)
    %jit3A_120 = arith.constant 2 : i32
    %div3A_121 = arith.divsi %select_n3A_112, %jit3A_120 : i32
    %sign3A_122 = arith.constant 0 : i32
    %sign3A_123 = arith.cmpi sgt, %select_n3A_112, %sign3A_122 : i32
    %sign3A_124 = arith.extui %sign3A_123 : i1 to i32
    %sign3A_125 = arith.constant 0 : i32
    %sign3A_126 = arith.cmpi slt, %select_n3A_112, %sign3A_125 : i32
    %sign3A_127 = arith.extui %sign3A_126 : i1 to i32
    %sign3A_128 = arith.subi %sign3A_124, %sign3A_127 : i32
    %sign3A_129 = arith.constant 0 : i32
    %sign3A_130 = arith.cmpi sgt, %jit3A_120, %sign3A_129 : i32
    %sign3A_131 = arith.extui %sign3A_130 : i1 to i32
    %sign3A_132 = arith.constant 0 : i32
    %sign3A_133 = arith.cmpi slt, %jit3A_120, %sign3A_132 : i32
    %sign3A_134 = arith.extui %sign3A_133 : i1 to i32
    %sign3A_135 = arith.subi %sign3A_131, %sign3A_134 : i32
    %ne3A_136 = arith.cmpi ne, %sign3A_128, %sign3A_135 : i32
    %rem3A_137 = arith.remsi %select_n3A_112, %jit3A_120 : i32
    %ne3A_138 = arith.constant 0 : i32
    %ne3A_139 = arith.cmpi ne, %rem3A_137, %ne3A_138 : i32
    %and3A_140 = arith.andi %ne3A_136, %ne3A_139 : i1
    %sub3A_141 = arith.constant 1 : i32
    %sub3A_142 = arith.subi %div3A_121, %sub3A_141 : i32
    %select_n3A_143 = arith.select %and3A_140, %sub3A_142, %div3A_121 : i32
    %while3A_144 = arith.constant 0 : i32
    %while3A_145 = arith.constant 0 : i32
    %while3A_146 = arith.subi %select_n3A_143, %while3A_145 : i32
    %while3A_147 = arith.addi %while3A_145, %while3A_146 : i32
    %while3A_148 = arith.constant 1 : i32
    %while3A_149 = arith.divsi %while3A_146, %while3A_148 : i32
    %while3A_150 = arith.muli %while3A_149, %while3A_148 : i32
    %while3A_151 = arith.addi %while3A_145, %while3A_150 : i32
    %while3A_152 = arith.constant 1 : i32
    scf.for %while3A_189 = %while3A_145 to %while3A_151 step %while3A_152  : i32 {
      %mul3A_190 = arith.constant 2 : i32
      %mul3A_191 = arith.muli %mul3A_190, %while3A_189 : i32
      %add3A_192 = arith.constant 1 : i32
      %add3A_193 = arith.addi %mul3A_191, %add3A_192 : i32
      %dma_start3A_194 = arith.constant 0 : i32
      %dma_start3A_195 = tpu.memref_slice %arg9[%add3A_193, %dma_start3A_194] : memref<63x128xi32, #tpu.memory_space<vmem>> -> memref<1x128xi32, #tpu.memory_space<vmem>>
      %dma_start3A_196 = tpu.memref_squeeze %dma_start3A_195 : memref<1x128xi32, #tpu.memory_space<vmem>> -> memref<128xi32, #tpu.memory_space<vmem>>
      %dma_start3A_197 = arith.constant 0 : i32
      %dma_start3A_198 = arith.constant 0 : i32
      %dma_start3A_199 = tpu.memref_slice %arg2[%dma_start3A_197, %dma_start3A_198] : memref<10000x128xf32, #tpu.memory_space<hbm>> -> memref<10000x128xf32, #tpu.memory_space<hbm>>
      tpu.enqueue_indirect_dma source(%dma_start3A_199 : memref<10000x128xf32, #tpu.memory_space<hbm>>) target(%arg12 : memref<128x128xf32, #tpu.memory_space<vmem>>) offsets(%dma_start3A_196 : memref<128xi32, #tpu.memory_space<vmem>>) semaphore(%arg15 : memref<!tpu.dma_semaphore, #tpu.memory_space<semaphore_mem>>)
      %dma_wait3A_200 = arith.constant 0 : i32
      %dma_wait3A_201 = arith.constant 0 : i32
      %dma_wait3A_202 = tpu.memref_slice %arg2[%dma_wait3A_200, %dma_wait3A_201] : memref<10000x128xf32, #tpu.memory_space<hbm>> -> memref<128x128xf32, #tpu.memory_space<hbm>>
      %dma_wait3A_203 = arith.constant 0 : i32
      %dma_wait3A_204 = arith.constant 0 : i32
      %dma_wait3A_205 = tpu.memref_slice %arg2[%dma_wait3A_203, %dma_wait3A_204] : memref<10000x128xf32, #tpu.memory_space<hbm>> -> memref<128x128xf32, #tpu.memory_space<hbm>>
      tpu.wait_dma2 semaphore(%arg14 : memref<!tpu.dma_semaphore, #tpu.memory_space<semaphore_mem>>) src(%dma_wait3A_205 : memref<128x128xf32, #tpu.memory_space<hbm>>) dst(%arg11 : memref<128x128xf32, #tpu.memory_space<vmem>>)
      "tpu.region"() ({
        %run_scoped3A = tpu.sem_alloc : memref<!tpu.dma_semaphore, #tpu.memory_space<semaphore_mem>>
        %dma_start3A_224 = arith.constant 0 : i32
        %dma_start3A_225 = tpu.memref_slice %arg10[%mul3A_191, %dma_start3A_224] : memref<63x128xi32, #tpu.memory_space<vmem>> -> memref<1x128xi32, #tpu.memory_space<vmem>>
        %dma_start3A_226 = tpu.memref_squeeze %dma_start3A_225 : memref<1x128xi32, #tpu.memory_space<vmem>> -> memref<128xi32, #tpu.memory_space<vmem>>
        %dma_start3A_227 = arith.constant 0 : i32
        %dma_start3A_228 = arith.constant 0 : i32
        %dma_start3A_229 = tpu.memref_slice %arg13[%dma_start3A_227, %dma_start3A_228] : memref<10112x128xf32, #tpu.memory_space<vmem_shared>> -> memref<10112x128xf32, #tpu.memory_space<vmem_shared>>
        tpu.enqueue_indirect_dma source(%arg11 : memref<128x128xf32, #tpu.memory_space<vmem>>) target(%dma_start3A_229 : memref<10112x128xf32, #tpu.memory_space<vmem_shared>>) offsets(%dma_start3A_226 : memref<128xi32, #tpu.memory_space<vmem>>) semaphore(%run_scoped3A : memref<!tpu.dma_semaphore, #tpu.memory_space<semaphore_mem>>) {add = true}
        %dma_wait3A_230 = arith.constant 0 : i32
        %dma_wait3A_231 = tpu.memref_slice %arg10[%mul3A_191, %dma_wait3A_230] : memref<63x128xi32, #tpu.memory_space<vmem>> -> memref<1x128xi32, #tpu.memory_space<vmem>>
        %dma_wait3A_232 = tpu.memref_squeeze %dma_wait3A_231 : memref<1x128xi32, #tpu.memory_space<vmem>> -> memref<128xi32, #tpu.memory_space<vmem>>
        %dma_wait3A_233 = arith.constant 0 : i32
        %dma_wait3A_234 = arith.constant 0 : i32
        %dma_wait3A_235 = tpu.memref_slice %arg13[%dma_wait3A_233, %dma_wait3A_234] : memref<10112x128xf32, #tpu.memory_space<vmem_shared>> -> memref<10112x128xf32, #tpu.memory_space<vmem_shared>>
        tpu.wait_indirect_dma semaphore(%run_scoped3A : memref<!tpu.dma_semaphore, #tpu.memory_space<semaphore_mem>>) src(%arg11 : memref<128x128xf32, #tpu.memory_space<vmem>>) dst(%dma_wait3A_235 : memref<10112x128xf32, #tpu.memory_space<vmem_shared>>)
        tpu.yield
      }) : () -> ()
      %add3A_206 = arith.constant 2 : i32
      %add3A_207 = arith.addi %mul3A_191, %add3A_206 : i32
      %sub3A_208 = arith.constant 1 : i32
      %sub3A_209 = arith.subi %select_n3A_112, %sub3A_208 : i32
      %min3A = arith.minsi %add3A_207, %sub3A_209 : i32
      %dma_start3A_210 = arith.constant 0 : i32
      %dma_start3A_211 = tpu.memref_slice %arg9[%min3A, %dma_start3A_210] : memref<63x128xi32, #tpu.memory_space<vmem>> -> memref<1x128xi32, #tpu.memory_space<vmem>>
      %dma_start3A_212 = tpu.memref_squeeze %dma_start3A_211 : memref<1x128xi32, #tpu.memory_space<vmem>> -> memref<128xi32, #tpu.memory_space<vmem>>
      %dma_start3A_213 = arith.constant 0 : i32
      %dma_start3A_214 = arith.constant 0 : i32
      %dma_start3A_215 = tpu.memref_slice %arg2[%dma_start3A_213, %dma_start3A_214] : memref<10000x128xf32, #tpu.memory_space<hbm>> -> memref<10000x128xf32, #tpu.memory_space<hbm>>
      tpu.enqueue_indirect_dma source(%dma_start3A_215 : memref<10000x128xf32, #tpu.memory_space<hbm>>) target(%arg11 : memref<128x128xf32, #tpu.memory_space<vmem>>) offsets(%dma_start3A_212 : memref<128xi32, #tpu.memory_space<vmem>>) semaphore(%arg14 : memref<!tpu.dma_semaphore, #tpu.memory_space<semaphore_mem>>)
      %dma_wait3A_216 = arith.constant 0 : i32
      %dma_wait3A_217 = arith.constant 0 : i32
      %dma_wait3A_218 = tpu.memref_slice %arg2[%dma_wait3A_216, %dma_wait3A_217] : memref<10000x128xf32, #tpu.memory_space<hbm>> -> memref<128x128xf32, #tpu.memory_space<hbm>>
      %dma_wait3A_219 = arith.constant 0 : i32
      %dma_wait3A_220 = arith.constant 0 : i32
      %dma_wait3A_221 = tpu.memref_slice %arg2[%dma_wait3A_219, %dma_wait3A_220] : memref<10000x128xf32, #tpu.memory_space<hbm>> -> memref<128x128xf32, #tpu.memory_space<hbm>>
      tpu.wait_dma2 semaphore(%arg15 : memref<!tpu.dma_semaphore, #tpu.memory_space<semaphore_mem>>) src(%dma_wait3A_221 : memref<128x128xf32, #tpu.memory_space<hbm>>) dst(%arg12 : memref<128x128xf32, #tpu.memory_space<vmem>>)
      %add3A_222 = arith.constant 1 : i32
      %add3A_223 = arith.addi %mul3A_191, %add3A_222 : i32
      "tpu.region"() ({
        %run_scoped3A = tpu.sem_alloc : memref<!tpu.dma_semaphore, #tpu.memory_space<semaphore_mem>>
        %dma_start3A_224 = arith.constant 0 : i32
        %dma_start3A_225 = tpu.memref_slice %arg10[%add3A_223, %dma_start3A_224] : memref<63x128xi32, #tpu.memory_space<vmem>> -> memref<1x128xi32, #tpu.memory_space<vmem>>
        %dma_start3A_226 = tpu.memref_squeeze %dma_start3A_225 : memref<1x128xi32, #tpu.memory_space<vmem>> -> memref<128xi32, #tpu.memory_space<vmem>>
        %dma_start3A_227 = arith.constant 0 : i32
        %dma_start3A_228 = arith.constant 0 : i32
        %dma_start3A_229 = tpu.memref_slice %arg13[%dma_start3A_227, %dma_start3A_228] : memref<10112x128xf32, #tpu.memory_space<vmem_shared>> -> memref<10112x128xf32, #tpu.memory_space<vmem_shared>>
        tpu.enqueue_indirect_dma source(%arg12 : memref<128x128xf32, #tpu.memory_space<vmem>>) target(%dma_start3A_229 : memref<10112x128xf32, #tpu.memory_space<vmem_shared>>) offsets(%dma_start3A_226 : memref<128xi32, #tpu.memory_space<vmem>>) semaphore(%run_scoped3A : memref<!tpu.dma_semaphore, #tpu.memory_space<semaphore_mem>>) {add = true}
        %dma_wait3A_230 = arith.constant 0 : i32
        %dma_wait3A_231 = tpu.memref_slice %arg10[%add3A_223, %dma_wait3A_230] : memref<63x128xi32, #tpu.memory_space<vmem>> -> memref<1x128xi32, #tpu.memory_space<vmem>>
        %dma_wait3A_232 = tpu.memref_squeeze %dma_wait3A_231 : memref<1x128xi32, #tpu.memory_space<vmem>> -> memref<128xi32, #tpu.memory_space<vmem>>
        %dma_wait3A_233 = arith.constant 0 : i32
        %dma_wait3A_234 = arith.constant 0 : i32
        %dma_wait3A_235 = tpu.memref_slice %arg13[%dma_wait3A_233, %dma_wait3A_234] : memref<10112x128xf32, #tpu.memory_space<vmem_shared>> -> memref<10112x128xf32, #tpu.memory_space<vmem_shared>>
        tpu.wait_indirect_dma semaphore(%run_scoped3A : memref<!tpu.dma_semaphore, #tpu.memory_space<semaphore_mem>>) src(%arg12 : memref<128x128xf32, #tpu.memory_space<vmem>>) dst(%dma_wait3A_235 : memref<10112x128xf32, #tpu.memory_space<vmem_shared>>)
        tpu.yield
      }) : () -> ()
    }
    %while3A_153 = arith.constant 1 : i32
    scf.for %while3A_189 = %while3A_151 to %while3A_147 step %while3A_153  : i32 {
      %mul3A_190 = arith.constant 2 : i32
      %mul3A_191 = arith.muli %mul3A_190, %while3A_189 : i32
      %add3A_192 = arith.constant 1 : i32
      %add3A_193 = arith.addi %mul3A_191, %add3A_192 : i32
      %dma_start3A_194 = arith.constant 0 : i32
      %dma_start3A_195 = tpu.memref_slice %arg9[%add3A_193, %dma_start3A_194] : memref<63x128xi32, #tpu.memory_space<vmem>> -> memref<1x128xi32, #tpu.memory_space<vmem>>
      %dma_start3A_196 = tpu.memref_squeeze %dma_start3A_195 : memref<1x128xi32, #tpu.memory_space<vmem>> -> memref<128xi32, #tpu.memory_space<vmem>>
      %dma_start3A_197 = arith.constant 0 : i32
      %dma_start3A_198 = arith.constant 0 : i32
      %dma_start3A_199 = tpu.memref_slice %arg2[%dma_start3A_197, %dma_start3A_198] : memref<10000x128xf32, #tpu.memory_space<hbm>> -> memref<10000x128xf32, #tpu.memory_space<hbm>>
      tpu.enqueue_indirect_dma source(%dma_start3A_199 : memref<10000x128xf32, #tpu.memory_space<hbm>>) target(%arg12 : memref<128x128xf32, #tpu.memory_space<vmem>>) offsets(%dma_start3A_196 : memref<128xi32, #tpu.memory_space<vmem>>) semaphore(%arg15 : memref<!tpu.dma_semaphore, #tpu.memory_space<semaphore_mem>>)
      %dma_wait3A_200 = arith.constant 0 : i32
      %dma_wait3A_201 = arith.constant 0 : i32
      %dma_wait3A_202 = tpu.memref_slice %arg2[%dma_wait3A_200, %dma_wait3A_201] : memref<10000x128xf32, #tpu.memory_space<hbm>> -> memref<128x128xf32, #tpu.memory_space<hbm>>
      %dma_wait3A_203 = arith.constant 0 : i32
      %dma_wait3A_204 = arith.constant 0 : i32
      %dma_wait3A_205 = tpu.memref_slice %arg2[%dma_wait3A_203, %dma_wait3A_204] : memref<10000x128xf32, #tpu.memory_space<hbm>> -> memref<128x128xf32, #tpu.memory_space<hbm>>
      tpu.wait_dma2 semaphore(%arg14 : memref<!tpu.dma_semaphore, #tpu.memory_space<semaphore_mem>>) src(%dma_wait3A_205 : memref<128x128xf32, #tpu.memory_space<hbm>>) dst(%arg11 : memref<128x128xf32, #tpu.memory_space<vmem>>)
      "tpu.region"() ({
        %run_scoped3A = tpu.sem_alloc : memref<!tpu.dma_semaphore, #tpu.memory_space<semaphore_mem>>
        %dma_start3A_224 = arith.constant 0 : i32
        %dma_start3A_225 = tpu.memref_slice %arg10[%mul3A_191, %dma_start3A_224] : memref<63x128xi32, #tpu.memory_space<vmem>> -> memref<1x128xi32, #tpu.memory_space<vmem>>
        %dma_start3A_226 = tpu.memref_squeeze %dma_start3A_225 : memref<1x128xi32, #tpu.memory_space<vmem>> -> memref<128xi32, #tpu.memory_space<vmem>>
        %dma_start3A_227 = arith.constant 0 : i32
        %dma_start3A_228 = arith.constant 0 : i32
        %dma_start3A_229 = tpu.memref_slice %arg13[%dma_start3A_227, %dma_start3A_228] : memref<10112x128xf32, #tpu.memory_space<vmem_shared>> -> memref<10112x128xf32, #tpu.memory_space<vmem_shared>>
        tpu.enqueue_indirect_dma source(%arg11 : memref<128x128xf32, #tpu.memory_space<vmem>>) target(%dma_start3A_229 : memref<10112x128xf32, #tpu.memory_space<vmem_shared>>) offsets(%dma_start3A_226 : memref<128xi32, #tpu.memory_space<vmem>>) semaphore(%run_scoped3A : memref<!tpu.dma_semaphore, #tpu.memory_space<semaphore_mem>>) {add = true}
        %dma_wait3A_230 = arith.constant 0 : i32
        %dma_wait3A_231 = tpu.memref_slice %arg10[%mul3A_191, %dma_wait3A_230] : memref<63x128xi32, #tpu.memory_space<vmem>> -> memref<1x128xi32, #tpu.memory_space<vmem>>
        %dma_wait3A_232 = tpu.memref_squeeze %dma_wait3A_231 : memref<1x128xi32, #tpu.memory_space<vmem>> -> memref<128xi32, #tpu.memory_space<vmem>>
        %dma_wait3A_233 = arith.constant 0 : i32
        %dma_wait3A_234 = arith.constant 0 : i32
        %dma_wait3A_235 = tpu.memref_slice %arg13[%dma_wait3A_233, %dma_wait3A_234] : memref<10112x128xf32, #tpu.memory_space<vmem_shared>> -> memref<10112x128xf32, #tpu.memory_space<vmem_shared>>
        tpu.wait_indirect_dma semaphore(%run_scoped3A : memref<!tpu.dma_semaphore, #tpu.memory_space<semaphore_mem>>) src(%arg11 : memref<128x128xf32, #tpu.memory_space<vmem>>) dst(%dma_wait3A_235 : memref<10112x128xf32, #tpu.memory_space<vmem_shared>>)
        tpu.yield
      }) : () -> ()
      %add3A_206 = arith.constant 2 : i32
      %add3A_207 = arith.addi %mul3A_191, %add3A_206 : i32
      %sub3A_208 = arith.constant 1 : i32
      %sub3A_209 = arith.subi %select_n3A_112, %sub3A_208 : i32
      %min3A = arith.minsi %add3A_207, %sub3A_209 : i32
      %dma_start3A_210 = arith.constant 0 : i32
      %dma_start3A_211 = tpu.memref_slice %arg9[%min3A, %dma_start3A_210] : memref<63x128xi32, #tpu.memory_space<vmem>> -> memref<1x128xi32, #tpu.memory_space<vmem>>
      %dma_start3A_212 = tpu.memref_squeeze %dma_start3A_211 : memref<1x128xi32, #tpu.memory_space<vmem>> -> memref<128xi32, #tpu.memory_space<vmem>>
      %dma_start3A_213 = arith.constant 0 : i32
      %dma_start3A_214 = arith.constant 0 : i32
      %dma_start3A_215 = tpu.memref_slice %arg2[%dma_start3A_213, %dma_start3A_214] : memref<10000x128xf32, #tpu.memory_space<hbm>> -> memref<10000x128xf32, #tpu.memory_space<hbm>>
      tpu.enqueue_indirect_dma source(%dma_start3A_215 : memref<10000x128xf32, #tpu.memory_space<hbm>>) target(%arg11 : memref<128x128xf32, #tpu.memory_space<vmem>>) offsets(%dma_start3A_212 : memref<128xi32, #tpu.memory_space<vmem>>) semaphore(%arg14 : memref<!tpu.dma_semaphore, #tpu.memory_space<semaphore_mem>>)
      %dma_wait3A_216 = arith.constant 0 : i32
      %dma_wait3A_217 = arith.constant 0 : i32
      %dma_wait3A_218 = tpu.memref_slice %arg2[%dma_wait3A_216, %dma_wait3A_217] : memref<10000x128xf32, #tpu.memory_space<hbm>> -> memref<128x128xf32, #tpu.memory_space<hbm>>
      %dma_wait3A_219 = arith.constant 0 : i32
      %dma_wait3A_220 = arith.constant 0 : i32
      %dma_wait3A_221 = tpu.memref_slice %arg2[%dma_wait3A_219, %dma_wait3A_220] : memref<10000x128xf32, #tpu.memory_space<hbm>> -> memref<128x128xf32, #tpu.memory_space<hbm>>
      tpu.wait_dma2 semaphore(%arg15 : memref<!tpu.dma_semaphore, #tpu.memory_space<semaphore_mem>>) src(%dma_wait3A_221 : memref<128x128xf32, #tpu.memory_space<hbm>>) dst(%arg12 : memref<128x128xf32, #tpu.memory_space<vmem>>)
      %add3A_222 = arith.constant 1 : i32
      %add3A_223 = arith.addi %mul3A_191, %add3A_222 : i32
      "tpu.region"() ({
        %run_scoped3A = tpu.sem_alloc : memref<!tpu.dma_semaphore, #tpu.memory_space<semaphore_mem>>
        %dma_start3A_224 = arith.constant 0 : i32
        %dma_start3A_225 = tpu.memref_slice %arg10[%add3A_223, %dma_start3A_224] : memref<63x128xi32, #tpu.memory_space<vmem>> -> memref<1x128xi32, #tpu.memory_space<vmem>>
        %dma_start3A_226 = tpu.memref_squeeze %dma_start3A_225 : memref<1x128xi32, #tpu.memory_space<vmem>> -> memref<128xi32, #tpu.memory_space<vmem>>
        %dma_start3A_227 = arith.constant 0 : i32
        %dma_start3A_228 = arith.constant 0 : i32
        %dma_start3A_229 = tpu.memref_slice %arg13[%dma_start3A_227, %dma_start3A_228] : memref<10112x128xf32, #tpu.memory_space<vmem_shared>> -> memref<10112x128xf32, #tpu.memory_space<vmem_shared>>
        tpu.enqueue_indirect_dma source(%arg12 : memref<128x128xf32, #tpu.memory_space<vmem>>) target(%dma_start3A_229 : memref<10112x128xf32, #tpu.memory_space<vmem_shared>>) offsets(%dma_start3A_226 : memref<128xi32, #tpu.memory_space<vmem>>) semaphore(%run_scoped3A : memref<!tpu.dma_semaphore, #tpu.memory_space<semaphore_mem>>) {add = true}
        %dma_wait3A_230 = arith.constant 0 : i32
        %dma_wait3A_231 = tpu.memref_slice %arg10[%add3A_223, %dma_wait3A_230] : memref<63x128xi32, #tpu.memory_space<vmem>> -> memref<1x128xi32, #tpu.memory_space<vmem>>
        %dma_wait3A_232 = tpu.memref_squeeze %dma_wait3A_231 : memref<1x128xi32, #tpu.memory_space<vmem>> -> memref<128xi32, #tpu.memory_space<vmem>>
        %dma_wait3A_233 = arith.constant 0 : i32
        %dma_wait3A_234 = arith.constant 0 : i32
        %dma_wait3A_235 = tpu.memref_slice %arg13[%dma_wait3A_233, %dma_wait3A_234] : memref<10112x128xf32, #tpu.memory_space<vmem_shared>> -> memref<10112x128xf32, #tpu.memory_space<vmem_shared>>
        tpu.wait_indirect_dma semaphore(%run_scoped3A : memref<!tpu.dma_semaphore, #tpu.memory_space<semaphore_mem>>) src(%arg12 : memref<128x128xf32, #tpu.memory_space<vmem>>) dst(%dma_wait3A_235 : memref<10112x128xf32, #tpu.memory_space<vmem_shared>>)
        tpu.yield
      }) : () -> ()
    }
    %dma_wait3A_154 = arith.constant 0 : i32
    %dma_wait3A_155 = arith.constant 0 : i32
    %dma_wait3A_156 = tpu.memref_slice %arg2[%dma_wait3A_154, %dma_wait3A_155] : memref<10000x128xf32, #tpu.memory_space<hbm>> -> memref<128x128xf32, #tpu.memory_space<hbm>>
    %dma_wait3A_157 = arith.constant 0 : i32
    %dma_wait3A_158 = arith.constant 0 : i32
    %dma_wait3A_159 = tpu.memref_slice %arg2[%dma_wait3A_157, %dma_wait3A_158] : memref<10000x128xf32, #tpu.memory_space<hbm>> -> memref<128x128xf32, #tpu.memory_space<hbm>>
    tpu.wait_dma2 semaphore(%arg14 : memref<!tpu.dma_semaphore, #tpu.memory_space<semaphore_mem>>) src(%dma_wait3A_159 : memref<128x128xf32, #tpu.memory_space<hbm>>) dst(%arg11 : memref<128x128xf32, #tpu.memory_space<vmem>>)
    %jit3A_160 = arith.constant 2 : i32
    %eq3A_161 = arith.constant 0 : i32
    %eq3A_162 = arith.cmpi eq, %jit3A_160, %eq3A_161 : i32
    %jit3A_163 = arith.constant 1 : i32
    %select_n3A_164 = arith.select %eq3A_162, %jit3A_163, %jit3A_160 : i32
    %rem3A_165 = arith.remsi %select_n3A_112, %select_n3A_164 : i32
    %ne3A_166 = arith.constant 0 : i32
    %ne3A_167 = arith.cmpi ne, %rem3A_165, %ne3A_166 : i32
    %lt3A_168 = arith.constant 0 : i32
    %lt3A_169 = arith.cmpi slt, %rem3A_165, %lt3A_168 : i32
    %lt3A_170 = arith.constant 0 : i32
    %lt3A_171 = arith.cmpi slt, %select_n3A_164, %lt3A_170 : i32
    %ne3A_172 = arith.xori %lt3A_169, %lt3A_171 : i1
    %and3A_173 = arith.andi %ne3A_172, %ne3A_167 : i1
    %add3A_174 = arith.addi %rem3A_165, %select_n3A_164 : i32
    %select_n3A_175 = arith.select %and3A_173, %add3A_174, %rem3A_165 : i32
    %eq3A_176 = arith.constant 1 : i32
    %eq3A_177 = arith.cmpi eq, %select_n3A_175, %eq3A_176 : i32
    %convert_element_type3A_178 = arith.extui %eq3A_177 : i1 to i32
    %cond3A_179 = arith.constant 0 : i32
    %cond3A_180 = arith.cmpi ne, %convert_element_type3A_178, %cond3A_179 : i32
    scf.if %cond3A_180 {
      %sub3A_189 = arith.constant 1 : i32
      %sub3A_190 = arith.subi %select_n3A_112, %sub3A_189 : i32
      "tpu.region"() ({
        %run_scoped3A = tpu.sem_alloc : memref<!tpu.dma_semaphore, #tpu.memory_space<semaphore_mem>>
        %dma_start3A_191 = arith.constant 0 : i32
        %dma_start3A_192 = tpu.memref_slice %arg10[%sub3A_190, %dma_start3A_191] : memref<63x128xi32, #tpu.memory_space<vmem>> -> memref<1x128xi32, #tpu.memory_space<vmem>>
        %dma_start3A_193 = tpu.memref_squeeze %dma_start3A_192 : memref<1x128xi32, #tpu.memory_space<vmem>> -> memref<128xi32, #tpu.memory_space<vmem>>
        %dma_start3A_194 = arith.constant 0 : i32
        %dma_start3A_195 = arith.constant 0 : i32
        %dma_start3A_196 = tpu.memref_slice %arg13[%dma_start3A_194, %dma_start3A_195] : memref<10112x128xf32, #tpu.memory_space<vmem_shared>> -> memref<10112x128xf32, #tpu.memory_space<vmem_shared>>
        tpu.enqueue_indirect_dma source(%arg11 : memref<128x128xf32, #tpu.memory_space<vmem>>) target(%dma_start3A_196 : memref<10112x128xf32, #tpu.memory_space<vmem_shared>>) offsets(%dma_start3A_193 : memref<128xi32, #tpu.memory_space<vmem>>) semaphore(%run_scoped3A : memref<!tpu.dma_semaphore, #tpu.memory_space<semaphore_mem>>) {add = true}
        %dma_wait3A_197 = arith.constant 0 : i32
        %dma_wait3A_198 = tpu.memref_slice %arg10[%sub3A_190, %dma_wait3A_197] : memref<63x128xi32, #tpu.memory_space<vmem>> -> memref<1x128xi32, #tpu.memory_space<vmem>>
        %dma_wait3A_199 = tpu.memref_squeeze %dma_wait3A_198 : memref<1x128xi32, #tpu.memory_space<vmem>> -> memref<128xi32, #tpu.memory_space<vmem>>
        %dma_wait3A_200 = arith.constant 0 : i32
        %dma_wait3A_201 = arith.constant 0 : i32
        %dma_wait3A_202 = tpu.memref_slice %arg13[%dma_wait3A_200, %dma_wait3A_201] : memref<10112x128xf32, #tpu.memory_space<vmem_shared>> -> memref<10112x128xf32, #tpu.memory_space<vmem_shared>>
        tpu.wait_indirect_dma semaphore(%run_scoped3A : memref<!tpu.dma_semaphore, #tpu.memory_space<semaphore_mem>>) src(%arg11 : memref<128x128xf32, #tpu.memory_space<vmem>>) dst(%dma_wait3A_202 : memref<10112x128xf32, #tpu.memory_space<vmem_shared>>)
        tpu.yield
      }) : () -> ()
    } else {
    }
    %barrier3A_181 = arith.constant 0 : index
    tpu.barrier barrier_id(%barrier3A_181)
    %mul3A_182 = arith.constant 632 : i32
    %mul3A_183 = arith.muli %arg1, %mul3A_182 : i32
    %mul3A_184 = arith.constant 10112 : i32
    %mul3A_185 = arith.muli %arg0, %mul3A_184 : i32
    %mul3A_186 = arith.constant 632 : i32
    %mul3A_187 = arith.muli %arg1, %mul3A_186 : i32
    %add3A_188 = arith.addi %mul3A_185, %mul3A_187 : i32
    "tpu.region"() ({
      %run_scoped3A = tpu.sem_alloc : memref<!tpu.dma_semaphore, #tpu.memory_space<semaphore_mem>>
      %dma_start3A_189 = arith.constant 0 : i32
      %dma_start3A_190 = tpu.memref_slice %arg8[%add3A_188, %dma_start3A_189] : memref<20224x128xf32, #tpu.memory_space<hbm>> -> memref<632x128xf32, #tpu.memory_space<hbm>>
      %dma_start3A_191 = arith.constant 0 : i32
      %dma_start3A_192 = tpu.memref_slice %arg13[%mul3A_183, %dma_start3A_191] : memref<10112x128xf32, #tpu.memory_space<vmem_shared>> -> memref<632x128xf32, #tpu.memory_space<vmem_shared>>
      tpu.enqueue_dma source(%dma_start3A_192 : memref<632x128xf32, #tpu.memory_space<vmem_shared>>) target(%dma_start3A_190 : memref<632x128xf32, #tpu.memory_space<hbm>>) target_semaphore(%run_scoped3A : memref<!tpu.dma_semaphore, #tpu.memory_space<semaphore_mem>>)
      %dma_wait3A_193 = arith.constant 0 : i32
      %dma_wait3A_194 = tpu.memref_slice %arg8[%add3A_188, %dma_wait3A_193] : memref<20224x128xf32, #tpu.memory_space<hbm>> -> memref<632x128xf32, #tpu.memory_space<hbm>>
      %dma_wait3A_195 = arith.constant 0 : i32
      %dma_wait3A_196 = tpu.memref_slice %arg13[%mul3A_183, %dma_wait3A_195] : memref<10112x128xf32, #tpu.memory_space<vmem_shared>> -> memref<632x128xf32, #tpu.memory_space<vmem_shared>>
      tpu.wait_dma2 semaphore(%run_scoped3A : memref<!tpu.dma_semaphore, #tpu.memory_space<semaphore_mem>>) src(%dma_wait3A_196 : memref<632x128xf32, #tpu.memory_space<vmem_shared>>) dst(%dma_wait3A_194 : memref<632x128xf32, #tpu.memory_space<hbm>>)
      tpu.yield
    }) : () -> ()
    return
  }
}

module attributes {stable_mosaic.version = 14 : i64} {
  func.func @_tc1_body(%arg0: i32, %arg1: memref<1000x768xf32, #tpu.memory_space<vmem>>, %arg2: memref<1000x768xf32, #tpu.memory_space<vmem>>, %arg3: memref<1000x5xf32, #tpu.memory_space<vmem>>, %arg4: memref<1000x3xf32, #tpu.memory_space<vmem>>, %arg5: memref<1000x8xf32, #tpu.memory_space<vmem>>, %arg6: memref<1000x8xf32, #tpu.memory_space<vmem>>, %arg7: memref<768x32xf32, #tpu.memory_space<vmem>>, %arg8: memref<1x32xf32, #tpu.memory_space<vmem>>, %arg9: memref<768x32xf32, #tpu.memory_space<vmem>>, %arg10: memref<1x32xf32, #tpu.memory_space<vmem>>, %arg11: memref<5x32xf32, #tpu.memory_space<vmem>>, %arg12: memref<1x32xf32, #tpu.memory_space<vmem>>, %arg13: memref<3x32xf32, #tpu.memory_space<vmem>>, %arg14: memref<1x32xf32, #tpu.memory_space<vmem>>, %arg15: memref<128x128xf32, #tpu.memory_space<vmem>>, %arg16: memref<1x128xf32, #tpu.memory_space<vmem>>, %arg17: memref<128x128xf32, #tpu.memory_space<vmem>>, %arg18: memref<1000x128xf32, #tpu.memory_space<vmem>>) attributes {dimension_semantics = [#tpu.dimension_semantics<arbitrary>], iteration_bounds = array<i64: 10>, scalar_prefetch = 0 : i64, scratch_operands = 0 : i64, tpu.core_type = #tpu.core_type<tc>, window_params = [{transform_indices = @transform_0, window_bounds = array<i64: 1000, 768>}, {transform_indices = @transform_1, window_bounds = array<i64: 1000, 768>}, {transform_indices = @transform_2, window_bounds = array<i64: 1000, 5>}, {transform_indices = @transform_3, window_bounds = array<i64: 1000, 3>}, {transform_indices = @transform_4, window_bounds = array<i64: 1000, 8>}, {transform_indices = @transform_5, window_bounds = array<i64: 1000, 8>}, {pipeline_mode = #tpu.pipeline_mode<synchronous>, transform_indices = @transform_6, window_bounds = array<i64: 768, 32>}, {pipeline_mode = #tpu.pipeline_mode<synchronous>, transform_indices = @transform_7, window_bounds = array<i64: 1, 32>}, {pipeline_mode = #tpu.pipeline_mode<synchronous>, transform_indices = @transform_8, window_bounds = array<i64: 768, 32>}, {pipeline_mode = #tpu.pipeline_mode<synchronous>, transform_indices = @transform_9, window_bounds = array<i64: 1, 32>}, {pipeline_mode = #tpu.pipeline_mode<synchronous>, transform_indices = @transform_10, window_bounds = array<i64: 5, 32>}, {pipeline_mode = #tpu.pipeline_mode<synchronous>, transform_indices = @transform_11, window_bounds = array<i64: 1, 32>}, {pipeline_mode = #tpu.pipeline_mode<synchronous>, transform_indices = @transform_12, window_bounds = array<i64: 3, 32>}, {pipeline_mode = #tpu.pipeline_mode<synchronous>, transform_indices = @transform_13, window_bounds = array<i64: 1, 32>}, {pipeline_mode = #tpu.pipeline_mode<synchronous>, transform_indices = @transform_14, window_bounds = array<i64: 128, 128>}, {pipeline_mode = #tpu.pipeline_mode<synchronous>, transform_indices = @transform_15, window_bounds = array<i64: 1, 128>}, {pipeline_mode = #tpu.pipeline_mode<synchronous>, transform_indices = @transform_16, window_bounds = array<i64: 128, 128>}, {transform_indices = @transform_17, window_bounds = array<i64: 1000, 128>}]} {
    %get3A = arith.constant 0 : index
    %get3A_0 = arith.constant 0 : index
    %get3A_1 = vector.load %arg1[%get3A, %get3A_0] : memref<1000x768xf32, #tpu.memory_space<vmem>>, vector<1000x768xf32>
    %get3A_2 = arith.constant 0 : index
    %get3A_3 = arith.constant 0 : index
    %get3A_4 = vector.load %arg7[%get3A_2, %get3A_3] : memref<768x32xf32, #tpu.memory_space<vmem>>, vector<768x32xf32>
    %dot_general3A = arith.constant dense<0.000000e+00> : vector<1000x32xf32>
    %dot_general3A_5 = tpu.matmul %get3A_1, %get3A_4, %dot_general3A {dimension_numbers = #tpu.dot_dimension_numbers<[1], [0], [0], [1], [0, 0, 1, 1], [], []>, transpose_lhs_hint = false} : vector<1000x768xf32>, vector<768x32xf32>, vector<1000x32xf32> -> vector<1000x32xf32>
    %get3A_6 = arith.constant 0 : index
    %get3A_7 = arith.constant 0 : index
    %get3A_8 = vector.load %arg8[%get3A_6, %get3A_7] : memref<1x32xf32, #tpu.memory_space<vmem>>, vector<1x32xf32>
    %add3A = vector.broadcast %get3A_8 : vector<1x32xf32> to vector<1000x32xf32>
    %add3A_9 = arith.addf %dot_general3A_5, %add3A : vector<1000x32xf32>
    %jit3A = arith.constant 0.00999999977 : f32
    %ge3A = arith.constant 0.000000e+00 : f32
    %ge3A_10 = vector.broadcast %ge3A : f32 to vector<1000x32xf32>
    %ge3A_11 = arith.cmpf oge, %add3A_9, %ge3A_10 : vector<1000x32xf32>
    %mul3A = vector.broadcast %jit3A : f32 to vector<1000x32xf32>
    %mul3A_12 = arith.mulf %mul3A, %add3A_9 : vector<1000x32xf32>
    %select_n3A = arith.select %ge3A_11, %add3A_9, %mul3A_12 : vector<1000x32xi1>, vector<1000x32xf32>
    %get3A_13 = arith.constant 0 : index
    %get3A_14 = arith.constant 0 : index
    %get3A_15 = vector.load %arg2[%get3A_13, %get3A_14] : memref<1000x768xf32, #tpu.memory_space<vmem>>, vector<1000x768xf32>
    %get3A_16 = arith.constant 0 : index
    %get3A_17 = arith.constant 0 : index
    %get3A_18 = vector.load %arg9[%get3A_16, %get3A_17] : memref<768x32xf32, #tpu.memory_space<vmem>>, vector<768x32xf32>
    %dot_general3A_19 = arith.constant dense<0.000000e+00> : vector<1000x32xf32>
    %dot_general3A_20 = tpu.matmul %get3A_15, %get3A_18, %dot_general3A_19 {dimension_numbers = #tpu.dot_dimension_numbers<[1], [0], [0], [1], [0, 0, 1, 1], [], []>, transpose_lhs_hint = false} : vector<1000x768xf32>, vector<768x32xf32>, vector<1000x32xf32> -> vector<1000x32xf32>
    %get3A_21 = arith.constant 0 : index
    %get3A_22 = arith.constant 0 : index
    %get3A_23 = vector.load %arg10[%get3A_21, %get3A_22] : memref<1x32xf32, #tpu.memory_space<vmem>>, vector<1x32xf32>
    %add3A_24 = vector.broadcast %get3A_23 : vector<1x32xf32> to vector<1000x32xf32>
    %add3A_25 = arith.addf %dot_general3A_20, %add3A_24 : vector<1000x32xf32>
    %jit3A_26 = arith.constant 0.00999999977 : f32
    %ge3A_27 = arith.constant 0.000000e+00 : f32
    %ge3A_28 = vector.broadcast %ge3A_27 : f32 to vector<1000x32xf32>
    %ge3A_29 = arith.cmpf oge, %add3A_25, %ge3A_28 : vector<1000x32xf32>
    %mul3A_30 = vector.broadcast %jit3A_26 : f32 to vector<1000x32xf32>
    %mul3A_31 = arith.mulf %mul3A_30, %add3A_25 : vector<1000x32xf32>
    %select_n3A_32 = arith.select %ge3A_29, %add3A_25, %mul3A_31 : vector<1000x32xi1>, vector<1000x32xf32>
    %get3A_33 = arith.constant 0 : index
    %get3A_34 = arith.constant 0 : index
    %get3A_35 = vector.load %arg3[%get3A_33, %get3A_34] : memref<1000x5xf32, #tpu.memory_space<vmem>>, vector<1000x5xf32>
    %get3A_36 = arith.constant 0 : index
    %get3A_37 = arith.constant 0 : index
    %get3A_38 = vector.load %arg11[%get3A_36, %get3A_37] : memref<5x32xf32, #tpu.memory_space<vmem>>, vector<5x32xf32>
    %dot_general3A_39 = arith.constant dense<0.000000e+00> : vector<1000x32xf32>
    %dot_general3A_40 = tpu.matmul %get3A_35, %get3A_38, %dot_general3A_39 {dimension_numbers = #tpu.dot_dimension_numbers<[1], [0], [0], [1], [0, 0, 1, 1], [], []>, transpose_lhs_hint = false} : vector<1000x5xf32>, vector<5x32xf32>, vector<1000x32xf32> -> vector<1000x32xf32>
    %get3A_41 = arith.constant 0 : index
    %get3A_42 = arith.constant 0 : index
    %get3A_43 = vector.load %arg12[%get3A_41, %get3A_42] : memref<1x32xf32, #tpu.memory_space<vmem>>, vector<1x32xf32>
    %add3A_44 = vector.broadcast %get3A_43 : vector<1x32xf32> to vector<1000x32xf32>
    %add3A_45 = arith.addf %dot_general3A_40, %add3A_44 : vector<1000x32xf32>
    %jit3A_46 = arith.constant 0.00999999977 : f32
    %ge3A_47 = arith.constant 0.000000e+00 : f32
    %ge3A_48 = vector.broadcast %ge3A_47 : f32 to vector<1000x32xf32>
    %ge3A_49 = arith.cmpf oge, %add3A_45, %ge3A_48 : vector<1000x32xf32>
    %mul3A_50 = vector.broadcast %jit3A_46 : f32 to vector<1000x32xf32>
    %mul3A_51 = arith.mulf %mul3A_50, %add3A_45 : vector<1000x32xf32>
    %select_n3A_52 = arith.select %ge3A_49, %add3A_45, %mul3A_51 : vector<1000x32xi1>, vector<1000x32xf32>
    %get3A_53 = arith.constant 0 : index
    %get3A_54 = arith.constant 0 : index
    %get3A_55 = vector.load %arg4[%get3A_53, %get3A_54] : memref<1000x3xf32, #tpu.memory_space<vmem>>, vector<1000x3xf32>
    %get3A_56 = arith.constant 0 : index
    %get3A_57 = arith.constant 0 : index
    %get3A_58 = vector.load %arg13[%get3A_56, %get3A_57] : memref<3x32xf32, #tpu.memory_space<vmem>>, vector<3x32xf32>
    %dot_general3A_59 = arith.constant dense<0.000000e+00> : vector<1000x32xf32>
    %dot_general3A_60 = tpu.matmul %get3A_55, %get3A_58, %dot_general3A_59 {dimension_numbers = #tpu.dot_dimension_numbers<[1], [0], [0], [1], [0, 0, 1, 1], [], []>, transpose_lhs_hint = false} : vector<1000x3xf32>, vector<3x32xf32>, vector<1000x32xf32> -> vector<1000x32xf32>
    %get3A_61 = arith.constant 0 : index
    %get3A_62 = arith.constant 0 : index
    %get3A_63 = vector.load %arg14[%get3A_61, %get3A_62] : memref<1x32xf32, #tpu.memory_space<vmem>>, vector<1x32xf32>
    %add3A_64 = vector.broadcast %get3A_63 : vector<1x32xf32> to vector<1000x32xf32>
    %add3A_65 = arith.addf %dot_general3A_60, %add3A_64 : vector<1000x32xf32>
    %jit3A_66 = arith.constant 0.00999999977 : f32
    %ge3A_67 = arith.constant 0.000000e+00 : f32
    %ge3A_68 = vector.broadcast %ge3A_67 : f32 to vector<1000x32xf32>
    %ge3A_69 = arith.cmpf oge, %add3A_65, %ge3A_68 : vector<1000x32xf32>
    %mul3A_70 = vector.broadcast %jit3A_66 : f32 to vector<1000x32xf32>
    %mul3A_71 = arith.mulf %mul3A_70, %add3A_65 : vector<1000x32xf32>
    %select_n3A_72 = arith.select %ge3A_69, %add3A_65, %mul3A_71 : vector<1000x32xi1>, vector<1000x32xf32>
    %concatenate3A = tpu.concatenate %select_n3A, %select_n3A_32, %select_n3A_52, %select_n3A_72 in 1 : vector<1000x32xf32>, vector<1000x32xf32>, vector<1000x32xf32>, vector<1000x32xf32> -> vector<1000x128xf32>
    %get3A_73 = arith.constant 0 : index
    %get3A_74 = arith.constant 0 : index
    %get3A_75 = vector.load %arg15[%get3A_73, %get3A_74] : memref<128x128xf32, #tpu.memory_space<vmem>>, vector<128x128xf32>
    %dot_general3A_76 = arith.constant dense<0.000000e+00> : vector<1000x128xf32>
    %dot_general3A_77 = tpu.matmul %concatenate3A, %get3A_75, %dot_general3A_76 {dimension_numbers = #tpu.dot_dimension_numbers<[1], [0], [0], [1], [0, 0, 1, 1], [], []>, transpose_lhs_hint = false} : vector<1000x128xf32>, vector<128x128xf32>, vector<1000x128xf32> -> vector<1000x128xf32>
    %get3A_78 = arith.constant 0 : index
    %get3A_79 = arith.constant 0 : index
    %get3A_80 = vector.load %arg16[%get3A_78, %get3A_79] : memref<1x128xf32, #tpu.memory_space<vmem>>, vector<1x128xf32>
    %add3A_81 = vector.broadcast %get3A_80 : vector<1x128xf32> to vector<1000x128xf32>
    %add3A_82 = arith.addf %dot_general3A_77, %add3A_81 : vector<1000x128xf32>
    %jit3A_83 = arith.constant 0.00999999977 : f32
    %ge3A_84 = arith.constant 0.000000e+00 : f32
    %ge3A_85 = vector.broadcast %ge3A_84 : f32 to vector<1000x128xf32>
    %ge3A_86 = arith.cmpf oge, %add3A_82, %ge3A_85 : vector<1000x128xf32>
    %mul3A_87 = vector.broadcast %jit3A_83 : f32 to vector<1000x128xf32>
    %mul3A_88 = arith.mulf %mul3A_87, %add3A_82 : vector<1000x128xf32>
    %select_n3A_89 = arith.select %ge3A_86, %add3A_82, %mul3A_88 : vector<1000x128xi1>, vector<1000x128xf32>
    %get3A_90 = arith.constant 0 : index
    %get3A_91 = arith.constant 0 : index
    %get3A_92 = vector.load %arg5[%get3A_90, %get3A_91] : memref<1000x8xf32, #tpu.memory_space<vmem>>, vector<1000x8xf32>
    %get3A_93 = arith.constant 0 : index
    %get3A_94 = arith.constant 0 : index
    %get3A_95 = vector.load %arg6[%get3A_93, %get3A_94] : memref<1000x8xf32, #tpu.memory_space<vmem>>, vector<1000x8xf32>
    %slice3A = vector.extract_strided_slice %get3A_92 {offsets = [0, 0], sizes = [1000, 1], strides = [1, 1]} : vector<1000x8xf32> to vector<1000x1xf32>
    %slice3A_96 = vector.extract_strided_slice %get3A_95 {offsets = [0, 0], sizes = [1000, 1], strides = [1, 1]} : vector<1000x8xf32> to vector<1000x1xf32>
    %add3A_97 = arith.addf %slice3A, %slice3A_96 : vector<1000x1xf32>
    %add3A_98 = arith.constant 1.000000e+00 : f32
    %add3A_99 = vector.broadcast %add3A_98 : f32 to vector<1000x1xf32>
    %add3A_100 = arith.addf %add3A_97, %add3A_99 : vector<1000x1xf32>
    %rsqrt3A = math.rsqrt %add3A_100 : vector<1000x1xf32>
    %get3A_101 = arith.constant 0 : index
    %get3A_102 = arith.constant 0 : index
    %get3A_103 = vector.load %arg17[%get3A_101, %get3A_102] : memref<128x128xf32, #tpu.memory_space<vmem>>, vector<128x128xf32>
    %dot_general3A_104 = arith.constant dense<0.000000e+00> : vector<1000x128xf32>
    %dot_general3A_105 = tpu.matmul %select_n3A_89, %get3A_103, %dot_general3A_104 {dimension_numbers = #tpu.dot_dimension_numbers<[1], [0], [0], [1], [0, 0, 1, 1], [], []>, transpose_lhs_hint = false} : vector<1000x128xf32>, vector<128x128xf32>, vector<1000x128xf32> -> vector<1000x128xf32>
    %mul3A_106 = vector.broadcast %rsqrt3A : vector<1000x1xf32> to vector<1000x128xf32>
    %mul3A_107 = arith.mulf %dot_general3A_105, %mul3A_106 : vector<1000x128xf32>
    %swap3A = arith.constant 0 : index
    %swap3A_108 = arith.constant 0 : index
    %swap3A_109 = vector.load %arg18[%swap3A, %swap3A_108] : memref<1000x128xf32, #tpu.memory_space<vmem>>, vector<1000x128xf32>
    tpu.vector_store %arg18[%swap3A, %swap3A_108], %mul3A_107 {strides = array<i32>} : memref<1000x128xf32, #tpu.memory_space<vmem>>, vector<1000x128xf32>,
    return
  }
  func.func @transform_0(%arg0: i32) -> (i32, i32) {
    %c0_i32 = arith.constant 0 : i32
    %c0_i32_0 = arith.constant 0 : i32
    return %arg0, %c0_i32 : i32, i32
  }
  func.func @transform_1(%arg0: i32) -> (i32, i32) {
    %c0_i32 = arith.constant 0 : i32
    %c0_i32_0 = arith.constant 0 : i32
    return %arg0, %c0_i32 : i32, i32
  }
  func.func @transform_2(%arg0: i32) -> (i32, i32) {
    %c0_i32 = arith.constant 0 : i32
    %c0_i32_0 = arith.constant 0 : i32
    return %arg0, %c0_i32 : i32, i32
  }
  func.func @transform_3(%arg0: i32) -> (i32, i32) {
    %c0_i32 = arith.constant 0 : i32
    %c0_i32_0 = arith.constant 0 : i32
    return %arg0, %c0_i32 : i32, i32
  }
  func.func @transform_4(%arg0: i32) -> (i32, i32) {
    %c0_i32 = arith.constant 0 : i32
    %c0_i32_0 = arith.constant 0 : i32
    return %arg0, %c0_i32 : i32, i32
  }
  func.func @transform_5(%arg0: i32) -> (i32, i32) {
    %c0_i32 = arith.constant 0 : i32
    %c0_i32_0 = arith.constant 0 : i32
    return %arg0, %c0_i32 : i32, i32
  }
  func.func @transform_6(%arg0: i32) -> (i32, i32) {
    %c0_i32 = arith.constant 0 : i32
    %c0_i32_0 = arith.constant 0 : i32
    %c0_i32_1 = arith.constant 0 : i32
    return %c0_i32, %c0_i32_0 : i32, i32
  }
  func.func @transform_7(%arg0: i32) -> (i32, i32) {
    %c0_i32 = arith.constant 0 : i32
    %c0_i32_0 = arith.constant 0 : i32
    %c0_i32_1 = arith.constant 0 : i32
    return %c0_i32, %c0_i32_0 : i32, i32
  }
  func.func @transform_8(%arg0: i32) -> (i32, i32) {
    %c0_i32 = arith.constant 0 : i32
    %c0_i32_0 = arith.constant 0 : i32
    %c0_i32_1 = arith.constant 0 : i32
    return %c0_i32, %c0_i32_0 : i32, i32
  }
  func.func @transform_9(%arg0: i32) -> (i32, i32) {
    %c0_i32 = arith.constant 0 : i32
    %c0_i32_0 = arith.constant 0 : i32
    %c0_i32_1 = arith.constant 0 : i32
    return %c0_i32, %c0_i32_0 : i32, i32
  }
  func.func @transform_10(%arg0: i32) -> (i32, i32) {
    %c0_i32 = arith.constant 0 : i32
    %c0_i32_0 = arith.constant 0 : i32
    %c0_i32_1 = arith.constant 0 : i32
    return %c0_i32, %c0_i32_0 : i32, i32
  }
  func.func @transform_11(%arg0: i32) -> (i32, i32) {
    %c0_i32 = arith.constant 0 : i32
    %c0_i32_0 = arith.constant 0 : i32
    %c0_i32_1 = arith.constant 0 : i32
    return %c0_i32, %c0_i32_0 : i32, i32
  }
  func.func @transform_12(%arg0: i32) -> (i32, i32) {
    %c0_i32 = arith.constant 0 : i32
    %c0_i32_0 = arith.constant 0 : i32
    %c0_i32_1 = arith.constant 0 : i32
    return %c0_i32, %c0_i32_0 : i32, i32
  }
  func.func @transform_13(%arg0: i32) -> (i32, i32) {
    %c0_i32 = arith.constant 0 : i32
    %c0_i32_0 = arith.constant 0 : i32
    %c0_i32_1 = arith.constant 0 : i32
    return %c0_i32, %c0_i32_0 : i32, i32
  }
  func.func @transform_14(%arg0: i32) -> (i32, i32) {
    %c0_i32 = arith.constant 0 : i32
    %c0_i32_0 = arith.constant 0 : i32
    %c0_i32_1 = arith.constant 0 : i32
    return %c0_i32, %c0_i32_0 : i32, i32
  }
  func.func @transform_15(%arg0: i32) -> (i32, i32) {
    %c0_i32 = arith.constant 0 : i32
    %c0_i32_0 = arith.constant 0 : i32
    %c0_i32_1 = arith.constant 0 : i32
    return %c0_i32, %c0_i32_0 : i32, i32
  }
  func.func @transform_16(%arg0: i32) -> (i32, i32) {
    %c0_i32 = arith.constant 0 : i32
    %c0_i32_0 = arith.constant 0 : i32
    %c0_i32_1 = arith.constant 0 : i32
    return %c0_i32, %c0_i32_0 : i32, i32
  }
  func.func @transform_17(%arg0: i32) -> (i32, i32) {
    %c0_i32 = arith.constant 0 : i32
    %c0_i32_0 = arith.constant 0 : i32
    return %arg0, %c0_i32 : i32, i32
  }
}

module attributes {stable_mosaic.version = 14 : i64} {
  func.func @_tc2_body(%arg0: i32, %arg1: memref<1000x128xf32, #tpu.memory_space<vmem>>, %arg2: memref<1000x128xf32, #tpu.memory_space<vmem>>, %arg3: memref<1000x128xf32, #tpu.memory_space<vmem>>, %arg4: memref<1000x8xf32, #tpu.memory_space<vmem>>, %arg5: memref<1000x8xf32, #tpu.memory_space<vmem>>, %arg6: memref<1x128xf32, #tpu.memory_space<vmem>>, %arg7: memref<128x128xf32, #tpu.memory_space<vmem>>, %arg8: memref<1000x128xf32, #tpu.memory_space<vmem>>) attributes {dimension_semantics = [#tpu.dimension_semantics<arbitrary>], iteration_bounds = array<i64: 10>, scalar_prefetch = 0 : i64, scratch_operands = 0 : i64, tpu.core_type = #tpu.core_type<tc>, window_params = [{transform_indices = @transform_0, window_bounds = array<i64: 1000, 128>}, {transform_indices = @transform_1, window_bounds = array<i64: 1000, 128>}, {transform_indices = @transform_2, window_bounds = array<i64: 1000, 128>}, {transform_indices = @transform_3, window_bounds = array<i64: 1000, 8>}, {transform_indices = @transform_4, window_bounds = array<i64: 1000, 8>}, {pipeline_mode = #tpu.pipeline_mode<synchronous>, transform_indices = @transform_5, window_bounds = array<i64: 1, 128>}, {pipeline_mode = #tpu.pipeline_mode<synchronous>, transform_indices = @transform_6, window_bounds = array<i64: 128, 128>}, {transform_indices = @transform_7, window_bounds = array<i64: 1000, 128>}]} {
    %get3A = arith.constant 0 : index
    %get3A_0 = arith.constant 0 : index
    %get3A_1 = vector.load %arg4[%get3A, %get3A_0] : memref<1000x8xf32, #tpu.memory_space<vmem>>, vector<1000x8xf32>
    %get3A_2 = arith.constant 0 : index
    %get3A_3 = arith.constant 0 : index
    %get3A_4 = vector.load %arg5[%get3A_2, %get3A_3] : memref<1000x8xf32, #tpu.memory_space<vmem>>, vector<1000x8xf32>
    %slice3A = vector.extract_strided_slice %get3A_1 {offsets = [0, 0], sizes = [1000, 1], strides = [1, 1]} : vector<1000x8xf32> to vector<1000x1xf32>
    %slice3A_5 = vector.extract_strided_slice %get3A_4 {offsets = [0, 0], sizes = [1000, 1], strides = [1, 1]} : vector<1000x8xf32> to vector<1000x1xf32>
    %add3A = arith.addf %slice3A, %slice3A_5 : vector<1000x1xf32>
    %add3A_6 = arith.constant 1.000000e+00 : f32
    %add3A_7 = vector.broadcast %add3A_6 : f32 to vector<1000x1xf32>
    %add3A_8 = arith.addf %add3A, %add3A_7 : vector<1000x1xf32>
    %rsqrt3A = math.rsqrt %add3A_8 : vector<1000x1xf32>
    %get3A_9 = arith.constant 0 : index
    %get3A_10 = arith.constant 0 : index
    %get3A_11 = vector.load %arg1[%get3A_9, %get3A_10] : memref<1000x128xf32, #tpu.memory_space<vmem>>, vector<1000x128xf32>
    %get3A_12 = arith.constant 0 : index
    %get3A_13 = arith.constant 0 : index
    %get3A_14 = vector.load %arg2[%get3A_12, %get3A_13] : memref<1000x128xf32, #tpu.memory_space<vmem>>, vector<1000x128xf32>
    %add3A_15 = arith.addf %get3A_11, %get3A_14 : vector<1000x128xf32>
    %get3A_16 = arith.constant 0 : index
    %get3A_17 = arith.constant 0 : index
    %get3A_18 = vector.load %arg3[%get3A_16, %get3A_17] : memref<1000x128xf32, #tpu.memory_space<vmem>>, vector<1000x128xf32>
    %add3A_19 = arith.addf %add3A_15, %get3A_18 : vector<1000x128xf32>
    %mul3A = vector.broadcast %rsqrt3A : vector<1000x1xf32> to vector<1000x128xf32>
    %mul3A_20 = arith.mulf %mul3A, %add3A_19 : vector<1000x128xf32>
    %get3A_21 = arith.constant 0 : index
    %get3A_22 = arith.constant 0 : index
    %get3A_23 = vector.load %arg6[%get3A_21, %get3A_22] : memref<1x128xf32, #tpu.memory_space<vmem>>, vector<1x128xf32>
    %add3A_24 = vector.broadcast %get3A_23 : vector<1x128xf32> to vector<1000x128xf32>
    %add3A_25 = arith.addf %mul3A_20, %add3A_24 : vector<1000x128xf32>
    %get3A_26 = arith.constant 0 : index
    %get3A_27 = arith.constant 0 : index
    %get3A_28 = vector.load %arg7[%get3A_26, %get3A_27] : memref<128x128xf32, #tpu.memory_space<vmem>>, vector<128x128xf32>
    %dot_general3A = arith.constant dense<0.000000e+00> : vector<1000x128xf32>
    %dot_general3A_29 = tpu.matmul %add3A_25, %get3A_28, %dot_general3A {dimension_numbers = #tpu.dot_dimension_numbers<[1], [0], [0], [1], [0, 0, 1, 1], [], []>, transpose_lhs_hint = false} : vector<1000x128xf32>, vector<128x128xf32>, vector<1000x128xf32> -> vector<1000x128xf32>
    %mul3A_30 = vector.broadcast %rsqrt3A : vector<1000x1xf32> to vector<1000x128xf32>
    %mul3A_31 = arith.mulf %dot_general3A_29, %mul3A_30 : vector<1000x128xf32>
    %swap3A = arith.constant 0 : index
    %swap3A_32 = arith.constant 0 : index
    %swap3A_33 = vector.load %arg8[%swap3A, %swap3A_32] : memref<1000x128xf32, #tpu.memory_space<vmem>>, vector<1000x128xf32>
    tpu.vector_store %arg8[%swap3A, %swap3A_32], %mul3A_31 {strides = array<i32>} : memref<1000x128xf32, #tpu.memory_space<vmem>>, vector<1000x128xf32>,
    return
  }
  func.func @transform_0(%arg0: i32) -> (i32, i32) {
    %c0_i32 = arith.constant 0 : i32
    %c0_i32_0 = arith.constant 0 : i32
    return %arg0, %c0_i32 : i32, i32
  }
  func.func @transform_1(%arg0: i32) -> (i32, i32) {
    %c0_i32 = arith.constant 0 : i32
    %c0_i32_0 = arith.constant 0 : i32
    return %arg0, %c0_i32 : i32, i32
  }
  func.func @transform_2(%arg0: i32) -> (i32, i32) {
    %c0_i32 = arith.constant 0 : i32
    %c0_i32_0 = arith.constant 0 : i32
    return %arg0, %c0_i32 : i32, i32
  }
  func.func @transform_3(%arg0: i32) -> (i32, i32) {
    %c0_i32 = arith.constant 0 : i32
    %c0_i32_0 = arith.constant 0 : i32
    return %arg0, %c0_i32 : i32, i32
  }
  func.func @transform_4(%arg0: i32) -> (i32, i32) {
    %c0_i32 = arith.constant 0 : i32
    %c0_i32_0 = arith.constant 0 : i32
    return %arg0, %c0_i32 : i32, i32
  }
  func.func @transform_5(%arg0: i32) -> (i32, i32) {
    %c0_i32 = arith.constant 0 : i32
    %c0_i32_0 = arith.constant 0 : i32
    %c0_i32_1 = arith.constant 0 : i32
    return %c0_i32, %c0_i32_0 : i32, i32
  }
  func.func @transform_6(%arg0: i32) -> (i32, i32) {
    %c0_i32 = arith.constant 0 : i32
    %c0_i32_0 = arith.constant 0 : i32
    %c0_i32_1 = arith.constant 0 : i32
    return %c0_i32, %c0_i32_0 : i32, i32
  }
  func.func @transform_7(%arg0: i32) -> (i32, i32) {
    %c0_i32 = arith.constant 0 : i32
    %c0_i32_0 = arith.constant 0 : i32
    return %arg0, %c0_i32 : i32, i32
  }
}

module attributes {stable_mosaic.version = 14 : i64} {
  func.func @_tc3_body(%arg0: i32, %arg1: memref<1000x128xf32, #tpu.memory_space<vmem>>, %arg2: memref<1000x128xf32, #tpu.memory_space<vmem>>, %arg3: memref<1000x128xf32, #tpu.memory_space<vmem>>, %arg4: memref<1000x8xf32, #tpu.memory_space<vmem>>, %arg5: memref<1000x8xf32, #tpu.memory_space<vmem>>, %arg6: memref<1x128xf32, #tpu.memory_space<vmem>>, %arg7: memref<128x64xf32, #tpu.memory_space<vmem>>, %arg8: memref<1x64xf32, #tpu.memory_space<vmem>>, %arg9: memref<64x128xf32, #tpu.memory_space<vmem>>, %arg10: memref<1000x128xf32, #tpu.memory_space<vmem>>) attributes {dimension_semantics = [#tpu.dimension_semantics<arbitrary>], iteration_bounds = array<i64: 10>, scalar_prefetch = 0 : i64, scratch_operands = 0 : i64, tpu.core_type = #tpu.core_type<tc>, window_params = [{transform_indices = @transform_0, window_bounds = array<i64: 1000, 128>}, {transform_indices = @transform_1, window_bounds = array<i64: 1000, 128>}, {transform_indices = @transform_2, window_bounds = array<i64: 1000, 128>}, {transform_indices = @transform_3, window_bounds = array<i64: 1000, 8>}, {transform_indices = @transform_4, window_bounds = array<i64: 1000, 8>}, {pipeline_mode = #tpu.pipeline_mode<synchronous>, transform_indices = @transform_5, window_bounds = array<i64: 1, 128>}, {pipeline_mode = #tpu.pipeline_mode<synchronous>, transform_indices = @transform_6, window_bounds = array<i64: 128, 64>}, {pipeline_mode = #tpu.pipeline_mode<synchronous>, transform_indices = @transform_7, window_bounds = array<i64: 1, 64>}, {pipeline_mode = #tpu.pipeline_mode<synchronous>, transform_indices = @transform_8, window_bounds = array<i64: 64, 128>}, {transform_indices = @transform_9, window_bounds = array<i64: 1000, 128>}]} {
    %get3A = arith.constant 0 : index
    %get3A_0 = arith.constant 0 : index
    %get3A_1 = vector.load %arg4[%get3A, %get3A_0] : memref<1000x8xf32, #tpu.memory_space<vmem>>, vector<1000x8xf32>
    %get3A_2 = arith.constant 0 : index
    %get3A_3 = arith.constant 0 : index
    %get3A_4 = vector.load %arg5[%get3A_2, %get3A_3] : memref<1000x8xf32, #tpu.memory_space<vmem>>, vector<1000x8xf32>
    %slice3A = vector.extract_strided_slice %get3A_1 {offsets = [0, 0], sizes = [1000, 1], strides = [1, 1]} : vector<1000x8xf32> to vector<1000x1xf32>
    %slice3A_5 = vector.extract_strided_slice %get3A_4 {offsets = [0, 0], sizes = [1000, 1], strides = [1, 1]} : vector<1000x8xf32> to vector<1000x1xf32>
    %add3A = arith.addf %slice3A, %slice3A_5 : vector<1000x1xf32>
    %add3A_6 = arith.constant 1.000000e+00 : f32
    %add3A_7 = vector.broadcast %add3A_6 : f32 to vector<1000x1xf32>
    %add3A_8 = arith.addf %add3A, %add3A_7 : vector<1000x1xf32>
    %rsqrt3A = math.rsqrt %add3A_8 : vector<1000x1xf32>
    %get3A_9 = arith.constant 0 : index
    %get3A_10 = arith.constant 0 : index
    %get3A_11 = vector.load %arg1[%get3A_9, %get3A_10] : memref<1000x128xf32, #tpu.memory_space<vmem>>, vector<1000x128xf32>
    %get3A_12 = arith.constant 0 : index
    %get3A_13 = arith.constant 0 : index
    %get3A_14 = vector.load %arg2[%get3A_12, %get3A_13] : memref<1000x128xf32, #tpu.memory_space<vmem>>, vector<1000x128xf32>
    %add3A_15 = arith.addf %get3A_11, %get3A_14 : vector<1000x128xf32>
    %get3A_16 = arith.constant 0 : index
    %get3A_17 = arith.constant 0 : index
    %get3A_18 = vector.load %arg3[%get3A_16, %get3A_17] : memref<1000x128xf32, #tpu.memory_space<vmem>>, vector<1000x128xf32>
    %add3A_19 = arith.addf %add3A_15, %get3A_18 : vector<1000x128xf32>
    %mul3A = vector.broadcast %rsqrt3A : vector<1000x1xf32> to vector<1000x128xf32>
    %mul3A_20 = arith.mulf %mul3A, %add3A_19 : vector<1000x128xf32>
    %get3A_21 = arith.constant 0 : index
    %get3A_22 = arith.constant 0 : index
    %get3A_23 = vector.load %arg6[%get3A_21, %get3A_22] : memref<1x128xf32, #tpu.memory_space<vmem>>, vector<1x128xf32>
    %add3A_24 = vector.broadcast %get3A_23 : vector<1x128xf32> to vector<1000x128xf32>
    %add3A_25 = arith.addf %mul3A_20, %add3A_24 : vector<1000x128xf32>
    %get3A_26 = arith.constant 0 : index
    %get3A_27 = arith.constant 0 : index
    %get3A_28 = vector.load %arg7[%get3A_26, %get3A_27] : memref<128x64xf32, #tpu.memory_space<vmem>>, vector<128x64xf32>
    %dot_general3A = arith.constant dense<0.000000e+00> : vector<1000x64xf32>
    %dot_general3A_29 = tpu.matmul %add3A_25, %get3A_28, %dot_general3A {dimension_numbers = #tpu.dot_dimension_numbers<[1], [0], [0], [1], [0, 0, 1, 1], [], []>, transpose_lhs_hint = false} : vector<1000x128xf32>, vector<128x64xf32>, vector<1000x64xf32> -> vector<1000x64xf32>
    %get3A_30 = arith.constant 0 : index
    %get3A_31 = arith.constant 0 : index
    %get3A_32 = vector.load %arg8[%get3A_30, %get3A_31] : memref<1x64xf32, #tpu.memory_space<vmem>>, vector<1x64xf32>
    %add3A_33 = vector.broadcast %get3A_32 : vector<1x64xf32> to vector<1000x64xf32>
    %add3A_34 = arith.addf %dot_general3A_29, %add3A_33 : vector<1000x64xf32>
    %jit3A = arith.constant 0.00999999977 : f32
    %ge3A = arith.constant 0.000000e+00 : f32
    %ge3A_35 = vector.broadcast %ge3A : f32 to vector<1000x64xf32>
    %ge3A_36 = arith.cmpf oge, %add3A_34, %ge3A_35 : vector<1000x64xf32>
    %mul3A_37 = vector.broadcast %jit3A : f32 to vector<1000x64xf32>
    %mul3A_38 = arith.mulf %mul3A_37, %add3A_34 : vector<1000x64xf32>
    %select_n3A = arith.select %ge3A_36, %add3A_34, %mul3A_38 : vector<1000x64xi1>, vector<1000x64xf32>
    %get3A_39 = arith.constant 0 : index
    %get3A_40 = arith.constant 0 : index
    %get3A_41 = vector.load %arg9[%get3A_39, %get3A_40] : memref<64x128xf32, #tpu.memory_space<vmem>>, vector<64x128xf32>
    %dot_general3A_42 = arith.constant dense<0.000000e+00> : vector<1000x128xf32>
    %dot_general3A_43 = tpu.matmul %select_n3A, %get3A_41, %dot_general3A_42 {dimension_numbers = #tpu.dot_dimension_numbers<[1], [0], [0], [1], [0, 0, 1, 1], [], []>, transpose_lhs_hint = false} : vector<1000x64xf32>, vector<64x128xf32>, vector<1000x128xf32> -> vector<1000x128xf32>
    %mul3A_44 = vector.broadcast %rsqrt3A : vector<1000x1xf32> to vector<1000x128xf32>
    %mul3A_45 = arith.mulf %dot_general3A_43, %mul3A_44 : vector<1000x128xf32>
    %swap3A = arith.constant 0 : index
    %swap3A_46 = arith.constant 0 : index
    %swap3A_47 = vector.load %arg10[%swap3A, %swap3A_46] : memref<1000x128xf32, #tpu.memory_space<vmem>>, vector<1000x128xf32>
    tpu.vector_store %arg10[%swap3A, %swap3A_46], %mul3A_45 {strides = array<i32>} : memref<1000x128xf32, #tpu.memory_space<vmem>>, vector<1000x128xf32>,
    return
  }
  func.func @transform_0(%arg0: i32) -> (i32, i32) {
    %c0_i32 = arith.constant 0 : i32
    %c0_i32_0 = arith.constant 0 : i32
    return %arg0, %c0_i32 : i32, i32
  }
  func.func @transform_1(%arg0: i32) -> (i32, i32) {
    %c0_i32 = arith.constant 0 : i32
    %c0_i32_0 = arith.constant 0 : i32
    return %arg0, %c0_i32 : i32, i32
  }
  func.func @transform_2(%arg0: i32) -> (i32, i32) {
    %c0_i32 = arith.constant 0 : i32
    %c0_i32_0 = arith.constant 0 : i32
    return %arg0, %c0_i32 : i32, i32
  }
  func.func @transform_3(%arg0: i32) -> (i32, i32) {
    %c0_i32 = arith.constant 0 : i32
    %c0_i32_0 = arith.constant 0 : i32
    return %arg0, %c0_i32 : i32, i32
  }
  func.func @transform_4(%arg0: i32) -> (i32, i32) {
    %c0_i32 = arith.constant 0 : i32
    %c0_i32_0 = arith.constant 0 : i32
    return %arg0, %c0_i32 : i32, i32
  }
  func.func @transform_5(%arg0: i32) -> (i32, i32) {
    %c0_i32 = arith.constant 0 : i32
    %c0_i32_0 = arith.constant 0 : i32
    %c0_i32_1 = arith.constant 0 : i32
    return %c0_i32, %c0_i32_0 : i32, i32
  }
  func.func @transform_6(%arg0: i32) -> (i32, i32) {
    %c0_i32 = arith.constant 0 : i32
    %c0_i32_0 = arith.constant 0 : i32
    %c0_i32_1 = arith.constant 0 : i32
    return %c0_i32, %c0_i32_0 : i32, i32
  }
  func.func @transform_7(%arg0: i32) -> (i32, i32) {
    %c0_i32 = arith.constant 0 : i32
    %c0_i32_0 = arith.constant 0 : i32
    %c0_i32_1 = arith.constant 0 : i32
    return %c0_i32, %c0_i32_0 : i32, i32
  }
  func.func @transform_8(%arg0: i32) -> (i32, i32) {
    %c0_i32 = arith.constant 0 : i32
    %c0_i32_0 = arith.constant 0 : i32
    %c0_i32_1 = arith.constant 0 : i32
    return %c0_i32, %c0_i32_0 : i32, i32
  }
  func.func @transform_9(%arg0: i32) -> (i32, i32) {
    %c0_i32 = arith.constant 0 : i32
    %c0_i32_0 = arith.constant 0 : i32
    return %arg0, %c0_i32 : i32, i32
  }
}

module attributes {stable_mosaic.version = 14 : i64} {
  func.func @_tc4_body(%arg0: i32, %arg1: memref<1000x128xf32, #tpu.memory_space<vmem>>, %arg2: memref<1000x128xf32, #tpu.memory_space<vmem>>, %arg3: memref<1000x128xf32, #tpu.memory_space<vmem>>, %arg4: memref<1000x8xf32, #tpu.memory_space<vmem>>, %arg5: memref<1000x8xf32, #tpu.memory_space<vmem>>, %arg6: memref<1x64xf32, #tpu.memory_space<vmem>>, %arg7: memref<64x64xf32, #tpu.memory_space<vmem>>, %arg8: memref<1x64xf32, #tpu.memory_space<vmem>>, %arg9: memref<64x32xf32, #tpu.memory_space<vmem>>, %arg10: memref<1x32xf32, #tpu.memory_space<vmem>>, %arg11: memref<32x16xf32, #tpu.memory_space<vmem>>, %arg12: memref<1x16xf32, #tpu.memory_space<vmem>>, %arg13: memref<16x2xf32, #tpu.memory_space<vmem>>, %arg14: memref<1x2xf32, #tpu.memory_space<vmem>>, %arg15: memref<1000x2xf32, #tpu.memory_space<vmem>>) attributes {dimension_semantics = [#tpu.dimension_semantics<arbitrary>], iteration_bounds = array<i64: 10>, scalar_prefetch = 0 : i64, scratch_operands = 0 : i64, tpu.core_type = #tpu.core_type<tc>, window_params = [{transform_indices = @transform_0, window_bounds = array<i64: 1000, 128>}, {transform_indices = @transform_1, window_bounds = array<i64: 1000, 128>}, {transform_indices = @transform_2, window_bounds = array<i64: 1000, 128>}, {transform_indices = @transform_3, window_bounds = array<i64: 1000, 8>}, {transform_indices = @transform_4, window_bounds = array<i64: 1000, 8>}, {pipeline_mode = #tpu.pipeline_mode<synchronous>, transform_indices = @transform_5, window_bounds = array<i64: 1, 64>}, {pipeline_mode = #tpu.pipeline_mode<synchronous>, transform_indices = @transform_6, window_bounds = array<i64: 64, 64>}, {pipeline_mode = #tpu.pipeline_mode<synchronous>, transform_indices = @transform_7, window_bounds = array<i64: 1, 64>}, {pipeline_mode = #tpu.pipeline_mode<synchronous>, transform_indices = @transform_8, window_bounds = array<i64: 64, 32>}, {pipeline_mode = #tpu.pipeline_mode<synchronous>, transform_indices = @transform_9, window_bounds = array<i64: 1, 32>}, {pipeline_mode = #tpu.pipeline_mode<synchronous>, transform_indices = @transform_10, window_bounds = array<i64: 32, 16>}, {pipeline_mode = #tpu.pipeline_mode<synchronous>, transform_indices = @transform_11, window_bounds = array<i64: 1, 16>}, {pipeline_mode = #tpu.pipeline_mode<synchronous>, transform_indices = @transform_12, window_bounds = array<i64: 16, 2>}, {pipeline_mode = #tpu.pipeline_mode<synchronous>, transform_indices = @transform_13, window_bounds = array<i64: 1, 2>}, {transform_indices = @transform_14, window_bounds = array<i64: 1000, 2>}]} {
    %get3A = arith.constant 0 : index
    %get3A_0 = arith.constant 0 : index
    %get3A_1 = vector.load %arg4[%get3A, %get3A_0] : memref<1000x8xf32, #tpu.memory_space<vmem>>, vector<1000x8xf32>
    %get3A_2 = arith.constant 0 : index
    %get3A_3 = arith.constant 0 : index
    %get3A_4 = vector.load %arg5[%get3A_2, %get3A_3] : memref<1000x8xf32, #tpu.memory_space<vmem>>, vector<1000x8xf32>
    %slice3A = vector.extract_strided_slice %get3A_1 {offsets = [0, 0], sizes = [1000, 1], strides = [1, 1]} : vector<1000x8xf32> to vector<1000x1xf32>
    %slice3A_5 = vector.extract_strided_slice %get3A_4 {offsets = [0, 0], sizes = [1000, 1], strides = [1, 1]} : vector<1000x8xf32> to vector<1000x1xf32>
    %add3A = arith.addf %slice3A, %slice3A_5 : vector<1000x1xf32>
    %add3A_6 = arith.constant 1.000000e+00 : f32
    %add3A_7 = vector.broadcast %add3A_6 : f32 to vector<1000x1xf32>
    %add3A_8 = arith.addf %add3A, %add3A_7 : vector<1000x1xf32>
    %rsqrt3A = math.rsqrt %add3A_8 : vector<1000x1xf32>
    %get3A_9 = arith.constant 0 : index
    %get3A_10 = arith.constant 0 : index
    %get3A_11 = vector.load %arg1[%get3A_9, %get3A_10] : memref<1000x128xf32, #tpu.memory_space<vmem>>, vector<1000x128xf32>
    %get3A_12 = arith.constant 0 : index
    %get3A_13 = arith.constant 0 : index
    %get3A_14 = vector.load %arg2[%get3A_12, %get3A_13] : memref<1000x128xf32, #tpu.memory_space<vmem>>, vector<1000x128xf32>
    %add3A_15 = arith.addf %get3A_11, %get3A_14 : vector<1000x128xf32>
    %get3A_16 = arith.constant 0 : index
    %get3A_17 = arith.constant 0 : index
    %get3A_18 = vector.load %arg3[%get3A_16, %get3A_17] : memref<1000x128xf32, #tpu.memory_space<vmem>>, vector<1000x128xf32>
    %add3A_19 = arith.addf %add3A_15, %get3A_18 : vector<1000x128xf32>
    %slice3A_20 = vector.extract_strided_slice %add3A_19 {offsets = [0, 0], sizes = [1000, 64], strides = [1, 1]} : vector<1000x128xf32> to vector<1000x64xf32>
    %mul3A = vector.broadcast %rsqrt3A : vector<1000x1xf32> to vector<1000x64xf32>
    %mul3A_21 = arith.mulf %mul3A, %slice3A_20 : vector<1000x64xf32>
    %get3A_22 = arith.constant 0 : index
    %get3A_23 = arith.constant 0 : index
    %get3A_24 = vector.load %arg6[%get3A_22, %get3A_23] : memref<1x64xf32, #tpu.memory_space<vmem>>, vector<1x64xf32>
    %add3A_25 = vector.broadcast %get3A_24 : vector<1x64xf32> to vector<1000x64xf32>
    %add3A_26 = arith.addf %mul3A_21, %add3A_25 : vector<1000x64xf32>
    %get3A_27 = arith.constant 0 : index
    %get3A_28 = arith.constant 0 : index
    %get3A_29 = vector.load %arg7[%get3A_27, %get3A_28] : memref<64x64xf32, #tpu.memory_space<vmem>>, vector<64x64xf32>
    %dot_general3A = arith.constant dense<0.000000e+00> : vector<1000x64xf32>
    %dot_general3A_30 = tpu.matmul %add3A_26, %get3A_29, %dot_general3A {dimension_numbers = #tpu.dot_dimension_numbers<[1], [0], [0], [1], [0, 0, 1, 1], [], []>, transpose_lhs_hint = false} : vector<1000x64xf32>, vector<64x64xf32>, vector<1000x64xf32> -> vector<1000x64xf32>
    %get3A_31 = arith.constant 0 : index
    %get3A_32 = arith.constant 0 : index
    %get3A_33 = vector.load %arg8[%get3A_31, %get3A_32] : memref<1x64xf32, #tpu.memory_space<vmem>>, vector<1x64xf32>
    %add3A_34 = vector.broadcast %get3A_33 : vector<1x64xf32> to vector<1000x64xf32>
    %add3A_35 = arith.addf %dot_general3A_30, %add3A_34 : vector<1000x64xf32>
    %jit3A = arith.constant 0.00999999977 : f32
    %ge3A = arith.constant 0.000000e+00 : f32
    %ge3A_36 = vector.broadcast %ge3A : f32 to vector<1000x64xf32>
    %ge3A_37 = arith.cmpf oge, %add3A_35, %ge3A_36 : vector<1000x64xf32>
    %mul3A_38 = vector.broadcast %jit3A : f32 to vector<1000x64xf32>
    %mul3A_39 = arith.mulf %mul3A_38, %add3A_35 : vector<1000x64xf32>
    %select_n3A = arith.select %ge3A_37, %add3A_35, %mul3A_39 : vector<1000x64xi1>, vector<1000x64xf32>
    %get3A_40 = arith.constant 0 : index
    %get3A_41 = arith.constant 0 : index
    %get3A_42 = vector.load %arg9[%get3A_40, %get3A_41] : memref<64x32xf32, #tpu.memory_space<vmem>>, vector<64x32xf32>
    %dot_general3A_43 = arith.constant dense<0.000000e+00> : vector<1000x32xf32>
    %dot_general3A_44 = tpu.matmul %select_n3A, %get3A_42, %dot_general3A_43 {dimension_numbers = #tpu.dot_dimension_numbers<[1], [0], [0], [1], [0, 0, 1, 1], [], []>, transpose_lhs_hint = false} : vector<1000x64xf32>, vector<64x32xf32>, vector<1000x32xf32> -> vector<1000x32xf32>
    %get3A_45 = arith.constant 0 : index
    %get3A_46 = arith.constant 0 : index
    %get3A_47 = vector.load %arg10[%get3A_45, %get3A_46] : memref<1x32xf32, #tpu.memory_space<vmem>>, vector<1x32xf32>
    %add3A_48 = vector.broadcast %get3A_47 : vector<1x32xf32> to vector<1000x32xf32>
    %add3A_49 = arith.addf %dot_general3A_44, %add3A_48 : vector<1000x32xf32>
    %jit3A_50 = arith.constant 0.00999999977 : f32
    %ge3A_51 = arith.constant 0.000000e+00 : f32
    %ge3A_52 = vector.broadcast %ge3A_51 : f32 to vector<1000x32xf32>
    %ge3A_53 = arith.cmpf oge, %add3A_49, %ge3A_52 : vector<1000x32xf32>
    %mul3A_54 = vector.broadcast %jit3A_50 : f32 to vector<1000x32xf32>
    %mul3A_55 = arith.mulf %mul3A_54, %add3A_49 : vector<1000x32xf32>
    %select_n3A_56 = arith.select %ge3A_53, %add3A_49, %mul3A_55 : vector<1000x32xi1>, vector<1000x32xf32>
    %get3A_57 = arith.constant 0 : index
    %get3A_58 = arith.constant 0 : index
    %get3A_59 = vector.load %arg11[%get3A_57, %get3A_58] : memref<32x16xf32, #tpu.memory_space<vmem>>, vector<32x16xf32>
    %dot_general3A_60 = arith.constant dense<0.000000e+00> : vector<1000x16xf32>
    %dot_general3A_61 = tpu.matmul %select_n3A_56, %get3A_59, %dot_general3A_60 {dimension_numbers = #tpu.dot_dimension_numbers<[1], [0], [0], [1], [0, 0, 1, 1], [], []>, transpose_lhs_hint = false} : vector<1000x32xf32>, vector<32x16xf32>, vector<1000x16xf32> -> vector<1000x16xf32>
    %get3A_62 = arith.constant 0 : index
    %get3A_63 = arith.constant 0 : index
    %get3A_64 = vector.load %arg12[%get3A_62, %get3A_63] : memref<1x16xf32, #tpu.memory_space<vmem>>, vector<1x16xf32>
    %add3A_65 = vector.broadcast %get3A_64 : vector<1x16xf32> to vector<1000x16xf32>
    %add3A_66 = arith.addf %dot_general3A_61, %add3A_65 : vector<1000x16xf32>
    %jit3A_67 = arith.constant 0.00999999977 : f32
    %ge3A_68 = arith.constant 0.000000e+00 : f32
    %ge3A_69 = vector.broadcast %ge3A_68 : f32 to vector<1000x16xf32>
    %ge3A_70 = arith.cmpf oge, %add3A_66, %ge3A_69 : vector<1000x16xf32>
    %mul3A_71 = vector.broadcast %jit3A_67 : f32 to vector<1000x16xf32>
    %mul3A_72 = arith.mulf %mul3A_71, %add3A_66 : vector<1000x16xf32>
    %select_n3A_73 = arith.select %ge3A_70, %add3A_66, %mul3A_72 : vector<1000x16xi1>, vector<1000x16xf32>
    %get3A_74 = arith.constant 0 : index
    %get3A_75 = arith.constant 0 : index
    %get3A_76 = vector.load %arg13[%get3A_74, %get3A_75] : memref<16x2xf32, #tpu.memory_space<vmem>>, vector<16x2xf32>
    %dot_general3A_77 = arith.constant dense<0.000000e+00> : vector<1000x2xf32>
    %dot_general3A_78 = tpu.matmul %select_n3A_73, %get3A_76, %dot_general3A_77 {dimension_numbers = #tpu.dot_dimension_numbers<[1], [0], [0], [1], [0, 0, 1, 1], [], []>, transpose_lhs_hint = false} : vector<1000x16xf32>, vector<16x2xf32>, vector<1000x2xf32> -> vector<1000x2xf32>
    %get3A_79 = arith.constant 0 : index
    %get3A_80 = arith.constant 0 : index
    %get3A_81 = vector.load %arg14[%get3A_79, %get3A_80] : memref<1x2xf32, #tpu.memory_space<vmem>>, vector<1x2xf32>
    %add3A_82 = vector.broadcast %get3A_81 : vector<1x2xf32> to vector<1000x2xf32>
    %add3A_83 = arith.addf %dot_general3A_78, %add3A_82 : vector<1000x2xf32>
    %swap3A = arith.constant 0 : index
    %swap3A_84 = arith.constant 0 : index
    %swap3A_85 = vector.load %arg15[%swap3A, %swap3A_84] : memref<1000x2xf32, #tpu.memory_space<vmem>>, vector<1000x2xf32>
    tpu.vector_store %arg15[%swap3A, %swap3A_84], %add3A_83 {strides = array<i32>} : memref<1000x2xf32, #tpu.memory_space<vmem>>, vector<1000x2xf32>,
    return
  }
  func.func @transform_0(%arg0: i32) -> (i32, i32) {
    %c0_i32 = arith.constant 0 : i32
    %c0_i32_0 = arith.constant 0 : i32
    return %arg0, %c0_i32 : i32, i32
  }
  func.func @transform_1(%arg0: i32) -> (i32, i32) {
    %c0_i32 = arith.constant 0 : i32
    %c0_i32_0 = arith.constant 0 : i32
    return %arg0, %c0_i32 : i32, i32
  }
  func.func @transform_2(%arg0: i32) -> (i32, i32) {
    %c0_i32 = arith.constant 0 : i32
    %c0_i32_0 = arith.constant 0 : i32
    return %arg0, %c0_i32 : i32, i32
  }
  func.func @transform_3(%arg0: i32) -> (i32, i32) {
    %c0_i32 = arith.constant 0 : i32
    %c0_i32_0 = arith.constant 0 : i32
    return %arg0, %c0_i32 : i32, i32
  }
  func.func @transform_4(%arg0: i32) -> (i32, i32) {
    %c0_i32 = arith.constant 0 : i32
    %c0_i32_0 = arith.constant 0 : i32
    return %arg0, %c0_i32 : i32, i32
  }
  func.func @transform_5(%arg0: i32) -> (i32, i32) {
    %c0_i32 = arith.constant 0 : i32
    %c0_i32_0 = arith.constant 0 : i32
    %c0_i32_1 = arith.constant 0 : i32
    return %c0_i32, %c0_i32_0 : i32, i32
  }
  func.func @transform_6(%arg0: i32) -> (i32, i32) {
    %c0_i32 = arith.constant 0 : i32
    %c0_i32_0 = arith.constant 0 : i32
    %c0_i32_1 = arith.constant 0 : i32
    return %c0_i32, %c0_i32_0 : i32, i32
  }
  func.func @transform_7(%arg0: i32) -> (i32, i32) {
    %c0_i32 = arith.constant 0 : i32
    %c0_i32_0 = arith.constant 0 : i32
    %c0_i32_1 = arith.constant 0 : i32
    return %c0_i32, %c0_i32_0 : i32, i32
  }
  func.func @transform_8(%arg0: i32) -> (i32, i32) {
    %c0_i32 = arith.constant 0 : i32
    %c0_i32_0 = arith.constant 0 : i32
    %c0_i32_1 = arith.constant 0 : i32
    return %c0_i32, %c0_i32_0 : i32, i32
  }
  func.func @transform_9(%arg0: i32) -> (i32, i32) {
    %c0_i32 = arith.constant 0 : i32
    %c0_i32_0 = arith.constant 0 : i32
    %c0_i32_1 = arith.constant 0 : i32
    return %c0_i32, %c0_i32_0 : i32, i32
  }
  func.func @transform_10(%arg0: i32) -> (i32, i32) {
    %c0_i32 = arith.constant 0 : i32
    %c0_i32_0 = arith.constant 0 : i32
    %c0_i32_1 = arith.constant 0 : i32
    return %c0_i32, %c0_i32_0 : i32, i32
  }
  func.func @transform_11(%arg0: i32) -> (i32, i32) {
    %c0_i32 = arith.constant 0 : i32
    %c0_i32_0 = arith.constant 0 : i32
    %c0_i32_1 = arith.constant 0 : i32
    return %c0_i32, %c0_i32_0 : i32, i32
  }
  func.func @transform_12(%arg0: i32) -> (i32, i32) {
    %c0_i32 = arith.constant 0 : i32
    %c0_i32_0 = arith.constant 0 : i32
    %c0_i32_1 = arith.constant 0 : i32
    return %c0_i32, %c0_i32_0 : i32, i32
  }
  func.func @transform_13(%arg0: i32) -> (i32, i32) {
    %c0_i32 = arith.constant 0 : i32
    %c0_i32_0 = arith.constant 0 : i32
    %c0_i32_1 = arith.constant 0 : i32
    return %c0_i32, %c0_i32_0 : i32, i32
  }
  func.func @transform_14(%arg0: i32) -> (i32, i32) {
    %c0_i32 = arith.constant 0 : i32
    %c0_i32_0 = arith.constant 0 : i32
    return %arg0, %c0_i32 : i32, i32
  }
}

</mosaic_0001>

<sc_bundles>
// kernel: kernel.10.cloned.1.call-start
scs
__scs_entry_jumppad:
0x0: {  	(pc) =	sbr.rel $0x88, $3  }
0x1: {  	(tag) =	ssettag $0x0;
	lr =	simm.s32 $0x1  }
0x2: {  	[smem:$0x3F82] =	sst lr;
	_ =	strace $0xD0000000  }
0x3: {  	_ = 	snop  }
0x4: {  	_ = 	snop  }
0x5: {  	_ = 	snop  }
0x6: {  	_ = 	snop  }
0x7: {  	_ = 	snop  }
__scs_overlays_trampoline_lowered:
0x8: {  	[smem:$0x3F91] =	sst s0  }
0x9: {  	[smem:$0x3F92] =	sst s1  }
0xa: {  	[smem:$0x3F93] =	sst s2  }
0xb: {  	[smem:$0x3F94] =	sst s3  }
0xc: {  	[smem:$0x3F95] =	sst s4  }
0xd: {  	[smem:$0x3F96] =	sst s5  }
0xe: {  	[smem:$0x3F97] =	sst s6  }
0xf: {  	[smem:$0x3F98] =	sst s7  }
0x10: {  	[smem:$0x3F99] =	sst s8  }
0x11: {  	[smem:$0x3F9A] =	sst s9;
	s0 =	simm.s32 @!p0 $0x0  }
0x12: {  	s1 =	sld [smem:$0x3F80];
	s0 =	simm.s32 @p0 $0x1  }
0x13: {  	[smem:$0x3F9B] =	sst s0;
	s0 =	simm.s32 @!p1 $0x0  }
0x14: {  	s2 =	sld [smem:$0x3F7F];
	s0 =	simm.s32 @p1 $0x1  }
0x15: {  	[smem:$0x3F9C] =	sst s0;
	s0 =	simm.s32 @!p2 $0x0  }
0x16: {  	s3 =	sld [smem:$0x3FDB];
	s0 =	simm.s32 @p2 $0x1  }
0x17: {  	s4 =	simm.s32 $0x1BF5;
	[smem:$0x3F9E] =	sst s0  }
0x18: {  	s0 =	sld [smem:$0x3F81];
	_ =	swait.ge [sflag:s4], $0x0  }
0x19: {  	s7 =	sld [smem:$0x3F82]  }
0x1a: {  	s8 =	sadd.s32 $0xFFFFE003, lr  }
0x1b: {  	s9 =	sadd.s32 $0xFFFFFEF7, lr;
	s5 =	simm.s32 $0xFFFFFFFF;
	p2 =	slt.u32 s8, $0xFFFFF086  }
0x1c: {  	p1 =	slt.u32 s9, $0xF7A;
	s5 =	simm.s32 @!p2 $0x0  }
0x1d: {  	s5 =	simm.s32 @p1 $0x1;
	p0 =	seq.s32 s7, s2  }
0x1e: {  	s7 =	smul.u32 @!p0 $0xF7A, s2;
	p2 =	seq.s32 @!p0 s5, $0x0  }
0x1f: {  	s9 =	smul.u32 $0xF7A, s1;
	s8 =	simm.s32 @!p0 $0x1BF5;
	p2 =	por !p2, p0  }
0x20: {  	[sflag:s8] =	ssyncset.s32 @!p0 $0xFFFFF086;
	s6 =	sadd.s32 @!p0 s3, s7;
	s7 =	simm.s32 @!p0 $0x108  }
0x21: {  	s3 =	sadd.s32 s3, s9;
	s6 =	sadd.s32 @!p0 $0x88, s6;
	s7 =	simm.s32 @p2 $0x1082  }
0x22: {  	[simem:s7], [sflag:s8] =	dma.local @!p0 [hbm:s6], $0xF7A  }
0x23: {  	s9 =	sor.u32 $0xD0000000, s2;
	s6 =	simm.s32 $0x108;
	_ =	swait.ge @!p0 [sflag:s8], $0x0  }
0x24: {  	s3 =	sadd.s32 $0x88, s3;
	s6 =	simm.s32 @!p1 $0x1082;
	[sflag:s4] =	ssyncset.s32 $0xFFFFF086  }
0x25: {  	[simem:s6], [sflag:s4] =	dma.local [hbm:s3], $0xF7A  }
0x26: {  	[smem:$0x3F82] =	sst s1;
	(tag) =	ssettag s2;
	_ =	strace s9  }
0x27: {  	s1 =	sld [smem:$0x3F92]  }
0x28: {  	s2 =	sld [smem:$0x3F93]  }
0x29: {  	s4 =	sld [smem:$0x3F95]  }
0x2a: {  	p0 =	seq.s32 s5, $0x0;
	s5 =	sld [smem:$0x3F96]  }
0x2b: {  	s6 =	sld [smem:$0x3F97]  }
0x2c: {  	s7 =	sld [smem:$0x3F98]  }
0x2d: {  	s3 =	simm.s32 $0x108;
	s8 =	sld [smem:$0x3F99]  }
0x2e: {  	s3 =	simm.s32 @!p0 $0x1082;
	s9 =	sld [smem:$0x3F9A]  }
0x2f: {  	lr =	sadd.s32 s0, s3;
	s0 =	sld [smem:$0x3F91]  }
0x30: {  	s3 =	sld [smem:$0x3F94]  }
0x31: {  	[smem:$0x3F9D] =	sst s10  }
0x32: {  	s10 =	sld [smem:$0x3F9B];
	_ =	sdelay $0x3  }
0x33: {  	p0 =	seq.s32 s10, $0x1;
	s10 =	sld [smem:$0x3F9D];
	_ =	sdelay $0x3  }
0x34: {  	[smem:$0x3F9D] =	sst s10  }
0x35: {  	s10 =	sld [smem:$0x3F9C];
	_ =	sdelay $0x3  }
0x36: {  	p1 =	seq.s32 s10, $0x1;
	s10 =	sld [smem:$0x3F9D];
	_ =	sdelay $0x3  }
0x37: {  	[smem:$0x3F9D] =	sst s10  }
0x38: {  	s10 =	sld [smem:$0x3F9E]  }
0x39: {  	_ = 	snop;
	(pc) =	sbr.ind lr, $3  }
0x3a: {  	_ = 	snop  }
0x3b: {  	_ = 	snop  }
0x3c: {  	p2 =	seq.s32 s10, $0x1;
	s10 =	sld [smem:$0x3F9D]  }
0x3d: {  	_ =	shalt  }
0x3e: {  	_ =	shalt  }
0x3f: {  	_ =	shalt  }
0x40: {  	_ =	shalt  }
0x41: {  	_ =	shalt  }
0x42: {  	_ =	shalt  }
0x43: {  	_ =	shalt  }
0x44: {  	_ =	shalt  }
0x45: {  	_ =	shalt  }
0x46: {  	_ =	shalt  }
0x47: {  	_ =	shalt  }
0x48: {  	_ =	shalt  }
0x49: {  	_ =	shalt  }
0x4a: {  	_ =	shalt  }
0x4b: {  	_ =	shalt  }
0x4c: {  	_ =	shalt  }
0x4d: {  	_ =	shalt  }
0x4e: {  	_ =	shalt  }
0x4f: {  	_ =	shalt  }
0x50: {  	_ =	shalt  }
0x51: {  	_ =	shalt  }
0x52: {  	_ =	shalt  }
0x53: {  	_ =	shalt  }
0x54: {  	_ =	shalt  }
0x55: {  	_ =	shalt  }
0x56: {  	_ =	shalt  }
0x57: {  	_ =	shalt  }
0x58: {  	_ =	shalt  }
0x59: {  	_ =	shalt  }
0x5a: {  	_ =	shalt  }
0x5b: {  	_ =	shalt  }
0x5c: {  	_ =	shalt  }
0x5d: {  	_ =	shalt  }
0x5e: {  	_ =	shalt  }
0x5f: {  	_ =	shalt  }
0x60: {  	_ =	shalt  }
0x61: {  	_ =	shalt  }
0x62: {  	_ =	shalt  }
0x63: {  	_ =	shalt  }
0x64: {  	_ =	shalt  }
0x65: {  	_ =	shalt  }
0x66: {  	_ =	shalt  }
0x67: {  	_ =	shalt  }
0x68: {  	_ =	shalt  }
0x69: {  	_ =	shalt  }
0x6a: {  	_ =	shalt  }
0x6b: {  	_ =	shalt  }
0x6c: {  	_ =	shalt  }
0x6d: {  	_ =	shalt  }
0x6e: {  	_ =	shalt  }
0x6f: {  	_ =	shalt  }
0x70: {  	_ =	shalt  }
0x71: {  	_ =	shalt  }
0x72: {  	_ =	shalt  }
0x73: {  	_ =	shalt  }
0x74: {  	_ =	shalt  }
0x75: {  	_ =	shalt  }
0x76: {  	_ =	shalt  }
0x77: {  	_ =	shalt  }
0x78: {  	_ =	shalt  }
0x79: {  	_ =	shalt  }
0x7a: {  	_ =	shalt  }
0x7b: {  	_ =	shalt  }
0x7c: {  	_ =	shalt  }
0x7d: {  	_ =	shalt  }
0x7e: {  	_ =	shalt  }
0x7f: {  	_ =	shalt  }
0x80: {  	_ =	shalt  }
0x81: {  	_ =	shalt  }
0x82: {  	_ =	shalt  }
0x83: {  	_ =	shalt  }
0x84: {  	_ =	shalt  }
0x85: {  	_ =	shalt  }
0x86: {  	_ =	shalt  }
0x87: {  	_ =	shalt  }
.Lfunc_end0:
.L_simem_size_0:
called_computation_lowered:
.L_overlay_start_0:
0x88: {  	s2 =	sld [smem:$0x3FD9]  }
0x89: {  	s3 =	sld [smem:$0x3FFE];
	_ =	sdelay $0x1  }
0x8a: {  	s1 =	srdreg.scid  }
0x8b: {  	s0 =	sand.u32 $0x1, s1  }
0x8c: {  	s17 =	sshll.u32 s0, $0xA;
	s2 =	sadd.s32 s3, s2  }
0x8d: {  	s2 =	sadd.s32 s2, s17  }
0x8e: {  	[smem:$0x3FA9] =	sst s2  }
0x8f: {  	_ = 	snop  }
0x90: {  	s2 =	sld [smem:$0x3FD0];
	(tm) =	ssettm $0x1  }
0x91: {  	s18 =	sld [smem:$0x3FFB];
	_ =	sdelay $0x3  }
0x92: {  	_ =	strace s18  }
0x93: {  	s3 =	sld [smem:$0x3FFC];
	_ =	sdelay $0x3  }
0x94: {  	_ =	strace s3  }
0x95: {  	s3 =	sld [smem:$0x3FFD];
	_ =	sdelay $0x3  }
0x96: {  	_ =	strace s3  }
0x97: {  	_ =	strace $0x8FFFFFFF  }
0x98: {  	s19 =	sld [smem:$0x3FDB];
	_ =	sdelay $0x1  }
0x99: {  	s4 =	simm.s32 $_scs_section_size  }
0x9a: {  	s5 =	simm.s32 $_size__tile_overlayer_lowered;
	s6 =	simm.s32 $_tile_overlayer_lowered  }
0x9b: {  	s22 =	simm.s32 $0x1BFF;
	s21 =	sshll.u32 s6, $0x1;
	s3 =	sadd.s32 s4, s19  }
0x9c: {  	s7 =	simm.s32 $0x0;
	s20 =	sshll.u32 s5, $0x1;
	s5 =	sadd.s32 s21, s3  }
0x9d: {  	[timem:s7], [sflag:s22] =	dma.local [hbm:s5], s20  }
0x9e: {  	_ =	swait.ge [sflag:s22], s20  }
0x9f: {  	s4 =	ssub.s32 $0x0, s20;
	[sflag:s22] =	ssyncset.done $0x0  }
0xa0: {  	[sflag:s22] =	ssyncadd.s32 s4;
	_ =	sdelay $0x1  }
0xa1: {  	s23 =	simm.s32 $0x1B8B  }
0xa2: {  	_ =	swait.ge [sflag:s23], $0x1  }
0xa3: {  	[sflag:s23] =	ssyncset.done $0x0  }
0xa4: {  	s25 =	simm.s32 $0x1B8E;
	s24 =	sld [smem:$0x3FFE];
	[sflag:s23] =	ssyncadd.s32 $0xFFFFFFFF  }
0xa5: {  	s26 =	simm.s32 $execute0_lowered;
	[smem:$0x3FD2] =	sst s25  }
0xa6: {  	s5 =	sshll.u32 s26, $0x1;
	_ =	strace $0x80000046;
	[dreg:$0x1] =	wrdreg $0xFFFFFFFF  }
0xa7: {  	s28 =	simm.s32 $_size_execute0_lowered;
	s3 =	sadd.s32 s3, s5;
	[dreg:$0x0] =	wrdreg $0x0  }
0xa8: {  	s5 =	sshll.u32 s28, $0x1;
	[dreg:$0x2] =	wrdreg s3  }
0xa9: {  	[dreg:$0x3] =	wrdreg s5  }
0xaa: {  	[dreg:$0x4] =	wrdreg $0xC0  }
0xab: {  	_ =	task [dreg:s7], $0x5FFFF  }
0xac: {  	[dreg:$0x1] =	wrdreg $0xFFFFFFFF  }
0xad: {  	[dreg:$0x0] =	wrdreg $0x60  }
0xae: {  	[dreg:$0x2] =	wrdreg s24  }
0xaf: {  	[dreg:$0x3] =	wrdreg s2  }
0xb0: {  	[dreg:$0x4] =	wrdreg $0x68000  }
0xb1: {  	[dreg:$0x5] =	wrdreg $0x9  }
0xb2: {  	_ =	task.clear_ibuf [dreg:s7], $0x6FFFF;
	_ =	strace $0x90000046  }
0xb3: {  	s29 =	simm.s32 $0x9;
	_ =	strace $0x80000048  }
0xb4: {  	_ =	swait.ge [sflag:s29], $0x1  }
0xb5: {  	[sflag:s29] =	ssyncadd.s32 $0xFFFFFFFF  }
0xb6: {  	_ =	strace $0x90000048  }
0xb7: {  	_ =	sfence  }
0xb8: {  	s30 =	sld [smem:$0x0];
	_ =	sdelay $0x2  }
0xb9: {  	s31 =	sshll.u32 s1, $0xD;
	s1 =	sshrl.u32 s1, $0x2  }
0xba: {  	s3 =	sand.u32 $0x4000, s31;
	s1 =	sadd.s32 s1, s30  }
0xbb: {  	s0 =	sor.u32 s3, s0;
	s1 =	sshll.u32 s1, $0x11  }
0xbc: {  	s0 =	sor.u32 s1, s0  }
0xbd: {  	s0 =	sadd.s32 $0x8F2B, s0  }
0xbe: {  	[sflag:s0] =	ssyncadd.remote.s32 $0x1  }
0xbf: {  	_ =	sfence.sel $0xFFFF  }
0xc0: {  	[dreg:$0x0] =	wrdreg $0xFFFFFFFF;
	(pc) =	sbr.abs _section_cstart, $3  }
0xc1: {  	[dreg:$0x1] =	wrdreg $0xFFFFFFFF  }
0xc2: {  	_ =	task.clear_ibuf [dreg:s7], $0x2FFFF;
	_ =	strace $0x9FFFFFFF  }
0xc3: {  	(tm) =	ssettm $0x7FFFFFFF  }
tec
execute0_lowered:
.L_overlay_start_1:
0x0: {  	(tag) =	ssettag $0x1  }
0x1: {  	s5 =	rddreg [dreg:$0x0]  }
0x2: {  	s1 =	srdreg.scid;
	s2 =	rddreg [dreg:$0x1]  }
0x3: {  	s0 =	stileid.u32;
	s3 =	rddreg [dreg:$0x2];
	s4 =	simm.s32 $0x0  }
0x4: {  	s12 =	simm.s32 $0x2800;
	s13 =	simm.s32 $0x80;
	s14 =	simm.s32 $0x0  }
0x5: {  	s6 =	sand.u32 $0x1, s1;
	s1 =	rddreg [dreg:$0x3];
	s8 =	smul.u32 $0x2780, s0  }
0x6: {  	s28 =	sshll.u32 s0, $0x1;
	[smem:$0x7FF] =	sst s4;
	s10 =	smul.u32 $0x4F000, s0  }
0x7: {  	s31 =	sshll.u32 s0, $0x6;
	s7 =	sor.u32 s6, s28;
	s9 =	smul.u32 $0x27800, s6  }
0x8: {  	_ =	strace $0x80000047;
	s6 =	ssub.s32 $0x2, s6;
	s7 =	smul.u32 $0x500, s7  }
0x9: {  	s11 =	sadd.s32 s8, s5;
	s29 =	sshrl.u32 s6, $0x1;
	s30 =	sshrl.u32 s10, $0x2  }
0xa: {  	s8 =	sadd.s32 s8, s9;
	s9 =	ssub.s32 s6, s29;
	s10 =	sadd.s32 s30, s3  }
0xb: {  	s6 =	sor.u32 $0x1C01, s31;
	s7 =	sadd.s32 s7, s5;
	s8 =	sadd.s32 s8, s5  }
0xc: {  	s5 =	sadd.s32 $0x10200, s11;
	s9 =	smax.u32 s9, $0x1;
	s10 =	sshrl.u32 s10, $0x3  }
0xd: {  	s11 =	simm.s32 $0x1;
	s7 =	sadd.s32 $0x6200, s7;
	s8 =	sadd.s32 $0x37A00, s8  }
.LBB2_1:
0xe: {  	[spmem:s10], [sflag:s6] =	dma.local [hbm:s5], $0x2780  }
0xf: {  	_ =	swait.ge [sflag:s11], $0x2780  }
0x10: {  	[sflag:s11] =	ssyncset.done $0x0  }
0x11: {  	[sflag:s11] =	ssyncadd.s32 $0xFFFFD880  }
0x12: {  	[tilespmem:s4], [sflag:$0x1] =	stream.linear.gather [hbm4b:s7+s4], $0x2780, $0x38;
	[tilespmem:$0x1A400] =	vst v63  }
0x13: {  	_ =	swait.ge [sflag:s11], $0x2780  }
0x14: {  	[sflag:s11] =	ssyncset.done $0x0  }
0x15: {  	[sflag:s11] =	ssyncadd.s32 $0xFFFFD880  }
0x16: {  	[tilespmem:s12], [sflag:$0x1] =	stream.linear.gather [hbm4b:s2+s4], $0x4000, $0x38;
	[tilespmem:$0x1A400] =	vst v63  }
0x17: {  	_ =	swait.ge [sflag:s11], $0x4000  }
0x18: {  	[sflag:s11] =	ssyncset.done $0x0  }
0x19: {  	[sflag:s11] =	ssyncadd.s32 $0xFFFFC000  }
0x1a: {  	s15 =	simm.s32 $0x0;
	[bflag:$0x0] =	sbarrier.arrive $0xFFFF  }
0x1b: {  	[spmem:s3] =	stream.indirect.scatter.add.f32 [tilespmem:s12], [sflag:$0x1], $0x80, s15, s13, $0xb8;
	[tilespmem:$0x1A400] =	vst v63  }
0x1c: {  	_ =	swait.ge [sflag:s11], $0x4000  }
0x1d: {  	s15 =	simm.s32 $0x200;
	[sflag:s11] =	ssyncset.done $0x0  }
.LBB2_2:
0x1e: {  	s16 =	sshra.s32 s15, $0x2;
	[sflag:s11] =	ssyncadd.s32 $0xFFFFC000;
	p0 =	sne.s32 s15, $0x9C00  }
0x1f: {  	[spmem:s3] =	stream.indirect.scatter.add.f32 [tilespmem:s12], [sflag:$0x1], $0x80, s16, s13, $0xb8;
	[tilespmem:$0x1A400] =	vst v63  }
.Ltmp0:
0x20: {  	_ = 	snop;
	(pc) =	sbr.rel @p0 .LBB2_2-.Ltmp0, $4  }
0x21: {  	_ = 	snop  }
0x22: {  	s15 =	sadd.s32 $0x200, s15  }
0x23: {  	_ =	swait.ge [sflag:s11], $0x4000  }
0x24: {  	[sflag:s11] =	ssyncset.done $0x0  }
0x25: {  	s14 =	sadd.s32 $0x1, s14  }
0x26: {  	[sflag:s11] =	ssyncadd.s32 $0xFFFFC000;
	p0 =	sne.s32 s14, s9  }
.Ltmp1:
0x27: {  	[bflag:$0x0] =	sbarrier.arrive $0xFFFF;
	(pc) =	sbr.rel @p0 .LBB2_1-.Ltmp1, $4  }
0x28: {  	[hbm:s8], [sflag:s6] =	dma.local [spmem:s10], $0x2780  }
0x29: {  	_ =	swait.ge [sflag:s11], $0x2780  }
0x2a: {  	[sflag:s11] =	ssyncset.done $0x0  }
0x2b: {  	[sflag:s11] =	ssyncadd.s32 $0xFFFFD880  }
0x2c: {  	_ =	sfence.sel $0x180000  }
0x2d: {  	[bflag:$0x0] =	sbarrier.arrive $0xFFFF  }
0x2e: {  	p0 =	sne.s32 s0, $0x0;
	_ =	strace $0x90000047  }
0x2f: {  	s0 =	sadd.s32 @!p0 $0x100000, s1;
	[bflag:$0x2] =	sbarrier.arrive $0xFFFF  }
0x30: {  	[sflag:s0] =	ssyncadd.tile.s32 @!p0 $0x1;
	_ =	shalt  }
.Lfunc_end2:
_tile_overlayer_lowered:
.L_overlay_start_2:
0x31: {  	(tag) =	ssettag $0x2  }
0x32: {  	s0 =	rddreg [dreg:$0x0];
	s2 =	stileid.u32  }
0x33: {  	s1 =	rddreg [dreg:$0x1];
	p0 =	sne.s32 s2, $0x0  }
0x34: {  	s3 =	rddreg [dreg:$0x2];
	[bflag:$0x3] =	sbarrier.arrive $0xFFFF;
	s2 =	simm.s32 @!p0 $0x1C01  }
0x35: {  	[timem:s3], [sflag:s2] =	dma.local @!p0 [hbm:s0], s1  }
0x36: {  	s0 =	simm.s32 @!p0 $0x1  }
0x37: {  	_ =	swait.ge @!p0 [sflag:s0], s1  }
0x38: {  	s1 =	ssub.s32 @!p0 $0x0, s1;
	[sflag:s0] =	ssyncset.done @!p0 $0x0  }
0x39: {  	[sflag:s0] =	ssyncadd.s32 @!p0 s1  }
0x3a: {  	[bflag:$0x3] =	sbarrier.arrive $0xFFFF  }
0x3b: {  	_ =	shalt  }

// kernel: kernel.13.cloned.1.call-start
scs
__scs_entry_jumppad:
0x0: {  	(pc) =	sbr.rel $0x88, $3  }
0x1: {  	(tag) =	ssettag $0x0;
	lr =	simm.s32 $0x1  }
0x2: {  	[smem:$0x3F82] =	sst lr;
	_ =	strace $0xD0000000  }
0x3: {  	_ = 	snop  }
0x4: {  	_ = 	snop  }
0x5: {  	_ = 	snop  }
0x6: {  	_ = 	snop  }
0x7: {  	_ = 	snop  }
__scs_overlays_trampoline_lowered:
0x8: {  	[smem:$0x3F91] =	sst s0  }
0x9: {  	[smem:$0x3F92] =	sst s1  }
0xa: {  	[smem:$0x3F93] =	sst s2  }
0xb: {  	[smem:$0x3F94] =	sst s3  }
0xc: {  	[smem:$0x3F95] =	sst s4  }
0xd: {  	[smem:$0x3F96] =	sst s5  }
0xe: {  	[smem:$0x3F97] =	sst s6  }
0xf: {  	[smem:$0x3F98] =	sst s7  }
0x10: {  	[smem:$0x3F99] =	sst s8  }
0x11: {  	[smem:$0x3F9A] =	sst s9;
	s0 =	simm.s32 @!p0 $0x0  }
0x12: {  	s1 =	sld [smem:$0x3F80];
	s0 =	simm.s32 @p0 $0x1  }
0x13: {  	[smem:$0x3F9B] =	sst s0;
	s0 =	simm.s32 @!p1 $0x0  }
0x14: {  	s2 =	sld [smem:$0x3F7F];
	s0 =	simm.s32 @p1 $0x1  }
0x15: {  	[smem:$0x3F9C] =	sst s0;
	s0 =	simm.s32 @!p2 $0x0  }
0x16: {  	s3 =	sld [smem:$0x3FDB];
	s0 =	simm.s32 @p2 $0x1  }
0x17: {  	s4 =	simm.s32 $0x1BF5;
	[smem:$0x3F9E] =	sst s0  }
0x18: {  	s0 =	sld [smem:$0x3F81];
	_ =	swait.ge [sflag:s4], $0x0  }
0x19: {  	s7 =	sld [smem:$0x3F82]  }
0x1a: {  	s8 =	sadd.s32 $0xFFFFE003, lr  }
0x1b: {  	s9 =	sadd.s32 $0xFFFFFEF7, lr;
	s5 =	simm.s32 $0xFFFFFFFF;
	p2 =	slt.u32 s8, $0xFFFFF086  }
0x1c: {  	p1 =	slt.u32 s9, $0xF7A;
	s5 =	simm.s32 @!p2 $0x0  }
0x1d: {  	s5 =	simm.s32 @p1 $0x1;
	p0 =	seq.s32 s7, s2  }
0x1e: {  	s7 =	smul.u32 @!p0 $0xF7A, s2;
	p2 =	seq.s32 @!p0 s5, $0x0  }
0x1f: {  	s9 =	smul.u32 $0xF7A, s1;
	s8 =	simm.s32 @!p0 $0x1BF5;
	p2 =	por !p2, p0  }
0x20: {  	[sflag:s8] =	ssyncset.s32 @!p0 $0xFFFFF086;
	s6 =	sadd.s32 @!p0 s3, s7;
	s7 =	simm.s32 @!p0 $0x108  }
0x21: {  	s3 =	sadd.s32 s3, s9;
	s6 =	sadd.s32 @!p0 $0x88, s6;
	s7 =	simm.s32 @p2 $0x1082  }
0x22: {  	[simem:s7], [sflag:s8] =	dma.local @!p0 [hbm:s6], $0xF7A  }
0x23: {  	s9 =	sor.u32 $0xD0000000, s2;
	s6 =	simm.s32 $0x108;
	_ =	swait.ge @!p0 [sflag:s8], $0x0  }
0x24: {  	s3 =	sadd.s32 $0x88, s3;
	s6 =	simm.s32 @!p1 $0x1082;
	[sflag:s4] =	ssyncset.s32 $0xFFFFF086  }
0x25: {  	[simem:s6], [sflag:s4] =	dma.local [hbm:s3], $0xF7A  }
0x26: {  	[smem:$0x3F82] =	sst s1;
	(tag) =	ssettag s2;
	_ =	strace s9  }
0x27: {  	s1 =	sld [smem:$0x3F92]  }
0x28: {  	s2 =	sld [smem:$0x3F93]  }
0x29: {  	s4 =	sld [smem:$0x3F95]  }
0x2a: {  	p0 =	seq.s32 s5, $0x0;
	s5 =	sld [smem:$0x3F96]  }
0x2b: {  	s6 =	sld [smem:$0x3F97]  }
0x2c: {  	s7 =	sld [smem:$0x3F98]  }
0x2d: {  	s3 =	simm.s32 $0x108;
	s8 =	sld [smem:$0x3F99]  }
0x2e: {  	s3 =	simm.s32 @!p0 $0x1082;
	s9 =	sld [smem:$0x3F9A]  }
0x2f: {  	lr =	sadd.s32 s0, s3;
	s0 =	sld [smem:$0x3F91]  }
0x30: {  	s3 =	sld [smem:$0x3F94]  }
0x31: {  	[smem:$0x3F9D] =	sst s10  }
0x32: {  	s10 =	sld [smem:$0x3F9B];
	_ =	sdelay $0x3  }
0x33: {  	p0 =	seq.s32 s10, $0x1;
	s10 =	sld [smem:$0x3F9D];
	_ =	sdelay $0x3  }
0x34: {  	[smem:$0x3F9D] =	sst s10  }
0x35: {  	s10 =	sld [smem:$0x3F9C];
	_ =	sdelay $0x3  }
0x36: {  	p1 =	seq.s32 s10, $0x1;
	s10 =	sld [smem:$0x3F9D];
	_ =	sdelay $0x3  }
0x37: {  	[smem:$0x3F9D] =	sst s10  }
0x38: {  	s10 =	sld [smem:$0x3F9E]  }
0x39: {  	_ = 	snop;
	(pc) =	sbr.ind lr, $3  }
0x3a: {  	_ = 	snop  }
0x3b: {  	_ = 	snop  }
0x3c: {  	p2 =	seq.s32 s10, $0x1;
	s10 =	sld [smem:$0x3F9D]  }
0x3d: {  	_ =	shalt  }
0x3e: {  	_ =	shalt  }
0x3f: {  	_ =	shalt  }
0x40: {  	_ =	shalt  }
0x41: {  	_ =	shalt  }
0x42: {  	_ =	shalt  }
0x43: {  	_ =	shalt  }
0x44: {  	_ =	shalt  }
0x45: {  	_ =	shalt  }
0x46: {  	_ =	shalt  }
0x47: {  	_ =	shalt  }
0x48: {  	_ =	shalt  }
0x49: {  	_ =	shalt  }
0x4a: {  	_ =	shalt  }
0x4b: {  	_ =	shalt  }
0x4c: {  	_ =	shalt  }
0x4d: {  	_ =	shalt  }
0x4e: {  	_ =	shalt  }
0x4f: {  	_ =	shalt  }
0x50: {  	_ =	shalt  }
0x51: {  	_ =	shalt  }
0x52: {  	_ =	shalt  }
0x53: {  	_ =	shalt  }
0x54: {  	_ =	shalt  }
0x55: {  	_ =	shalt  }
0x56: {  	_ =	shalt  }
0x57: {  	_ =	shalt  }
0x58: {  	_ =	shalt  }
0x59: {  	_ =	shalt  }
0x5a: {  	_ =	shalt  }
0x5b: {  	_ =	shalt  }
0x5c: {  	_ =	shalt  }
0x5d: {  	_ =	shalt  }
0x5e: {  	_ =	shalt  }
0x5f: {  	_ =	shalt  }
0x60: {  	_ =	shalt  }
0x61: {  	_ =	shalt  }
0x62: {  	_ =	shalt  }
0x63: {  	_ =	shalt  }
0x64: {  	_ =	shalt  }
0x65: {  	_ =	shalt  }
0x66: {  	_ =	shalt  }
0x67: {  	_ =	shalt  }
0x68: {  	_ =	shalt  }
0x69: {  	_ =	shalt  }
0x6a: {  	_ =	shalt  }
0x6b: {  	_ =	shalt  }
0x6c: {  	_ =	shalt  }
0x6d: {  	_ =	shalt  }
0x6e: {  	_ =	shalt  }
0x6f: {  	_ =	shalt  }
0x70: {  	_ =	shalt  }
0x71: {  	_ =	shalt  }
0x72: {  	_ =	shalt  }
0x73: {  	_ =	shalt  }
0x74: {  	_ =	shalt  }
0x75: {  	_ =	shalt  }
0x76: {  	_ =	shalt  }
0x77: {  	_ =	shalt  }
0x78: {  	_ =	shalt  }
0x79: {  	_ =	shalt  }
0x7a: {  	_ =	shalt  }
0x7b: {  	_ =	shalt  }
0x7c: {  	_ =	shalt  }
0x7d: {  	_ =	shalt  }
0x7e: {  	_ =	shalt  }
0x7f: {  	_ =	shalt  }
0x80: {  	_ =	shalt  }
0x81: {  	_ =	shalt  }
0x82: {  	_ =	shalt  }
0x83: {  	_ =	shalt  }
0x84: {  	_ =	shalt  }
0x85: {  	_ =	shalt  }
0x86: {  	_ =	shalt  }
0x87: {  	_ =	shalt  }
.Lfunc_end0:
.L_simem_size_0:
called_computation.1_lowered:
.L_overlay_start_0:
0x88: {  	s2 =	sld [smem:$0x3FD9]  }
0x89: {  	s3 =	sld [smem:$0x3FFE];
	_ =	sdelay $0x1  }
0x8a: {  	s1 =	srdreg.scid  }
0x8b: {  	s0 =	sand.u32 $0x1, s1  }
0x8c: {  	s16 =	sshll.u32 s0, $0xA;
	s2 =	sadd.s32 s3, s2  }
0x8d: {  	s2 =	sadd.s32 s2, s16  }
0x8e: {  	[smem:$0x3FA9] =	sst s2  }
0x8f: {  	_ = 	snop  }
0x90: {  	(tm) =	ssettm $0x1  }
0x91: {  	s17 =	sld [smem:$0x3FFB];
	_ =	sdelay $0x3  }
0x92: {  	_ =	strace s17  }
0x93: {  	s2 =	sld [smem:$0x3FFC];
	_ =	sdelay $0x3  }
0x94: {  	_ =	strace s2  }
0x95: {  	s2 =	sld [smem:$0x3FFD];
	_ =	sdelay $0x3  }
0x96: {  	_ =	strace s2  }
0x97: {  	_ =	strace $0x8FFFFFFF  }
0x98: {  	s18 =	sld [smem:$0x3FDB];
	_ =	sdelay $0x1  }
0x99: {  	s19 =	simm.s32 $_scs_section_size  }
0x9a: {  	s4 =	simm.s32 $_size__tile_overlayer_lowered;
	s5 =	simm.s32 $_tile_overlayer_lowered  }
0x9b: {  	s22 =	simm.s32 $0x1BFF;
	s21 =	sshll.u32 s5, $0x1;
	s2 =	sadd.s32 s19, s18  }
0x9c: {  	s6 =	simm.s32 $0x0;
	s20 =	sshll.u32 s4, $0x1;
	s4 =	sadd.s32 s21, s2  }
0x9d: {  	[timem:s6], [sflag:s22] =	dma.local [hbm:s4], s20  }
0x9e: {  	_ =	swait.ge [sflag:s22], s20  }
0x9f: {  	s3 =	ssub.s32 $0x0, s20;
	[sflag:s22] =	ssyncset.done $0x0  }
0xa0: {  	[sflag:s22] =	ssyncadd.s32 s3;
	_ =	sdelay $0x1  }
0xa1: {  	s23 =	simm.s32 $0x1B8B  }
0xa2: {  	_ =	swait.ge [sflag:s23], $0x1  }
0xa3: {  	[sflag:s23] =	ssyncset.done $0x0  }
0xa4: {  	s25 =	simm.s32 $0x1B8E;
	s24 =	sld [smem:$0x3FFE];
	[sflag:s23] =	ssyncadd.s32 $0xFFFFFFFF  }
0xa5: {  	s26 =	simm.s32 $execute0_lowered;
	[smem:$0x3FD2] =	sst s25  }
0xa6: {  	s4 =	sshll.u32 s26, $0x1;
	_ =	strace $0x80000049;
	[dreg:$0x1] =	wrdreg $0xFFFFFFFF  }
0xa7: {  	s28 =	simm.s32 $_size_execute0_lowered;
	s2 =	sadd.s32 s2, s4;
	[dreg:$0x0] =	wrdreg $0x0  }
0xa8: {  	s4 =	sshll.u32 s28, $0x1;
	[dreg:$0x2] =	wrdreg s2  }
0xa9: {  	[dreg:$0x3] =	wrdreg s4  }
0xaa: {  	[dreg:$0x4] =	wrdreg $0xC0  }
0xab: {  	_ =	task [dreg:s6], $0x5FFFF  }
0xac: {  	[dreg:$0x1] =	wrdreg $0xFFFFFFFF  }
0xad: {  	[dreg:$0x0] =	wrdreg $0x60  }
0xae: {  	[dreg:$0x2] =	wrdreg s24  }
0xaf: {  	[dreg:$0x3] =	wrdreg $0xC0000  }
0xb0: {  	[dreg:$0x4] =	wrdreg $0x9  }
0xb1: {  	_ =	task.clear_ibuf [dreg:s6], $0x5FFFF;
	_ =	strace $0x90000049  }
0xb2: {  	s29 =	simm.s32 $0x9;
	_ =	strace $0x8000004B  }
0xb3: {  	_ =	swait.ge [sflag:s29], $0x1  }
0xb4: {  	[sflag:s29] =	ssyncadd.s32 $0xFFFFFFFF  }
0xb5: {  	_ =	strace $0x9000004B  }
0xb6: {  	_ =	sfence  }
0xb7: {  	s30 =	sld [smem:$0x0];
	_ =	sdelay $0x2  }
0xb8: {  	s31 =	sshll.u32 s1, $0xD;
	s1 =	sshrl.u32 s1, $0x2  }
0xb9: {  	s3 =	sand.u32 $0x4000, s31;
	s1 =	sadd.s32 s1, s30  }
0xba: {  	s0 =	sor.u32 s3, s0;
	s1 =	sshll.u32 s1, $0x11  }
0xbb: {  	s0 =	sor.u32 s1, s0  }
0xbc: {  	s0 =	sadd.s32 $0x8F2B, s0  }
0xbd: {  	[sflag:s0] =	ssyncadd.remote.s32 $0x1  }
0xbe: {  	_ =	sfence.sel $0xFFFF  }
0xbf: {  	[dreg:$0x0] =	wrdreg $0xFFFFFFFF;
	(pc) =	sbr.abs _section_cstart, $3  }
0xc0: {  	[dreg:$0x1] =	wrdreg $0xFFFFFFFF  }
0xc1: {  	_ =	task.clear_ibuf [dreg:s6], $0x2FFFF;
	_ =	strace $0x9FFFFFFF  }
0xc2: {  	(tm) =	ssettm $0x7FFFFFFF  }
0xc3: {  	_ =	shalt  }
tec
execute0_lowered:
.L_overlay_start_1:
0x0: {  	(tag) =	ssettag $0x1  }
0x1: {  	s5 =	rddreg [dreg:$0x0]  }
0x2: {  	s2 =	rddreg [dreg:$0x1];
	s3 =	simm.s32 $0x0;
	s4 =	srdreg.scid  }
0x3: {  	s1 =	stileid.u32;
	s10 =	simm.s32 $0x7D;
	s19 =	simm.s32 $0x3  }
0x4: {  	s20 =	simm.s32 $0x4000;
	s21 =	simm.s32 $0x80;
	s22 =	simm.s32 $0x8000  }
0x5: {  	s23 =	simm.s32 $0x1;
	[smem:$0x7FF] =	sst s3;
	s6 =	sand.u32 $0x1, s4  }
0x6: {  	s7 =	smul.u32 $0x2780, s1;
	s24 =	sshll.u32 s1, $0xB;
	s4 =	sadd.s32 $0x5EC00, s5  }
0x7: {  	s26 =	smul.u32 $0x4F000, s1;
	s31 =	sshll.u32 s1, $0x6;
	s8 =	sshll.u32 s6, $0xA  }
0x8: {  	s9 =	smul.u32 $0x27800, s6;
	_ =	strace $0x8000004A;
	s28 =	ssub.s32 $0x2, s6  }
0x9: {  	p0 =	seq.s32 s6, $0x0;
	s6 =	sor.u32 $0x1C03, s31;
	s8 =	sor.u32 s8, s24  }
0xa: {  	s29 =	sshrl.u32 s28, $0x1;
	s10 =	simm.s32 @!p0 $0x21;
	s24 =	simm.s32 $0x2  }
0xb: {  	s14 =	sadd.s32 s8, s5;
	s25 =	sadd.s32 s7, s9;
	s7 =	sadd.s32 s7, s5  }
0xc: {  	s16 =	ssub.s32 s28, s29;
	s30 =	sadd.s32 $0x1, s10;
	s10 =	sshrl.u32 s10, $0x1  }
0xd: {  	s15 =	sadd.s32 s25, s5;
	s5 =	sshrl.u32 s26, $0x2;
	s17 =	sshrl.u32 s30, $0x1  }
0xe: {  	s8 =	sadd.s32 $0x86A00, s14;
	s9 =	sadd.s32 $0x8EA00, s14;
	s12 =	sadd.s32 $0xFFFFFFFF, s10  }
0xf: {  	s13 =	sadd.s32 $0x9EA00, s14;
	s14 =	sadd.s32 $0x96A00, s14;
	s16 =	smax.u32 s16, $0x1  }
0x10: {  	s25 =	simm.s32 $0x0;
	s18 =	sadd.s32 s5, s2;
	s0 =	sadd.s32 $0xFFFFFFFF, s17  }
0x11: {  	s5 =	sadd.s32 $0x10200, s7;
	s15 =	sadd.s32 $0xCDC00, s15;
	s11 =	sshll.u32 s0, $0x7  }
0x12: {  	s17 =	sand.u32 $0x3E, s17;
	s18 =	sshrl.u32 s18, $0x3;
	s11 =	sor.u32 $0x2000, s11  }
.LBB2_1:
0x13: {  	[spmem:s18], [sflag:s6] =	dma.local [hbm:s5], $0x2780  }
0x14: {  	_ =	swait.ge [sflag:s19], $0x2780  }
0x15: {  	[sflag:s19] =	ssyncset.done $0x0  }
0x16: {  	[sflag:s19] =	ssyncadd.s32 $0xFFFFD880  }
0x17: {  	[bflag:$0x0] =	sbarrier.arrive $0xFFFF  }
0x18: {  	[tilespmem:s3], [sflag:$0x3] =	stream.linear.gather [hbm4b:s8+s3], $0x1F80, $0x38;
	[tilespmem:$0x1FC00] =	vst v63  }
0x19: {  	_ =	swait.ge [sflag:s19], $0x1F80  }
0x1a: {  	[sflag:s19] =	ssyncset.done $0x0  }
0x1b: {  	s26 =	simm.s32 $0x2000;
	[sflag:s19] =	ssyncadd.s32 $0xFFFFE080  }
0x1c: {  	[tilespmem:s26], [sflag:$0x3] =	stream.linear.gather [hbm4b:s9+s3], $0x1F80, $0x38;
	[tilespmem:$0x1FC00] =	vst v63  }
0x1d: {  	_ =	swait.ge [sflag:s19], $0x1F80  }
0x1e: {  	[sflag:s19] =	ssyncset.done $0x0  }
0x1f: {  	[sflag:s19] =	ssyncadd.s32 $0xFFFFE080  }
0x20: {  	[tilespmem:s20], [sflag:$0x1] =	stream.indirect.gather [hbm4b:s4+s21], $0x80, s3, s21, $0xb8;
	[tilespmem:$0x1FC00] =	vst v63  }
0x21: {  	_ = 	snop  }
0x22: {  	[tilespmem:s22], [sflag:$0x2] =	stream.indirect.gather [hbm4b:s4+s21], $0x80, s21, s21, $0xb8;
	[tilespmem:$0x1FC00] =	vst v63  }
0x23: {  	_ =	swait.ge [sflag:s23], $0x4000  }
0x24: {  	s29 =	simm.s32 $0x2;
	[sflag:s23] =	ssyncset.done $0x0  }
0x25: {  	p0 =	sgt.s32 s0, $0x2;
	s28 =	smov.u32 s0;
	[sflag:s23] =	ssyncadd.s32 $0xFFFFC000  }
0x26: {  	[spmem:s2] =	stream.indirect.scatter.add.f32 [tilespmem:s20], [sflag:$0x3], $0x80, s26, s21, $0xb8;
	[tilespmem:$0x1FC00] =	vst v63  }
0x27: {  	s28 =	smov.u32 @p0 s29;
	_ =	swait.ge [sflag:s19], $0x4000  }
0x28: {  	s28 =	sshll.u32 s28, $0x9;
	[sflag:s19] =	ssyncset.done $0x0  }
0x29: {  	s28 =	sshra.s32 s28, $0x2;
	[sflag:s19] =	ssyncadd.s32 $0xFFFFC000  }
0x2a: {  	[tilespmem:s20], [sflag:$0x1] =	stream.indirect.gather [hbm4b:s4+s21], $0x80, s28, s21, $0xb8;
	[tilespmem:$0x1FC00] =	vst v63  }
0x2b: {  	p0 =	sne.s32 s17, $0x2;
	_ =	swait.ge [sflag:s24], $0x4000  }
.Ltmp0:
0x2c: {  	[sflag:s24] =	ssyncset.done $0x0;
	(pc) =	sbr.rel @!p0 .LBB2_3-.Ltmp0, $4  }
0x2d: {  	s28 =	simm.s32 $0x2080;
	[sflag:s24] =	ssyncadd.s32 $0xFFFFC000  }
0x2e: {  	[spmem:s2] =	stream.indirect.scatter.add.f32 [tilespmem:s22], [sflag:$0x3], $0x80, s28, s21, $0xb8;
	[tilespmem:$0x1FC00] =	vst v63  }
0x2f: {  	_ =	swait.ge [sflag:s19], $0x4000  }
0x30: {  	s30 =	simm.s32 $0x180;
	s31 =	simm.s32 $0x2000;
	[sflag:s19] =	ssyncset.done $0x0  }
.LBB2_2:
0x31: {  	s29 =	sadd.s32 $0x2, s29  }
0x32: {  	[sflag:s19] =	ssyncadd.s32 $0xFFFFC000;
	s31 =	sadd.s32 $0x100, s31;
	s7 =	smov.u32 s0  }
0x33: {  	[tilespmem:s22], [sflag:$0x2] =	stream.indirect.gather [hbm4b:s4+s21], $0x80, s30, s21, $0xb8;
	[tilespmem:$0x1FC00] =	vst v63  }
0x34: {  	p1 =	slt.s32 s29, s0;
	p0 =	sne.s32 s17, s29;
	_ =	swait.ge [sflag:s23], $0x4000  }
0x35: {  	s7 =	smov.u32 @p1 s29;
	[sflag:s23] =	ssyncset.done $0x0  }
0x36: {  	s7 =	sshll.u32 s7, $0x9;
	[sflag:s23] =	ssyncadd.s32 $0xFFFFC000  }
0x37: {  	[spmem:s2] =	stream.indirect.scatter.add.f32 [tilespmem:s20], [sflag:$0x3], $0x80, s31, s21, $0xb8;
	[tilespmem:$0x1FC00] =	vst v63  }
0x38: {  	_ =	swait.ge [sflag:s19], $0x4000  }
0x39: {  	[sflag:s19] =	ssyncset.done $0x0  }
0x3a: {  	s7 =	sshra.s32 s7, $0x2;
	[sflag:s19] =	ssyncadd.s32 $0xFFFFC000  }
0x3b: {  	[tilespmem:s20], [sflag:$0x1] =	stream.indirect.gather [hbm4b:s4+s21], $0x80, s7, s21, $0xb8;
	[tilespmem:$0x1FC00] =	vst v63  }
0x3c: {  	_ =	swait.ge [sflag:s24], $0x4000  }
.Ltmp1:
0x3d: {  	[sflag:s24] =	ssyncset.done $0x0;
	(pc) =	sbr.rel @p0 .LBB2_2-.Ltmp1, $4  }
0x3e: {  	s7 =	sadd.s32 $0x80, s31;
	[sflag:s24] =	ssyncadd.s32 $0xFFFFC000  }
0x3f: {  	[spmem:s2] =	stream.indirect.scatter.add.f32 [tilespmem:s22], [sflag:$0x3], $0x80, s7, s21, $0xb8;
	[tilespmem:$0x1FC00] =	vst v63  }
0x40: {  	_ =	swait.ge [sflag:s19], $0x4000  }
0x41: {  	s30 =	sadd.s32 $0x100, s30;
	[sflag:s19] =	ssyncset.done $0x0  }
.LBB2_3:
0x42: {  	[sflag:s19] =	ssyncadd.s32 $0xFFFFC000  }
0x43: {  	_ =	swait.ge [sflag:s23], $0x4000  }
0x44: {  	[sflag:s23] =	ssyncset.done $0x0  }
0x45: {  	s7 =	simm.s32 $0x80;
	[sflag:s23] =	ssyncadd.s32 $0xFFFFC000  }
0x46: {  	[spmem:s2] =	stream.indirect.scatter.add.f32 [tilespmem:s20], [sflag:$0x3], $0x80, s11, s7, $0xb8;
	[tilespmem:$0x1FC00] =	vst v63  }
0x47: {  	_ =	swait.ge [sflag:s19], $0x4000  }
0x48: {  	[sflag:s19] =	ssyncset.done $0x0  }
0x49: {  	s29 =	simm.s32 $0x0;
	[sflag:s19] =	ssyncadd.s32 $0xFFFFC000  }
0x4a: {  	[tilespmem:s29], [sflag:$0x3] =	stream.linear.gather [hbm4b:s13+s29], $0x1F80, $0x38;
	[tilespmem:$0x1FC00] =	vst v63  }
0x4b: {  	_ =	swait.ge [sflag:s19], $0x1F80  }
0x4c: {  	[sflag:s19] =	ssyncset.done $0x0  }
0x4d: {  	[sflag:s19] =	ssyncadd.s32 $0xFFFFE080  }
0x4e: {  	[tilespmem:s26], [sflag:$0x3] =	stream.linear.gather [hbm4b:s14+s29], $0x1F80, $0x38;
	[tilespmem:$0x1FC00] =	vst v63  }
0x4f: {  	_ =	swait.ge [sflag:s19], $0x1F80  }
0x50: {  	[sflag:s19] =	ssyncset.done $0x0  }
0x51: {  	[sflag:s19] =	ssyncadd.s32 $0xFFFFE080  }
0x52: {  	[tilespmem:s20], [sflag:$0x1] =	stream.indirect.gather [hbm4b:s4+s7], $0x80, s29, s7, $0xb8;
	[tilespmem:$0x1FC00] =	vst v63  }
0x53: {  	_ = 	snop  }
0x54: {  	[tilespmem:s22], [sflag:$0x2] =	stream.indirect.gather [hbm4b:s4+s21], $0x80, s7, s21, $0xb8;
	[tilespmem:$0x1FC00] =	vst v63  }
0x55: {  	_ =	swait.ge [sflag:s23], $0x4000  }
0x56: {  	p0 =	sgt.s32 s12, $0x2;
	[sflag:s23] =	ssyncset.done $0x0  }
0x57: {  	s29 =	simm.s32 $0x2;
	s7 =	smov.u32 s12;
	[sflag:s23] =	ssyncadd.s32 $0xFFFFC000  }
0x58: {  	[spmem:s2] =	stream.indirect.scatter.add.f32 [tilespmem:s20], [sflag:$0x3], $0x80, s26, s21, $0xb8;
	[tilespmem:$0x1FC00] =	vst v63  }
0x59: {  	s7 =	smov.u32 @p0 s29;
	_ =	swait.ge [sflag:s19], $0x4000  }
0x5a: {  	s7 =	sshll.u32 s7, $0x9;
	[sflag:s19] =	ssyncset.done $0x0  }
0x5b: {  	s7 =	sshra.s32 s7, $0x2;
	[sflag:s19] =	ssyncadd.s32 $0xFFFFC000  }
0x5c: {  	[tilespmem:s20], [sflag:$0x1] =	stream.indirect.gather [hbm4b:s4+s21], $0x80, s7, s21, $0xb8;
	[tilespmem:$0x1FC00] =	vst v63  }
0x5d: {  	p0 =	sne.s32 s10, $0x2;
	_ =	swait.ge [sflag:s24], $0x4000  }
.Ltmp2:
0x5e: {  	[sflag:s24] =	ssyncset.done $0x0;
	(pc) =	sbr.rel @!p0 .LBB2_5-.Ltmp2, $4  }
0x5f: {  	[sflag:s24] =	ssyncadd.s32 $0xFFFFC000  }
0x60: {  	[spmem:s2] =	stream.indirect.scatter.add.f32 [tilespmem:s22], [sflag:$0x3], $0x80, s28, s21, $0xb8;
	[tilespmem:$0x1FC00] =	vst v63  }
0x61: {  	_ =	swait.ge [sflag:s19], $0x4000  }
0x62: {  	s28 =	simm.s32 $0x180;
	[sflag:s19] =	ssyncset.done $0x0  }
.LBB2_4:
0x63: {  	s29 =	sadd.s32 $0x2, s29  }
0x64: {  	[sflag:s19] =	ssyncadd.s32 $0xFFFFC000;
	s26 =	sadd.s32 $0x100, s26;
	s7 =	smov.u32 s12  }
0x65: {  	[tilespmem:s22], [sflag:$0x2] =	stream.indirect.gather [hbm4b:s4+s21], $0x80, s28, s21, $0xb8;
	[tilespmem:$0x1FC00] =	vst v63  }
0x66: {  	p1 =	slt.s32 s29, s12;
	p0 =	sne.s32 s10, s29;
	_ =	swait.ge [sflag:s23], $0x4000  }
0x67: {  	s7 =	smov.u32 @p1 s29;
	[sflag:s23] =	ssyncset.done $0x0  }
0x68: {  	s7 =	sshll.u32 s7, $0x9;
	[sflag:s23] =	ssyncadd.s32 $0xFFFFC000  }
0x69: {  	[spmem:s2] =	stream.indirect.scatter.add.f32 [tilespmem:s20], [sflag:$0x3], $0x80, s26, s21, $0xb8;
	[tilespmem:$0x1FC00] =	vst v63  }
0x6a: {  	_ =	swait.ge [sflag:s19], $0x4000  }
0x6b: {  	[sflag:s19] =	ssyncset.done $0x0  }
0x6c: {  	s7 =	sshra.s32 s7, $0x2;
	[sflag:s19] =	ssyncadd.s32 $0xFFFFC000  }
0x6d: {  	[tilespmem:s20], [sflag:$0x1] =	stream.indirect.gather [hbm4b:s4+s21], $0x80, s7, s21, $0xb8;
	[tilespmem:$0x1FC00] =	vst v63  }
0x6e: {  	_ =	swait.ge [sflag:s24], $0x4000  }
.Ltmp3:
0x6f: {  	[sflag:s24] =	ssyncset.done $0x0;
	(pc) =	sbr.rel @p0 .LBB2_4-.Ltmp3, $4  }
0x70: {  	s7 =	sadd.s32 $0x80, s26;
	[sflag:s24] =	ssyncadd.s32 $0xFFFFC000  }
0x71: {  	[spmem:s2] =	stream.indirect.scatter.add.f32 [tilespmem:s22], [sflag:$0x3], $0x80, s7, s21, $0xb8;
	[tilespmem:$0x1FC00] =	vst v63  }
0x72: {  	_ =	swait.ge [sflag:s19], $0x4000  }
0x73: {  	s28 =	sadd.s32 $0x100, s28;
	[sflag:s19] =	ssyncset.done $0x0  }
.LBB2_5:
0x74: {  	[sflag:s19] =	ssyncadd.s32 $0xFFFFC000  }
0x75: {  	_ =	swait.ge [sflag:s23], $0x4000  }
0x76: {  	s25 =	sadd.s32 $0x1, s25;
	[sflag:s23] =	ssyncset.done $0x0  }
0x77: {  	p0 =	sne.s32 s25, s16;
	[sflag:s23] =	ssyncadd.s32 $0xFFFFC000  }
.Ltmp4:
0x78: {  	[bflag:$0x0] =	sbarrier.arrive $0xFFFF;
	(pc) =	sbr.rel @p0 .LBB2_1-.Ltmp4, $4  }
0x79: {  	[hbm:s15], [sflag:s6] =	dma.local [spmem:s18], $0x2780  }
0x7a: {  	_ =	swait.ge [sflag:s19], $0x2780  }
0x7b: {  	[sflag:s19] =	ssyncset.done $0x0  }
0x7c: {  	[sflag:s19] =	ssyncadd.s32 $0xFFFFD880  }
0x7d: {  	_ =	sfence.sel $0x180000  }
0x7e: {  	[bflag:$0x0] =	sbarrier.arrive $0xFFFF  }
0x7f: {  	_ =	strace $0x9000004A  }
0x80: {  	[bflag:$0x2] =	sbarrier.arrive $0xFFFF  }
0x81: {  	p0 =	sne.s32 s1, $0x0;
	s0 =	rddreg [dreg:$0x2]  }
0x82: {  	s0 =	sadd.s32 @!p0 $0x100000, s0  }
0x83: {  	[sflag:s0] =	ssyncadd.tile.s32 @!p0 $0x1;
	_ =	shalt  }
.Lfunc_end2:
_tile_overlayer_lowered:
.L_overlay_start_2:
0x84: {  	(tag) =	ssettag $0x2  }
0x85: {  	s0 =	rddreg [dreg:$0x0];
	s2 =	stileid.u32  }
0x86: {  	s1 =	rddreg [dreg:$0x1];
	p0 =	sne.s32 s2, $0x0  }
0x87: {  	s3 =	rddreg [dreg:$0x2];
	[bflag:$0x3] =	sbarrier.arrive $0xFFFF;
	s2 =	simm.s32 @!p0 $0x1C03  }
0x88: {  	[timem:s3], [sflag:s2] =	dma.local @!p0 [hbm:s0], s1  }
0x89: {  	s0 =	simm.s32 @!p0 $0x3  }
0x8a: {  	_ =	swait.ge @!p0 [sflag:s0], s1  }
0x8b: {  	s1 =	ssub.s32 @!p0 $0x0, s1;
	[sflag:s0] =	ssyncset.done @!p0 $0x0  }
0x8c: {  	[sflag:s0] =	ssyncadd.s32 @!p0 s1  }
0x8d: {  	[bflag:$0x3] =	sbarrier.arrive $0xFFFF  }
0x8e: {  	_ =	shalt  }

// kernel: kernel.16.cloned.1.call-start
scs
__scs_entry_jumppad:
0x0: {  	(pc) =	sbr.rel $0x88, $3  }
0x1: {  	(tag) =	ssettag $0x0;
	lr =	simm.s32 $0x1  }
0x2: {  	[smem:$0x3F82] =	sst lr;
	_ =	strace $0xD0000000  }
0x3: {  	_ = 	snop  }
0x4: {  	_ = 	snop  }
0x5: {  	_ = 	snop  }
0x6: {  	_ = 	snop  }
0x7: {  	_ = 	snop  }
__scs_overlays_trampoline_lowered:
0x8: {  	[smem:$0x3F91] =	sst s0  }
0x9: {  	[smem:$0x3F92] =	sst s1  }
0xa: {  	[smem:$0x3F93] =	sst s2  }
0xb: {  	[smem:$0x3F94] =	sst s3  }
0xc: {  	[smem:$0x3F95] =	sst s4  }
0xd: {  	[smem:$0x3F96] =	sst s5  }
0xe: {  	[smem:$0x3F97] =	sst s6  }
0xf: {  	[smem:$0x3F98] =	sst s7  }
0x10: {  	[smem:$0x3F99] =	sst s8  }
0x11: {  	[smem:$0x3F9A] =	sst s9;
	s0 =	simm.s32 @!p0 $0x0  }
0x12: {  	s1 =	sld [smem:$0x3F80];
	s0 =	simm.s32 @p0 $0x1  }
0x13: {  	[smem:$0x3F9B] =	sst s0;
	s0 =	simm.s32 @!p1 $0x0  }
0x14: {  	s2 =	sld [smem:$0x3F7F];
	s0 =	simm.s32 @p1 $0x1  }
0x15: {  	[smem:$0x3F9C] =	sst s0;
	s0 =	simm.s32 @!p2 $0x0  }
0x16: {  	s3 =	sld [smem:$0x3FDB];
	s0 =	simm.s32 @p2 $0x1  }
0x17: {  	s4 =	simm.s32 $0x1BF5;
	[smem:$0x3F9E] =	sst s0  }
0x18: {  	s0 =	sld [smem:$0x3F81];
	_ =	swait.ge [sflag:s4], $0x0  }
0x19: {  	s7 =	sld [smem:$0x3F82]  }
0x1a: {  	s8 =	sadd.s32 $0xFFFFE003, lr  }
0x1b: {  	s9 =	sadd.s32 $0xFFFFFEF7, lr;
	s5 =	simm.s32 $0xFFFFFFFF;
	p2 =	slt.u32 s8, $0xFFFFF086  }
0x1c: {  	p1 =	slt.u32 s9, $0xF7A;
	s5 =	simm.s32 @!p2 $0x0  }
0x1d: {  	s5 =	simm.s32 @p1 $0x1;
	p0 =	seq.s32 s7, s2  }
0x1e: {  	s7 =	smul.u32 @!p0 $0xF7A, s2;
	p2 =	seq.s32 @!p0 s5, $0x0  }
0x1f: {  	s9 =	smul.u32 $0xF7A, s1;
	s8 =	simm.s32 @!p0 $0x1BF5;
	p2 =	por !p2, p0  }
0x20: {  	[sflag:s8] =	ssyncset.s32 @!p0 $0xFFFFF086;
	s6 =	sadd.s32 @!p0 s3, s7;
	s7 =	simm.s32 @!p0 $0x108  }
0x21: {  	s3 =	sadd.s32 s3, s9;
	s6 =	sadd.s32 @!p0 $0x88, s6;
	s7 =	simm.s32 @p2 $0x1082  }
0x22: {  	[simem:s7], [sflag:s8] =	dma.local @!p0 [hbm:s6], $0xF7A  }
0x23: {  	s9 =	sor.u32 $0xD0000000, s2;
	s6 =	simm.s32 $0x108;
	_ =	swait.ge @!p0 [sflag:s8], $0x0  }
0x24: {  	s3 =	sadd.s32 $0x88, s3;
	s6 =	simm.s32 @!p1 $0x1082;
	[sflag:s4] =	ssyncset.s32 $0xFFFFF086  }
0x25: {  	[simem:s6], [sflag:s4] =	dma.local [hbm:s3], $0xF7A  }
0x26: {  	[smem:$0x3F82] =	sst s1;
	(tag) =	ssettag s2;
	_ =	strace s9  }
0x27: {  	s1 =	sld [smem:$0x3F92]  }
0x28: {  	s2 =	sld [smem:$0x3F93]  }
0x29: {  	s4 =	sld [smem:$0x3F95]  }
0x2a: {  	p0 =	seq.s32 s5, $0x0;
	s5 =	sld [smem:$0x3F96]  }
0x2b: {  	s6 =	sld [smem:$0x3F97]  }
0x2c: {  	s7 =	sld [smem:$0x3F98]  }
0x2d: {  	s3 =	simm.s32 $0x108;
	s8 =	sld [smem:$0x3F99]  }
0x2e: {  	s3 =	simm.s32 @!p0 $0x1082;
	s9 =	sld [smem:$0x3F9A]  }
0x2f: {  	lr =	sadd.s32 s0, s3;
	s0 =	sld [smem:$0x3F91]  }
0x30: {  	s3 =	sld [smem:$0x3F94]  }
0x31: {  	[smem:$0x3F9D] =	sst s10  }
0x32: {  	s10 =	sld [smem:$0x3F9B];
	_ =	sdelay $0x3  }
0x33: {  	p0 =	seq.s32 s10, $0x1;
	s10 =	sld [smem:$0x3F9D];
	_ =	sdelay $0x3  }
0x34: {  	[smem:$0x3F9D] =	sst s10  }
0x35: {  	s10 =	sld [smem:$0x3F9C];
	_ =	sdelay $0x3  }
0x36: {  	p1 =	seq.s32 s10, $0x1;
	s10 =	sld [smem:$0x3F9D];
	_ =	sdelay $0x3  }
0x37: {  	[smem:$0x3F9D] =	sst s10  }
0x38: {  	s10 =	sld [smem:$0x3F9E]  }
0x39: {  	_ = 	snop;
	(pc) =	sbr.ind lr, $3  }
0x3a: {  	_ = 	snop  }
0x3b: {  	_ = 	snop  }
0x3c: {  	p2 =	seq.s32 s10, $0x1;
	s10 =	sld [smem:$0x3F9D]  }
0x3d: {  	_ =	shalt  }
0x3e: {  	_ =	shalt  }
0x3f: {  	_ =	shalt  }
0x40: {  	_ =	shalt  }
0x41: {  	_ =	shalt  }
0x42: {  	_ =	shalt  }
0x43: {  	_ =	shalt  }
0x44: {  	_ =	shalt  }
0x45: {  	_ =	shalt  }
0x46: {  	_ =	shalt  }
0x47: {  	_ =	shalt  }
0x48: {  	_ =	shalt  }
0x49: {  	_ =	shalt  }
0x4a: {  	_ =	shalt  }
0x4b: {  	_ =	shalt  }
0x4c: {  	_ =	shalt  }
0x4d: {  	_ =	shalt  }
0x4e: {  	_ =	shalt  }
0x4f: {  	_ =	shalt  }
0x50: {  	_ =	shalt  }
0x51: {  	_ =	shalt  }
0x52: {  	_ =	shalt  }
0x53: {  	_ =	shalt  }
0x54: {  	_ =	shalt  }
0x55: {  	_ =	shalt  }
0x56: {  	_ =	shalt  }
0x57: {  	_ =	shalt  }
0x58: {  	_ =	shalt  }
0x59: {  	_ =	shalt  }
0x5a: {  	_ =	shalt  }
0x5b: {  	_ =	shalt  }
0x5c: {  	_ =	shalt  }
0x5d: {  	_ =	shalt  }
0x5e: {  	_ =	shalt  }
0x5f: {  	_ =	shalt  }
0x60: {  	_ =	shalt  }
0x61: {  	_ =	shalt  }
0x62: {  	_ =	shalt  }
0x63: {  	_ =	shalt  }
0x64: {  	_ =	shalt  }
0x65: {  	_ =	shalt  }
0x66: {  	_ =	shalt  }
0x67: {  	_ =	shalt  }
0x68: {  	_ =	shalt  }
0x69: {  	_ =	shalt  }
0x6a: {  	_ =	shalt  }
0x6b: {  	_ =	shalt  }
0x6c: {  	_ =	shalt  }
0x6d: {  	_ =	shalt  }
0x6e: {  	_ =	shalt  }
0x6f: {  	_ =	shalt  }
0x70: {  	_ =	shalt  }
0x71: {  	_ =	shalt  }
0x72: {  	_ =	shalt  }
0x73: {  	_ =	shalt  }
0x74: {  	_ =	shalt  }
0x75: {  	_ =	shalt  }
0x76: {  	_ =	shalt  }
0x77: {  	_ =	shalt  }
0x78: {  	_ =	shalt  }
0x79: {  	_ =	shalt  }
0x7a: {  	_ =	shalt  }
0x7b: {  	_ =	shalt  }
0x7c: {  	_ =	shalt  }
0x7d: {  	_ =	shalt  }
0x7e: {  	_ =	shalt  }
0x7f: {  	_ =	shalt  }
0x80: {  	_ =	shalt  }
0x81: {  	_ =	shalt  }
0x82: {  	_ =	shalt  }
0x83: {  	_ =	shalt  }
0x84: {  	_ =	shalt  }
0x85: {  	_ =	shalt  }
0x86: {  	_ =	shalt  }
0x87: {  	_ =	shalt  }
.Lfunc_end0:
.L_simem_size_0:
called_computation.2_lowered:
.L_overlay_start_0:
0x88: {  	s2 =	sld [smem:$0x3FD9]  }
0x89: {  	s3 =	sld [smem:$0x3FFE];
	_ =	sdelay $0x1  }
0x8a: {  	s1 =	srdreg.scid  }
0x8b: {  	s0 =	sand.u32 $0x1, s1  }
0x8c: {  	s16 =	sshll.u32 s0, $0xA;
	s2 =	sadd.s32 s3, s2  }
0x8d: {  	s2 =	sadd.s32 s2, s16  }
0x8e: {  	[smem:$0x3FA9] =	sst s2  }
0x8f: {  	_ = 	snop  }
0x90: {  	(tm) =	ssettm $0x1  }
0x91: {  	s17 =	sld [smem:$0x3FFB];
	_ =	sdelay $0x3  }
0x92: {  	_ =	strace s17  }
0x93: {  	s2 =	sld [smem:$0x3FFC];
	_ =	sdelay $0x3  }
0x94: {  	_ =	strace s2  }
0x95: {  	s2 =	sld [smem:$0x3FFD];
	_ =	sdelay $0x3  }
0x96: {  	_ =	strace s2  }
0x97: {  	_ =	strace $0x8FFFFFFF  }
0x98: {  	s18 =	sld [smem:$0x3FDB];
	_ =	sdelay $0x1  }
0x99: {  	s19 =	simm.s32 $_scs_section_size  }
0x9a: {  	s4 =	simm.s32 $_size__tile_overlayer_lowered;
	s5 =	simm.s32 $_tile_overlayer_lowered  }
0x9b: {  	s22 =	simm.s32 $0x1BFF;
	s21 =	sshll.u32 s5, $0x1;
	s2 =	sadd.s32 s19, s18  }
0x9c: {  	s6 =	simm.s32 $0x0;
	s20 =	sshll.u32 s4, $0x1;
	s4 =	sadd.s32 s21, s2  }
0x9d: {  	[timem:s6], [sflag:s22] =	dma.local [hbm:s4], s20  }
0x9e: {  	_ =	swait.ge [sflag:s22], s20  }
0x9f: {  	s3 =	ssub.s32 $0x0, s20;
	[sflag:s22] =	ssyncset.done $0x0  }
0xa0: {  	[sflag:s22] =	ssyncadd.s32 s3;
	_ =	sdelay $0x1  }
0xa1: {  	s23 =	simm.s32 $0x1B8B  }
0xa2: {  	_ =	swait.ge [sflag:s23], $0x1  }
0xa3: {  	[sflag:s23] =	ssyncset.done $0x0  }
0xa4: {  	s25 =	simm.s32 $0x1B8E;
	s24 =	sld [smem:$0x3FFE];
	[sflag:s23] =	ssyncadd.s32 $0xFFFFFFFF  }
0xa5: {  	s26 =	simm.s32 $execute0_lowered;
	[smem:$0x3FD2] =	sst s25  }
0xa6: {  	s4 =	sshll.u32 s26, $0x1;
	_ =	strace $0x8000004C;
	[dreg:$0x1] =	wrdreg $0xFFFFFFFF  }
0xa7: {  	s28 =	simm.s32 $_size_execute0_lowered;
	s2 =	sadd.s32 s2, s4;
	[dreg:$0x0] =	wrdreg $0x0  }
0xa8: {  	s4 =	sshll.u32 s28, $0x1;
	[dreg:$0x2] =	wrdreg s2  }
0xa9: {  	[dreg:$0x3] =	wrdreg s4  }
0xaa: {  	[dreg:$0x4] =	wrdreg $0xC0  }
0xab: {  	_ =	task [dreg:s6], $0x5FFFF  }
0xac: {  	[dreg:$0x1] =	wrdreg $0xFFFFFFFF  }
0xad: {  	[dreg:$0x0] =	wrdreg $0x60  }
0xae: {  	[dreg:$0x2] =	wrdreg s24  }
0xaf: {  	[dreg:$0x3] =	wrdreg $0xC0000  }
0xb0: {  	[dreg:$0x4] =	wrdreg $0x9  }
0xb1: {  	_ =	task.clear_ibuf [dreg:s6], $0x5FFFF;
	_ =	strace $0x9000004C  }
0xb2: {  	s29 =	simm.s32 $0x9;
	_ =	strace $0x8000004E  }
0xb3: {  	_ =	swait.ge [sflag:s29], $0x1  }
0xb4: {  	[sflag:s29] =	ssyncadd.s32 $0xFFFFFFFF  }
0xb5: {  	_ =	strace $0x9000004E  }
0xb6: {  	_ =	sfence  }
0xb7: {  	s30 =	sld [smem:$0x0];
	_ =	sdelay $0x2  }
0xb8: {  	s31 =	sshll.u32 s1, $0xD;
	s1 =	sshrl.u32 s1, $0x2  }
0xb9: {  	s3 =	sand.u32 $0x4000, s31;
	s1 =	sadd.s32 s1, s30  }
0xba: {  	s0 =	sor.u32 s3, s0;
	s1 =	sshll.u32 s1, $0x11  }
0xbb: {  	s0 =	sor.u32 s1, s0  }
0xbc: {  	s0 =	sadd.s32 $0x8F2B, s0  }
0xbd: {  	[sflag:s0] =	ssyncadd.remote.s32 $0x1  }
0xbe: {  	_ =	sfence.sel $0xFFFF  }
0xbf: {  	[dreg:$0x0] =	wrdreg $0xFFFFFFFF;
	(pc) =	sbr.abs _section_cstart, $3  }
0xc0: {  	[dreg:$0x1] =	wrdreg $0xFFFFFFFF  }
0xc1: {  	_ =	task.clear_ibuf [dreg:s6], $0x2FFFF;
	_ =	strace $0x9FFFFFFF  }
0xc2: {  	(tm) =	ssettm $0x7FFFFFFF  }
0xc3: {  	_ =	shalt  }
tec
execute0_lowered:
.L_overlay_start_1:
0x0: {  	(tag) =	ssettag $0x1  }
0x1: {  	s5 =	rddreg [dreg:$0x0]  }
0x2: {  	s2 =	rddreg [dreg:$0x1];
	s3 =	simm.s32 $0x0;
	s4 =	srdreg.scid  }
0x3: {  	s1 =	stileid.u32;
	s10 =	simm.s32 $0x7D;
	s19 =	simm.s32 $0x3  }
0x4: {  	s20 =	simm.s32 $0x4000;
	s21 =	simm.s32 $0x80;
	s22 =	simm.s32 $0x8000  }
0x5: {  	s23 =	simm.s32 $0x1;
	[smem:$0x7FF] =	sst s3;
	s6 =	sand.u32 $0x1, s4  }
0x6: {  	s7 =	smul.u32 $0x2780, s1;
	s24 =	sshll.u32 s1, $0xB;
	s4 =	sadd.s32 $0x5EC00, s5  }
0x7: {  	s26 =	smul.u32 $0x4F000, s1;
	s31 =	sshll.u32 s1, $0x6;
	s8 =	sshll.u32 s6, $0xA  }
0x8: {  	s9 =	smul.u32 $0x27800, s6;
	_ =	strace $0x8000004D;
	s28 =	ssub.s32 $0x2, s6  }
0x9: {  	p0 =	seq.s32 s6, $0x0;
	s6 =	sor.u32 $0x1C03, s31;
	s8 =	sor.u32 s8, s24  }
0xa: {  	s29 =	sshrl.u32 s28, $0x1;
	s10 =	simm.s32 @!p0 $0x21;
	s24 =	simm.s32 $0x2  }
0xb: {  	s14 =	sadd.s32 s8, s5;
	s25 =	sadd.s32 s7, s9;
	s7 =	sadd.s32 s7, s5  }
0xc: {  	s16 =	ssub.s32 s28, s29;
	s30 =	sadd.s32 $0x1, s10;
	s10 =	sshrl.u32 s10, $0x1  }
0xd: {  	s15 =	sadd.s32 s25, s5;
	s5 =	sshrl.u32 s26, $0x2;
	s17 =	sshrl.u32 s30, $0x1  }
0xe: {  	s8 =	sadd.s32 $0x86A00, s14;
	s9 =	sadd.s32 $0x8EA00, s14;
	s12 =	sadd.s32 $0xFFFFFFFF, s10  }
0xf: {  	s13 =	sadd.s32 $0x9EA00, s14;
	s14 =	sadd.s32 $0x96A00, s14;
	s16 =	smax.u32 s16, $0x1  }
0x10: {  	s25 =	simm.s32 $0x0;
	s18 =	sadd.s32 s5, s2;
	s0 =	sadd.s32 $0xFFFFFFFF, s17  }
0x11: {  	s5 =	sadd.s32 $0x10200, s7;
	s15 =	sadd.s32 $0xCDC00, s15;
	s11 =	sshll.u32 s0, $0x7  }
0x12: {  	s17 =	sand.u32 $0x3E, s17;
	s18 =	sshrl.u32 s18, $0x3;
	s11 =	sor.u32 $0x2000, s11  }
.LBB2_1:
0x13: {  	[spmem:s18], [sflag:s6] =	dma.local [hbm:s5], $0x2780  }
0x14: {  	_ =	swait.ge [sflag:s19], $0x2780  }
0x15: {  	[sflag:s19] =	ssyncset.done $0x0  }
0x16: {  	[sflag:s19] =	ssyncadd.s32 $0xFFFFD880  }
0x17: {  	[bflag:$0x0] =	sbarrier.arrive $0xFFFF  }
0x18: {  	[tilespmem:s3], [sflag:$0x3] =	stream.linear.gather [hbm4b:s8+s3], $0x1F80, $0x38;
	[tilespmem:$0x1FC00] =	vst v63  }
0x19: {  	_ =	swait.ge [sflag:s19], $0x1F80  }
0x1a: {  	[sflag:s19] =	ssyncset.done $0x0  }
0x1b: {  	s26 =	simm.s32 $0x2000;
	[sflag:s19] =	ssyncadd.s32 $0xFFFFE080  }
0x1c: {  	[tilespmem:s26], [sflag:$0x3] =	stream.linear.gather [hbm4b:s9+s3], $0x1F80, $0x38;
	[tilespmem:$0x1FC00] =	vst v63  }
0x1d: {  	_ =	swait.ge [sflag:s19], $0x1F80  }
0x1e: {  	[sflag:s19] =	ssyncset.done $0x0  }
0x1f: {  	[sflag:s19] =	ssyncadd.s32 $0xFFFFE080  }
0x20: {  	[tilespmem:s20], [sflag:$0x1] =	stream.indirect.gather [hbm4b:s4+s21], $0x80, s3, s21, $0xb8;
	[tilespmem:$0x1FC00] =	vst v63  }
0x21: {  	_ = 	snop  }
0x22: {  	[tilespmem:s22], [sflag:$0x2] =	stream.indirect.gather [hbm4b:s4+s21], $0x80, s21, s21, $0xb8;
	[tilespmem:$0x1FC00] =	vst v63  }
0x23: {  	_ =	swait.ge [sflag:s23], $0x4000  }
0x24: {  	s29 =	simm.s32 $0x2;
	[sflag:s23] =	ssyncset.done $0x0  }
0x25: {  	p0 =	sgt.s32 s0, $0x2;
	s28 =	smov.u32 s0;
	[sflag:s23] =	ssyncadd.s32 $0xFFFFC000  }
0x26: {  	[spmem:s2] =	stream.indirect.scatter.add.f32 [tilespmem:s20], [sflag:$0x3], $0x80, s26, s21, $0xb8;
	[tilespmem:$0x1FC00] =	vst v63  }
0x27: {  	s28 =	smov.u32 @p0 s29;
	_ =	swait.ge [sflag:s19], $0x4000  }
0x28: {  	s28 =	sshll.u32 s28, $0x9;
	[sflag:s19] =	ssyncset.done $0x0  }
0x29: {  	s28 =	sshra.s32 s28, $0x2;
	[sflag:s19] =	ssyncadd.s32 $0xFFFFC000  }
0x2a: {  	[tilespmem:s20], [sflag:$0x1] =	stream.indirect.gather [hbm4b:s4+s21], $0x80, s28, s21, $0xb8;
	[tilespmem:$0x1FC00] =	vst v63  }
0x2b: {  	p0 =	sne.s32 s17, $0x2;
	_ =	swait.ge [sflag:s24], $0x4000  }
.Ltmp0:
0x2c: {  	[sflag:s24] =	ssyncset.done $0x0;
	(pc) =	sbr.rel @!p0 .LBB2_3-.Ltmp0, $4  }
0x2d: {  	s28 =	simm.s32 $0x2080;
	[sflag:s24] =	ssyncadd.s32 $0xFFFFC000  }
0x2e: {  	[spmem:s2] =	stream.indirect.scatter.add.f32 [tilespmem:s22], [sflag:$0x3], $0x80, s28, s21, $0xb8;
	[tilespmem:$0x1FC00] =	vst v63  }
0x2f: {  	_ =	swait.ge [sflag:s19], $0x4000  }
0x30: {  	s30 =	simm.s32 $0x180;
	s31 =	simm.s32 $0x2000;
	[sflag:s19] =	ssyncset.done $0x0  }
.LBB2_2:
0x31: {  	s29 =	sadd.s32 $0x2, s29  }
0x32: {  	[sflag:s19] =	ssyncadd.s32 $0xFFFFC000;
	s31 =	sadd.s32 $0x100, s31;
	s7 =	smov.u32 s0  }
0x33: {  	[tilespmem:s22], [sflag:$0x2] =	stream.indirect.gather [hbm4b:s4+s21], $0x80, s30, s21, $0xb8;
	[tilespmem:$0x1FC00] =	vst v63  }
0x34: {  	p1 =	slt.s32 s29, s0;
	p0 =	sne.s32 s17, s29;
	_ =	swait.ge [sflag:s23], $0x4000  }
0x35: {  	s7 =	smov.u32 @p1 s29;
	[sflag:s23] =	ssyncset.done $0x0  }
0x36: {  	s7 =	sshll.u32 s7, $0x9;
	[sflag:s23] =	ssyncadd.s32 $0xFFFFC000  }
0x37: {  	[spmem:s2] =	stream.indirect.scatter.add.f32 [tilespmem:s20], [sflag:$0x3], $0x80, s31, s21, $0xb8;
	[tilespmem:$0x1FC00] =	vst v63  }
0x38: {  	_ =	swait.ge [sflag:s19], $0x4000  }
0x39: {  	[sflag:s19] =	ssyncset.done $0x0  }
0x3a: {  	s7 =	sshra.s32 s7, $0x2;
	[sflag:s19] =	ssyncadd.s32 $0xFFFFC000  }
0x3b: {  	[tilespmem:s20], [sflag:$0x1] =	stream.indirect.gather [hbm4b:s4+s21], $0x80, s7, s21, $0xb8;
	[tilespmem:$0x1FC00] =	vst v63  }
0x3c: {  	_ =	swait.ge [sflag:s24], $0x4000  }
.Ltmp1:
0x3d: {  	[sflag:s24] =	ssyncset.done $0x0;
	(pc) =	sbr.rel @p0 .LBB2_2-.Ltmp1, $4  }
0x3e: {  	s7 =	sadd.s32 $0x80, s31;
	[sflag:s24] =	ssyncadd.s32 $0xFFFFC000  }
0x3f: {  	[spmem:s2] =	stream.indirect.scatter.add.f32 [tilespmem:s22], [sflag:$0x3], $0x80, s7, s21, $0xb8;
	[tilespmem:$0x1FC00] =	vst v63  }
0x40: {  	_ =	swait.ge [sflag:s19], $0x4000  }
0x41: {  	s30 =	sadd.s32 $0x100, s30;
	[sflag:s19] =	ssyncset.done $0x0  }
.LBB2_3:
0x42: {  	[sflag:s19] =	ssyncadd.s32 $0xFFFFC000  }
0x43: {  	_ =	swait.ge [sflag:s23], $0x4000  }
0x44: {  	[sflag:s23] =	ssyncset.done $0x0  }
0x45: {  	s7 =	simm.s32 $0x80;
	[sflag:s23] =	ssyncadd.s32 $0xFFFFC000  }
0x46: {  	[spmem:s2] =	stream.indirect.scatter.add.f32 [tilespmem:s20], [sflag:$0x3], $0x80, s11, s7, $0xb8;
	[tilespmem:$0x1FC00] =	vst v63  }
0x47: {  	_ =	swait.ge [sflag:s19], $0x4000  }
0x48: {  	[sflag:s19] =	ssyncset.done $0x0  }
0x49: {  	s29 =	simm.s32 $0x0;
	[sflag:s19] =	ssyncadd.s32 $0xFFFFC000  }
0x4a: {  	[tilespmem:s29], [sflag:$0x3] =	stream.linear.gather [hbm4b:s13+s29], $0x1F80, $0x38;
	[tilespmem:$0x1FC00] =	vst v63  }
0x4b: {  	_ =	swait.ge [sflag:s19], $0x1F80  }
0x4c: {  	[sflag:s19] =	ssyncset.done $0x0  }
0x4d: {  	[sflag:s19] =	ssyncadd.s32 $0xFFFFE080  }
0x4e: {  	[tilespmem:s26], [sflag:$0x3] =	stream.linear.gather [hbm4b:s14+s29], $0x1F80, $0x38;
	[tilespmem:$0x1FC00] =	vst v63  }
0x4f: {  	_ =	swait.ge [sflag:s19], $0x1F80  }
0x50: {  	[sflag:s19] =	ssyncset.done $0x0  }
0x51: {  	[sflag:s19] =	ssyncadd.s32 $0xFFFFE080  }
0x52: {  	[tilespmem:s20], [sflag:$0x1] =	stream.indirect.gather [hbm4b:s4+s7], $0x80, s29, s7, $0xb8;
	[tilespmem:$0x1FC00] =	vst v63  }
0x53: {  	_ = 	snop  }
0x54: {  	[tilespmem:s22], [sflag:$0x2] =	stream.indirect.gather [hbm4b:s4+s21], $0x80, s7, s21, $0xb8;
	[tilespmem:$0x1FC00] =	vst v63  }
0x55: {  	_ =	swait.ge [sflag:s23], $0x4000  }
0x56: {  	p0 =	sgt.s32 s12, $0x2;
	[sflag:s23] =	ssyncset.done $0x0  }
0x57: {  	s29 =	simm.s32 $0x2;
	s7 =	smov.u32 s12;
	[sflag:s23] =	ssyncadd.s32 $0xFFFFC000  }
0x58: {  	[spmem:s2] =	stream.indirect.scatter.add.f32 [tilespmem:s20], [sflag:$0x3], $0x80, s26, s21, $0xb8;
	[tilespmem:$0x1FC00] =	vst v63  }
0x59: {  	s7 =	smov.u32 @p0 s29;
	_ =	swait.ge [sflag:s19], $0x4000  }
0x5a: {  	s7 =	sshll.u32 s7, $0x9;
	[sflag:s19] =	ssyncset.done $0x0  }
0x5b: {  	s7 =	sshra.s32 s7, $0x2;
	[sflag:s19] =	ssyncadd.s32 $0xFFFFC000  }
0x5c: {  	[tilespmem:s20], [sflag:$0x1] =	stream.indirect.gather [hbm4b:s4+s21], $0x80, s7, s21, $0xb8;
	[tilespmem:$0x1FC00] =	vst v63  }
0x5d: {  	p0 =	sne.s32 s10, $0x2;
	_ =	swait.ge [sflag:s24], $0x4000  }
.Ltmp2:
0x5e: {  	[sflag:s24] =	ssyncset.done $0x0;
	(pc) =	sbr.rel @!p0 .LBB2_5-.Ltmp2, $4  }
0x5f: {  	[sflag:s24] =	ssyncadd.s32 $0xFFFFC000  }
0x60: {  	[spmem:s2] =	stream.indirect.scatter.add.f32 [tilespmem:s22], [sflag:$0x3], $0x80, s28, s21, $0xb8;
	[tilespmem:$0x1FC00] =	vst v63  }
0x61: {  	_ =	swait.ge [sflag:s19], $0x4000  }
0x62: {  	s28 =	simm.s32 $0x180;
	[sflag:s19] =	ssyncset.done $0x0  }
.LBB2_4:
0x63: {  	s29 =	sadd.s32 $0x2, s29  }
0x64: {  	[sflag:s19] =	ssyncadd.s32 $0xFFFFC000;
	s26 =	sadd.s32 $0x100, s26;
	s7 =	smov.u32 s12  }
0x65: {  	[tilespmem:s22], [sflag:$0x2] =	stream.indirect.gather [hbm4b:s4+s21], $0x80, s28, s21, $0xb8;
	[tilespmem:$0x1FC00] =	vst v63  }
0x66: {  	p1 =	slt.s32 s29, s12;
	p0 =	sne.s32 s10, s29;
	_ =	swait.ge [sflag:s23], $0x4000  }
0x67: {  	s7 =	smov.u32 @p1 s29;
	[sflag:s23] =	ssyncset.done $0x0  }
0x68: {  	s7 =	sshll.u32 s7, $0x9;
	[sflag:s23] =	ssyncadd.s32 $0xFFFFC000  }
0x69: {  	[spmem:s2] =	stream.indirect.scatter.add.f32 [tilespmem:s20], [sflag:$0x3], $0x80, s26, s21, $0xb8;
	[tilespmem:$0x1FC00] =	vst v63  }
0x6a: {  	_ =	swait.ge [sflag:s19], $0x4000  }
0x6b: {  	[sflag:s19] =	ssyncset.done $0x0  }
0x6c: {  	s7 =	sshra.s32 s7, $0x2;
	[sflag:s19] =	ssyncadd.s32 $0xFFFFC000  }
0x6d: {  	[tilespmem:s20], [sflag:$0x1] =	stream.indirect.gather [hbm4b:s4+s21], $0x80, s7, s21, $0xb8;
	[tilespmem:$0x1FC00] =	vst v63  }
0x6e: {  	_ =	swait.ge [sflag:s24], $0x4000  }
.Ltmp3:
0x6f: {  	[sflag:s24] =	ssyncset.done $0x0;
	(pc) =	sbr.rel @p0 .LBB2_4-.Ltmp3, $4  }
0x70: {  	s7 =	sadd.s32 $0x80, s26;
	[sflag:s24] =	ssyncadd.s32 $0xFFFFC000  }
0x71: {  	[spmem:s2] =	stream.indirect.scatter.add.f32 [tilespmem:s22], [sflag:$0x3], $0x80, s7, s21, $0xb8;
	[tilespmem:$0x1FC00] =	vst v63  }
0x72: {  	_ =	swait.ge [sflag:s19], $0x4000  }
0x73: {  	s28 =	sadd.s32 $0x100, s28;
	[sflag:s19] =	ssyncset.done $0x0  }
.LBB2_5:
0x74: {  	[sflag:s19] =	ssyncadd.s32 $0xFFFFC000  }
0x75: {  	_ =	swait.ge [sflag:s23], $0x4000  }
0x76: {  	s25 =	sadd.s32 $0x1, s25;
	[sflag:s23] =	ssyncset.done $0x0  }
0x77: {  	p0 =	sne.s32 s25, s16;
	[sflag:s23] =	ssyncadd.s32 $0xFFFFC000  }
.Ltmp4:
0x78: {  	[bflag:$0x0] =	sbarrier.arrive $0xFFFF;
	(pc) =	sbr.rel @p0 .LBB2_1-.Ltmp4, $4  }
0x79: {  	[hbm:s15], [sflag:s6] =	dma.local [spmem:s18], $0x2780  }
0x7a: {  	_ =	swait.ge [sflag:s19], $0x2780  }
0x7b: {  	[sflag:s19] =	ssyncset.done $0x0  }
0x7c: {  	[sflag:s19] =	ssyncadd.s32 $0xFFFFD880  }
0x7d: {  	_ =	sfence.sel $0x180000  }
0x7e: {  	[bflag:$0x0] =	sbarrier.arrive $0xFFFF  }
0x7f: {  	_ =	strace $0x9000004D  }
0x80: {  	[bflag:$0x2] =	sbarrier.arrive $0xFFFF  }
0x81: {  	p0 =	sne.s32 s1, $0x0;
	s0 =	rddreg [dreg:$0x2]  }
0x82: {  	s0 =	sadd.s32 @!p0 $0x100000, s0  }
0x83: {  	[sflag:s0] =	ssyncadd.tile.s32 @!p0 $0x1;
	_ =	shalt  }
.Lfunc_end2:
_tile_overlayer_lowered:
.L_overlay_start_2:
0x84: {  	(tag) =	ssettag $0x2  }
0x85: {  	s0 =	rddreg [dreg:$0x0];
	s2 =	stileid.u32  }
0x86: {  	s1 =	rddreg [dreg:$0x1];
	p0 =	sne.s32 s2, $0x0  }
0x87: {  	s3 =	rddreg [dreg:$0x2];
	[bflag:$0x3] =	sbarrier.arrive $0xFFFF;
	s2 =	simm.s32 @!p0 $0x1C03  }
0x88: {  	[timem:s3], [sflag:s2] =	dma.local @!p0 [hbm:s0], s1  }
0x89: {  	s0 =	simm.s32 @!p0 $0x3  }
0x8a: {  	_ =	swait.ge @!p0 [sflag:s0], s1  }
0x8b: {  	s1 =	ssub.s32 @!p0 $0x0, s1;
	[sflag:s0] =	ssyncset.done @!p0 $0x0  }
0x8c: {  	[sflag:s0] =	ssyncadd.s32 @!p0 s1  }
0x8d: {  	[bflag:$0x3] =	sbarrier.arrive $0xFFFF  }
0x8e: {  	_ =	shalt  }

// kernel: kernel.19.cloned.1.call-start
scs
__scs_entry_jumppad:
0x0: {  	(pc) =	sbr.rel $0x88, $3  }
0x1: {  	(tag) =	ssettag $0x0;
	lr =	simm.s32 $0x1  }
0x2: {  	[smem:$0x3F82] =	sst lr;
	_ =	strace $0xD0000000  }
0x3: {  	_ = 	snop  }
0x4: {  	_ = 	snop  }
0x5: {  	_ = 	snop  }
0x6: {  	_ = 	snop  }
0x7: {  	_ = 	snop  }
__scs_overlays_trampoline_lowered:
0x8: {  	[smem:$0x3F91] =	sst s0  }
0x9: {  	[smem:$0x3F92] =	sst s1  }
0xa: {  	[smem:$0x3F93] =	sst s2  }
0xb: {  	[smem:$0x3F94] =	sst s3  }
0xc: {  	[smem:$0x3F95] =	sst s4  }
0xd: {  	[smem:$0x3F96] =	sst s5  }
0xe: {  	[smem:$0x3F97] =	sst s6  }
0xf: {  	[smem:$0x3F98] =	sst s7  }
0x10: {  	[smem:$0x3F99] =	sst s8  }
0x11: {  	[smem:$0x3F9A] =	sst s9;
	s0 =	simm.s32 @!p0 $0x0  }
0x12: {  	s1 =	sld [smem:$0x3F80];
	s0 =	simm.s32 @p0 $0x1  }
0x13: {  	[smem:$0x3F9B] =	sst s0;
	s0 =	simm.s32 @!p1 $0x0  }
0x14: {  	s2 =	sld [smem:$0x3F7F];
	s0 =	simm.s32 @p1 $0x1  }
0x15: {  	[smem:$0x3F9C] =	sst s0;
	s0 =	simm.s32 @!p2 $0x0  }
0x16: {  	s3 =	sld [smem:$0x3FDB];
	s0 =	simm.s32 @p2 $0x1  }
0x17: {  	s4 =	simm.s32 $0x1BF5;
	[smem:$0x3F9E] =	sst s0  }
0x18: {  	s0 =	sld [smem:$0x3F81];
	_ =	swait.ge [sflag:s4], $0x0  }
0x19: {  	s7 =	sld [smem:$0x3F82]  }
0x1a: {  	s8 =	sadd.s32 $0xFFFFE003, lr  }
0x1b: {  	s9 =	sadd.s32 $0xFFFFFEF7, lr;
	s5 =	simm.s32 $0xFFFFFFFF;
	p2 =	slt.u32 s8, $0xFFFFF086  }
0x1c: {  	p1 =	slt.u32 s9, $0xF7A;
	s5 =	simm.s32 @!p2 $0x0  }
0x1d: {  	s5 =	simm.s32 @p1 $0x1;
	p0 =	seq.s32 s7, s2  }
0x1e: {  	s7 =	smul.u32 @!p0 $0xF7A, s2;
	p2 =	seq.s32 @!p0 s5, $0x0  }
0x1f: {  	s9 =	smul.u32 $0xF7A, s1;
	s8 =	simm.s32 @!p0 $0x1BF5;
	p2 =	por !p2, p0  }
0x20: {  	[sflag:s8] =	ssyncset.s32 @!p0 $0xFFFFF086;
	s6 =	sadd.s32 @!p0 s3, s7;
	s7 =	simm.s32 @!p0 $0x108  }
0x21: {  	s3 =	sadd.s32 s3, s9;
	s6 =	sadd.s32 @!p0 $0x88, s6;
	s7 =	simm.s32 @p2 $0x1082  }
0x22: {  	[simem:s7], [sflag:s8] =	dma.local @!p0 [hbm:s6], $0xF7A  }
0x23: {  	s9 =	sor.u32 $0xD0000000, s2;
	s6 =	simm.s32 $0x108;
	_ =	swait.ge @!p0 [sflag:s8], $0x0  }
0x24: {  	s3 =	sadd.s32 $0x88, s3;
	s6 =	simm.s32 @!p1 $0x1082;
	[sflag:s4] =	ssyncset.s32 $0xFFFFF086  }
0x25: {  	[simem:s6], [sflag:s4] =	dma.local [hbm:s3], $0xF7A  }
0x26: {  	[smem:$0x3F82] =	sst s1;
	(tag) =	ssettag s2;
	_ =	strace s9  }
0x27: {  	s1 =	sld [smem:$0x3F92]  }
0x28: {  	s2 =	sld [smem:$0x3F93]  }
0x29: {  	s4 =	sld [smem:$0x3F95]  }
0x2a: {  	p0 =	seq.s32 s5, $0x0;
	s5 =	sld [smem:$0x3F96]  }
0x2b: {  	s6 =	sld [smem:$0x3F97]  }
0x2c: {  	s7 =	sld [smem:$0x3F98]  }
0x2d: {  	s3 =	simm.s32 $0x108;
	s8 =	sld [smem:$0x3F99]  }
0x2e: {  	s3 =	simm.s32 @!p0 $0x1082;
	s9 =	sld [smem:$0x3F9A]  }
0x2f: {  	lr =	sadd.s32 s0, s3;
	s0 =	sld [smem:$0x3F91]  }
0x30: {  	s3 =	sld [smem:$0x3F94]  }
0x31: {  	[smem:$0x3F9D] =	sst s10  }
0x32: {  	s10 =	sld [smem:$0x3F9B];
	_ =	sdelay $0x3  }
0x33: {  	p0 =	seq.s32 s10, $0x1;
	s10 =	sld [smem:$0x3F9D];
	_ =	sdelay $0x3  }
0x34: {  	[smem:$0x3F9D] =	sst s10  }
0x35: {  	s10 =	sld [smem:$0x3F9C];
	_ =	sdelay $0x3  }
0x36: {  	p1 =	seq.s32 s10, $0x1;
	s10 =	sld [smem:$0x3F9D];
	_ =	sdelay $0x3  }
0x37: {  	[smem:$0x3F9D] =	sst s10  }
0x38: {  	s10 =	sld [smem:$0x3F9E]  }
0x39: {  	_ = 	snop;
	(pc) =	sbr.ind lr, $3  }
0x3a: {  	_ = 	snop  }
0x3b: {  	_ = 	snop  }
0x3c: {  	p2 =	seq.s32 s10, $0x1;
	s10 =	sld [smem:$0x3F9D]  }
0x3d: {  	_ =	shalt  }
0x3e: {  	_ =	shalt  }
0x3f: {  	_ =	shalt  }
0x40: {  	_ =	shalt  }
0x41: {  	_ =	shalt  }
0x42: {  	_ =	shalt  }
0x43: {  	_ =	shalt  }
0x44: {  	_ =	shalt  }
0x45: {  	_ =	shalt  }
0x46: {  	_ =	shalt  }
0x47: {  	_ =	shalt  }
0x48: {  	_ =	shalt  }
0x49: {  	_ =	shalt  }
0x4a: {  	_ =	shalt  }
0x4b: {  	_ =	shalt  }
0x4c: {  	_ =	shalt  }
0x4d: {  	_ =	shalt  }
0x4e: {  	_ =	shalt  }
0x4f: {  	_ =	shalt  }
0x50: {  	_ =	shalt  }
0x51: {  	_ =	shalt  }
0x52: {  	_ =	shalt  }
0x53: {  	_ =	shalt  }
0x54: {  	_ =	shalt  }
0x55: {  	_ =	shalt  }
0x56: {  	_ =	shalt  }
0x57: {  	_ =	shalt  }
0x58: {  	_ =	shalt  }
0x59: {  	_ =	shalt  }
0x5a: {  	_ =	shalt  }
0x5b: {  	_ =	shalt  }
0x5c: {  	_ =	shalt  }
0x5d: {  	_ =	shalt  }
0x5e: {  	_ =	shalt  }
0x5f: {  	_ =	shalt  }
0x60: {  	_ =	shalt  }
0x61: {  	_ =	shalt  }
0x62: {  	_ =	shalt  }
0x63: {  	_ =	shalt  }
0x64: {  	_ =	shalt  }
0x65: {  	_ =	shalt  }
0x66: {  	_ =	shalt  }
0x67: {  	_ =	shalt  }
0x68: {  	_ =	shalt  }
0x69: {  	_ =	shalt  }
0x6a: {  	_ =	shalt  }
0x6b: {  	_ =	shalt  }
0x6c: {  	_ =	shalt  }
0x6d: {  	_ =	shalt  }
0x6e: {  	_ =	shalt  }
0x6f: {  	_ =	shalt  }
0x70: {  	_ =	shalt  }
0x71: {  	_ =	shalt  }
0x72: {  	_ =	shalt  }
0x73: {  	_ =	shalt  }
0x74: {  	_ =	shalt  }
0x75: {  	_ =	shalt  }
0x76: {  	_ =	shalt  }
0x77: {  	_ =	shalt  }
0x78: {  	_ =	shalt  }
0x79: {  	_ =	shalt  }
0x7a: {  	_ =	shalt  }
0x7b: {  	_ =	shalt  }
0x7c: {  	_ =	shalt  }
0x7d: {  	_ =	shalt  }
0x7e: {  	_ =	shalt  }
0x7f: {  	_ =	shalt  }
0x80: {  	_ =	shalt  }
0x81: {  	_ =	shalt  }
0x82: {  	_ =	shalt  }
0x83: {  	_ =	shalt  }
0x84: {  	_ =	shalt  }
0x85: {  	_ =	shalt  }
0x86: {  	_ =	shalt  }
0x87: {  	_ =	shalt  }
.Lfunc_end0:
.L_simem_size_0:
called_computation.3_lowered:
.L_overlay_start_0:
0x88: {  	s2 =	sld [smem:$0x3FD9]  }
0x89: {  	s3 =	sld [smem:$0x3FFE];
	_ =	sdelay $0x1  }
0x8a: {  	s1 =	srdreg.scid  }
0x8b: {  	s0 =	sand.u32 $0x1, s1  }
0x8c: {  	s16 =	sshll.u32 s0, $0xA;
	s2 =	sadd.s32 s3, s2  }
0x8d: {  	s2 =	sadd.s32 s2, s16  }
0x8e: {  	[smem:$0x3FA9] =	sst s2  }
0x8f: {  	_ = 	snop  }
0x90: {  	(tm) =	ssettm $0x1  }
0x91: {  	s17 =	sld [smem:$0x3FFB];
	_ =	sdelay $0x3  }
0x92: {  	_ =	strace s17  }
0x93: {  	s2 =	sld [smem:$0x3FFC];
	_ =	sdelay $0x3  }
0x94: {  	_ =	strace s2  }
0x95: {  	s2 =	sld [smem:$0x3FFD];
	_ =	sdelay $0x3  }
0x96: {  	_ =	strace s2  }
0x97: {  	_ =	strace $0x8FFFFFFF  }
0x98: {  	s18 =	sld [smem:$0x3FDB];
	_ =	sdelay $0x1  }
0x99: {  	s19 =	simm.s32 $_scs_section_size  }
0x9a: {  	s4 =	simm.s32 $_size__tile_overlayer_lowered;
	s5 =	simm.s32 $_tile_overlayer_lowered  }
0x9b: {  	s22 =	simm.s32 $0x1BFF;
	s21 =	sshll.u32 s5, $0x1;
	s2 =	sadd.s32 s19, s18  }
0x9c: {  	s6 =	simm.s32 $0x0;
	s20 =	sshll.u32 s4, $0x1;
	s4 =	sadd.s32 s21, s2  }
0x9d: {  	[timem:s6], [sflag:s22] =	dma.local [hbm:s4], s20  }
0x9e: {  	_ =	swait.ge [sflag:s22], s20  }
0x9f: {  	s3 =	ssub.s32 $0x0, s20;
	[sflag:s22] =	ssyncset.done $0x0  }
0xa0: {  	[sflag:s22] =	ssyncadd.s32 s3;
	_ =	sdelay $0x1  }
0xa1: {  	s23 =	simm.s32 $0x1B8B  }
0xa2: {  	_ =	swait.ge [sflag:s23], $0x1  }
0xa3: {  	[sflag:s23] =	ssyncset.done $0x0  }
0xa4: {  	s25 =	simm.s32 $0x1B8E;
	s24 =	sld [smem:$0x3FFE];
	[sflag:s23] =	ssyncadd.s32 $0xFFFFFFFF  }
0xa5: {  	s26 =	simm.s32 $execute0_lowered;
	[smem:$0x3FD2] =	sst s25  }
0xa6: {  	s4 =	sshll.u32 s26, $0x1;
	_ =	strace $0x8000004F;
	[dreg:$0x1] =	wrdreg $0xFFFFFFFF  }
0xa7: {  	s28 =	simm.s32 $_size_execute0_lowered;
	s2 =	sadd.s32 s2, s4;
	[dreg:$0x0] =	wrdreg $0x0  }
0xa8: {  	s4 =	sshll.u32 s28, $0x1;
	[dreg:$0x2] =	wrdreg s2  }
0xa9: {  	[dreg:$0x3] =	wrdreg s4  }
0xaa: {  	[dreg:$0x4] =	wrdreg $0xC0  }
0xab: {  	_ =	task [dreg:s6], $0x5FFFF  }
0xac: {  	[dreg:$0x1] =	wrdreg $0xFFFFFFFF  }
0xad: {  	[dreg:$0x0] =	wrdreg $0x60  }
0xae: {  	[dreg:$0x2] =	wrdreg s24  }
0xaf: {  	[dreg:$0x3] =	wrdreg $0xC0000  }
0xb0: {  	[dreg:$0x4] =	wrdreg $0x9  }
0xb1: {  	_ =	task.clear_ibuf [dreg:s6], $0x5FFFF;
	_ =	strace $0x9000004F  }
0xb2: {  	s29 =	simm.s32 $0x9;
	_ =	strace $0x80000051  }
0xb3: {  	_ =	swait.ge [sflag:s29], $0x1  }
0xb4: {  	[sflag:s29] =	ssyncadd.s32 $0xFFFFFFFF  }
0xb5: {  	_ =	strace $0x90000051  }
0xb6: {  	_ =	sfence  }
0xb7: {  	s30 =	sld [smem:$0x0];
	_ =	sdelay $0x2  }
0xb8: {  	s31 =	sshll.u32 s1, $0xD;
	s1 =	sshrl.u32 s1, $0x2  }
0xb9: {  	s3 =	sand.u32 $0x4000, s31;
	s1 =	sadd.s32 s1, s30  }
0xba: {  	s0 =	sor.u32 s3, s0;
	s1 =	sshll.u32 s1, $0x11  }
0xbb: {  	s0 =	sor.u32 s1, s0  }
0xbc: {  	s0 =	sadd.s32 $0x8F2B, s0  }
0xbd: {  	[sflag:s0] =	ssyncadd.remote.s32 $0x1  }
0xbe: {  	_ =	sfence.sel $0xFFFF  }
0xbf: {  	[dreg:$0x0] =	wrdreg $0xFFFFFFFF;
	(pc) =	sbr.abs _section_cstart, $3  }
0xc0: {  	[dreg:$0x1] =	wrdreg $0xFFFFFFFF  }
0xc1: {  	_ =	task.clear_ibuf [dreg:s6], $0x2FFFF;
	_ =	strace $0x9FFFFFFF  }
0xc2: {  	(tm) =	ssettm $0x7FFFFFFF  }
0xc3: {  	_ =	shalt  }
tec
execute0_lowered:
.L_overlay_start_1:
0x0: {  	(tag) =	ssettag $0x1  }
0x1: {  	s5 =	rddreg [dreg:$0x0]  }
0x2: {  	s2 =	rddreg [dreg:$0x1];
	s3 =	simm.s32 $0x0;
	s4 =	srdreg.scid  }
0x3: {  	s1 =	stileid.u32;
	s10 =	simm.s32 $0x7D;
	s19 =	simm.s32 $0x3  }
0x4: {  	s20 =	simm.s32 $0x4000;
	s21 =	simm.s32 $0x80;
	s22 =	simm.s32 $0x8000  }
0x5: {  	s23 =	simm.s32 $0x1;
	[smem:$0x7FF] =	sst s3;
	s6 =	sand.u32 $0x1, s4  }
0x6: {  	s7 =	smul.u32 $0x2780, s1;
	s24 =	sshll.u32 s1, $0xB;
	s4 =	sadd.s32 $0x5EC00, s5  }
0x7: {  	s26 =	smul.u32 $0x4F000, s1;
	s31 =	sshll.u32 s1, $0x6;
	s8 =	sshll.u32 s6, $0xA  }
0x8: {  	s9 =	smul.u32 $0x27800, s6;
	_ =	strace $0x80000050;
	s28 =	ssub.s32 $0x2, s6  }
0x9: {  	p0 =	seq.s32 s6, $0x0;
	s6 =	sor.u32 $0x1C03, s31;
	s8 =	sor.u32 s8, s24  }
0xa: {  	s29 =	sshrl.u32 s28, $0x1;
	s10 =	simm.s32 @!p0 $0x21;
	s24 =	simm.s32 $0x2  }
0xb: {  	s14 =	sadd.s32 s8, s5;
	s25 =	sadd.s32 s7, s9;
	s7 =	sadd.s32 s7, s5  }
0xc: {  	s16 =	ssub.s32 s28, s29;
	s30 =	sadd.s32 $0x1, s10;
	s10 =	sshrl.u32 s10, $0x1  }
0xd: {  	s15 =	sadd.s32 s25, s5;
	s5 =	sshrl.u32 s26, $0x2;
	s17 =	sshrl.u32 s30, $0x1  }
0xe: {  	s8 =	sadd.s32 $0x86A00, s14;
	s9 =	sadd.s32 $0x8EA00, s14;
	s12 =	sadd.s32 $0xFFFFFFFF, s10  }
0xf: {  	s13 =	sadd.s32 $0x9EA00, s14;
	s14 =	sadd.s32 $0x96A00, s14;
	s16 =	smax.u32 s16, $0x1  }
0x10: {  	s25 =	simm.s32 $0x0;
	s18 =	sadd.s32 s5, s2;
	s0 =	sadd.s32 $0xFFFFFFFF, s17  }
0x11: {  	s5 =	sadd.s32 $0x10200, s7;
	s15 =	sadd.s32 $0xCDC00, s15;
	s11 =	sshll.u32 s0, $0x7  }
0x12: {  	s17 =	sand.u32 $0x3E, s17;
	s18 =	sshrl.u32 s18, $0x3;
	s11 =	sor.u32 $0x2000, s11  }
.LBB2_1:
0x13: {  	[spmem:s18], [sflag:s6] =	dma.local [hbm:s5], $0x2780  }
0x14: {  	_ =	swait.ge [sflag:s19], $0x2780  }
0x15: {  	[sflag:s19] =	ssyncset.done $0x0  }
0x16: {  	[sflag:s19] =	ssyncadd.s32 $0xFFFFD880  }
0x17: {  	[bflag:$0x0] =	sbarrier.arrive $0xFFFF  }
0x18: {  	[tilespmem:s3], [sflag:$0x3] =	stream.linear.gather [hbm4b:s8+s3], $0x1F80, $0x38;
	[tilespmem:$0x1FC00] =	vst v63  }
0x19: {  	_ =	swait.ge [sflag:s19], $0x1F80  }
0x1a: {  	[sflag:s19] =	ssyncset.done $0x0  }
0x1b: {  	s26 =	simm.s32 $0x2000;
	[sflag:s19] =	ssyncadd.s32 $0xFFFFE080  }
0x1c: {  	[tilespmem:s26], [sflag:$0x3] =	stream.linear.gather [hbm4b:s9+s3], $0x1F80, $0x38;
	[tilespmem:$0x1FC00] =	vst v63  }
0x1d: {  	_ =	swait.ge [sflag:s19], $0x1F80  }
0x1e: {  	[sflag:s19] =	ssyncset.done $0x0  }
0x1f: {  	[sflag:s19] =	ssyncadd.s32 $0xFFFFE080  }
0x20: {  	[tilespmem:s20], [sflag:$0x1] =	stream.indirect.gather [hbm4b:s4+s21], $0x80, s3, s21, $0xb8;
	[tilespmem:$0x1FC00] =	vst v63  }
0x21: {  	_ = 	snop  }
0x22: {  	[tilespmem:s22], [sflag:$0x2] =	stream.indirect.gather [hbm4b:s4+s21], $0x80, s21, s21, $0xb8;
	[tilespmem:$0x1FC00] =	vst v63  }
0x23: {  	_ =	swait.ge [sflag:s23], $0x4000  }
0x24: {  	s29 =	simm.s32 $0x2;
	[sflag:s23] =	ssyncset.done $0x0  }
0x25: {  	p0 =	sgt.s32 s0, $0x2;
	s28 =	smov.u32 s0;
	[sflag:s23] =	ssyncadd.s32 $0xFFFFC000  }
0x26: {  	[spmem:s2] =	stream.indirect.scatter.add.f32 [tilespmem:s20], [sflag:$0x3], $0x80, s26, s21, $0xb8;
	[tilespmem:$0x1FC00] =	vst v63  }
0x27: {  	s28 =	smov.u32 @p0 s29;
	_ =	swait.ge [sflag:s19], $0x4000  }
0x28: {  	s28 =	sshll.u32 s28, $0x9;
	[sflag:s19] =	ssyncset.done $0x0  }
0x29: {  	s28 =	sshra.s32 s28, $0x2;
	[sflag:s19] =	ssyncadd.s32 $0xFFFFC000  }
0x2a: {  	[tilespmem:s20], [sflag:$0x1] =	stream.indirect.gather [hbm4b:s4+s21], $0x80, s28, s21, $0xb8;
	[tilespmem:$0x1FC00] =	vst v63  }
0x2b: {  	p0 =	sne.s32 s17, $0x2;
	_ =	swait.ge [sflag:s24], $0x4000  }
.Ltmp0:
0x2c: {  	[sflag:s24] =	ssyncset.done $0x0;
	(pc) =	sbr.rel @!p0 .LBB2_3-.Ltmp0, $4  }
0x2d: {  	s28 =	simm.s32 $0x2080;
	[sflag:s24] =	ssyncadd.s32 $0xFFFFC000  }
0x2e: {  	[spmem:s2] =	stream.indirect.scatter.add.f32 [tilespmem:s22], [sflag:$0x3], $0x80, s28, s21, $0xb8;
	[tilespmem:$0x1FC00] =	vst v63  }
0x2f: {  	_ =	swait.ge [sflag:s19], $0x4000  }
0x30: {  	s30 =	simm.s32 $0x180;
	s31 =	simm.s32 $0x2000;
	[sflag:s19] =	ssyncset.done $0x0  }
.LBB2_2:
0x31: {  	s29 =	sadd.s32 $0x2, s29  }
0x32: {  	[sflag:s19] =	ssyncadd.s32 $0xFFFFC000;
	s31 =	sadd.s32 $0x100, s31;
	s7 =	smov.u32 s0  }
0x33: {  	[tilespmem:s22], [sflag:$0x2] =	stream.indirect.gather [hbm4b:s4+s21], $0x80, s30, s21, $0xb8;
	[tilespmem:$0x1FC00] =	vst v63  }
0x34: {  	p1 =	slt.s32 s29, s0;
	p0 =	sne.s32 s17, s29;
	_ =	swait.ge [sflag:s23], $0x4000  }
0x35: {  	s7 =	smov.u32 @p1 s29;
	[sflag:s23] =	ssyncset.done $0x0  }
0x36: {  	s7 =	sshll.u32 s7, $0x9;
	[sflag:s23] =	ssyncadd.s32 $0xFFFFC000  }
0x37: {  	[spmem:s2] =	stream.indirect.scatter.add.f32 [tilespmem:s20], [sflag:$0x3], $0x80, s31, s21, $0xb8;
	[tilespmem:$0x1FC00] =	vst v63  }
0x38: {  	_ =	swait.ge [sflag:s19], $0x4000  }
0x39: {  	[sflag:s19] =	ssyncset.done $0x0  }
0x3a: {  	s7 =	sshra.s32 s7, $0x2;
	[sflag:s19] =	ssyncadd.s32 $0xFFFFC000  }
0x3b: {  	[tilespmem:s20], [sflag:$0x1] =	stream.indirect.gather [hbm4b:s4+s21], $0x80, s7, s21, $0xb8;
	[tilespmem:$0x1FC00] =	vst v63  }
0x3c: {  	_ =	swait.ge [sflag:s24], $0x4000  }
.Ltmp1:
0x3d: {  	[sflag:s24] =	ssyncset.done $0x0;
	(pc) =	sbr.rel @p0 .LBB2_2-.Ltmp1, $4  }
0x3e: {  	s7 =	sadd.s32 $0x80, s31;
	[sflag:s24] =	ssyncadd.s32 $0xFFFFC000  }
0x3f: {  	[spmem:s2] =	stream.indirect.scatter.add.f32 [tilespmem:s22], [sflag:$0x3], $0x80, s7, s21, $0xb8;
	[tilespmem:$0x1FC00] =	vst v63  }
0x40: {  	_ =	swait.ge [sflag:s19], $0x4000  }
0x41: {  	s30 =	sadd.s32 $0x100, s30;
	[sflag:s19] =	ssyncset.done $0x0  }
.LBB2_3:
0x42: {  	[sflag:s19] =	ssyncadd.s32 $0xFFFFC000  }
0x43: {  	_ =	swait.ge [sflag:s23], $0x4000  }
0x44: {  	[sflag:s23] =	ssyncset.done $0x0  }
0x45: {  	s7 =	simm.s32 $0x80;
	[sflag:s23] =	ssyncadd.s32 $0xFFFFC000  }
0x46: {  	[spmem:s2] =	stream.indirect.scatter.add.f32 [tilespmem:s20], [sflag:$0x3], $0x80, s11, s7, $0xb8;
	[tilespmem:$0x1FC00] =	vst v63  }
0x47: {  	_ =	swait.ge [sflag:s19], $0x4000  }
0x48: {  	[sflag:s19] =	ssyncset.done $0x0  }
0x49: {  	s29 =	simm.s32 $0x0;
	[sflag:s19] =	ssyncadd.s32 $0xFFFFC000  }
0x4a: {  	[tilespmem:s29], [sflag:$0x3] =	stream.linear.gather [hbm4b:s13+s29], $0x1F80, $0x38;
	[tilespmem:$0x1FC00] =	vst v63  }
0x4b: {  	_ =	swait.ge [sflag:s19], $0x1F80  }
0x4c: {  	[sflag:s19] =	ssyncset.done $0x0  }
0x4d: {  	[sflag:s19] =	ssyncadd.s32 $0xFFFFE080  }
0x4e: {  	[tilespmem:s26], [sflag:$0x3] =	stream.linear.gather [hbm4b:s14+s29], $0x1F80, $0x38;
	[tilespmem:$0x1FC00] =	vst v63  }
0x4f: {  	_ =	swait.ge [sflag:s19], $0x1F80  }
0x50: {  	[sflag:s19] =	ssyncset.done $0x0  }
0x51: {  	[sflag:s19] =	ssyncadd.s32 $0xFFFFE080  }
0x52: {  	[tilespmem:s20], [sflag:$0x1] =	stream.indirect.gather [hbm4b:s4+s7], $0x80, s29, s7, $0xb8;
	[tilespmem:$0x1FC00] =	vst v63  }
0x53: {  	_ = 	snop  }
0x54: {  	[tilespmem:s22], [sflag:$0x2] =	stream.indirect.gather [hbm4b:s4+s21], $0x80, s7, s21, $0xb8;
	[tilespmem:$0x1FC00] =	vst v63  }
0x55: {  	_ =	swait.ge [sflag:s23], $0x4000  }
0x56: {  	p0 =	sgt.s32 s12, $0x2;
	[sflag:s23] =	ssyncset.done $0x0  }
0x57: {  	s29 =	simm.s32 $0x2;
	s7 =	smov.u32 s12;
	[sflag:s23] =	ssyncadd.s32 $0xFFFFC000  }
0x58: {  	[spmem:s2] =	stream.indirect.scatter.add.f32 [tilespmem:s20], [sflag:$0x3], $0x80, s26, s21, $0xb8;
	[tilespmem:$0x1FC00] =	vst v63  }
0x59: {  	s7 =	smov.u32 @p0 s29;
	_ =	swait.ge [sflag:s19], $0x4000  }
0x5a: {  	s7 =	sshll.u32 s7, $0x9;
	[sflag:s19] =	ssyncset.done $0x0  }
0x5b: {  	s7 =	sshra.s32 s7, $0x2;
	[sflag:s19] =	ssyncadd.s32 $0xFFFFC000  }
0x5c: {  	[tilespmem:s20], [sflag:$0x1] =	stream.indirect.gather [hbm4b:s4+s21], $0x80, s7, s21, $0xb8;
	[tilespmem:$0x1FC00] =	vst v63  }
0x5d: {  	p0 =	sne.s32 s10, $0x2;
	_ =	swait.ge [sflag:s24], $0x4000  }
.Ltmp2:
0x5e: {  	[sflag:s24] =	ssyncset.done $0x0;
	(pc) =	sbr.rel @!p0 .LBB2_5-.Ltmp2, $4  }
0x5f: {  	[sflag:s24] =	ssyncadd.s32 $0xFFFFC000  }
0x60: {  	[spmem:s2] =	stream.indirect.scatter.add.f32 [tilespmem:s22], [sflag:$0x3], $0x80, s28, s21, $0xb8;
	[tilespmem:$0x1FC00] =	vst v63  }
0x61: {  	_ =	swait.ge [sflag:s19], $0x4000  }
0x62: {  	s28 =	simm.s32 $0x180;
	[sflag:s19] =	ssyncset.done $0x0  }
.LBB2_4:
0x63: {  	s29 =	sadd.s32 $0x2, s29  }
0x64: {  	[sflag:s19] =	ssyncadd.s32 $0xFFFFC000;
	s26 =	sadd.s32 $0x100, s26;
	s7 =	smov.u32 s12  }
0x65: {  	[tilespmem:s22], [sflag:$0x2] =	stream.indirect.gather [hbm4b:s4+s21], $0x80, s28, s21, $0xb8;
	[tilespmem:$0x1FC00] =	vst v63  }
0x66: {  	p1 =	slt.s32 s29, s12;
	p0 =	sne.s32 s10, s29;
	_ =	swait.ge [sflag:s23], $0x4000  }
0x67: {  	s7 =	smov.u32 @p1 s29;
	[sflag:s23] =	ssyncset.done $0x0  }
0x68: {  	s7 =	sshll.u32 s7, $0x9;
	[sflag:s23] =	ssyncadd.s32 $0xFFFFC000  }
0x69: {  	[spmem:s2] =	stream.indirect.scatter.add.f32 [tilespmem:s20], [sflag:$0x3], $0x80, s26, s21, $0xb8;
	[tilespmem:$0x1FC00] =	vst v63  }
0x6a: {  	_ =	swait.ge [sflag:s19], $0x4000  }
0x6b: {  	[sflag:s19] =	ssyncset.done $0x0  }
0x6c: {  	s7 =	sshra.s32 s7, $0x2;
	[sflag:s19] =	ssyncadd.s32 $0xFFFFC000  }
0x6d: {  	[tilespmem:s20], [sflag:$0x1] =	stream.indirect.gather [hbm4b:s4+s21], $0x80, s7, s21, $0xb8;
	[tilespmem:$0x1FC00] =	vst v63  }
0x6e: {  	_ =	swait.ge [sflag:s24], $0x4000  }
.Ltmp3:
0x6f: {  	[sflag:s24] =	ssyncset.done $0x0;
	(pc) =	sbr.rel @p0 .LBB2_4-.Ltmp3, $4  }
0x70: {  	s7 =	sadd.s32 $0x80, s26;
	[sflag:s24] =	ssyncadd.s32 $0xFFFFC000  }
0x71: {  	[spmem:s2] =	stream.indirect.scatter.add.f32 [tilespmem:s22], [sflag:$0x3], $0x80, s7, s21, $0xb8;
	[tilespmem:$0x1FC00] =	vst v63  }
0x72: {  	_ =	swait.ge [sflag:s19], $0x4000  }
0x73: {  	s28 =	sadd.s32 $0x100, s28;
	[sflag:s19] =	ssyncset.done $0x0  }
.LBB2_5:
0x74: {  	[sflag:s19] =	ssyncadd.s32 $0xFFFFC000  }
0x75: {  	_ =	swait.ge [sflag:s23], $0x4000  }
0x76: {  	s25 =	sadd.s32 $0x1, s25;
	[sflag:s23] =	ssyncset.done $0x0  }
0x77: {  	p0 =	sne.s32 s25, s16;
	[sflag:s23] =	ssyncadd.s32 $0xFFFFC000  }
.Ltmp4:
0x78: {  	[bflag:$0x0] =	sbarrier.arrive $0xFFFF;
	(pc) =	sbr.rel @p0 .LBB2_1-.Ltmp4, $4  }
0x79: {  	[hbm:s15], [sflag:s6] =	dma.local [spmem:s18], $0x2780  }
0x7a: {  	_ =	swait.ge [sflag:s19], $0x2780  }
0x7b: {  	[sflag:s19] =	ssyncset.done $0x0  }
0x7c: {  	[sflag:s19] =	ssyncadd.s32 $0xFFFFD880  }
0x7d: {  	_ =	sfence.sel $0x180000  }
0x7e: {  	[bflag:$0x0] =	sbarrier.arrive $0xFFFF  }
0x7f: {  	_ =	strace $0x90000050  }
0x80: {  	[bflag:$0x2] =	sbarrier.arrive $0xFFFF  }
0x81: {  	p0 =	sne.s32 s1, $0x0;
	s0 =	rddreg [dreg:$0x2]  }
0x82: {  	s0 =	sadd.s32 @!p0 $0x100000, s0  }
0x83: {  	[sflag:s0] =	ssyncadd.tile.s32 @!p0 $0x1;
	_ =	shalt  }
.Lfunc_end2:
_tile_overlayer_lowered:
.L_overlay_start_2:
0x84: {  	(tag) =	ssettag $0x2  }
0x85: {  	s0 =	rddreg [dreg:$0x0];
	s2 =	stileid.u32  }
0x86: {  	s1 =	rddreg [dreg:$0x1];
	p0 =	sne.s32 s2, $0x0  }
0x87: {  	s3 =	rddreg [dreg:$0x2];
	[bflag:$0x3] =	sbarrier.arrive $0xFFFF;
	s2 =	simm.s32 @!p0 $0x1C03  }
0x88: {  	[timem:s3], [sflag:s2] =	dma.local @!p0 [hbm:s0], s1  }
0x89: {  	s0 =	simm.s32 @!p0 $0x3  }
0x8a: {  	_ =	swait.ge @!p0 [sflag:s0], s1  }
0x8b: {  	s1 =	ssub.s32 @!p0 $0x0, s1;
	[sflag:s0] =	ssyncset.done @!p0 $0x0  }
0x8c: {  	[sflag:s0] =	ssyncadd.s32 @!p0 s1  }
0x8d: {  	[bflag:$0x3] =	sbarrier.arrive $0xFFFF  }
0x8e: {  	_ =	shalt  }

</sc_bundles>
